<compile_context>
chip_gen: v7x
topology: tpu7x:2x2x1
jax: 0.10.2.dev20260603
libtpu: 0.0.44.dev20260713+nightly
codegen_flags: <defaults>
</compile_context>

<pallas_src>
import functools

import jax
import jax.numpy as jnp
from jax import lax
from jax.experimental import pallas as pl
from jax.experimental.pallas import tpu as pltpu
from jax.experimental.pallas import tpu_sc as plsc

N_NODES = 10000
N_PAD = 10240
ROWS_PER_TILE = 640
HID = 16
D_FEAT = 128
NUM_EDGES = 320000
CHUNK = 128
CHUNKS_PER_TILE = 80
E_ROWS = 32 * CHUNKS_PER_TILE
E_PAD = E_ROWS * CHUNK
HIST_ROWS_PER_TILE = E_ROWS // 16
HIST_ROWCHUNK = 16
ROWCHUNK = 160
NG = 64


def _mm_body(x_ref, w_ref, o_ref):
    o_ref[pl.ds(0, N_NODES), :] = jnp.dot(x_ref[...], w_ref[...],
                                          preferred_element_type=jnp.float32)
    o_ref[pl.ds(N_NODES, N_PAD - N_NODES), :] = jnp.zeros(
        (N_PAD - N_NODES, HID), jnp.float32)


def _matmul(x, W1):
    return pl.pallas_call(
        _mm_body,
        out_shape=jax.ShapeDtypeStruct((N_PAD, HID), jnp.float32),
    )(x, W1)


_MESH = plsc.VectorSubcoreMesh(core_axis_name="c", subcore_axis_name="s")


@functools.partial(
    pl.kernel,
    mesh=_MESH,
    compiler_params=pltpu.CompilerParams(needs_layout_passes=False,
                                         use_tc_tiling_on_sc=False),
    out_type=[
        jax.ShapeDtypeStruct((2, N_PAD, HID), jnp.float32),
        jax.ShapeDtypeStruct((N_PAD,), jnp.float32),
    ],
    scratch_types=[
        pltpu.VMEM((HIST_ROWCHUNK, CHUNK), jnp.int32),
        pltpu.VMEM((N_PAD,), jnp.float32),
        pltpu.VMEM((ROWS_PER_TILE,), jnp.float32),
        pltpu.VMEM((ROWCHUNK, HID), jnp.float32),
        pltpu.VMEM((CHUNKS_PER_TILE, CHUNK), jnp.int32),
        pltpu.VMEM((CHUNKS_PER_TILE, CHUNK), jnp.int32),
        pltpu.VMEM((CHUNK, HID), jnp.float32),
        pltpu.VMEM((CHUNK, HID), jnp.float32),
        pltpu.VMEM((CHUNK, HID), jnp.float32),
        pltpu.VMEM((CHUNK, HID), jnp.float32),
        pltpu.VMEM((CHUNK, HID), jnp.float32),
        pltpu.VMEM((CHUNK, HID), jnp.float32),
        pltpu.VMEM((CHUNK, HID), jnp.float32),
        pltpu.VMEM((CHUNK, HID), jnp.float32),
        pltpu.VMEM_SHARED((16, N_PAD), jnp.float32),
        pltpu.VMEM_SHARED((N_PAD, HID), jnp.float32),
        pltpu.VMEM_SHARED((N_PAD, HID), jnp.float32),
        pltpu.SemaphoreType.DMA,
        pltpu.SemaphoreType.DMA,
        pltpu.SemaphoreType.DMA,
        pltpu.SemaphoreType.DMA,
        pltpu.SemaphoreType.DMA,
        pltpu.SemaphoreType.DMA,
        pltpu.SemaphoreType.DMA,
        pltpu.SemaphoreType.DMA,
        pltpu.SemaphoreType.DMA,
        pltpu.SemaphoreType.DMA,
        pltpu.SemaphoreType.DMA,
        pltpu.SemaphoreType.DMA,
        pltpu.SemaphoreType.DMA,
        pltpu.SemaphoreType.DMA,
        pltpu.SemaphoreType.DMA,
        pltpu.SemaphoreType.DMA,
    ],
)
def _sc_gcn(h_hbm, src2d_hbm, dst2d_hbm,
            acc_out, dis_out,
            dstbuf, degbuf, disbuf, hbuf, srcidx, dstidx,
            msg0, msg1, msg2, msg3, msg4, msg5, msg6, msg7,
            stage_sh, h_sh, acc_sh,
            g0, g1, g2, g3, g4, g5, g6, g7,
            s0, s1, s2, s3, s4, s5, s6, s7):
    c = lax.axis_index("c")
    s = lax.axis_index("s")
    wid = c * 16 + s
    row0 = s * ROWS_PER_TILE

    zeros16 = jnp.zeros((16,), jnp.float32)
    ones16 = jnp.ones((16,), jnp.float32)

    def _zdeg(i, carry):
        degbuf[pl.ds(i * 16, 16)] = zeros16
        return carry
    lax.fori_loop(0, N_PAD // 16, _zdeg, 0)

    def _zh(i, carry):
        hbuf[i, :] = zeros16
        return carry
    lax.fori_loop(0, ROWCHUNK, _zh, 0)
    for rc in range(ROWS_PER_TILE // ROWCHUNK):
        pltpu.sync_copy(hbuf, acc_sh.at[pl.ds(row0 + rc * ROWCHUNK, ROWCHUNK)])

    for hc in range(HIST_ROWS_PER_TILE // HIST_ROWCHUNK):
        pltpu.sync_copy(
            dst2d_hbm.at[pl.ds(s * HIST_ROWS_PER_TILE + hc * HIST_ROWCHUNK,
                               HIST_ROWCHUNK)],
            dstbuf)

        def _histrow(r, carry):
            def _hist(k, carry2):
                idx = dstbuf[r, pl.ds(k * 16, 16)]
                plsc.addupdate_scatter(degbuf, [idx], ones16)
                return carry2
            lax.fori_loop(0, CHUNK // 16, _hist, 0)
            return carry
        lax.fori_loop(0, HIST_ROWCHUNK, _histrow, 0)
    pltpu.sync_copy(degbuf, stage_sh.at[s])
    plsc.subcore_barrier()

    pltpu.sync_copy(stage_sh.at[0, pl.ds(row0, ROWS_PER_TILE)], disbuf)
    for j in range(1, 16):
        pltpu.sync_copy(stage_sh.at[j, pl.ds(row0, ROWS_PER_TILE)],
                        degbuf.at[pl.ds(0, ROWS_PER_TILE)])

        def _acc(k, carry):
            disbuf[pl.ds(k * 16, 16)] = (disbuf[pl.ds(k * 16, 16)]
                                         + degbuf[pl.ds(k * 16, 16)])
            return carry
        lax.fori_loop(0, ROWS_PER_TILE // 16, _acc, 0)

    def _rsqrt(k, carry):
        d = disbuf[pl.ds(k * 16, 16)] + jnp.float32(1.0)
        bits = lax.bitcast_convert_type(d, jnp.int32)
        y = lax.bitcast_convert_type(jnp.int32(0x5F3759DF) - (bits >> 1),
                                     jnp.float32)
        for _ in range(3):
            y = y * (jnp.float32(1.5) - jnp.float32(0.5) * d * y * y)
        disbuf[pl.ds(k * 16, 16)] = y
        return carry
    lax.fori_loop(0, ROWS_PER_TILE // 16, _rsqrt, 0)

    @pl.when(c == 0)
    def _():
        pltpu.sync_copy(disbuf, dis_out.at[pl.ds(row0, ROWS_PER_TILE)])

    for rc in range(ROWS_PER_TILE // ROWCHUNK):
        pltpu.sync_copy(h_hbm.at[pl.ds(row0 + rc * ROWCHUNK, ROWCHUNK)], hbuf)

        def _scale(j, carry):
            sc_vec = plsc.load_gather(
                disbuf, [jnp.full((16,), rc * ROWCHUNK, jnp.int32) + j])
            hbuf[j, :] = hbuf[j, :] * sc_vec
            return carry
        lax.fori_loop(0, ROWCHUNK, _scale, 0)
        pltpu.sync_copy(hbuf, h_sh.at[pl.ds(row0 + rc * ROWCHUNK, ROWCHUNK)])
    plsc.subcore_barrier()

    r0 = wid * CHUNKS_PER_TILE
    pltpu.sync_copy(src2d_hbm.at[pl.ds(r0, CHUNKS_PER_TILE)], srcidx)
    pltpu.sync_copy(dst2d_hbm.at[pl.ds(r0, CHUNKS_PER_TILE)], dstidx)

    msgs = (msg0, msg1, msg2, msg3, msg4, msg5, msg6, msg7)
    gsem = (g0, g1, g2, g3, g4, g5, g6, g7)
    ssem = (s0, s1, s2, s3, s4, s5, s6, s7)

    def _gather(j, u):
        return pltpu.make_async_copy(h_sh.at[srcidx.at[j]], msgs[u], gsem[u])

    def _scatter(j, u):
        return pltpu.make_async_copy(msgs[u], acc_sh.at[dstidx.at[j]],
                                     ssem[u])

    for u in range(4):
        _gather(u, u).start()
    for u in range(8):
        _gather(u, u).wait()
        _scatter(u, u).start(add=True)
        if u >= 4:
            _scatter(u - 4, u - 4).wait()
        _gather(u + 4, (u + 4) % 8).start()

    def _edges(t, carry):
        for u in range(8):
            j = 8 * t + u
            v = (u + 4) % 8
            _gather(j, u).wait()
            _scatter(j, u).start(add=True)
            _scatter(j - 4, v).wait()
            _gather(j + 4, v).start()
        return carry
    lax.fori_loop(1, CHUNKS_PER_TILE // 8 - 1, _edges, 0)

    for u in range(8):
        j = CHUNKS_PER_TILE - 8 + u
        v = (u + 4) % 8
        _gather(j, u).wait()
        _scatter(j, u).start(add=True)
        _scatter(j - 4, v).wait()
        if u < 4:
            _gather(j + 4, v).start()
    for u in range(4, 8):
        _scatter(CHUNKS_PER_TILE - 8 + u, u).wait()
    plsc.subcore_barrier()

    pltpu.sync_copy(acc_sh.at[pl.ds(row0, ROWS_PER_TILE)],
                    acc_out.at[c, pl.ds(row0, ROWS_PER_TILE)])


def _final_body(h_ref, acc_ref, dis_ref, batch_ref, b1_ref, w2_ref, b2_ref,
                o_ref):
    h = h_ref[...]
    acc = acc_ref[0] + acc_ref[1]
    dis = dis_ref[...]
    tmp = dis[:, None] * (dis[:, None] * h + acc) + b1_ref[...][None, :]
    nodes = jnp.maximum(tmp, 0.0)
    b = batch_ref[...]
    onehot = (b[:, None] == lax.broadcasted_iota(jnp.int32, (N_PAD, NG), 1)
              ).astype(jnp.float32)
    counts = jnp.sum(onehot, axis=0)
    sums = lax.dot_general(onehot, nodes, (((0,), (0,)), ((), ())),
                           preferred_element_type=jnp.float32)
    g = sums / jnp.clip(counts, 1.0)[:, None]
    logits = jnp.dot(g, w2_ref[...], preferred_element_type=jnp.float32)
    logits = logits + b2_ref[...][None, :]
    m = jnp.max(logits, axis=1, keepdims=True)
    lse = jnp.log(jnp.sum(jnp.exp(logits - m), axis=1, keepdims=True)) + m
    o_ref[...] = logits - lse


def _final(h, acc, dis, batch_pad, b1, W2, b2):
    return pl.pallas_call(
        _final_body,
        out_shape=jax.ShapeDtypeStruct((NG, 10), jnp.float32),
    )(h, acc, dis, batch_pad, b1, W2, b2)


def kernel(x, edge_index, batch, W1, b1, W2, b2):
    src = edge_index[0].astype(jnp.int32)
    dst = edge_index[1].astype(jnp.int32)
    pad = jnp.full((E_PAD - NUM_EDGES,), N_NODES, jnp.int32)
    src_p = jnp.concatenate([src, pad]).reshape(E_ROWS, CHUNK)
    dst_p = jnp.concatenate([dst, pad]).reshape(E_ROWS, CHUNK)
    batch_pad = jnp.concatenate(
        [batch.astype(jnp.int32), jnp.full((N_PAD - N_NODES,), NG, jnp.int32)])

    h = _matmul(x, W1)
    acc, dis = _sc_gcn(h, src_p, dst_p)
    return _final(h, acc, dis, batch_pad, b1, W2, b2)

# --- scband reference (transcript-rebuilt; emitter-appended) ---
"""Pipeline reference for scband-gcn-90769838834127 (READ-ONLY COPY).

The authoritative reference and input builder live on the scoring server;
editing this copy changes nothing except your own understanding.
"""

import jax, jax.numpy as jnp
import numpy as np

NUM_NODES = 10000
NUM_EDGES = 320000
D_FEAT = 128
HIDDEN = 16
NUM_CLASSES = 10
NUM_GRAPHS = 64


def setup_inputs(seed: int = 0) -> dict:
    key = jax.random.key(seed)
    k1, k2, k3, k4, k5, k6, k7 = jax.random.split(key, 7)
    x = jax.random.normal(k1, (NUM_NODES, D_FEAT), dtype=jnp.float32)
    edge_index = jax.random.randint(k2, (2, NUM_EDGES), 0, NUM_NODES, dtype=jnp.int64)
    batch = jnp.sort(jax.random.randint(k3, (NUM_NODES,), 0, NUM_GRAPHS, dtype=jnp.int64))
    # GCNConv params (glorot-ish init) and final linear params
    W1 = jax.random.normal(k4, (D_FEAT, HIDDEN), dtype=jnp.float32) * (1.0 / np.sqrt(D_FEAT))
    b1 = jnp.zeros((HIDDEN,), dtype=jnp.float32)
    W2 = jax.random.normal(k5, (HIDDEN, NUM_CLASSES), dtype=jnp.float32) * (1.0 / np.sqrt(HIDDEN))
    b2 = jnp.zeros((NUM_CLASSES,), dtype=jnp.float32)
    return {"x": x, "edge_index": edge_index, "batch": batch, "W1": W1, "b1": b1, "W2": W2, "b2": b2}


def _gcn_conv(x, edge_index, W, b):
    # Faithful PyG GCNConv: add self-loops, symmetric normalization, linear transform, scatter-add aggregate
    num_nodes = x.shape[0]
    src = edge_index[0]
    dst = edge_index[1]
    loop = jnp.arange(num_nodes, dtype=src.dtype)
    src = jnp.concatenate([src, loop])
    dst = jnp.concatenate([dst, loop])
    deg = jnp.zeros((num_nodes,), dtype=x.dtype).at[dst].add(1.0)
    deg_inv_sqrt = jnp.where(deg > 0, deg ** -0.5, 0.0)
    norm = deg_inv_sqrt[src] * deg_inv_sqrt[dst]
    h = x @ W
    msg = h[src] * norm[:, None]
    out = jnp.zeros((num_nodes, h.shape[1]), dtype=x.dtype).at[dst].add(msg)
    return out + b


def _global_mean_pool(x, batch, num_graphs):
    sums = jax.ops.segment_sum(x, batch, num_segments=num_graphs)
    counts = jax.ops.segment_sum(jnp.ones((x.shape[0],), dtype=x.dtype), batch, num_segments=num_graphs)
    return sums / jnp.clip(counts, 1.0)[:, None]


def reference(x, edge_index, batch, W1, b1, W2, b2):
    h = _gcn_conv(x, edge_index, W1, b1)
    h = jax.nn.relu(h)
    g = _global_mean_pool(h, batch, NUM_GRAPHS)
    logits = g @ W2 + b2
    return jax.nn.log_softmax(logits, axis=1)

if __name__ == "__main__":
    import jax
    _d = setup_inputs()
    print(jax.jit(kernel)(*tuple(_d.values())))

</pallas_src>

<mosaic_0001>
#map = affine_map<(d0, d1) -> (0, 0)>
#map1 = affine_map<(d0, d1) -> (0, 0, 0)>
#map2 = affine_map<(d0, d1) -> (0)>
module attributes {stable_mosaic.version = 14 : i64} {
  func.func @_sc_gcn(%arg0: i32, %arg1: i32, %arg2: memref<10240x16xf32, #tpu.memory_space<hbm>>, %arg3: memref<2560x128xi32, #tpu.memory_space<hbm>>, %arg4: memref<2560x128xi32, #tpu.memory_space<hbm>>, %arg5: memref<2x10240x16xf32, #tpu.memory_space<hbm>>, %arg6: memref<10240xf32, #tpu.memory_space<hbm>>, %arg7: memref<16x128xi32, #tpu.memory_space<vmem>>, %arg8: memref<10240xf32, #tpu.memory_space<vmem>>, %arg9: memref<640xf32, #tpu.memory_space<vmem>>, %arg10: memref<160x16xf32, #tpu.memory_space<vmem>>, %arg11: memref<80x128xi32, #tpu.memory_space<vmem>>, %arg12: memref<80x128xi32, #tpu.memory_space<vmem>>, %arg13: memref<128x16xf32, #tpu.memory_space<vmem>>, %arg14: memref<128x16xf32, #tpu.memory_space<vmem>>, %arg15: memref<128x16xf32, #tpu.memory_space<vmem>>, %arg16: memref<128x16xf32, #tpu.memory_space<vmem>>, %arg17: memref<128x16xf32, #tpu.memory_space<vmem>>, %arg18: memref<128x16xf32, #tpu.memory_space<vmem>>, %arg19: memref<128x16xf32, #tpu.memory_space<vmem>>, %arg20: memref<128x16xf32, #tpu.memory_space<vmem>>, %arg21: memref<16x10240xf32, #tpu.memory_space<vmem_shared>>, %arg22: memref<10240x16xf32, #tpu.memory_space<vmem_shared>>, %arg23: memref<10240x16xf32, #tpu.memory_space<vmem_shared>>, %arg24: memref<!tpu.dma_semaphore, #tpu.memory_space<semaphore_mem>>, %arg25: memref<!tpu.dma_semaphore, #tpu.memory_space<semaphore_mem>>, %arg26: memref<!tpu.dma_semaphore, #tpu.memory_space<semaphore_mem>>, %arg27: memref<!tpu.dma_semaphore, #tpu.memory_space<semaphore_mem>>, %arg28: memref<!tpu.dma_semaphore, #tpu.memory_space<semaphore_mem>>, %arg29: memref<!tpu.dma_semaphore, #tpu.memory_space<semaphore_mem>>, %arg30: memref<!tpu.dma_semaphore, #tpu.memory_space<semaphore_mem>>, %arg31: memref<!tpu.dma_semaphore, #tpu.memory_space<semaphore_mem>>, %arg32: memref<!tpu.dma_semaphore, #tpu.memory_space<semaphore_mem>>, %arg33: memref<!tpu.dma_semaphore, #tpu.memory_space<semaphore_mem>>, %arg34: memref<!tpu.dma_semaphore, #tpu.memory_space<semaphore_mem>>, %arg35: memref<!tpu.dma_semaphore, #tpu.memory_space<semaphore_mem>>, %arg36: memref<!tpu.dma_semaphore, #tpu.memory_space<semaphore_mem>>, %arg37: memref<!tpu.dma_semaphore, #tpu.memory_space<semaphore_mem>>, %arg38: memref<!tpu.dma_semaphore, #tpu.memory_space<semaphore_mem>>, %arg39: memref<!tpu.dma_semaphore, #tpu.memory_space<semaphore_mem>>) attributes {dimension_semantics = [#tpu.dimension_semantics<core_parallel>, #tpu.dimension_semantics<subcore_parallel>], iteration_bounds = array<i64: 2, 16>, scalar_prefetch = 0 : i64, scratch_operands = 33 : i64, tpu.core_type = #tpu.core_type<sc_vector_subcore>, window_params = [{transform_indices = #map}, {transform_indices = #map}, {transform_indices = #map}, {transform_indices = #map1}, {transform_indices = #map2}]} {
    %mul3A = arith.constant 16 : i32
    %mul3A_0 = arith.muli %arg0, %mul3A : i32
    %add3A = arith.addi %mul3A_0, %arg1 : i32
    %mul3A_1 = arith.constant 640 : i32
    %mul3A_2 = arith.muli %arg1, %mul3A_1 : i32
    %broadcast_in_dim3A = arith.constant 0.000000e+00 : f32
    %broadcast_in_dim3A_3 = vector.broadcast %broadcast_in_dim3A : f32 to vector<16xf32>
    %broadcast_in_dim3A_4 = arith.constant 1.000000e+00 : f32
    %broadcast_in_dim3A_5 = vector.broadcast %broadcast_in_dim3A_4 : f32 to vector<16xf32>
    %scan3A = arith.constant 0 : i32
    %scan3A_6 = arith.constant 0 : i32
    %scan3A_7 = arith.constant 640 : i32
    %scan3A_8 = arith.addi %scan3A_6, %scan3A_7 : i32
    %scan3A_9 = arith.constant 1 : i32
    scf.for %scan3A_734 = %scan3A_6 to %scan3A_8 step %scan3A_9  : i32 {
      %mul3A_735 = arith.constant 16 : i32
      %mul3A_736 = arith.muli %scan3A_734, %mul3A_735 : i32
      %swap3A = arith.index_cast %mul3A_736 : i32 to index
      %swap3A_737 = tpu.vector_load %arg8[%swap3A] {strides = array<i32>} : memref<10240xf32, #tpu.memory_space<vmem>>, vector<16xf32>,
      tpu.vector_store %arg8[%swap3A], %broadcast_in_dim3A_3 {strides = array<i32>} : memref<10240xf32, #tpu.memory_space<vmem>>, vector<16xf32>,
    }
    %scan3A_10 = arith.constant 640 : i32
    %scan3A_11 = arith.constant 0 : i32
    %scan3A_12 = arith.constant 0 : i32
    %scan3A_13 = arith.constant 160 : i32
    %scan3A_14 = arith.addi %scan3A_12, %scan3A_13 : i32
    %scan3A_15 = arith.constant 1 : i32
    scf.for %scan3A_734 = %scan3A_12 to %scan3A_14 step %scan3A_15  : i32 {
      %swap3A = arith.index_cast %scan3A_734 : i32 to index
      %swap3A_735 = arith.constant 0 : index
      %swap3A_736 = tpu.vector_load %arg10[%swap3A, %swap3A_735] {strides = array<i32>} : memref<160x16xf32, #tpu.memory_space<vmem>>, vector<16xf32>,
      tpu.vector_store %arg10[%swap3A, %swap3A_735], %broadcast_in_dim3A_3 {strides = array<i32>} : memref<160x16xf32, #tpu.memory_space<vmem>>, vector<16xf32>,
    }
    %scan3A_16 = arith.constant 160 : i32
    %add3A_17 = arith.constant 0 : i32
    %add3A_18 = arith.addi %mul3A_2, %add3A_17 : i32
    "tpu.region"() ({
      %run_scoped3A_734 = tpu.sem_alloc : memref<!tpu.dma_semaphore, #tpu.memory_space<semaphore_mem>>
      %dma_start3A_735 = arith.constant 0 : i32
      %dma_start3A_736 = tpu.memref_slice %arg23[%add3A_18, %dma_start3A_735] : memref<10240x16xf32, #tpu.memory_space<vmem_shared>> -> memref<160x16xf32, #tpu.memory_space<vmem_shared>>
      %dma_start3A_737 = arith.constant 0 : i32
      %dma_start3A_738 = tpu.memref_slice %arg23[%add3A_18, %dma_start3A_737] : memref<10240x16xf32, #tpu.memory_space<vmem_shared>> -> memref<160x16xf32, #tpu.memory_space<vmem_shared>>
      tpu.enqueue_dma source(%arg10 : memref<160x16xf32, #tpu.memory_space<vmem>>) target(%dma_start3A_738 : memref<160x16xf32, #tpu.memory_space<vmem_shared>>) target_semaphore(%run_scoped3A_734 : memref<!tpu.dma_semaphore, #tpu.memory_space<semaphore_mem>>)
      %dma_wait3A_739 = arith.constant 0 : i32
      %dma_wait3A_740 = tpu.memref_slice %arg23[%add3A_18, %dma_wait3A_739] : memref<10240x16xf32, #tpu.memory_space<vmem_shared>> -> memref<160x16xf32, #tpu.memory_space<vmem_shared>>
      %dma_wait3A_741 = arith.constant 0 : i32
      %dma_wait3A_742 = tpu.memref_slice %arg23[%add3A_18, %dma_wait3A_741] : memref<10240x16xf32, #tpu.memory_space<vmem_shared>> -> memref<160x16xf32, #tpu.memory_space<vmem_shared>>
      tpu.wait_dma2 semaphore(%run_scoped3A_734 : memref<!tpu.dma_semaphore, #tpu.memory_space<semaphore_mem>>) src(%arg10 : memref<160x16xf32, #tpu.memory_space<vmem>>) dst(%dma_wait3A_742 : memref<160x16xf32, #tpu.memory_space<vmem_shared>>)
      tpu.yield
    }) : () -> ()
    %add3A_19 = arith.constant 160 : i32
    %add3A_20 = arith.addi %mul3A_2, %add3A_19 : i32
    "tpu.region"() ({
      %run_scoped3A_734 = tpu.sem_alloc : memref<!tpu.dma_semaphore, #tpu.memory_space<semaphore_mem>>
      %dma_start3A_735 = arith.constant 0 : i32
      %dma_start3A_736 = tpu.memref_slice %arg23[%add3A_20, %dma_start3A_735] : memref<10240x16xf32, #tpu.memory_space<vmem_shared>> -> memref<160x16xf32, #tpu.memory_space<vmem_shared>>
      %dma_start3A_737 = arith.constant 0 : i32
      %dma_start3A_738 = tpu.memref_slice %arg23[%add3A_20, %dma_start3A_737] : memref<10240x16xf32, #tpu.memory_space<vmem_shared>> -> memref<160x16xf32, #tpu.memory_space<vmem_shared>>
      tpu.enqueue_dma source(%arg10 : memref<160x16xf32, #tpu.memory_space<vmem>>) target(%dma_start3A_738 : memref<160x16xf32, #tpu.memory_space<vmem_shared>>) target_semaphore(%run_scoped3A_734 : memref<!tpu.dma_semaphore, #tpu.memory_space<semaphore_mem>>)
      %dma_wait3A_739 = arith.constant 0 : i32
      %dma_wait3A_740 = tpu.memref_slice %arg23[%add3A_20, %dma_wait3A_739] : memref<10240x16xf32, #tpu.memory_space<vmem_shared>> -> memref<160x16xf32, #tpu.memory_space<vmem_shared>>
      %dma_wait3A_741 = arith.constant 0 : i32
      %dma_wait3A_742 = tpu.memref_slice %arg23[%add3A_20, %dma_wait3A_741] : memref<10240x16xf32, #tpu.memory_space<vmem_shared>> -> memref<160x16xf32, #tpu.memory_space<vmem_shared>>
      tpu.wait_dma2 semaphore(%run_scoped3A_734 : memref<!tpu.dma_semaphore, #tpu.memory_space<semaphore_mem>>) src(%arg10 : memref<160x16xf32, #tpu.memory_space<vmem>>) dst(%dma_wait3A_742 : memref<160x16xf32, #tpu.memory_space<vmem_shared>>)
      tpu.yield
    }) : () -> ()
    %add3A_21 = arith.constant 320 : i32
    %add3A_22 = arith.addi %mul3A_2, %add3A_21 : i32
    "tpu.region"() ({
      %run_scoped3A_734 = tpu.sem_alloc : memref<!tpu.dma_semaphore, #tpu.memory_space<semaphore_mem>>
      %dma_start3A_735 = arith.constant 0 : i32
      %dma_start3A_736 = tpu.memref_slice %arg23[%add3A_22, %dma_start3A_735] : memref<10240x16xf32, #tpu.memory_space<vmem_shared>> -> memref<160x16xf32, #tpu.memory_space<vmem_shared>>
      %dma_start3A_737 = arith.constant 0 : i32
      %dma_start3A_738 = tpu.memref_slice %arg23[%add3A_22, %dma_start3A_737] : memref<10240x16xf32, #tpu.memory_space<vmem_shared>> -> memref<160x16xf32, #tpu.memory_space<vmem_shared>>
      tpu.enqueue_dma source(%arg10 : memref<160x16xf32, #tpu.memory_space<vmem>>) target(%dma_start3A_738 : memref<160x16xf32, #tpu.memory_space<vmem_shared>>) target_semaphore(%run_scoped3A_734 : memref<!tpu.dma_semaphore, #tpu.memory_space<semaphore_mem>>)
      %dma_wait3A_739 = arith.constant 0 : i32
      %dma_wait3A_740 = tpu.memref_slice %arg23[%add3A_22, %dma_wait3A_739] : memref<10240x16xf32, #tpu.memory_space<vmem_shared>> -> memref<160x16xf32, #tpu.memory_space<vmem_shared>>
      %dma_wait3A_741 = arith.constant 0 : i32
      %dma_wait3A_742 = tpu.memref_slice %arg23[%add3A_22, %dma_wait3A_741] : memref<10240x16xf32, #tpu.memory_space<vmem_shared>> -> memref<160x16xf32, #tpu.memory_space<vmem_shared>>
      tpu.wait_dma2 semaphore(%run_scoped3A_734 : memref<!tpu.dma_semaphore, #tpu.memory_space<semaphore_mem>>) src(%arg10 : memref<160x16xf32, #tpu.memory_space<vmem>>) dst(%dma_wait3A_742 : memref<160x16xf32, #tpu.memory_space<vmem_shared>>)
      tpu.yield
    }) : () -> ()
    %add3A_23 = arith.constant 480 : i32
    %add3A_24 = arith.addi %mul3A_2, %add3A_23 : i32
    "tpu.region"() ({
      %run_scoped3A_734 = tpu.sem_alloc : memref<!tpu.dma_semaphore, #tpu.memory_space<semaphore_mem>>
      %dma_start3A_735 = arith.constant 0 : i32
      %dma_start3A_736 = tpu.memref_slice %arg23[%add3A_24, %dma_start3A_735] : memref<10240x16xf32, #tpu.memory_space<vmem_shared>> -> memref<160x16xf32, #tpu.memory_space<vmem_shared>>
      %dma_start3A_737 = arith.constant 0 : i32
      %dma_start3A_738 = tpu.memref_slice %arg23[%add3A_24, %dma_start3A_737] : memref<10240x16xf32, #tpu.memory_space<vmem_shared>> -> memref<160x16xf32, #tpu.memory_space<vmem_shared>>
      tpu.enqueue_dma source(%arg10 : memref<160x16xf32, #tpu.memory_space<vmem>>) target(%dma_start3A_738 : memref<160x16xf32, #tpu.memory_space<vmem_shared>>) target_semaphore(%run_scoped3A_734 : memref<!tpu.dma_semaphore, #tpu.memory_space<semaphore_mem>>)
      %dma_wait3A_739 = arith.constant 0 : i32
      %dma_wait3A_740 = tpu.memref_slice %arg23[%add3A_24, %dma_wait3A_739] : memref<10240x16xf32, #tpu.memory_space<vmem_shared>> -> memref<160x16xf32, #tpu.memory_space<vmem_shared>>
      %dma_wait3A_741 = arith.constant 0 : i32
      %dma_wait3A_742 = tpu.memref_slice %arg23[%add3A_24, %dma_wait3A_741] : memref<10240x16xf32, #tpu.memory_space<vmem_shared>> -> memref<160x16xf32, #tpu.memory_space<vmem_shared>>
      tpu.wait_dma2 semaphore(%run_scoped3A_734 : memref<!tpu.dma_semaphore, #tpu.memory_space<semaphore_mem>>) src(%arg10 : memref<160x16xf32, #tpu.memory_space<vmem>>) dst(%dma_wait3A_742 : memref<160x16xf32, #tpu.memory_space<vmem_shared>>)
      tpu.yield
    }) : () -> ()
    %mul3A_25 = arith.constant 160 : i32
    %mul3A_26 = arith.muli %arg1, %mul3A_25 : i32
    %add3A_27 = arith.constant 0 : i32
    %add3A_28 = arith.addi %mul3A_26, %add3A_27 : i32
    "tpu.region"() ({
      %run_scoped3A_734 = tpu.sem_alloc : memref<!tpu.dma_semaphore, #tpu.memory_space<semaphore_mem>>
      %dma_start3A_735 = arith.constant 0 : i32
      %dma_start3A_736 = tpu.memref_slice %arg4[%add3A_28, %dma_start3A_735] : memref<2560x128xi32, #tpu.memory_space<hbm>> -> memref<16x128xi32, #tpu.memory_space<hbm>>
      %dma_start3A_737 = arith.constant 0 : i32
      %dma_start3A_738 = tpu.memref_slice %arg4[%add3A_28, %dma_start3A_737] : memref<2560x128xi32, #tpu.memory_space<hbm>> -> memref<16x128xi32, #tpu.memory_space<hbm>>
      tpu.enqueue_dma source(%dma_start3A_738 : memref<16x128xi32, #tpu.memory_space<hbm>>) target(%arg7 : memref<16x128xi32, #tpu.memory_space<vmem>>) target_semaphore(%run_scoped3A_734 : memref<!tpu.dma_semaphore, #tpu.memory_space<semaphore_mem>>)
      %dma_wait3A_739 = arith.constant 0 : i32
      %dma_wait3A_740 = tpu.memref_slice %arg4[%add3A_28, %dma_wait3A_739] : memref<2560x128xi32, #tpu.memory_space<hbm>> -> memref<16x128xi32, #tpu.memory_space<hbm>>
      %dma_wait3A_741 = arith.constant 0 : i32
      %dma_wait3A_742 = tpu.memref_slice %arg4[%add3A_28, %dma_wait3A_741] : memref<2560x128xi32, #tpu.memory_space<hbm>> -> memref<16x128xi32, #tpu.memory_space<hbm>>
      tpu.wait_dma2 semaphore(%run_scoped3A_734 : memref<!tpu.dma_semaphore, #tpu.memory_space<semaphore_mem>>) src(%dma_wait3A_742 : memref<16x128xi32, #tpu.memory_space<hbm>>) dst(%arg7 : memref<16x128xi32, #tpu.memory_space<vmem>>)
      tpu.yield
    }) : () -> ()
    %scan3A_29 = arith.constant 0 : i32
    %scan3A_30 = arith.constant 0 : i32
    %scan3A_31 = arith.constant 16 : i32
    %scan3A_32 = arith.addi %scan3A_30, %scan3A_31 : i32
    %scan3A_33 = arith.constant 1 : i32
    scf.for %scan3A_734 = %scan3A_30 to %scan3A_32 step %scan3A_33  : i32 {
      %scan3A_735 = arith.constant 0 : i32
      %scan3A_736 = arith.constant 0 : i32
      %scan3A_737 = arith.constant 8 : i32
      %scan3A_738 = arith.addi %scan3A_736, %scan3A_737 : i32
      %scan3A_739 = arith.constant 1 : i32
      scf.for %scan3A_741 = %scan3A_736 to %scan3A_738 step %scan3A_739  : i32 {
        %mul3A_742 = arith.constant 16 : i32
        %mul3A_743 = arith.muli %scan3A_741, %mul3A_742 : i32
        %get3A = arith.index_cast %scan3A_734 : i32 to index
        %get3A_744 = arith.index_cast %mul3A_743 : i32 to index
        %get3A_745 = tpu.vector_load %arg7[%get3A, %get3A_744] {strides = array<i32>} : memref<16x128xi32, #tpu.memory_space<vmem>>, vector<16xi32>,
        tpu.vector_store_idx %arg8[%get3A_745], %broadcast_in_dim3A_5 {add = true} : memref<10240xf32, #tpu.memory_space<vmem>>[vector<16xi32>], vector<16xf32>,
      }
      %scan3A_740 = arith.constant 8 : i32
    }
    %scan3A_34 = arith.constant 16 : i32
    %mul3A_35 = arith.constant 160 : i32
    %mul3A_36 = arith.muli %arg1, %mul3A_35 : i32
    %add3A_37 = arith.constant 16 : i32
    %add3A_38 = arith.addi %mul3A_36, %add3A_37 : i32
    "tpu.region"() ({
      %run_scoped3A_734 = tpu.sem_alloc : memref<!tpu.dma_semaphore, #tpu.memory_space<semaphore_mem>>
      %dma_start3A_735 = arith.constant 0 : i32
      %dma_start3A_736 = tpu.memref_slice %arg4[%add3A_38, %dma_start3A_735] : memref<2560x128xi32, #tpu.memory_space<hbm>> -> memref<16x128xi32, #tpu.memory_space<hbm>>
      %dma_start3A_737 = arith.constant 0 : i32
      %dma_start3A_738 = tpu.memref_slice %arg4[%add3A_38, %dma_start3A_737] : memref<2560x128xi32, #tpu.memory_space<hbm>> -> memref<16x128xi32, #tpu.memory_space<hbm>>
      tpu.enqueue_dma source(%dma_start3A_738 : memref<16x128xi32, #tpu.memory_space<hbm>>) target(%arg7 : memref<16x128xi32, #tpu.memory_space<vmem>>) target_semaphore(%run_scoped3A_734 : memref<!tpu.dma_semaphore, #tpu.memory_space<semaphore_mem>>)
      %dma_wait3A_739 = arith.constant 0 : i32
      %dma_wait3A_740 = tpu.memref_slice %arg4[%add3A_38, %dma_wait3A_739] : memref<2560x128xi32, #tpu.memory_space<hbm>> -> memref<16x128xi32, #tpu.memory_space<hbm>>
      %dma_wait3A_741 = arith.constant 0 : i32
      %dma_wait3A_742 = tpu.memref_slice %arg4[%add3A_38, %dma_wait3A_741] : memref<2560x128xi32, #tpu.memory_space<hbm>> -> memref<16x128xi32, #tpu.memory_space<hbm>>
      tpu.wait_dma2 semaphore(%run_scoped3A_734 : memref<!tpu.dma_semaphore, #tpu.memory_space<semaphore_mem>>) src(%dma_wait3A_742 : memref<16x128xi32, #tpu.memory_space<hbm>>) dst(%arg7 : memref<16x128xi32, #tpu.memory_space<vmem>>)
      tpu.yield
    }) : () -> ()
    %scan3A_39 = arith.constant 0 : i32
    %scan3A_40 = arith.constant 0 : i32
    %scan3A_41 = arith.constant 16 : i32
    %scan3A_42 = arith.addi %scan3A_40, %scan3A_41 : i32
    %scan3A_43 = arith.constant 1 : i32
    scf.for %scan3A_734 = %scan3A_40 to %scan3A_42 step %scan3A_43  : i32 {
      %scan3A_735 = arith.constant 0 : i32
      %scan3A_736 = arith.constant 0 : i32
      %scan3A_737 = arith.constant 8 : i32
      %scan3A_738 = arith.addi %scan3A_736, %scan3A_737 : i32
      %scan3A_739 = arith.constant 1 : i32
      scf.for %scan3A_741 = %scan3A_736 to %scan3A_738 step %scan3A_739  : i32 {
        %mul3A_742 = arith.constant 16 : i32
        %mul3A_743 = arith.muli %scan3A_741, %mul3A_742 : i32
        %get3A = arith.index_cast %scan3A_734 : i32 to index
        %get3A_744 = arith.index_cast %mul3A_743 : i32 to index
        %get3A_745 = tpu.vector_load %arg7[%get3A, %get3A_744] {strides = array<i32>} : memref<16x128xi32, #tpu.memory_space<vmem>>, vector<16xi32>,
        tpu.vector_store_idx %arg8[%get3A_745], %broadcast_in_dim3A_5 {add = true} : memref<10240xf32, #tpu.memory_space<vmem>>[vector<16xi32>], vector<16xf32>,
      }
      %scan3A_740 = arith.constant 8 : i32
    }
    %scan3A_44 = arith.constant 16 : i32
    %mul3A_45 = arith.constant 160 : i32
    %mul3A_46 = arith.muli %arg1, %mul3A_45 : i32
    %add3A_47 = arith.constant 32 : i32
    %add3A_48 = arith.addi %mul3A_46, %add3A_47 : i32
    "tpu.region"() ({
      %run_scoped3A_734 = tpu.sem_alloc : memref<!tpu.dma_semaphore, #tpu.memory_space<semaphore_mem>>
      %dma_start3A_735 = arith.constant 0 : i32
      %dma_start3A_736 = tpu.memref_slice %arg4[%add3A_48, %dma_start3A_735] : memref<2560x128xi32, #tpu.memory_space<hbm>> -> memref<16x128xi32, #tpu.memory_space<hbm>>
      %dma_start3A_737 = arith.constant 0 : i32
      %dma_start3A_738 = tpu.memref_slice %arg4[%add3A_48, %dma_start3A_737] : memref<2560x128xi32, #tpu.memory_space<hbm>> -> memref<16x128xi32, #tpu.memory_space<hbm>>
      tpu.enqueue_dma source(%dma_start3A_738 : memref<16x128xi32, #tpu.memory_space<hbm>>) target(%arg7 : memref<16x128xi32, #tpu.memory_space<vmem>>) target_semaphore(%run_scoped3A_734 : memref<!tpu.dma_semaphore, #tpu.memory_space<semaphore_mem>>)
      %dma_wait3A_739 = arith.constant 0 : i32
      %dma_wait3A_740 = tpu.memref_slice %arg4[%add3A_48, %dma_wait3A_739] : memref<2560x128xi32, #tpu.memory_space<hbm>> -> memref<16x128xi32, #tpu.memory_space<hbm>>
      %dma_wait3A_741 = arith.constant 0 : i32
      %dma_wait3A_742 = tpu.memref_slice %arg4[%add3A_48, %dma_wait3A_741] : memref<2560x128xi32, #tpu.memory_space<hbm>> -> memref<16x128xi32, #tpu.memory_space<hbm>>
      tpu.wait_dma2 semaphore(%run_scoped3A_734 : memref<!tpu.dma_semaphore, #tpu.memory_space<semaphore_mem>>) src(%dma_wait3A_742 : memref<16x128xi32, #tpu.memory_space<hbm>>) dst(%arg7 : memref<16x128xi32, #tpu.memory_space<vmem>>)
      tpu.yield
    }) : () -> ()
    %scan3A_49 = arith.constant 0 : i32
    %scan3A_50 = arith.constant 0 : i32
    %scan3A_51 = arith.constant 16 : i32
    %scan3A_52 = arith.addi %scan3A_50, %scan3A_51 : i32
    %scan3A_53 = arith.constant 1 : i32
    scf.for %scan3A_734 = %scan3A_50 to %scan3A_52 step %scan3A_53  : i32 {
      %scan3A_735 = arith.constant 0 : i32
      %scan3A_736 = arith.constant 0 : i32
      %scan3A_737 = arith.constant 8 : i32
      %scan3A_738 = arith.addi %scan3A_736, %scan3A_737 : i32
      %scan3A_739 = arith.constant 1 : i32
      scf.for %scan3A_741 = %scan3A_736 to %scan3A_738 step %scan3A_739  : i32 {
        %mul3A_742 = arith.constant 16 : i32
        %mul3A_743 = arith.muli %scan3A_741, %mul3A_742 : i32
        %get3A = arith.index_cast %scan3A_734 : i32 to index
        %get3A_744 = arith.index_cast %mul3A_743 : i32 to index
        %get3A_745 = tpu.vector_load %arg7[%get3A, %get3A_744] {strides = array<i32>} : memref<16x128xi32, #tpu.memory_space<vmem>>, vector<16xi32>,
        tpu.vector_store_idx %arg8[%get3A_745], %broadcast_in_dim3A_5 {add = true} : memref<10240xf32, #tpu.memory_space<vmem>>[vector<16xi32>], vector<16xf32>,
      }
      %scan3A_740 = arith.constant 8 : i32
    }
    %scan3A_54 = arith.constant 16 : i32
    %mul3A_55 = arith.constant 160 : i32
    %mul3A_56 = arith.muli %arg1, %mul3A_55 : i32
    %add3A_57 = arith.constant 48 : i32
    %add3A_58 = arith.addi %mul3A_56, %add3A_57 : i32
    "tpu.region"() ({
      %run_scoped3A_734 = tpu.sem_alloc : memref<!tpu.dma_semaphore, #tpu.memory_space<semaphore_mem>>
      %dma_start3A_735 = arith.constant 0 : i32
      %dma_start3A_736 = tpu.memref_slice %arg4[%add3A_58, %dma_start3A_735] : memref<2560x128xi32, #tpu.memory_space<hbm>> -> memref<16x128xi32, #tpu.memory_space<hbm>>
      %dma_start3A_737 = arith.constant 0 : i32
      %dma_start3A_738 = tpu.memref_slice %arg4[%add3A_58, %dma_start3A_737] : memref<2560x128xi32, #tpu.memory_space<hbm>> -> memref<16x128xi32, #tpu.memory_space<hbm>>
      tpu.enqueue_dma source(%dma_start3A_738 : memref<16x128xi32, #tpu.memory_space<hbm>>) target(%arg7 : memref<16x128xi32, #tpu.memory_space<vmem>>) target_semaphore(%run_scoped3A_734 : memref<!tpu.dma_semaphore, #tpu.memory_space<semaphore_mem>>)
      %dma_wait3A_739 = arith.constant 0 : i32
      %dma_wait3A_740 = tpu.memref_slice %arg4[%add3A_58, %dma_wait3A_739] : memref<2560x128xi32, #tpu.memory_space<hbm>> -> memref<16x128xi32, #tpu.memory_space<hbm>>
      %dma_wait3A_741 = arith.constant 0 : i32
      %dma_wait3A_742 = tpu.memref_slice %arg4[%add3A_58, %dma_wait3A_741] : memref<2560x128xi32, #tpu.memory_space<hbm>> -> memref<16x128xi32, #tpu.memory_space<hbm>>
      tpu.wait_dma2 semaphore(%run_scoped3A_734 : memref<!tpu.dma_semaphore, #tpu.memory_space<semaphore_mem>>) src(%dma_wait3A_742 : memref<16x128xi32, #tpu.memory_space<hbm>>) dst(%arg7 : memref<16x128xi32, #tpu.memory_space<vmem>>)
      tpu.yield
    }) : () -> ()
    %scan3A_59 = arith.constant 0 : i32
    %scan3A_60 = arith.constant 0 : i32
    %scan3A_61 = arith.constant 16 : i32
    %scan3A_62 = arith.addi %scan3A_60, %scan3A_61 : i32
    %scan3A_63 = arith.constant 1 : i32
    scf.for %scan3A_734 = %scan3A_60 to %scan3A_62 step %scan3A_63  : i32 {
      %scan3A_735 = arith.constant 0 : i32
      %scan3A_736 = arith.constant 0 : i32
      %scan3A_737 = arith.constant 8 : i32
      %scan3A_738 = arith.addi %scan3A_736, %scan3A_737 : i32
      %scan3A_739 = arith.constant 1 : i32
      scf.for %scan3A_741 = %scan3A_736 to %scan3A_738 step %scan3A_739  : i32 {
        %mul3A_742 = arith.constant 16 : i32
        %mul3A_743 = arith.muli %scan3A_741, %mul3A_742 : i32
        %get3A = arith.index_cast %scan3A_734 : i32 to index
        %get3A_744 = arith.index_cast %mul3A_743 : i32 to index
        %get3A_745 = tpu.vector_load %arg7[%get3A, %get3A_744] {strides = array<i32>} : memref<16x128xi32, #tpu.memory_space<vmem>>, vector<16xi32>,
        tpu.vector_store_idx %arg8[%get3A_745], %broadcast_in_dim3A_5 {add = true} : memref<10240xf32, #tpu.memory_space<vmem>>[vector<16xi32>], vector<16xf32>,
      }
      %scan3A_740 = arith.constant 8 : i32
    }
    %scan3A_64 = arith.constant 16 : i32
    %mul3A_65 = arith.constant 160 : i32
    %mul3A_66 = arith.muli %arg1, %mul3A_65 : i32
    %add3A_67 = arith.constant 64 : i32
    %add3A_68 = arith.addi %mul3A_66, %add3A_67 : i32
    "tpu.region"() ({
      %run_scoped3A_734 = tpu.sem_alloc : memref<!tpu.dma_semaphore, #tpu.memory_space<semaphore_mem>>
      %dma_start3A_735 = arith.constant 0 : i32
      %dma_start3A_736 = tpu.memref_slice %arg4[%add3A_68, %dma_start3A_735] : memref<2560x128xi32, #tpu.memory_space<hbm>> -> memref<16x128xi32, #tpu.memory_space<hbm>>
      %dma_start3A_737 = arith.constant 0 : i32
      %dma_start3A_738 = tpu.memref_slice %arg4[%add3A_68, %dma_start3A_737] : memref<2560x128xi32, #tpu.memory_space<hbm>> -> memref<16x128xi32, #tpu.memory_space<hbm>>
      tpu.enqueue_dma source(%dma_start3A_738 : memref<16x128xi32, #tpu.memory_space<hbm>>) target(%arg7 : memref<16x128xi32, #tpu.memory_space<vmem>>) target_semaphore(%run_scoped3A_734 : memref<!tpu.dma_semaphore, #tpu.memory_space<semaphore_mem>>)
      %dma_wait3A_739 = arith.constant 0 : i32
      %dma_wait3A_740 = tpu.memref_slice %arg4[%add3A_68, %dma_wait3A_739] : memref<2560x128xi32, #tpu.memory_space<hbm>> -> memref<16x128xi32, #tpu.memory_space<hbm>>
      %dma_wait3A_741 = arith.constant 0 : i32
      %dma_wait3A_742 = tpu.memref_slice %arg4[%add3A_68, %dma_wait3A_741] : memref<2560x128xi32, #tpu.memory_space<hbm>> -> memref<16x128xi32, #tpu.memory_space<hbm>>
      tpu.wait_dma2 semaphore(%run_scoped3A_734 : memref<!tpu.dma_semaphore, #tpu.memory_space<semaphore_mem>>) src(%dma_wait3A_742 : memref<16x128xi32, #tpu.memory_space<hbm>>) dst(%arg7 : memref<16x128xi32, #tpu.memory_space<vmem>>)
      tpu.yield
    }) : () -> ()
    %scan3A_69 = arith.constant 0 : i32
    %scan3A_70 = arith.constant 0 : i32
    %scan3A_71 = arith.constant 16 : i32
    %scan3A_72 = arith.addi %scan3A_70, %scan3A_71 : i32
    %scan3A_73 = arith.constant 1 : i32
    scf.for %scan3A_734 = %scan3A_70 to %scan3A_72 step %scan3A_73  : i32 {
      %scan3A_735 = arith.constant 0 : i32
      %scan3A_736 = arith.constant 0 : i32
      %scan3A_737 = arith.constant 8 : i32
      %scan3A_738 = arith.addi %scan3A_736, %scan3A_737 : i32
      %scan3A_739 = arith.constant 1 : i32
      scf.for %scan3A_741 = %scan3A_736 to %scan3A_738 step %scan3A_739  : i32 {
        %mul3A_742 = arith.constant 16 : i32
        %mul3A_743 = arith.muli %scan3A_741, %mul3A_742 : i32
        %get3A = arith.index_cast %scan3A_734 : i32 to index
        %get3A_744 = arith.index_cast %mul3A_743 : i32 to index
        %get3A_745 = tpu.vector_load %arg7[%get3A, %get3A_744] {strides = array<i32>} : memref<16x128xi32, #tpu.memory_space<vmem>>, vector<16xi32>,
        tpu.vector_store_idx %arg8[%get3A_745], %broadcast_in_dim3A_5 {add = true} : memref<10240xf32, #tpu.memory_space<vmem>>[vector<16xi32>], vector<16xf32>,
      }
      %scan3A_740 = arith.constant 8 : i32
    }
    %scan3A_74 = arith.constant 16 : i32
    %mul3A_75 = arith.constant 160 : i32
    %mul3A_76 = arith.muli %arg1, %mul3A_75 : i32
    %add3A_77 = arith.constant 80 : i32
    %add3A_78 = arith.addi %mul3A_76, %add3A_77 : i32
    "tpu.region"() ({
      %run_scoped3A_734 = tpu.sem_alloc : memref<!tpu.dma_semaphore, #tpu.memory_space<semaphore_mem>>
      %dma_start3A_735 = arith.constant 0 : i32
      %dma_start3A_736 = tpu.memref_slice %arg4[%add3A_78, %dma_start3A_735] : memref<2560x128xi32, #tpu.memory_space<hbm>> -> memref<16x128xi32, #tpu.memory_space<hbm>>
      %dma_start3A_737 = arith.constant 0 : i32
      %dma_start3A_738 = tpu.memref_slice %arg4[%add3A_78, %dma_start3A_737] : memref<2560x128xi32, #tpu.memory_space<hbm>> -> memref<16x128xi32, #tpu.memory_space<hbm>>
      tpu.enqueue_dma source(%dma_start3A_738 : memref<16x128xi32, #tpu.memory_space<hbm>>) target(%arg7 : memref<16x128xi32, #tpu.memory_space<vmem>>) target_semaphore(%run_scoped3A_734 : memref<!tpu.dma_semaphore, #tpu.memory_space<semaphore_mem>>)
      %dma_wait3A_739 = arith.constant 0 : i32
      %dma_wait3A_740 = tpu.memref_slice %arg4[%add3A_78, %dma_wait3A_739] : memref<2560x128xi32, #tpu.memory_space<hbm>> -> memref<16x128xi32, #tpu.memory_space<hbm>>
      %dma_wait3A_741 = arith.constant 0 : i32
      %dma_wait3A_742 = tpu.memref_slice %arg4[%add3A_78, %dma_wait3A_741] : memref<2560x128xi32, #tpu.memory_space<hbm>> -> memref<16x128xi32, #tpu.memory_space<hbm>>
      tpu.wait_dma2 semaphore(%run_scoped3A_734 : memref<!tpu.dma_semaphore, #tpu.memory_space<semaphore_mem>>) src(%dma_wait3A_742 : memref<16x128xi32, #tpu.memory_space<hbm>>) dst(%arg7 : memref<16x128xi32, #tpu.memory_space<vmem>>)
      tpu.yield
    }) : () -> ()
    %scan3A_79 = arith.constant 0 : i32
    %scan3A_80 = arith.constant 0 : i32
    %scan3A_81 = arith.constant 16 : i32
    %scan3A_82 = arith.addi %scan3A_80, %scan3A_81 : i32
    %scan3A_83 = arith.constant 1 : i32
    scf.for %scan3A_734 = %scan3A_80 to %scan3A_82 step %scan3A_83  : i32 {
      %scan3A_735 = arith.constant 0 : i32
      %scan3A_736 = arith.constant 0 : i32
      %scan3A_737 = arith.constant 8 : i32
      %scan3A_738 = arith.addi %scan3A_736, %scan3A_737 : i32
      %scan3A_739 = arith.constant 1 : i32
      scf.for %scan3A_741 = %scan3A_736 to %scan3A_738 step %scan3A_739  : i32 {
        %mul3A_742 = arith.constant 16 : i32
        %mul3A_743 = arith.muli %scan3A_741, %mul3A_742 : i32
        %get3A = arith.index_cast %scan3A_734 : i32 to index
        %get3A_744 = arith.index_cast %mul3A_743 : i32 to index
        %get3A_745 = tpu.vector_load %arg7[%get3A, %get3A_744] {strides = array<i32>} : memref<16x128xi32, #tpu.memory_space<vmem>>, vector<16xi32>,
        tpu.vector_store_idx %arg8[%get3A_745], %broadcast_in_dim3A_5 {add = true} : memref<10240xf32, #tpu.memory_space<vmem>>[vector<16xi32>], vector<16xf32>,
      }
      %scan3A_740 = arith.constant 8 : i32
    }
    %scan3A_84 = arith.constant 16 : i32
    %mul3A_85 = arith.constant 160 : i32
    %mul3A_86 = arith.muli %arg1, %mul3A_85 : i32
    %add3A_87 = arith.constant 96 : i32
    %add3A_88 = arith.addi %mul3A_86, %add3A_87 : i32
    "tpu.region"() ({
      %run_scoped3A_734 = tpu.sem_alloc : memref<!tpu.dma_semaphore, #tpu.memory_space<semaphore_mem>>
      %dma_start3A_735 = arith.constant 0 : i32
      %dma_start3A_736 = tpu.memref_slice %arg4[%add3A_88, %dma_start3A_735] : memref<2560x128xi32, #tpu.memory_space<hbm>> -> memref<16x128xi32, #tpu.memory_space<hbm>>
      %dma_start3A_737 = arith.constant 0 : i32
      %dma_start3A_738 = tpu.memref_slice %arg4[%add3A_88, %dma_start3A_737] : memref<2560x128xi32, #tpu.memory_space<hbm>> -> memref<16x128xi32, #tpu.memory_space<hbm>>
      tpu.enqueue_dma source(%dma_start3A_738 : memref<16x128xi32, #tpu.memory_space<hbm>>) target(%arg7 : memref<16x128xi32, #tpu.memory_space<vmem>>) target_semaphore(%run_scoped3A_734 : memref<!tpu.dma_semaphore, #tpu.memory_space<semaphore_mem>>)
      %dma_wait3A_739 = arith.constant 0 : i32
      %dma_wait3A_740 = tpu.memref_slice %arg4[%add3A_88, %dma_wait3A_739] : memref<2560x128xi32, #tpu.memory_space<hbm>> -> memref<16x128xi32, #tpu.memory_space<hbm>>
      %dma_wait3A_741 = arith.constant 0 : i32
      %dma_wait3A_742 = tpu.memref_slice %arg4[%add3A_88, %dma_wait3A_741] : memref<2560x128xi32, #tpu.memory_space<hbm>> -> memref<16x128xi32, #tpu.memory_space<hbm>>
      tpu.wait_dma2 semaphore(%run_scoped3A_734 : memref<!tpu.dma_semaphore, #tpu.memory_space<semaphore_mem>>) src(%dma_wait3A_742 : memref<16x128xi32, #tpu.memory_space<hbm>>) dst(%arg7 : memref<16x128xi32, #tpu.memory_space<vmem>>)
      tpu.yield
    }) : () -> ()
    %scan3A_89 = arith.constant 0 : i32
    %scan3A_90 = arith.constant 0 : i32
    %scan3A_91 = arith.constant 16 : i32
    %scan3A_92 = arith.addi %scan3A_90, %scan3A_91 : i32
    %scan3A_93 = arith.constant 1 : i32
    scf.for %scan3A_734 = %scan3A_90 to %scan3A_92 step %scan3A_93  : i32 {
      %scan3A_735 = arith.constant 0 : i32
      %scan3A_736 = arith.constant 0 : i32
      %scan3A_737 = arith.constant 8 : i32
      %scan3A_738 = arith.addi %scan3A_736, %scan3A_737 : i32
      %scan3A_739 = arith.constant 1 : i32
      scf.for %scan3A_741 = %scan3A_736 to %scan3A_738 step %scan3A_739  : i32 {
        %mul3A_742 = arith.constant 16 : i32
        %mul3A_743 = arith.muli %scan3A_741, %mul3A_742 : i32
        %get3A = arith.index_cast %scan3A_734 : i32 to index
        %get3A_744 = arith.index_cast %mul3A_743 : i32 to index
        %get3A_745 = tpu.vector_load %arg7[%get3A, %get3A_744] {strides = array<i32>} : memref<16x128xi32, #tpu.memory_space<vmem>>, vector<16xi32>,
        tpu.vector_store_idx %arg8[%get3A_745], %broadcast_in_dim3A_5 {add = true} : memref<10240xf32, #tpu.memory_space<vmem>>[vector<16xi32>], vector<16xf32>,
      }
      %scan3A_740 = arith.constant 8 : i32
    }
    %scan3A_94 = arith.constant 16 : i32
    %mul3A_95 = arith.constant 160 : i32
    %mul3A_96 = arith.muli %arg1, %mul3A_95 : i32
    %add3A_97 = arith.constant 112 : i32
    %add3A_98 = arith.addi %mul3A_96, %add3A_97 : i32
    "tpu.region"() ({
      %run_scoped3A_734 = tpu.sem_alloc : memref<!tpu.dma_semaphore, #tpu.memory_space<semaphore_mem>>
      %dma_start3A_735 = arith.constant 0 : i32
      %dma_start3A_736 = tpu.memref_slice %arg4[%add3A_98, %dma_start3A_735] : memref<2560x128xi32, #tpu.memory_space<hbm>> -> memref<16x128xi32, #tpu.memory_space<hbm>>
      %dma_start3A_737 = arith.constant 0 : i32
      %dma_start3A_738 = tpu.memref_slice %arg4[%add3A_98, %dma_start3A_737] : memref<2560x128xi32, #tpu.memory_space<hbm>> -> memref<16x128xi32, #tpu.memory_space<hbm>>
      tpu.enqueue_dma source(%dma_start3A_738 : memref<16x128xi32, #tpu.memory_space<hbm>>) target(%arg7 : memref<16x128xi32, #tpu.memory_space<vmem>>) target_semaphore(%run_scoped3A_734 : memref<!tpu.dma_semaphore, #tpu.memory_space<semaphore_mem>>)
      %dma_wait3A_739 = arith.constant 0 : i32
      %dma_wait3A_740 = tpu.memref_slice %arg4[%add3A_98, %dma_wait3A_739] : memref<2560x128xi32, #tpu.memory_space<hbm>> -> memref<16x128xi32, #tpu.memory_space<hbm>>
      %dma_wait3A_741 = arith.constant 0 : i32
      %dma_wait3A_742 = tpu.memref_slice %arg4[%add3A_98, %dma_wait3A_741] : memref<2560x128xi32, #tpu.memory_space<hbm>> -> memref<16x128xi32, #tpu.memory_space<hbm>>
      tpu.wait_dma2 semaphore(%run_scoped3A_734 : memref<!tpu.dma_semaphore, #tpu.memory_space<semaphore_mem>>) src(%dma_wait3A_742 : memref<16x128xi32, #tpu.memory_space<hbm>>) dst(%arg7 : memref<16x128xi32, #tpu.memory_space<vmem>>)
      tpu.yield
    }) : () -> ()
    %scan3A_99 = arith.constant 0 : i32
    %scan3A_100 = arith.constant 0 : i32
    %scan3A_101 = arith.constant 16 : i32
    %scan3A_102 = arith.addi %scan3A_100, %scan3A_101 : i32
    %scan3A_103 = arith.constant 1 : i32
    scf.for %scan3A_734 = %scan3A_100 to %scan3A_102 step %scan3A_103  : i32 {
      %scan3A_735 = arith.constant 0 : i32
      %scan3A_736 = arith.constant 0 : i32
      %scan3A_737 = arith.constant 8 : i32
      %scan3A_738 = arith.addi %scan3A_736, %scan3A_737 : i32
      %scan3A_739 = arith.constant 1 : i32
      scf.for %scan3A_741 = %scan3A_736 to %scan3A_738 step %scan3A_739  : i32 {
        %mul3A_742 = arith.constant 16 : i32
        %mul3A_743 = arith.muli %scan3A_741, %mul3A_742 : i32
        %get3A = arith.index_cast %scan3A_734 : i32 to index
        %get3A_744 = arith.index_cast %mul3A_743 : i32 to index
        %get3A_745 = tpu.vector_load %arg7[%get3A, %get3A_744] {strides = array<i32>} : memref<16x128xi32, #tpu.memory_space<vmem>>, vector<16xi32>,
        tpu.vector_store_idx %arg8[%get3A_745], %broadcast_in_dim3A_5 {add = true} : memref<10240xf32, #tpu.memory_space<vmem>>[vector<16xi32>], vector<16xf32>,
      }
      %scan3A_740 = arith.constant 8 : i32
    }
    %scan3A_104 = arith.constant 16 : i32
    %mul3A_105 = arith.constant 160 : i32
    %mul3A_106 = arith.muli %arg1, %mul3A_105 : i32
    %add3A_107 = arith.constant 128 : i32
    %add3A_108 = arith.addi %mul3A_106, %add3A_107 : i32
    "tpu.region"() ({
      %run_scoped3A_734 = tpu.sem_alloc : memref<!tpu.dma_semaphore, #tpu.memory_space<semaphore_mem>>
      %dma_start3A_735 = arith.constant 0 : i32
      %dma_start3A_736 = tpu.memref_slice %arg4[%add3A_108, %dma_start3A_735] : memref<2560x128xi32, #tpu.memory_space<hbm>> -> memref<16x128xi32, #tpu.memory_space<hbm>>
      %dma_start3A_737 = arith.constant 0 : i32
      %dma_start3A_738 = tpu.memref_slice %arg4[%add3A_108, %dma_start3A_737] : memref<2560x128xi32, #tpu.memory_space<hbm>> -> memref<16x128xi32, #tpu.memory_space<hbm>>
      tpu.enqueue_dma source(%dma_start3A_738 : memref<16x128xi32, #tpu.memory_space<hbm>>) target(%arg7 : memref<16x128xi32, #tpu.memory_space<vmem>>) target_semaphore(%run_scoped3A_734 : memref<!tpu.dma_semaphore, #tpu.memory_space<semaphore_mem>>)
      %dma_wait3A_739 = arith.constant 0 : i32
      %dma_wait3A_740 = tpu.memref_slice %arg4[%add3A_108, %dma_wait3A_739] : memref<2560x128xi32, #tpu.memory_space<hbm>> -> memref<16x128xi32, #tpu.memory_space<hbm>>
      %dma_wait3A_741 = arith.constant 0 : i32
      %dma_wait3A_742 = tpu.memref_slice %arg4[%add3A_108, %dma_wait3A_741] : memref<2560x128xi32, #tpu.memory_space<hbm>> -> memref<16x128xi32, #tpu.memory_space<hbm>>
      tpu.wait_dma2 semaphore(%run_scoped3A_734 : memref<!tpu.dma_semaphore, #tpu.memory_space<semaphore_mem>>) src(%dma_wait3A_742 : memref<16x128xi32, #tpu.memory_space<hbm>>) dst(%arg7 : memref<16x128xi32, #tpu.memory_space<vmem>>)
      tpu.yield
    }) : () -> ()
    %scan3A_109 = arith.constant 0 : i32
    %scan3A_110 = arith.constant 0 : i32
    %scan3A_111 = arith.constant 16 : i32
    %scan3A_112 = arith.addi %scan3A_110, %scan3A_111 : i32
    %scan3A_113 = arith.constant 1 : i32
    scf.for %scan3A_734 = %scan3A_110 to %scan3A_112 step %scan3A_113  : i32 {
      %scan3A_735 = arith.constant 0 : i32
      %scan3A_736 = arith.constant 0 : i32
      %scan3A_737 = arith.constant 8 : i32
      %scan3A_738 = arith.addi %scan3A_736, %scan3A_737 : i32
      %scan3A_739 = arith.constant 1 : i32
      scf.for %scan3A_741 = %scan3A_736 to %scan3A_738 step %scan3A_739  : i32 {
        %mul3A_742 = arith.constant 16 : i32
        %mul3A_743 = arith.muli %scan3A_741, %mul3A_742 : i32
        %get3A = arith.index_cast %scan3A_734 : i32 to index
        %get3A_744 = arith.index_cast %mul3A_743 : i32 to index
        %get3A_745 = tpu.vector_load %arg7[%get3A, %get3A_744] {strides = array<i32>} : memref<16x128xi32, #tpu.memory_space<vmem>>, vector<16xi32>,
        tpu.vector_store_idx %arg8[%get3A_745], %broadcast_in_dim3A_5 {add = true} : memref<10240xf32, #tpu.memory_space<vmem>>[vector<16xi32>], vector<16xf32>,
      }
      %scan3A_740 = arith.constant 8 : i32
    }
    %scan3A_114 = arith.constant 16 : i32
    %mul3A_115 = arith.constant 160 : i32
    %mul3A_116 = arith.muli %arg1, %mul3A_115 : i32
    %add3A_117 = arith.constant 144 : i32
    %add3A_118 = arith.addi %mul3A_116, %add3A_117 : i32
    "tpu.region"() ({
      %run_scoped3A_734 = tpu.sem_alloc : memref<!tpu.dma_semaphore, #tpu.memory_space<semaphore_mem>>
      %dma_start3A_735 = arith.constant 0 : i32
      %dma_start3A_736 = tpu.memref_slice %arg4[%add3A_118, %dma_start3A_735] : memref<2560x128xi32, #tpu.memory_space<hbm>> -> memref<16x128xi32, #tpu.memory_space<hbm>>
      %dma_start3A_737 = arith.constant 0 : i32
      %dma_start3A_738 = tpu.memref_slice %arg4[%add3A_118, %dma_start3A_737] : memref<2560x128xi32, #tpu.memory_space<hbm>> -> memref<16x128xi32, #tpu.memory_space<hbm>>
      tpu.enqueue_dma source(%dma_start3A_738 : memref<16x128xi32, #tpu.memory_space<hbm>>) target(%arg7 : memref<16x128xi32, #tpu.memory_space<vmem>>) target_semaphore(%run_scoped3A_734 : memref<!tpu.dma_semaphore, #tpu.memory_space<semaphore_mem>>)
      %dma_wait3A_739 = arith.constant 0 : i32
      %dma_wait3A_740 = tpu.memref_slice %arg4[%add3A_118, %dma_wait3A_739] : memref<2560x128xi32, #tpu.memory_space<hbm>> -> memref<16x128xi32, #tpu.memory_space<hbm>>
      %dma_wait3A_741 = arith.constant 0 : i32
      %dma_wait3A_742 = tpu.memref_slice %arg4[%add3A_118, %dma_wait3A_741] : memref<2560x128xi32, #tpu.memory_space<hbm>> -> memref<16x128xi32, #tpu.memory_space<hbm>>
      tpu.wait_dma2 semaphore(%run_scoped3A_734 : memref<!tpu.dma_semaphore, #tpu.memory_space<semaphore_mem>>) src(%dma_wait3A_742 : memref<16x128xi32, #tpu.memory_space<hbm>>) dst(%arg7 : memref<16x128xi32, #tpu.memory_space<vmem>>)
      tpu.yield
    }) : () -> ()
    %scan3A_119 = arith.constant 0 : i32
    %scan3A_120 = arith.constant 0 : i32
    %scan3A_121 = arith.constant 16 : i32
    %scan3A_122 = arith.addi %scan3A_120, %scan3A_121 : i32
    %scan3A_123 = arith.constant 1 : i32
    scf.for %scan3A_734 = %scan3A_120 to %scan3A_122 step %scan3A_123  : i32 {
      %scan3A_735 = arith.constant 0 : i32
      %scan3A_736 = arith.constant 0 : i32
      %scan3A_737 = arith.constant 8 : i32
      %scan3A_738 = arith.addi %scan3A_736, %scan3A_737 : i32
      %scan3A_739 = arith.constant 1 : i32
      scf.for %scan3A_741 = %scan3A_736 to %scan3A_738 step %scan3A_739  : i32 {
        %mul3A_742 = arith.constant 16 : i32
        %mul3A_743 = arith.muli %scan3A_741, %mul3A_742 : i32
        %get3A = arith.index_cast %scan3A_734 : i32 to index
        %get3A_744 = arith.index_cast %mul3A_743 : i32 to index
        %get3A_745 = tpu.vector_load %arg7[%get3A, %get3A_744] {strides = array<i32>} : memref<16x128xi32, #tpu.memory_space<vmem>>, vector<16xi32>,
        tpu.vector_store_idx %arg8[%get3A_745], %broadcast_in_dim3A_5 {add = true} : memref<10240xf32, #tpu.memory_space<vmem>>[vector<16xi32>], vector<16xf32>,
      }
      %scan3A_740 = arith.constant 8 : i32
    }
    %scan3A_124 = arith.constant 16 : i32
    "tpu.region"() ({
      %run_scoped3A_734 = tpu.sem_alloc : memref<!tpu.dma_semaphore, #tpu.memory_space<semaphore_mem>>
      %dma_start3A_735 = arith.constant 0 : i32
      %dma_start3A_736 = tpu.memref_slice %arg21[%arg1, %dma_start3A_735] : memref<16x10240xf32, #tpu.memory_space<vmem_shared>> -> memref<1x10240xf32, #tpu.memory_space<vmem_shared>>
      %dma_start3A_737 = tpu.memref_squeeze %dma_start3A_736 : memref<1x10240xf32, #tpu.memory_space<vmem_shared>> -> memref<10240xf32, #tpu.memory_space<vmem_shared>>
      %dma_start3A_738 = arith.constant 0 : i32
      %dma_start3A_739 = tpu.memref_slice %arg21[%arg1, %dma_start3A_738] : memref<16x10240xf32, #tpu.memory_space<vmem_shared>> -> memref<1x10240xf32, #tpu.memory_space<vmem_shared>>
      %dma_start3A_740 = tpu.memref_squeeze %dma_start3A_739 : memref<1x10240xf32, #tpu.memory_space<vmem_shared>> -> memref<10240xf32, #tpu.memory_space<vmem_shared>>
      tpu.enqueue_dma source(%arg8 : memref<10240xf32, #tpu.memory_space<vmem>>) target(%dma_start3A_740 : memref<10240xf32, #tpu.memory_space<vmem_shared>>) target_semaphore(%run_scoped3A_734 : memref<!tpu.dma_semaphore, #tpu.memory_space<semaphore_mem>>)
      %dma_wait3A_741 = arith.constant 0 : i32
      %dma_wait3A_742 = tpu.memref_slice %arg21[%arg1, %dma_wait3A_741] : memref<16x10240xf32, #tpu.memory_space<vmem_shared>> -> memref<1x10240xf32, #tpu.memory_space<vmem_shared>>
      %dma_wait3A_743 = tpu.memref_squeeze %dma_wait3A_742 : memref<1x10240xf32, #tpu.memory_space<vmem_shared>> -> memref<10240xf32, #tpu.memory_space<vmem_shared>>
      %dma_wait3A_744 = arith.constant 0 : i32
      %dma_wait3A_745 = tpu.memref_slice %arg21[%arg1, %dma_wait3A_744] : memref<16x10240xf32, #tpu.memory_space<vmem_shared>> -> memref<1x10240xf32, #tpu.memory_space<vmem_shared>>
      %dma_wait3A_746 = tpu.memref_squeeze %dma_wait3A_745 : memref<1x10240xf32, #tpu.memory_space<vmem_shared>> -> memref<10240xf32, #tpu.memory_space<vmem_shared>>
      tpu.wait_dma2 semaphore(%run_scoped3A_734 : memref<!tpu.dma_semaphore, #tpu.memory_space<semaphore_mem>>) src(%arg8 : memref<10240xf32, #tpu.memory_space<vmem>>) dst(%dma_wait3A_746 : memref<10240xf32, #tpu.memory_space<vmem_shared>>)
      tpu.yield
    }) : () -> ()
    %barrier3A = arith.constant 0 : index
    tpu.barrier barrier_id(%barrier3A)
    %run_scoped3A = arith.constant 0 : i32
    "tpu.region"() ({
      %run_scoped3A_734 = tpu.sem_alloc : memref<!tpu.dma_semaphore, #tpu.memory_space<semaphore_mem>>
      %dma_start3A_735 = tpu.memref_slice %arg21[%run_scoped3A, %mul3A_2] : memref<16x10240xf32, #tpu.memory_space<vmem_shared>> -> memref<1x640xf32, #tpu.memory_space<vmem_shared>>
      %dma_start3A_736 = tpu.memref_squeeze %dma_start3A_735 : memref<1x640xf32, #tpu.memory_space<vmem_shared>> -> memref<640xf32, #tpu.memory_space<vmem_shared>>
      %dma_start3A_737 = tpu.memref_slice %arg21[%run_scoped3A, %mul3A_2] : memref<16x10240xf32, #tpu.memory_space<vmem_shared>> -> memref<1x640xf32, #tpu.memory_space<vmem_shared>>
      %dma_start3A_738 = tpu.memref_squeeze %dma_start3A_737 : memref<1x640xf32, #tpu.memory_space<vmem_shared>> -> memref<640xf32, #tpu.memory_space<vmem_shared>>
      tpu.enqueue_dma source(%dma_start3A_738 : memref<640xf32, #tpu.memory_space<vmem_shared>>) target(%arg9 : memref<640xf32, #tpu.memory_space<vmem>>) target_semaphore(%run_scoped3A_734 : memref<!tpu.dma_semaphore, #tpu.memory_space<semaphore_mem>>)
      %dma_wait3A_739 = tpu.memref_slice %arg21[%run_scoped3A, %mul3A_2] : memref<16x10240xf32, #tpu.memory_space<vmem_shared>> -> memref<1x640xf32, #tpu.memory_space<vmem_shared>>
      %dma_wait3A_740 = tpu.memref_squeeze %dma_wait3A_739 : memref<1x640xf32, #tpu.memory_space<vmem_shared>> -> memref<640xf32, #tpu.memory_space<vmem_shared>>
      %dma_wait3A_741 = tpu.memref_slice %arg21[%run_scoped3A, %mul3A_2] : memref<16x10240xf32, #tpu.memory_space<vmem_shared>> -> memref<1x640xf32, #tpu.memory_space<vmem_shared>>
      %dma_wait3A_742 = tpu.memref_squeeze %dma_wait3A_741 : memref<1x640xf32, #tpu.memory_space<vmem_shared>> -> memref<640xf32, #tpu.memory_space<vmem_shared>>
      tpu.wait_dma2 semaphore(%run_scoped3A_734 : memref<!tpu.dma_semaphore, #tpu.memory_space<semaphore_mem>>) src(%dma_wait3A_742 : memref<640xf32, #tpu.memory_space<vmem_shared>>) dst(%arg9 : memref<640xf32, #tpu.memory_space<vmem>>)
      tpu.yield
    }) : () -> ()
    %run_scoped3A_125 = arith.constant 1 : i32
    "tpu.region"() ({
      %run_scoped3A_734 = tpu.sem_alloc : memref<!tpu.dma_semaphore, #tpu.memory_space<semaphore_mem>>
      %dma_start3A_735 = arith.constant 0 : i32
      %dma_start3A_736 = tpu.memref_slice %arg8[%dma_start3A_735] : memref<10240xf32, #tpu.memory_space<vmem>> -> memref<640xf32, #tpu.memory_space<vmem>>
      %dma_start3A_737 = tpu.memref_slice %arg21[%run_scoped3A_125, %mul3A_2] : memref<16x10240xf32, #tpu.memory_space<vmem_shared>> -> memref<1x640xf32, #tpu.memory_space<vmem_shared>>
      %dma_start3A_738 = tpu.memref_squeeze %dma_start3A_737 : memref<1x640xf32, #tpu.memory_space<vmem_shared>> -> memref<640xf32, #tpu.memory_space<vmem_shared>>
      %dma_start3A_739 = arith.constant 0 : i32
      %dma_start3A_740 = tpu.memref_slice %arg8[%dma_start3A_739] : memref<10240xf32, #tpu.memory_space<vmem>> -> memref<640xf32, #tpu.memory_space<vmem>>
      %dma_start3A_741 = tpu.memref_slice %arg21[%run_scoped3A_125, %mul3A_2] : memref<16x10240xf32, #tpu.memory_space<vmem_shared>> -> memref<1x640xf32, #tpu.memory_space<vmem_shared>>
      %dma_start3A_742 = tpu.memref_squeeze %dma_start3A_741 : memref<1x640xf32, #tpu.memory_space<vmem_shared>> -> memref<640xf32, #tpu.memory_space<vmem_shared>>
      tpu.enqueue_dma source(%dma_start3A_742 : memref<640xf32, #tpu.memory_space<vmem_shared>>) target(%dma_start3A_740 : memref<640xf32, #tpu.memory_space<vmem>>) target_semaphore(%run_scoped3A_734 : memref<!tpu.dma_semaphore, #tpu.memory_space<semaphore_mem>>)
      %dma_wait3A_743 = arith.constant 0 : i32
      %dma_wait3A_744 = tpu.memref_slice %arg8[%dma_wait3A_743] : memref<10240xf32, #tpu.memory_space<vmem>> -> memref<640xf32, #tpu.memory_space<vmem>>
      %dma_wait3A_745 = tpu.memref_slice %arg21[%run_scoped3A_125, %mul3A_2] : memref<16x10240xf32, #tpu.memory_space<vmem_shared>> -> memref<1x640xf32, #tpu.memory_space<vmem_shared>>
      %dma_wait3A_746 = tpu.memref_squeeze %dma_wait3A_745 : memref<1x640xf32, #tpu.memory_space<vmem_shared>> -> memref<640xf32, #tpu.memory_space<vmem_shared>>
      %dma_wait3A_747 = arith.constant 0 : i32
      %dma_wait3A_748 = tpu.memref_slice %arg8[%dma_wait3A_747] : memref<10240xf32, #tpu.memory_space<vmem>> -> memref<640xf32, #tpu.memory_space<vmem>>
      %dma_wait3A_749 = tpu.memref_slice %arg21[%run_scoped3A_125, %mul3A_2] : memref<16x10240xf32, #tpu.memory_space<vmem_shared>> -> memref<1x640xf32, #tpu.memory_space<vmem_shared>>
      %dma_wait3A_750 = tpu.memref_squeeze %dma_wait3A_749 : memref<1x640xf32, #tpu.memory_space<vmem_shared>> -> memref<640xf32, #tpu.memory_space<vmem_shared>>
      tpu.wait_dma2 semaphore(%run_scoped3A_734 : memref<!tpu.dma_semaphore, #tpu.memory_space<semaphore_mem>>) src(%dma_wait3A_750 : memref<640xf32, #tpu.memory_space<vmem_shared>>) dst(%dma_wait3A_748 : memref<640xf32, #tpu.memory_space<vmem>>)
      tpu.yield
    }) : () -> ()
    %scan3A_126 = arith.constant 0 : i32
    %scan3A_127 = arith.constant 0 : i32
    %scan3A_128 = arith.constant 40 : i32
    %scan3A_129 = arith.addi %scan3A_127, %scan3A_128 : i32
    %scan3A_130 = arith.constant 1 : i32
    scf.for %scan3A_734 = %scan3A_127 to %scan3A_129 step %scan3A_130  : i32 {
      %mul3A_735 = arith.constant 16 : i32
      %mul3A_736 = arith.muli %scan3A_734, %mul3A_735 : i32
      %get3A = arith.index_cast %mul3A_736 : i32 to index
      %get3A_737 = tpu.vector_load %arg9[%get3A] {strides = array<i32>} : memref<640xf32, #tpu.memory_space<vmem>>, vector<16xf32>,
      %mul3A_738 = arith.constant 16 : i32
      %mul3A_739 = arith.muli %scan3A_734, %mul3A_738 : i32
      %get3A_740 = arith.index_cast %mul3A_739 : i32 to index
      %get3A_741 = tpu.vector_load %arg8[%get3A_740] {strides = array<i32>} : memref<10240xf32, #tpu.memory_space<vmem>>, vector<16xf32>,
      %add3A_742 = arith.addf %get3A_737, %get3A_741 : vector<16xf32>
      %mul3A_743 = arith.constant 16 : i32
      %mul3A_744 = arith.muli %scan3A_734, %mul3A_743 : i32
      %swap3A = arith.index_cast %mul3A_744 : i32 to index
      %swap3A_745 = tpu.vector_load %arg9[%swap3A] {strides = array<i32>} : memref<640xf32, #tpu.memory_space<vmem>>, vector<16xf32>,
      tpu.vector_store %arg9[%swap3A], %add3A_742 {strides = array<i32>} : memref<640xf32, #tpu.memory_space<vmem>>, vector<16xf32>,
    }
    %scan3A_131 = arith.constant 40 : i32
    %run_scoped3A_132 = arith.constant 2 : i32
    "tpu.region"() ({
      %run_scoped3A_734 = tpu.sem_alloc : memref<!tpu.dma_semaphore, #tpu.memory_space<semaphore_mem>>
      %dma_start3A_735 = arith.constant 0 : i32
      %dma_start3A_736 = tpu.memref_slice %arg8[%dma_start3A_735] : memref<10240xf32, #tpu.memory_space<vmem>> -> memref<640xf32, #tpu.memory_space<vmem>>
      %dma_start3A_737 = tpu.memref_slice %arg21[%run_scoped3A_132, %mul3A_2] : memref<16x10240xf32, #tpu.memory_space<vmem_shared>> -> memref<1x640xf32, #tpu.memory_space<vmem_shared>>
      %dma_start3A_738 = tpu.memref_squeeze %dma_start3A_737 : memref<1x640xf32, #tpu.memory_space<vmem_shared>> -> memref<640xf32, #tpu.memory_space<vmem_shared>>
      %dma_start3A_739 = arith.constant 0 : i32
      %dma_start3A_740 = tpu.memref_slice %arg8[%dma_start3A_739] : memref<10240xf32, #tpu.memory_space<vmem>> -> memref<640xf32, #tpu.memory_space<vmem>>
      %dma_start3A_741 = tpu.memref_slice %arg21[%run_scoped3A_132, %mul3A_2] : memref<16x10240xf32, #tpu.memory_space<vmem_shared>> -> memref<1x640xf32, #tpu.memory_space<vmem_shared>>
      %dma_start3A_742 = tpu.memref_squeeze %dma_start3A_741 : memref<1x640xf32, #tpu.memory_space<vmem_shared>> -> memref<640xf32, #tpu.memory_space<vmem_shared>>
      tpu.enqueue_dma source(%dma_start3A_742 : memref<640xf32, #tpu.memory_space<vmem_shared>>) target(%dma_start3A_740 : memref<640xf32, #tpu.memory_space<vmem>>) target_semaphore(%run_scoped3A_734 : memref<!tpu.dma_semaphore, #tpu.memory_space<semaphore_mem>>)
      %dma_wait3A_743 = arith.constant 0 : i32
      %dma_wait3A_744 = tpu.memref_slice %arg8[%dma_wait3A_743] : memref<10240xf32, #tpu.memory_space<vmem>> -> memref<640xf32, #tpu.memory_space<vmem>>
      %dma_wait3A_745 = tpu.memref_slice %arg21[%run_scoped3A_132, %mul3A_2] : memref<16x10240xf32, #tpu.memory_space<vmem_shared>> -> memref<1x640xf32, #tpu.memory_space<vmem_shared>>
      %dma_wait3A_746 = tpu.memref_squeeze %dma_wait3A_745 : memref<1x640xf32, #tpu.memory_space<vmem_shared>> -> memref<640xf32, #tpu.memory_space<vmem_shared>>
      %dma_wait3A_747 = arith.constant 0 : i32
      %dma_wait3A_748 = tpu.memref_slice %arg8[%dma_wait3A_747] : memref<10240xf32, #tpu.memory_space<vmem>> -> memref<640xf32, #tpu.memory_space<vmem>>
      %dma_wait3A_749 = tpu.memref_slice %arg21[%run_scoped3A_132, %mul3A_2] : memref<16x10240xf32, #tpu.memory_space<vmem_shared>> -> memref<1x640xf32, #tpu.memory_space<vmem_shared>>
      %dma_wait3A_750 = tpu.memref_squeeze %dma_wait3A_749 : memref<1x640xf32, #tpu.memory_space<vmem_shared>> -> memref<640xf32, #tpu.memory_space<vmem_shared>>
      tpu.wait_dma2 semaphore(%run_scoped3A_734 : memref<!tpu.dma_semaphore, #tpu.memory_space<semaphore_mem>>) src(%dma_wait3A_750 : memref<640xf32, #tpu.memory_space<vmem_shared>>) dst(%dma_wait3A_748 : memref<640xf32, #tpu.memory_space<vmem>>)
      tpu.yield
    }) : () -> ()
    %scan3A_133 = arith.constant 0 : i32
    %scan3A_134 = arith.constant 0 : i32
    %scan3A_135 = arith.constant 40 : i32
    %scan3A_136 = arith.addi %scan3A_134, %scan3A_135 : i32
    %scan3A_137 = arith.constant 1 : i32
    scf.for %scan3A_734 = %scan3A_134 to %scan3A_136 step %scan3A_137  : i32 {
      %mul3A_735 = arith.constant 16 : i32
      %mul3A_736 = arith.muli %scan3A_734, %mul3A_735 : i32
      %get3A = arith.index_cast %mul3A_736 : i32 to index
      %get3A_737 = tpu.vector_load %arg9[%get3A] {strides = array<i32>} : memref<640xf32, #tpu.memory_space<vmem>>, vector<16xf32>,
      %mul3A_738 = arith.constant 16 : i32
      %mul3A_739 = arith.muli %scan3A_734, %mul3A_738 : i32
      %get3A_740 = arith.index_cast %mul3A_739 : i32 to index
      %get3A_741 = tpu.vector_load %arg8[%get3A_740] {strides = array<i32>} : memref<10240xf32, #tpu.memory_space<vmem>>, vector<16xf32>,
      %add3A_742 = arith.addf %get3A_737, %get3A_741 : vector<16xf32>
      %mul3A_743 = arith.constant 16 : i32
      %mul3A_744 = arith.muli %scan3A_734, %mul3A_743 : i32
      %swap3A = arith.index_cast %mul3A_744 : i32 to index
      %swap3A_745 = tpu.vector_load %arg9[%swap3A] {strides = array<i32>} : memref<640xf32, #tpu.memory_space<vmem>>, vector<16xf32>,
      tpu.vector_store %arg9[%swap3A], %add3A_742 {strides = array<i32>} : memref<640xf32, #tpu.memory_space<vmem>>, vector<16xf32>,
    }
    %scan3A_138 = arith.constant 40 : i32
    %run_scoped3A_139 = arith.constant 3 : i32
    "tpu.region"() ({
      %run_scoped3A_734 = tpu.sem_alloc : memref<!tpu.dma_semaphore, #tpu.memory_space<semaphore_mem>>
      %dma_start3A_735 = arith.constant 0 : i32
      %dma_start3A_736 = tpu.memref_slice %arg8[%dma_start3A_735] : memref<10240xf32, #tpu.memory_space<vmem>> -> memref<640xf32, #tpu.memory_space<vmem>>
      %dma_start3A_737 = tpu.memref_slice %arg21[%run_scoped3A_139, %mul3A_2] : memref<16x10240xf32, #tpu.memory_space<vmem_shared>> -> memref<1x640xf32, #tpu.memory_space<vmem_shared>>
      %dma_start3A_738 = tpu.memref_squeeze %dma_start3A_737 : memref<1x640xf32, #tpu.memory_space<vmem_shared>> -> memref<640xf32, #tpu.memory_space<vmem_shared>>
      %dma_start3A_739 = arith.constant 0 : i32
      %dma_start3A_740 = tpu.memref_slice %arg8[%dma_start3A_739] : memref<10240xf32, #tpu.memory_space<vmem>> -> memref<640xf32, #tpu.memory_space<vmem>>
      %dma_start3A_741 = tpu.memref_slice %arg21[%run_scoped3A_139, %mul3A_2] : memref<16x10240xf32, #tpu.memory_space<vmem_shared>> -> memref<1x640xf32, #tpu.memory_space<vmem_shared>>
      %dma_start3A_742 = tpu.memref_squeeze %dma_start3A_741 : memref<1x640xf32, #tpu.memory_space<vmem_shared>> -> memref<640xf32, #tpu.memory_space<vmem_shared>>
      tpu.enqueue_dma source(%dma_start3A_742 : memref<640xf32, #tpu.memory_space<vmem_shared>>) target(%dma_start3A_740 : memref<640xf32, #tpu.memory_space<vmem>>) target_semaphore(%run_scoped3A_734 : memref<!tpu.dma_semaphore, #tpu.memory_space<semaphore_mem>>)
      %dma_wait3A_743 = arith.constant 0 : i32
      %dma_wait3A_744 = tpu.memref_slice %arg8[%dma_wait3A_743] : memref<10240xf32, #tpu.memory_space<vmem>> -> memref<640xf32, #tpu.memory_space<vmem>>
      %dma_wait3A_745 = tpu.memref_slice %arg21[%run_scoped3A_139, %mul3A_2] : memref<16x10240xf32, #tpu.memory_space<vmem_shared>> -> memref<1x640xf32, #tpu.memory_space<vmem_shared>>
      %dma_wait3A_746 = tpu.memref_squeeze %dma_wait3A_745 : memref<1x640xf32, #tpu.memory_space<vmem_shared>> -> memref<640xf32, #tpu.memory_space<vmem_shared>>
      %dma_wait3A_747 = arith.constant 0 : i32
      %dma_wait3A_748 = tpu.memref_slice %arg8[%dma_wait3A_747] : memref<10240xf32, #tpu.memory_space<vmem>> -> memref<640xf32, #tpu.memory_space<vmem>>
      %dma_wait3A_749 = tpu.memref_slice %arg21[%run_scoped3A_139, %mul3A_2] : memref<16x10240xf32, #tpu.memory_space<vmem_shared>> -> memref<1x640xf32, #tpu.memory_space<vmem_shared>>
      %dma_wait3A_750 = tpu.memref_squeeze %dma_wait3A_749 : memref<1x640xf32, #tpu.memory_space<vmem_shared>> -> memref<640xf32, #tpu.memory_space<vmem_shared>>
      tpu.wait_dma2 semaphore(%run_scoped3A_734 : memref<!tpu.dma_semaphore, #tpu.memory_space<semaphore_mem>>) src(%dma_wait3A_750 : memref<640xf32, #tpu.memory_space<vmem_shared>>) dst(%dma_wait3A_748 : memref<640xf32, #tpu.memory_space<vmem>>)
      tpu.yield
    }) : () -> ()
    %scan3A_140 = arith.constant 0 : i32
    %scan3A_141 = arith.constant 0 : i32
    %scan3A_142 = arith.constant 40 : i32
    %scan3A_143 = arith.addi %scan3A_141, %scan3A_142 : i32
    %scan3A_144 = arith.constant 1 : i32
    scf.for %scan3A_734 = %scan3A_141 to %scan3A_143 step %scan3A_144  : i32 {
      %mul3A_735 = arith.constant 16 : i32
      %mul3A_736 = arith.muli %scan3A_734, %mul3A_735 : i32
      %get3A = arith.index_cast %mul3A_736 : i32 to index
      %get3A_737 = tpu.vector_load %arg9[%get3A] {strides = array<i32>} : memref<640xf32, #tpu.memory_space<vmem>>, vector<16xf32>,
      %mul3A_738 = arith.constant 16 : i32
      %mul3A_739 = arith.muli %scan3A_734, %mul3A_738 : i32
      %get3A_740 = arith.index_cast %mul3A_739 : i32 to index
      %get3A_741 = tpu.vector_load %arg8[%get3A_740] {strides = array<i32>} : memref<10240xf32, #tpu.memory_space<vmem>>, vector<16xf32>,
      %add3A_742 = arith.addf %get3A_737, %get3A_741 : vector<16xf32>
      %mul3A_743 = arith.constant 16 : i32
      %mul3A_744 = arith.muli %scan3A_734, %mul3A_743 : i32
      %swap3A = arith.index_cast %mul3A_744 : i32 to index
      %swap3A_745 = tpu.vector_load %arg9[%swap3A] {strides = array<i32>} : memref<640xf32, #tpu.memory_space<vmem>>, vector<16xf32>,
      tpu.vector_store %arg9[%swap3A], %add3A_742 {strides = array<i32>} : memref<640xf32, #tpu.memory_space<vmem>>, vector<16xf32>,
    }
    %scan3A_145 = arith.constant 40 : i32
    %run_scoped3A_146 = arith.constant 4 : i32
    "tpu.region"() ({
      %run_scoped3A_734 = tpu.sem_alloc : memref<!tpu.dma_semaphore, #tpu.memory_space<semaphore_mem>>
      %dma_start3A_735 = arith.constant 0 : i32
      %dma_start3A_736 = tpu.memref_slice %arg8[%dma_start3A_735] : memref<10240xf32, #tpu.memory_space<vmem>> -> memref<640xf32, #tpu.memory_space<vmem>>
      %dma_start3A_737 = tpu.memref_slice %arg21[%run_scoped3A_146, %mul3A_2] : memref<16x10240xf32, #tpu.memory_space<vmem_shared>> -> memref<1x640xf32, #tpu.memory_space<vmem_shared>>
      %dma_start3A_738 = tpu.memref_squeeze %dma_start3A_737 : memref<1x640xf32, #tpu.memory_space<vmem_shared>> -> memref<640xf32, #tpu.memory_space<vmem_shared>>
      %dma_start3A_739 = arith.constant 0 : i32
      %dma_start3A_740 = tpu.memref_slice %arg8[%dma_start3A_739] : memref<10240xf32, #tpu.memory_space<vmem>> -> memref<640xf32, #tpu.memory_space<vmem>>
      %dma_start3A_741 = tpu.memref_slice %arg21[%run_scoped3A_146, %mul3A_2] : memref<16x10240xf32, #tpu.memory_space<vmem_shared>> -> memref<1x640xf32, #tpu.memory_space<vmem_shared>>
      %dma_start3A_742 = tpu.memref_squeeze %dma_start3A_741 : memref<1x640xf32, #tpu.memory_space<vmem_shared>> -> memref<640xf32, #tpu.memory_space<vmem_shared>>
      tpu.enqueue_dma source(%dma_start3A_742 : memref<640xf32, #tpu.memory_space<vmem_shared>>) target(%dma_start3A_740 : memref<640xf32, #tpu.memory_space<vmem>>) target_semaphore(%run_scoped3A_734 : memref<!tpu.dma_semaphore, #tpu.memory_space<semaphore_mem>>)
      %dma_wait3A_743 = arith.constant 0 : i32
      %dma_wait3A_744 = tpu.memref_slice %arg8[%dma_wait3A_743] : memref<10240xf32, #tpu.memory_space<vmem>> -> memref<640xf32, #tpu.memory_space<vmem>>
      %dma_wait3A_745 = tpu.memref_slice %arg21[%run_scoped3A_146, %mul3A_2] : memref<16x10240xf32, #tpu.memory_space<vmem_shared>> -> memref<1x640xf32, #tpu.memory_space<vmem_shared>>
      %dma_wait3A_746 = tpu.memref_squeeze %dma_wait3A_745 : memref<1x640xf32, #tpu.memory_space<vmem_shared>> -> memref<640xf32, #tpu.memory_space<vmem_shared>>
      %dma_wait3A_747 = arith.constant 0 : i32
      %dma_wait3A_748 = tpu.memref_slice %arg8[%dma_wait3A_747] : memref<10240xf32, #tpu.memory_space<vmem>> -> memref<640xf32, #tpu.memory_space<vmem>>
      %dma_wait3A_749 = tpu.memref_slice %arg21[%run_scoped3A_146, %mul3A_2] : memref<16x10240xf32, #tpu.memory_space<vmem_shared>> -> memref<1x640xf32, #tpu.memory_space<vmem_shared>>
      %dma_wait3A_750 = tpu.memref_squeeze %dma_wait3A_749 : memref<1x640xf32, #tpu.memory_space<vmem_shared>> -> memref<640xf32, #tpu.memory_space<vmem_shared>>
      tpu.wait_dma2 semaphore(%run_scoped3A_734 : memref<!tpu.dma_semaphore, #tpu.memory_space<semaphore_mem>>) src(%dma_wait3A_750 : memref<640xf32, #tpu.memory_space<vmem_shared>>) dst(%dma_wait3A_748 : memref<640xf32, #tpu.memory_space<vmem>>)
      tpu.yield
    }) : () -> ()
    %scan3A_147 = arith.constant 0 : i32
    %scan3A_148 = arith.constant 0 : i32
    %scan3A_149 = arith.constant 40 : i32
    %scan3A_150 = arith.addi %scan3A_148, %scan3A_149 : i32
    %scan3A_151 = arith.constant 1 : i32
    scf.for %scan3A_734 = %scan3A_148 to %scan3A_150 step %scan3A_151  : i32 {
      %mul3A_735 = arith.constant 16 : i32
      %mul3A_736 = arith.muli %scan3A_734, %mul3A_735 : i32
      %get3A = arith.index_cast %mul3A_736 : i32 to index
      %get3A_737 = tpu.vector_load %arg9[%get3A] {strides = array<i32>} : memref<640xf32, #tpu.memory_space<vmem>>, vector<16xf32>,
      %mul3A_738 = arith.constant 16 : i32
      %mul3A_739 = arith.muli %scan3A_734, %mul3A_738 : i32
      %get3A_740 = arith.index_cast %mul3A_739 : i32 to index
      %get3A_741 = tpu.vector_load %arg8[%get3A_740] {strides = array<i32>} : memref<10240xf32, #tpu.memory_space<vmem>>, vector<16xf32>,
      %add3A_742 = arith.addf %get3A_737, %get3A_741 : vector<16xf32>
      %mul3A_743 = arith.constant 16 : i32
      %mul3A_744 = arith.muli %scan3A_734, %mul3A_743 : i32
      %swap3A = arith.index_cast %mul3A_744 : i32 to index
      %swap3A_745 = tpu.vector_load %arg9[%swap3A] {strides = array<i32>} : memref<640xf32, #tpu.memory_space<vmem>>, vector<16xf32>,
      tpu.vector_store %arg9[%swap3A], %add3A_742 {strides = array<i32>} : memref<640xf32, #tpu.memory_space<vmem>>, vector<16xf32>,
    }
    %scan3A_152 = arith.constant 40 : i32
    %run_scoped3A_153 = arith.constant 5 : i32
    "tpu.region"() ({
      %run_scoped3A_734 = tpu.sem_alloc : memref<!tpu.dma_semaphore, #tpu.memory_space<semaphore_mem>>
      %dma_start3A_735 = arith.constant 0 : i32
      %dma_start3A_736 = tpu.memref_slice %arg8[%dma_start3A_735] : memref<10240xf32, #tpu.memory_space<vmem>> -> memref<640xf32, #tpu.memory_space<vmem>>
      %dma_start3A_737 = tpu.memref_slice %arg21[%run_scoped3A_153, %mul3A_2] : memref<16x10240xf32, #tpu.memory_space<vmem_shared>> -> memref<1x640xf32, #tpu.memory_space<vmem_shared>>
      %dma_start3A_738 = tpu.memref_squeeze %dma_start3A_737 : memref<1x640xf32, #tpu.memory_space<vmem_shared>> -> memref<640xf32, #tpu.memory_space<vmem_shared>>
      %dma_start3A_739 = arith.constant 0 : i32
      %dma_start3A_740 = tpu.memref_slice %arg8[%dma_start3A_739] : memref<10240xf32, #tpu.memory_space<vmem>> -> memref<640xf32, #tpu.memory_space<vmem>>
      %dma_start3A_741 = tpu.memref_slice %arg21[%run_scoped3A_153, %mul3A_2] : memref<16x10240xf32, #tpu.memory_space<vmem_shared>> -> memref<1x640xf32, #tpu.memory_space<vmem_shared>>
      %dma_start3A_742 = tpu.memref_squeeze %dma_start3A_741 : memref<1x640xf32, #tpu.memory_space<vmem_shared>> -> memref<640xf32, #tpu.memory_space<vmem_shared>>
      tpu.enqueue_dma source(%dma_start3A_742 : memref<640xf32, #tpu.memory_space<vmem_shared>>) target(%dma_start3A_740 : memref<640xf32, #tpu.memory_space<vmem>>) target_semaphore(%run_scoped3A_734 : memref<!tpu.dma_semaphore, #tpu.memory_space<semaphore_mem>>)
      %dma_wait3A_743 = arith.constant 0 : i32
      %dma_wait3A_744 = tpu.memref_slice %arg8[%dma_wait3A_743] : memref<10240xf32, #tpu.memory_space<vmem>> -> memref<640xf32, #tpu.memory_space<vmem>>
      %dma_wait3A_745 = tpu.memref_slice %arg21[%run_scoped3A_153, %mul3A_2] : memref<16x10240xf32, #tpu.memory_space<vmem_shared>> -> memref<1x640xf32, #tpu.memory_space<vmem_shared>>
      %dma_wait3A_746 = tpu.memref_squeeze %dma_wait3A_745 : memref<1x640xf32, #tpu.memory_space<vmem_shared>> -> memref<640xf32, #tpu.memory_space<vmem_shared>>
      %dma_wait3A_747 = arith.constant 0 : i32
      %dma_wait3A_748 = tpu.memref_slice %arg8[%dma_wait3A_747] : memref<10240xf32, #tpu.memory_space<vmem>> -> memref<640xf32, #tpu.memory_space<vmem>>
      %dma_wait3A_749 = tpu.memref_slice %arg21[%run_scoped3A_153, %mul3A_2] : memref<16x10240xf32, #tpu.memory_space<vmem_shared>> -> memref<1x640xf32, #tpu.memory_space<vmem_shared>>
      %dma_wait3A_750 = tpu.memref_squeeze %dma_wait3A_749 : memref<1x640xf32, #tpu.memory_space<vmem_shared>> -> memref<640xf32, #tpu.memory_space<vmem_shared>>
      tpu.wait_dma2 semaphore(%run_scoped3A_734 : memref<!tpu.dma_semaphore, #tpu.memory_space<semaphore_mem>>) src(%dma_wait3A_750 : memref<640xf32, #tpu.memory_space<vmem_shared>>) dst(%dma_wait3A_748 : memref<640xf32, #tpu.memory_space<vmem>>)
      tpu.yield
    }) : () -> ()
    %scan3A_154 = arith.constant 0 : i32
    %scan3A_155 = arith.constant 0 : i32
    %scan3A_156 = arith.constant 40 : i32
    %scan3A_157 = arith.addi %scan3A_155, %scan3A_156 : i32
    %scan3A_158 = arith.constant 1 : i32
    scf.for %scan3A_734 = %scan3A_155 to %scan3A_157 step %scan3A_158  : i32 {
      %mul3A_735 = arith.constant 16 : i32
      %mul3A_736 = arith.muli %scan3A_734, %mul3A_735 : i32
      %get3A = arith.index_cast %mul3A_736 : i32 to index
      %get3A_737 = tpu.vector_load %arg9[%get3A] {strides = array<i32>} : memref<640xf32, #tpu.memory_space<vmem>>, vector<16xf32>,
      %mul3A_738 = arith.constant 16 : i32
      %mul3A_739 = arith.muli %scan3A_734, %mul3A_738 : i32
      %get3A_740 = arith.index_cast %mul3A_739 : i32 to index
      %get3A_741 = tpu.vector_load %arg8[%get3A_740] {strides = array<i32>} : memref<10240xf32, #tpu.memory_space<vmem>>, vector<16xf32>,
      %add3A_742 = arith.addf %get3A_737, %get3A_741 : vector<16xf32>
      %mul3A_743 = arith.constant 16 : i32
      %mul3A_744 = arith.muli %scan3A_734, %mul3A_743 : i32
      %swap3A = arith.index_cast %mul3A_744 : i32 to index
      %swap3A_745 = tpu.vector_load %arg9[%swap3A] {strides = array<i32>} : memref<640xf32, #tpu.memory_space<vmem>>, vector<16xf32>,
      tpu.vector_store %arg9[%swap3A], %add3A_742 {strides = array<i32>} : memref<640xf32, #tpu.memory_space<vmem>>, vector<16xf32>,
    }
    %scan3A_159 = arith.constant 40 : i32
    %run_scoped3A_160 = arith.constant 6 : i32
    "tpu.region"() ({
      %run_scoped3A_734 = tpu.sem_alloc : memref<!tpu.dma_semaphore, #tpu.memory_space<semaphore_mem>>
      %dma_start3A_735 = arith.constant 0 : i32
      %dma_start3A_736 = tpu.memref_slice %arg8[%dma_start3A_735] : memref<10240xf32, #tpu.memory_space<vmem>> -> memref<640xf32, #tpu.memory_space<vmem>>
      %dma_start3A_737 = tpu.memref_slice %arg21[%run_scoped3A_160, %mul3A_2] : memref<16x10240xf32, #tpu.memory_space<vmem_shared>> -> memref<1x640xf32, #tpu.memory_space<vmem_shared>>
      %dma_start3A_738 = tpu.memref_squeeze %dma_start3A_737 : memref<1x640xf32, #tpu.memory_space<vmem_shared>> -> memref<640xf32, #tpu.memory_space<vmem_shared>>
      %dma_start3A_739 = arith.constant 0 : i32
      %dma_start3A_740 = tpu.memref_slice %arg8[%dma_start3A_739] : memref<10240xf32, #tpu.memory_space<vmem>> -> memref<640xf32, #tpu.memory_space<vmem>>
      %dma_start3A_741 = tpu.memref_slice %arg21[%run_scoped3A_160, %mul3A_2] : memref<16x10240xf32, #tpu.memory_space<vmem_shared>> -> memref<1x640xf32, #tpu.memory_space<vmem_shared>>
      %dma_start3A_742 = tpu.memref_squeeze %dma_start3A_741 : memref<1x640xf32, #tpu.memory_space<vmem_shared>> -> memref<640xf32, #tpu.memory_space<vmem_shared>>
      tpu.enqueue_dma source(%dma_start3A_742 : memref<640xf32, #tpu.memory_space<vmem_shared>>) target(%dma_start3A_740 : memref<640xf32, #tpu.memory_space<vmem>>) target_semaphore(%run_scoped3A_734 : memref<!tpu.dma_semaphore, #tpu.memory_space<semaphore_mem>>)
      %dma_wait3A_743 = arith.constant 0 : i32
      %dma_wait3A_744 = tpu.memref_slice %arg8[%dma_wait3A_743] : memref<10240xf32, #tpu.memory_space<vmem>> -> memref<640xf32, #tpu.memory_space<vmem>>
      %dma_wait3A_745 = tpu.memref_slice %arg21[%run_scoped3A_160, %mul3A_2] : memref<16x10240xf32, #tpu.memory_space<vmem_shared>> -> memref<1x640xf32, #tpu.memory_space<vmem_shared>>
      %dma_wait3A_746 = tpu.memref_squeeze %dma_wait3A_745 : memref<1x640xf32, #tpu.memory_space<vmem_shared>> -> memref<640xf32, #tpu.memory_space<vmem_shared>>
      %dma_wait3A_747 = arith.constant 0 : i32
      %dma_wait3A_748 = tpu.memref_slice %arg8[%dma_wait3A_747] : memref<10240xf32, #tpu.memory_space<vmem>> -> memref<640xf32, #tpu.memory_space<vmem>>
      %dma_wait3A_749 = tpu.memref_slice %arg21[%run_scoped3A_160, %mul3A_2] : memref<16x10240xf32, #tpu.memory_space<vmem_shared>> -> memref<1x640xf32, #tpu.memory_space<vmem_shared>>
      %dma_wait3A_750 = tpu.memref_squeeze %dma_wait3A_749 : memref<1x640xf32, #tpu.memory_space<vmem_shared>> -> memref<640xf32, #tpu.memory_space<vmem_shared>>
      tpu.wait_dma2 semaphore(%run_scoped3A_734 : memref<!tpu.dma_semaphore, #tpu.memory_space<semaphore_mem>>) src(%dma_wait3A_750 : memref<640xf32, #tpu.memory_space<vmem_shared>>) dst(%dma_wait3A_748 : memref<640xf32, #tpu.memory_space<vmem>>)
      tpu.yield
    }) : () -> ()
    %scan3A_161 = arith.constant 0 : i32
    %scan3A_162 = arith.constant 0 : i32
    %scan3A_163 = arith.constant 40 : i32
    %scan3A_164 = arith.addi %scan3A_162, %scan3A_163 : i32
    %scan3A_165 = arith.constant 1 : i32
    scf.for %scan3A_734 = %scan3A_162 to %scan3A_164 step %scan3A_165  : i32 {
      %mul3A_735 = arith.constant 16 : i32
      %mul3A_736 = arith.muli %scan3A_734, %mul3A_735 : i32
      %get3A = arith.index_cast %mul3A_736 : i32 to index
      %get3A_737 = tpu.vector_load %arg9[%get3A] {strides = array<i32>} : memref<640xf32, #tpu.memory_space<vmem>>, vector<16xf32>,
      %mul3A_738 = arith.constant 16 : i32
      %mul3A_739 = arith.muli %scan3A_734, %mul3A_738 : i32
      %get3A_740 = arith.index_cast %mul3A_739 : i32 to index
      %get3A_741 = tpu.vector_load %arg8[%get3A_740] {strides = array<i32>} : memref<10240xf32, #tpu.memory_space<vmem>>, vector<16xf32>,
      %add3A_742 = arith.addf %get3A_737, %get3A_741 : vector<16xf32>
      %mul3A_743 = arith.constant 16 : i32
      %mul3A_744 = arith.muli %scan3A_734, %mul3A_743 : i32
      %swap3A = arith.index_cast %mul3A_744 : i32 to index
      %swap3A_745 = tpu.vector_load %arg9[%swap3A] {strides = array<i32>} : memref<640xf32, #tpu.memory_space<vmem>>, vector<16xf32>,
      tpu.vector_store %arg9[%swap3A], %add3A_742 {strides = array<i32>} : memref<640xf32, #tpu.memory_space<vmem>>, vector<16xf32>,
    }
    %scan3A_166 = arith.constant 40 : i32
    %run_scoped3A_167 = arith.constant 7 : i32
    "tpu.region"() ({
      %run_scoped3A_734 = tpu.sem_alloc : memref<!tpu.dma_semaphore, #tpu.memory_space<semaphore_mem>>
      %dma_start3A_735 = arith.constant 0 : i32
      %dma_start3A_736 = tpu.memref_slice %arg8[%dma_start3A_735] : memref<10240xf32, #tpu.memory_space<vmem>> -> memref<640xf32, #tpu.memory_space<vmem>>
      %dma_start3A_737 = tpu.memref_slice %arg21[%run_scoped3A_167, %mul3A_2] : memref<16x10240xf32, #tpu.memory_space<vmem_shared>> -> memref<1x640xf32, #tpu.memory_space<vmem_shared>>
      %dma_start3A_738 = tpu.memref_squeeze %dma_start3A_737 : memref<1x640xf32, #tpu.memory_space<vmem_shared>> -> memref<640xf32, #tpu.memory_space<vmem_shared>>
      %dma_start3A_739 = arith.constant 0 : i32
      %dma_start3A_740 = tpu.memref_slice %arg8[%dma_start3A_739] : memref<10240xf32, #tpu.memory_space<vmem>> -> memref<640xf32, #tpu.memory_space<vmem>>
      %dma_start3A_741 = tpu.memref_slice %arg21[%run_scoped3A_167, %mul3A_2] : memref<16x10240xf32, #tpu.memory_space<vmem_shared>> -> memref<1x640xf32, #tpu.memory_space<vmem_shared>>
      %dma_start3A_742 = tpu.memref_squeeze %dma_start3A_741 : memref<1x640xf32, #tpu.memory_space<vmem_shared>> -> memref<640xf32, #tpu.memory_space<vmem_shared>>
      tpu.enqueue_dma source(%dma_start3A_742 : memref<640xf32, #tpu.memory_space<vmem_shared>>) target(%dma_start3A_740 : memref<640xf32, #tpu.memory_space<vmem>>) target_semaphore(%run_scoped3A_734 : memref<!tpu.dma_semaphore, #tpu.memory_space<semaphore_mem>>)
      %dma_wait3A_743 = arith.constant 0 : i32
      %dma_wait3A_744 = tpu.memref_slice %arg8[%dma_wait3A_743] : memref<10240xf32, #tpu.memory_space<vmem>> -> memref<640xf32, #tpu.memory_space<vmem>>
      %dma_wait3A_745 = tpu.memref_slice %arg21[%run_scoped3A_167, %mul3A_2] : memref<16x10240xf32, #tpu.memory_space<vmem_shared>> -> memref<1x640xf32, #tpu.memory_space<vmem_shared>>
      %dma_wait3A_746 = tpu.memref_squeeze %dma_wait3A_745 : memref<1x640xf32, #tpu.memory_space<vmem_shared>> -> memref<640xf32, #tpu.memory_space<vmem_shared>>
      %dma_wait3A_747 = arith.constant 0 : i32
      %dma_wait3A_748 = tpu.memref_slice %arg8[%dma_wait3A_747] : memref<10240xf32, #tpu.memory_space<vmem>> -> memref<640xf32, #tpu.memory_space<vmem>>
      %dma_wait3A_749 = tpu.memref_slice %arg21[%run_scoped3A_167, %mul3A_2] : memref<16x10240xf32, #tpu.memory_space<vmem_shared>> -> memref<1x640xf32, #tpu.memory_space<vmem_shared>>
      %dma_wait3A_750 = tpu.memref_squeeze %dma_wait3A_749 : memref<1x640xf32, #tpu.memory_space<vmem_shared>> -> memref<640xf32, #tpu.memory_space<vmem_shared>>
      tpu.wait_dma2 semaphore(%run_scoped3A_734 : memref<!tpu.dma_semaphore, #tpu.memory_space<semaphore_mem>>) src(%dma_wait3A_750 : memref<640xf32, #tpu.memory_space<vmem_shared>>) dst(%dma_wait3A_748 : memref<640xf32, #tpu.memory_space<vmem>>)
      tpu.yield
    }) : () -> ()
    %scan3A_168 = arith.constant 0 : i32
    %scan3A_169 = arith.constant 0 : i32
    %scan3A_170 = arith.constant 40 : i32
    %scan3A_171 = arith.addi %scan3A_169, %scan3A_170 : i32
    %scan3A_172 = arith.constant 1 : i32
    scf.for %scan3A_734 = %scan3A_169 to %scan3A_171 step %scan3A_172  : i32 {
      %mul3A_735 = arith.constant 16 : i32
      %mul3A_736 = arith.muli %scan3A_734, %mul3A_735 : i32
      %get3A = arith.index_cast %mul3A_736 : i32 to index
      %get3A_737 = tpu.vector_load %arg9[%get3A] {strides = array<i32>} : memref<640xf32, #tpu.memory_space<vmem>>, vector<16xf32>,
      %mul3A_738 = arith.constant 16 : i32
      %mul3A_739 = arith.muli %scan3A_734, %mul3A_738 : i32
      %get3A_740 = arith.index_cast %mul3A_739 : i32 to index
      %get3A_741 = tpu.vector_load %arg8[%get3A_740] {strides = array<i32>} : memref<10240xf32, #tpu.memory_space<vmem>>, vector<16xf32>,
      %add3A_742 = arith.addf %get3A_737, %get3A_741 : vector<16xf32>
      %mul3A_743 = arith.constant 16 : i32
      %mul3A_744 = arith.muli %scan3A_734, %mul3A_743 : i32
      %swap3A = arith.index_cast %mul3A_744 : i32 to index
      %swap3A_745 = tpu.vector_load %arg9[%swap3A] {strides = array<i32>} : memref<640xf32, #tpu.memory_space<vmem>>, vector<16xf32>,
      tpu.vector_store %arg9[%swap3A], %add3A_742 {strides = array<i32>} : memref<640xf32, #tpu.memory_space<vmem>>, vector<16xf32>,
    }
    %scan3A_173 = arith.constant 40 : i32
    %run_scoped3A_174 = arith.constant 8 : i32
    "tpu.region"() ({
      %run_scoped3A_734 = tpu.sem_alloc : memref<!tpu.dma_semaphore, #tpu.memory_space<semaphore_mem>>
      %dma_start3A_735 = arith.constant 0 : i32
      %dma_start3A_736 = tpu.memref_slice %arg8[%dma_start3A_735] : memref<10240xf32, #tpu.memory_space<vmem>> -> memref<640xf32, #tpu.memory_space<vmem>>
      %dma_start3A_737 = tpu.memref_slice %arg21[%run_scoped3A_174, %mul3A_2] : memref<16x10240xf32, #tpu.memory_space<vmem_shared>> -> memref<1x640xf32, #tpu.memory_space<vmem_shared>>
      %dma_start3A_738 = tpu.memref_squeeze %dma_start3A_737 : memref<1x640xf32, #tpu.memory_space<vmem_shared>> -> memref<640xf32, #tpu.memory_space<vmem_shared>>
      %dma_start3A_739 = arith.constant 0 : i32
      %dma_start3A_740 = tpu.memref_slice %arg8[%dma_start3A_739] : memref<10240xf32, #tpu.memory_space<vmem>> -> memref<640xf32, #tpu.memory_space<vmem>>
      %dma_start3A_741 = tpu.memref_slice %arg21[%run_scoped3A_174, %mul3A_2] : memref<16x10240xf32, #tpu.memory_space<vmem_shared>> -> memref<1x640xf32, #tpu.memory_space<vmem_shared>>
      %dma_start3A_742 = tpu.memref_squeeze %dma_start3A_741 : memref<1x640xf32, #tpu.memory_space<vmem_shared>> -> memref<640xf32, #tpu.memory_space<vmem_shared>>
      tpu.enqueue_dma source(%dma_start3A_742 : memref<640xf32, #tpu.memory_space<vmem_shared>>) target(%dma_start3A_740 : memref<640xf32, #tpu.memory_space<vmem>>) target_semaphore(%run_scoped3A_734 : memref<!tpu.dma_semaphore, #tpu.memory_space<semaphore_mem>>)
      %dma_wait3A_743 = arith.constant 0 : i32
      %dma_wait3A_744 = tpu.memref_slice %arg8[%dma_wait3A_743] : memref<10240xf32, #tpu.memory_space<vmem>> -> memref<640xf32, #tpu.memory_space<vmem>>
      %dma_wait3A_745 = tpu.memref_slice %arg21[%run_scoped3A_174, %mul3A_2] : memref<16x10240xf32, #tpu.memory_space<vmem_shared>> -> memref<1x640xf32, #tpu.memory_space<vmem_shared>>
      %dma_wait3A_746 = tpu.memref_squeeze %dma_wait3A_745 : memref<1x640xf32, #tpu.memory_space<vmem_shared>> -> memref<640xf32, #tpu.memory_space<vmem_shared>>
      %dma_wait3A_747 = arith.constant 0 : i32
      %dma_wait3A_748 = tpu.memref_slice %arg8[%dma_wait3A_747] : memref<10240xf32, #tpu.memory_space<vmem>> -> memref<640xf32, #tpu.memory_space<vmem>>
      %dma_wait3A_749 = tpu.memref_slice %arg21[%run_scoped3A_174, %mul3A_2] : memref<16x10240xf32, #tpu.memory_space<vmem_shared>> -> memref<1x640xf32, #tpu.memory_space<vmem_shared>>
      %dma_wait3A_750 = tpu.memref_squeeze %dma_wait3A_749 : memref<1x640xf32, #tpu.memory_space<vmem_shared>> -> memref<640xf32, #tpu.memory_space<vmem_shared>>
      tpu.wait_dma2 semaphore(%run_scoped3A_734 : memref<!tpu.dma_semaphore, #tpu.memory_space<semaphore_mem>>) src(%dma_wait3A_750 : memref<640xf32, #tpu.memory_space<vmem_shared>>) dst(%dma_wait3A_748 : memref<640xf32, #tpu.memory_space<vmem>>)
      tpu.yield
    }) : () -> ()
    %scan3A_175 = arith.constant 0 : i32
    %scan3A_176 = arith.constant 0 : i32
    %scan3A_177 = arith.constant 40 : i32
    %scan3A_178 = arith.addi %scan3A_176, %scan3A_177 : i32
    %scan3A_179 = arith.constant 1 : i32
    scf.for %scan3A_734 = %scan3A_176 to %scan3A_178 step %scan3A_179  : i32 {
      %mul3A_735 = arith.constant 16 : i32
      %mul3A_736 = arith.muli %scan3A_734, %mul3A_735 : i32
      %get3A = arith.index_cast %mul3A_736 : i32 to index
      %get3A_737 = tpu.vector_load %arg9[%get3A] {strides = array<i32>} : memref<640xf32, #tpu.memory_space<vmem>>, vector<16xf32>,
      %mul3A_738 = arith.constant 16 : i32
      %mul3A_739 = arith.muli %scan3A_734, %mul3A_738 : i32
      %get3A_740 = arith.index_cast %mul3A_739 : i32 to index
      %get3A_741 = tpu.vector_load %arg8[%get3A_740] {strides = array<i32>} : memref<10240xf32, #tpu.memory_space<vmem>>, vector<16xf32>,
      %add3A_742 = arith.addf %get3A_737, %get3A_741 : vector<16xf32>
      %mul3A_743 = arith.constant 16 : i32
      %mul3A_744 = arith.muli %scan3A_734, %mul3A_743 : i32
      %swap3A = arith.index_cast %mul3A_744 : i32 to index
      %swap3A_745 = tpu.vector_load %arg9[%swap3A] {strides = array<i32>} : memref<640xf32, #tpu.memory_space<vmem>>, vector<16xf32>,
      tpu.vector_store %arg9[%swap3A], %add3A_742 {strides = array<i32>} : memref<640xf32, #tpu.memory_space<vmem>>, vector<16xf32>,
    }
    %scan3A_180 = arith.constant 40 : i32
    %run_scoped3A_181 = arith.constant 9 : i32
    "tpu.region"() ({
      %run_scoped3A_734 = tpu.sem_alloc : memref<!tpu.dma_semaphore, #tpu.memory_space<semaphore_mem>>
      %dma_start3A_735 = arith.constant 0 : i32
      %dma_start3A_736 = tpu.memref_slice %arg8[%dma_start3A_735] : memref<10240xf32, #tpu.memory_space<vmem>> -> memref<640xf32, #tpu.memory_space<vmem>>
      %dma_start3A_737 = tpu.memref_slice %arg21[%run_scoped3A_181, %mul3A_2] : memref<16x10240xf32, #tpu.memory_space<vmem_shared>> -> memref<1x640xf32, #tpu.memory_space<vmem_shared>>
      %dma_start3A_738 = tpu.memref_squeeze %dma_start3A_737 : memref<1x640xf32, #tpu.memory_space<vmem_shared>> -> memref<640xf32, #tpu.memory_space<vmem_shared>>
      %dma_start3A_739 = arith.constant 0 : i32
      %dma_start3A_740 = tpu.memref_slice %arg8[%dma_start3A_739] : memref<10240xf32, #tpu.memory_space<vmem>> -> memref<640xf32, #tpu.memory_space<vmem>>
      %dma_start3A_741 = tpu.memref_slice %arg21[%run_scoped3A_181, %mul3A_2] : memref<16x10240xf32, #tpu.memory_space<vmem_shared>> -> memref<1x640xf32, #tpu.memory_space<vmem_shared>>
      %dma_start3A_742 = tpu.memref_squeeze %dma_start3A_741 : memref<1x640xf32, #tpu.memory_space<vmem_shared>> -> memref<640xf32, #tpu.memory_space<vmem_shared>>
      tpu.enqueue_dma source(%dma_start3A_742 : memref<640xf32, #tpu.memory_space<vmem_shared>>) target(%dma_start3A_740 : memref<640xf32, #tpu.memory_space<vmem>>) target_semaphore(%run_scoped3A_734 : memref<!tpu.dma_semaphore, #tpu.memory_space<semaphore_mem>>)
      %dma_wait3A_743 = arith.constant 0 : i32
      %dma_wait3A_744 = tpu.memref_slice %arg8[%dma_wait3A_743] : memref<10240xf32, #tpu.memory_space<vmem>> -> memref<640xf32, #tpu.memory_space<vmem>>
      %dma_wait3A_745 = tpu.memref_slice %arg21[%run_scoped3A_181, %mul3A_2] : memref<16x10240xf32, #tpu.memory_space<vmem_shared>> -> memref<1x640xf32, #tpu.memory_space<vmem_shared>>
      %dma_wait3A_746 = tpu.memref_squeeze %dma_wait3A_745 : memref<1x640xf32, #tpu.memory_space<vmem_shared>> -> memref<640xf32, #tpu.memory_space<vmem_shared>>
      %dma_wait3A_747 = arith.constant 0 : i32
      %dma_wait3A_748 = tpu.memref_slice %arg8[%dma_wait3A_747] : memref<10240xf32, #tpu.memory_space<vmem>> -> memref<640xf32, #tpu.memory_space<vmem>>
      %dma_wait3A_749 = tpu.memref_slice %arg21[%run_scoped3A_181, %mul3A_2] : memref<16x10240xf32, #tpu.memory_space<vmem_shared>> -> memref<1x640xf32, #tpu.memory_space<vmem_shared>>
      %dma_wait3A_750 = tpu.memref_squeeze %dma_wait3A_749 : memref<1x640xf32, #tpu.memory_space<vmem_shared>> -> memref<640xf32, #tpu.memory_space<vmem_shared>>
      tpu.wait_dma2 semaphore(%run_scoped3A_734 : memref<!tpu.dma_semaphore, #tpu.memory_space<semaphore_mem>>) src(%dma_wait3A_750 : memref<640xf32, #tpu.memory_space<vmem_shared>>) dst(%dma_wait3A_748 : memref<640xf32, #tpu.memory_space<vmem>>)
      tpu.yield
    }) : () -> ()
    %scan3A_182 = arith.constant 0 : i32
    %scan3A_183 = arith.constant 0 : i32
    %scan3A_184 = arith.constant 40 : i32
    %scan3A_185 = arith.addi %scan3A_183, %scan3A_184 : i32
    %scan3A_186 = arith.constant 1 : i32
    scf.for %scan3A_734 = %scan3A_183 to %scan3A_185 step %scan3A_186  : i32 {
      %mul3A_735 = arith.constant 16 : i32
      %mul3A_736 = arith.muli %scan3A_734, %mul3A_735 : i32
      %get3A = arith.index_cast %mul3A_736 : i32 to index
      %get3A_737 = tpu.vector_load %arg9[%get3A] {strides = array<i32>} : memref<640xf32, #tpu.memory_space<vmem>>, vector<16xf32>,
      %mul3A_738 = arith.constant 16 : i32
      %mul3A_739 = arith.muli %scan3A_734, %mul3A_738 : i32
      %get3A_740 = arith.index_cast %mul3A_739 : i32 to index
      %get3A_741 = tpu.vector_load %arg8[%get3A_740] {strides = array<i32>} : memref<10240xf32, #tpu.memory_space<vmem>>, vector<16xf32>,
      %add3A_742 = arith.addf %get3A_737, %get3A_741 : vector<16xf32>
      %mul3A_743 = arith.constant 16 : i32
      %mul3A_744 = arith.muli %scan3A_734, %mul3A_743 : i32
      %swap3A = arith.index_cast %mul3A_744 : i32 to index
      %swap3A_745 = tpu.vector_load %arg9[%swap3A] {strides = array<i32>} : memref<640xf32, #tpu.memory_space<vmem>>, vector<16xf32>,
      tpu.vector_store %arg9[%swap3A], %add3A_742 {strides = array<i32>} : memref<640xf32, #tpu.memory_space<vmem>>, vector<16xf32>,
    }
    %scan3A_187 = arith.constant 40 : i32
    %run_scoped3A_188 = arith.constant 10 : i32
    "tpu.region"() ({
      %run_scoped3A_734 = tpu.sem_alloc : memref<!tpu.dma_semaphore, #tpu.memory_space<semaphore_mem>>
      %dma_start3A_735 = arith.constant 0 : i32
      %dma_start3A_736 = tpu.memref_slice %arg8[%dma_start3A_735] : memref<10240xf32, #tpu.memory_space<vmem>> -> memref<640xf32, #tpu.memory_space<vmem>>
      %dma_start3A_737 = tpu.memref_slice %arg21[%run_scoped3A_188, %mul3A_2] : memref<16x10240xf32, #tpu.memory_space<vmem_shared>> -> memref<1x640xf32, #tpu.memory_space<vmem_shared>>
      %dma_start3A_738 = tpu.memref_squeeze %dma_start3A_737 : memref<1x640xf32, #tpu.memory_space<vmem_shared>> -> memref<640xf32, #tpu.memory_space<vmem_shared>>
      %dma_start3A_739 = arith.constant 0 : i32
      %dma_start3A_740 = tpu.memref_slice %arg8[%dma_start3A_739] : memref<10240xf32, #tpu.memory_space<vmem>> -> memref<640xf32, #tpu.memory_space<vmem>>
      %dma_start3A_741 = tpu.memref_slice %arg21[%run_scoped3A_188, %mul3A_2] : memref<16x10240xf32, #tpu.memory_space<vmem_shared>> -> memref<1x640xf32, #tpu.memory_space<vmem_shared>>
      %dma_start3A_742 = tpu.memref_squeeze %dma_start3A_741 : memref<1x640xf32, #tpu.memory_space<vmem_shared>> -> memref<640xf32, #tpu.memory_space<vmem_shared>>
      tpu.enqueue_dma source(%dma_start3A_742 : memref<640xf32, #tpu.memory_space<vmem_shared>>) target(%dma_start3A_740 : memref<640xf32, #tpu.memory_space<vmem>>) target_semaphore(%run_scoped3A_734 : memref<!tpu.dma_semaphore, #tpu.memory_space<semaphore_mem>>)
      %dma_wait3A_743 = arith.constant 0 : i32
      %dma_wait3A_744 = tpu.memref_slice %arg8[%dma_wait3A_743] : memref<10240xf32, #tpu.memory_space<vmem>> -> memref<640xf32, #tpu.memory_space<vmem>>
      %dma_wait3A_745 = tpu.memref_slice %arg21[%run_scoped3A_188, %mul3A_2] : memref<16x10240xf32, #tpu.memory_space<vmem_shared>> -> memref<1x640xf32, #tpu.memory_space<vmem_shared>>
      %dma_wait3A_746 = tpu.memref_squeeze %dma_wait3A_745 : memref<1x640xf32, #tpu.memory_space<vmem_shared>> -> memref<640xf32, #tpu.memory_space<vmem_shared>>
      %dma_wait3A_747 = arith.constant 0 : i32
      %dma_wait3A_748 = tpu.memref_slice %arg8[%dma_wait3A_747] : memref<10240xf32, #tpu.memory_space<vmem>> -> memref<640xf32, #tpu.memory_space<vmem>>
      %dma_wait3A_749 = tpu.memref_slice %arg21[%run_scoped3A_188, %mul3A_2] : memref<16x10240xf32, #tpu.memory_space<vmem_shared>> -> memref<1x640xf32, #tpu.memory_space<vmem_shared>>
      %dma_wait3A_750 = tpu.memref_squeeze %dma_wait3A_749 : memref<1x640xf32, #tpu.memory_space<vmem_shared>> -> memref<640xf32, #tpu.memory_space<vmem_shared>>
      tpu.wait_dma2 semaphore(%run_scoped3A_734 : memref<!tpu.dma_semaphore, #tpu.memory_space<semaphore_mem>>) src(%dma_wait3A_750 : memref<640xf32, #tpu.memory_space<vmem_shared>>) dst(%dma_wait3A_748 : memref<640xf32, #tpu.memory_space<vmem>>)
      tpu.yield
    }) : () -> ()
    %scan3A_189 = arith.constant 0 : i32
    %scan3A_190 = arith.constant 0 : i32
    %scan3A_191 = arith.constant 40 : i32
    %scan3A_192 = arith.addi %scan3A_190, %scan3A_191 : i32
    %scan3A_193 = arith.constant 1 : i32
    scf.for %scan3A_734 = %scan3A_190 to %scan3A_192 step %scan3A_193  : i32 {
      %mul3A_735 = arith.constant 16 : i32
      %mul3A_736 = arith.muli %scan3A_734, %mul3A_735 : i32
      %get3A = arith.index_cast %mul3A_736 : i32 to index
      %get3A_737 = tpu.vector_load %arg9[%get3A] {strides = array<i32>} : memref<640xf32, #tpu.memory_space<vmem>>, vector<16xf32>,
      %mul3A_738 = arith.constant 16 : i32
      %mul3A_739 = arith.muli %scan3A_734, %mul3A_738 : i32
      %get3A_740 = arith.index_cast %mul3A_739 : i32 to index
      %get3A_741 = tpu.vector_load %arg8[%get3A_740] {strides = array<i32>} : memref<10240xf32, #tpu.memory_space<vmem>>, vector<16xf32>,
      %add3A_742 = arith.addf %get3A_737, %get3A_741 : vector<16xf32>
      %mul3A_743 = arith.constant 16 : i32
      %mul3A_744 = arith.muli %scan3A_734, %mul3A_743 : i32
      %swap3A = arith.index_cast %mul3A_744 : i32 to index
      %swap3A_745 = tpu.vector_load %arg9[%swap3A] {strides = array<i32>} : memref<640xf32, #tpu.memory_space<vmem>>, vector<16xf32>,
      tpu.vector_store %arg9[%swap3A], %add3A_742 {strides = array<i32>} : memref<640xf32, #tpu.memory_space<vmem>>, vector<16xf32>,
    }
    %scan3A_194 = arith.constant 40 : i32
    %run_scoped3A_195 = arith.constant 11 : i32
    "tpu.region"() ({
      %run_scoped3A_734 = tpu.sem_alloc : memref<!tpu.dma_semaphore, #tpu.memory_space<semaphore_mem>>
      %dma_start3A_735 = arith.constant 0 : i32
      %dma_start3A_736 = tpu.memref_slice %arg8[%dma_start3A_735] : memref<10240xf32, #tpu.memory_space<vmem>> -> memref<640xf32, #tpu.memory_space<vmem>>
      %dma_start3A_737 = tpu.memref_slice %arg21[%run_scoped3A_195, %mul3A_2] : memref<16x10240xf32, #tpu.memory_space<vmem_shared>> -> memref<1x640xf32, #tpu.memory_space<vmem_shared>>
      %dma_start3A_738 = tpu.memref_squeeze %dma_start3A_737 : memref<1x640xf32, #tpu.memory_space<vmem_shared>> -> memref<640xf32, #tpu.memory_space<vmem_shared>>
      %dma_start3A_739 = arith.constant 0 : i32
      %dma_start3A_740 = tpu.memref_slice %arg8[%dma_start3A_739] : memref<10240xf32, #tpu.memory_space<vmem>> -> memref<640xf32, #tpu.memory_space<vmem>>
      %dma_start3A_741 = tpu.memref_slice %arg21[%run_scoped3A_195, %mul3A_2] : memref<16x10240xf32, #tpu.memory_space<vmem_shared>> -> memref<1x640xf32, #tpu.memory_space<vmem_shared>>
      %dma_start3A_742 = tpu.memref_squeeze %dma_start3A_741 : memref<1x640xf32, #tpu.memory_space<vmem_shared>> -> memref<640xf32, #tpu.memory_space<vmem_shared>>
      tpu.enqueue_dma source(%dma_start3A_742 : memref<640xf32, #tpu.memory_space<vmem_shared>>) target(%dma_start3A_740 : memref<640xf32, #tpu.memory_space<vmem>>) target_semaphore(%run_scoped3A_734 : memref<!tpu.dma_semaphore, #tpu.memory_space<semaphore_mem>>)
      %dma_wait3A_743 = arith.constant 0 : i32
      %dma_wait3A_744 = tpu.memref_slice %arg8[%dma_wait3A_743] : memref<10240xf32, #tpu.memory_space<vmem>> -> memref<640xf32, #tpu.memory_space<vmem>>
      %dma_wait3A_745 = tpu.memref_slice %arg21[%run_scoped3A_195, %mul3A_2] : memref<16x10240xf32, #tpu.memory_space<vmem_shared>> -> memref<1x640xf32, #tpu.memory_space<vmem_shared>>
      %dma_wait3A_746 = tpu.memref_squeeze %dma_wait3A_745 : memref<1x640xf32, #tpu.memory_space<vmem_shared>> -> memref<640xf32, #tpu.memory_space<vmem_shared>>
      %dma_wait3A_747 = arith.constant 0 : i32
      %dma_wait3A_748 = tpu.memref_slice %arg8[%dma_wait3A_747] : memref<10240xf32, #tpu.memory_space<vmem>> -> memref<640xf32, #tpu.memory_space<vmem>>
      %dma_wait3A_749 = tpu.memref_slice %arg21[%run_scoped3A_195, %mul3A_2] : memref<16x10240xf32, #tpu.memory_space<vmem_shared>> -> memref<1x640xf32, #tpu.memory_space<vmem_shared>>
      %dma_wait3A_750 = tpu.memref_squeeze %dma_wait3A_749 : memref<1x640xf32, #tpu.memory_space<vmem_shared>> -> memref<640xf32, #tpu.memory_space<vmem_shared>>
      tpu.wait_dma2 semaphore(%run_scoped3A_734 : memref<!tpu.dma_semaphore, #tpu.memory_space<semaphore_mem>>) src(%dma_wait3A_750 : memref<640xf32, #tpu.memory_space<vmem_shared>>) dst(%dma_wait3A_748 : memref<640xf32, #tpu.memory_space<vmem>>)
      tpu.yield
    }) : () -> ()
    %scan3A_196 = arith.constant 0 : i32
    %scan3A_197 = arith.constant 0 : i32
    %scan3A_198 = arith.constant 40 : i32
    %scan3A_199 = arith.addi %scan3A_197, %scan3A_198 : i32
    %scan3A_200 = arith.constant 1 : i32
    scf.for %scan3A_734 = %scan3A_197 to %scan3A_199 step %scan3A_200  : i32 {
      %mul3A_735 = arith.constant 16 : i32
      %mul3A_736 = arith.muli %scan3A_734, %mul3A_735 : i32
      %get3A = arith.index_cast %mul3A_736 : i32 to index
      %get3A_737 = tpu.vector_load %arg9[%get3A] {strides = array<i32>} : memref<640xf32, #tpu.memory_space<vmem>>, vector<16xf32>,
      %mul3A_738 = arith.constant 16 : i32
      %mul3A_739 = arith.muli %scan3A_734, %mul3A_738 : i32
      %get3A_740 = arith.index_cast %mul3A_739 : i32 to index
      %get3A_741 = tpu.vector_load %arg8[%get3A_740] {strides = array<i32>} : memref<10240xf32, #tpu.memory_space<vmem>>, vector<16xf32>,
      %add3A_742 = arith.addf %get3A_737, %get3A_741 : vector<16xf32>
      %mul3A_743 = arith.constant 16 : i32
      %mul3A_744 = arith.muli %scan3A_734, %mul3A_743 : i32
      %swap3A = arith.index_cast %mul3A_744 : i32 to index
      %swap3A_745 = tpu.vector_load %arg9[%swap3A] {strides = array<i32>} : memref<640xf32, #tpu.memory_space<vmem>>, vector<16xf32>,
      tpu.vector_store %arg9[%swap3A], %add3A_742 {strides = array<i32>} : memref<640xf32, #tpu.memory_space<vmem>>, vector<16xf32>,
    }
    %scan3A_201 = arith.constant 40 : i32
    %run_scoped3A_202 = arith.constant 12 : i32
    "tpu.region"() ({
      %run_scoped3A_734 = tpu.sem_alloc : memref<!tpu.dma_semaphore, #tpu.memory_space<semaphore_mem>>
      %dma_start3A_735 = arith.constant 0 : i32
      %dma_start3A_736 = tpu.memref_slice %arg8[%dma_start3A_735] : memref<10240xf32, #tpu.memory_space<vmem>> -> memref<640xf32, #tpu.memory_space<vmem>>
      %dma_start3A_737 = tpu.memref_slice %arg21[%run_scoped3A_202, %mul3A_2] : memref<16x10240xf32, #tpu.memory_space<vmem_shared>> -> memref<1x640xf32, #tpu.memory_space<vmem_shared>>
      %dma_start3A_738 = tpu.memref_squeeze %dma_start3A_737 : memref<1x640xf32, #tpu.memory_space<vmem_shared>> -> memref<640xf32, #tpu.memory_space<vmem_shared>>
      %dma_start3A_739 = arith.constant 0 : i32
      %dma_start3A_740 = tpu.memref_slice %arg8[%dma_start3A_739] : memref<10240xf32, #tpu.memory_space<vmem>> -> memref<640xf32, #tpu.memory_space<vmem>>
      %dma_start3A_741 = tpu.memref_slice %arg21[%run_scoped3A_202, %mul3A_2] : memref<16x10240xf32, #tpu.memory_space<vmem_shared>> -> memref<1x640xf32, #tpu.memory_space<vmem_shared>>
      %dma_start3A_742 = tpu.memref_squeeze %dma_start3A_741 : memref<1x640xf32, #tpu.memory_space<vmem_shared>> -> memref<640xf32, #tpu.memory_space<vmem_shared>>
      tpu.enqueue_dma source(%dma_start3A_742 : memref<640xf32, #tpu.memory_space<vmem_shared>>) target(%dma_start3A_740 : memref<640xf32, #tpu.memory_space<vmem>>) target_semaphore(%run_scoped3A_734 : memref<!tpu.dma_semaphore, #tpu.memory_space<semaphore_mem>>)
      %dma_wait3A_743 = arith.constant 0 : i32
      %dma_wait3A_744 = tpu.memref_slice %arg8[%dma_wait3A_743] : memref<10240xf32, #tpu.memory_space<vmem>> -> memref<640xf32, #tpu.memory_space<vmem>>
      %dma_wait3A_745 = tpu.memref_slice %arg21[%run_scoped3A_202, %mul3A_2] : memref<16x10240xf32, #tpu.memory_space<vmem_shared>> -> memref<1x640xf32, #tpu.memory_space<vmem_shared>>
      %dma_wait3A_746 = tpu.memref_squeeze %dma_wait3A_745 : memref<1x640xf32, #tpu.memory_space<vmem_shared>> -> memref<640xf32, #tpu.memory_space<vmem_shared>>
      %dma_wait3A_747 = arith.constant 0 : i32
      %dma_wait3A_748 = tpu.memref_slice %arg8[%dma_wait3A_747] : memref<10240xf32, #tpu.memory_space<vmem>> -> memref<640xf32, #tpu.memory_space<vmem>>
      %dma_wait3A_749 = tpu.memref_slice %arg21[%run_scoped3A_202, %mul3A_2] : memref<16x10240xf32, #tpu.memory_space<vmem_shared>> -> memref<1x640xf32, #tpu.memory_space<vmem_shared>>
      %dma_wait3A_750 = tpu.memref_squeeze %dma_wait3A_749 : memref<1x640xf32, #tpu.memory_space<vmem_shared>> -> memref<640xf32, #tpu.memory_space<vmem_shared>>
      tpu.wait_dma2 semaphore(%run_scoped3A_734 : memref<!tpu.dma_semaphore, #tpu.memory_space<semaphore_mem>>) src(%dma_wait3A_750 : memref<640xf32, #tpu.memory_space<vmem_shared>>) dst(%dma_wait3A_748 : memref<640xf32, #tpu.memory_space<vmem>>)
      tpu.yield
    }) : () -> ()
    %scan3A_203 = arith.constant 0 : i32
    %scan3A_204 = arith.constant 0 : i32
    %scan3A_205 = arith.constant 40 : i32
    %scan3A_206 = arith.addi %scan3A_204, %scan3A_205 : i32
    %scan3A_207 = arith.constant 1 : i32
    scf.for %scan3A_734 = %scan3A_204 to %scan3A_206 step %scan3A_207  : i32 {
      %mul3A_735 = arith.constant 16 : i32
      %mul3A_736 = arith.muli %scan3A_734, %mul3A_735 : i32
      %get3A = arith.index_cast %mul3A_736 : i32 to index
      %get3A_737 = tpu.vector_load %arg9[%get3A] {strides = array<i32>} : memref<640xf32, #tpu.memory_space<vmem>>, vector<16xf32>,
      %mul3A_738 = arith.constant 16 : i32
      %mul3A_739 = arith.muli %scan3A_734, %mul3A_738 : i32
      %get3A_740 = arith.index_cast %mul3A_739 : i32 to index
      %get3A_741 = tpu.vector_load %arg8[%get3A_740] {strides = array<i32>} : memref<10240xf32, #tpu.memory_space<vmem>>, vector<16xf32>,
      %add3A_742 = arith.addf %get3A_737, %get3A_741 : vector<16xf32>
      %mul3A_743 = arith.constant 16 : i32
      %mul3A_744 = arith.muli %scan3A_734, %mul3A_743 : i32
      %swap3A = arith.index_cast %mul3A_744 : i32 to index
      %swap3A_745 = tpu.vector_load %arg9[%swap3A] {strides = array<i32>} : memref<640xf32, #tpu.memory_space<vmem>>, vector<16xf32>,
      tpu.vector_store %arg9[%swap3A], %add3A_742 {strides = array<i32>} : memref<640xf32, #tpu.memory_space<vmem>>, vector<16xf32>,
    }
    %scan3A_208 = arith.constant 40 : i32
    %run_scoped3A_209 = arith.constant 13 : i32
    "tpu.region"() ({
      %run_scoped3A_734 = tpu.sem_alloc : memref<!tpu.dma_semaphore, #tpu.memory_space<semaphore_mem>>
      %dma_start3A_735 = arith.constant 0 : i32
      %dma_start3A_736 = tpu.memref_slice %arg8[%dma_start3A_735] : memref<10240xf32, #tpu.memory_space<vmem>> -> memref<640xf32, #tpu.memory_space<vmem>>
      %dma_start3A_737 = tpu.memref_slice %arg21[%run_scoped3A_209, %mul3A_2] : memref<16x10240xf32, #tpu.memory_space<vmem_shared>> -> memref<1x640xf32, #tpu.memory_space<vmem_shared>>
      %dma_start3A_738 = tpu.memref_squeeze %dma_start3A_737 : memref<1x640xf32, #tpu.memory_space<vmem_shared>> -> memref<640xf32, #tpu.memory_space<vmem_shared>>
      %dma_start3A_739 = arith.constant 0 : i32
      %dma_start3A_740 = tpu.memref_slice %arg8[%dma_start3A_739] : memref<10240xf32, #tpu.memory_space<vmem>> -> memref<640xf32, #tpu.memory_space<vmem>>
      %dma_start3A_741 = tpu.memref_slice %arg21[%run_scoped3A_209, %mul3A_2] : memref<16x10240xf32, #tpu.memory_space<vmem_shared>> -> memref<1x640xf32, #tpu.memory_space<vmem_shared>>
      %dma_start3A_742 = tpu.memref_squeeze %dma_start3A_741 : memref<1x640xf32, #tpu.memory_space<vmem_shared>> -> memref<640xf32, #tpu.memory_space<vmem_shared>>
      tpu.enqueue_dma source(%dma_start3A_742 : memref<640xf32, #tpu.memory_space<vmem_shared>>) target(%dma_start3A_740 : memref<640xf32, #tpu.memory_space<vmem>>) target_semaphore(%run_scoped3A_734 : memref<!tpu.dma_semaphore, #tpu.memory_space<semaphore_mem>>)
      %dma_wait3A_743 = arith.constant 0 : i32
      %dma_wait3A_744 = tpu.memref_slice %arg8[%dma_wait3A_743] : memref<10240xf32, #tpu.memory_space<vmem>> -> memref<640xf32, #tpu.memory_space<vmem>>
      %dma_wait3A_745 = tpu.memref_slice %arg21[%run_scoped3A_209, %mul3A_2] : memref<16x10240xf32, #tpu.memory_space<vmem_shared>> -> memref<1x640xf32, #tpu.memory_space<vmem_shared>>
      %dma_wait3A_746 = tpu.memref_squeeze %dma_wait3A_745 : memref<1x640xf32, #tpu.memory_space<vmem_shared>> -> memref<640xf32, #tpu.memory_space<vmem_shared>>
      %dma_wait3A_747 = arith.constant 0 : i32
      %dma_wait3A_748 = tpu.memref_slice %arg8[%dma_wait3A_747] : memref<10240xf32, #tpu.memory_space<vmem>> -> memref<640xf32, #tpu.memory_space<vmem>>
      %dma_wait3A_749 = tpu.memref_slice %arg21[%run_scoped3A_209, %mul3A_2] : memref<16x10240xf32, #tpu.memory_space<vmem_shared>> -> memref<1x640xf32, #tpu.memory_space<vmem_shared>>
      %dma_wait3A_750 = tpu.memref_squeeze %dma_wait3A_749 : memref<1x640xf32, #tpu.memory_space<vmem_shared>> -> memref<640xf32, #tpu.memory_space<vmem_shared>>
      tpu.wait_dma2 semaphore(%run_scoped3A_734 : memref<!tpu.dma_semaphore, #tpu.memory_space<semaphore_mem>>) src(%dma_wait3A_750 : memref<640xf32, #tpu.memory_space<vmem_shared>>) dst(%dma_wait3A_748 : memref<640xf32, #tpu.memory_space<vmem>>)
      tpu.yield
    }) : () -> ()
    %scan3A_210 = arith.constant 0 : i32
    %scan3A_211 = arith.constant 0 : i32
    %scan3A_212 = arith.constant 40 : i32
    %scan3A_213 = arith.addi %scan3A_211, %scan3A_212 : i32
    %scan3A_214 = arith.constant 1 : i32
    scf.for %scan3A_734 = %scan3A_211 to %scan3A_213 step %scan3A_214  : i32 {
      %mul3A_735 = arith.constant 16 : i32
      %mul3A_736 = arith.muli %scan3A_734, %mul3A_735 : i32
      %get3A = arith.index_cast %mul3A_736 : i32 to index
      %get3A_737 = tpu.vector_load %arg9[%get3A] {strides = array<i32>} : memref<640xf32, #tpu.memory_space<vmem>>, vector<16xf32>,
      %mul3A_738 = arith.constant 16 : i32
      %mul3A_739 = arith.muli %scan3A_734, %mul3A_738 : i32
      %get3A_740 = arith.index_cast %mul3A_739 : i32 to index
      %get3A_741 = tpu.vector_load %arg8[%get3A_740] {strides = array<i32>} : memref<10240xf32, #tpu.memory_space<vmem>>, vector<16xf32>,
      %add3A_742 = arith.addf %get3A_737, %get3A_741 : vector<16xf32>
      %mul3A_743 = arith.constant 16 : i32
      %mul3A_744 = arith.muli %scan3A_734, %mul3A_743 : i32
      %swap3A = arith.index_cast %mul3A_744 : i32 to index
      %swap3A_745 = tpu.vector_load %arg9[%swap3A] {strides = array<i32>} : memref<640xf32, #tpu.memory_space<vmem>>, vector<16xf32>,
      tpu.vector_store %arg9[%swap3A], %add3A_742 {strides = array<i32>} : memref<640xf32, #tpu.memory_space<vmem>>, vector<16xf32>,
    }
    %scan3A_215 = arith.constant 40 : i32
    %run_scoped3A_216 = arith.constant 14 : i32
    "tpu.region"() ({
      %run_scoped3A_734 = tpu.sem_alloc : memref<!tpu.dma_semaphore, #tpu.memory_space<semaphore_mem>>
      %dma_start3A_735 = arith.constant 0 : i32
      %dma_start3A_736 = tpu.memref_slice %arg8[%dma_start3A_735] : memref<10240xf32, #tpu.memory_space<vmem>> -> memref<640xf32, #tpu.memory_space<vmem>>
      %dma_start3A_737 = tpu.memref_slice %arg21[%run_scoped3A_216, %mul3A_2] : memref<16x10240xf32, #tpu.memory_space<vmem_shared>> -> memref<1x640xf32, #tpu.memory_space<vmem_shared>>
      %dma_start3A_738 = tpu.memref_squeeze %dma_start3A_737 : memref<1x640xf32, #tpu.memory_space<vmem_shared>> -> memref<640xf32, #tpu.memory_space<vmem_shared>>
      %dma_start3A_739 = arith.constant 0 : i32
      %dma_start3A_740 = tpu.memref_slice %arg8[%dma_start3A_739] : memref<10240xf32, #tpu.memory_space<vmem>> -> memref<640xf32, #tpu.memory_space<vmem>>
      %dma_start3A_741 = tpu.memref_slice %arg21[%run_scoped3A_216, %mul3A_2] : memref<16x10240xf32, #tpu.memory_space<vmem_shared>> -> memref<1x640xf32, #tpu.memory_space<vmem_shared>>
      %dma_start3A_742 = tpu.memref_squeeze %dma_start3A_741 : memref<1x640xf32, #tpu.memory_space<vmem_shared>> -> memref<640xf32, #tpu.memory_space<vmem_shared>>
      tpu.enqueue_dma source(%dma_start3A_742 : memref<640xf32, #tpu.memory_space<vmem_shared>>) target(%dma_start3A_740 : memref<640xf32, #tpu.memory_space<vmem>>) target_semaphore(%run_scoped3A_734 : memref<!tpu.dma_semaphore, #tpu.memory_space<semaphore_mem>>)
      %dma_wait3A_743 = arith.constant 0 : i32
      %dma_wait3A_744 = tpu.memref_slice %arg8[%dma_wait3A_743] : memref<10240xf32, #tpu.memory_space<vmem>> -> memref<640xf32, #tpu.memory_space<vmem>>
      %dma_wait3A_745 = tpu.memref_slice %arg21[%run_scoped3A_216, %mul3A_2] : memref<16x10240xf32, #tpu.memory_space<vmem_shared>> -> memref<1x640xf32, #tpu.memory_space<vmem_shared>>
      %dma_wait3A_746 = tpu.memref_squeeze %dma_wait3A_745 : memref<1x640xf32, #tpu.memory_space<vmem_shared>> -> memref<640xf32, #tpu.memory_space<vmem_shared>>
      %dma_wait3A_747 = arith.constant 0 : i32
      %dma_wait3A_748 = tpu.memref_slice %arg8[%dma_wait3A_747] : memref<10240xf32, #tpu.memory_space<vmem>> -> memref<640xf32, #tpu.memory_space<vmem>>
      %dma_wait3A_749 = tpu.memref_slice %arg21[%run_scoped3A_216, %mul3A_2] : memref<16x10240xf32, #tpu.memory_space<vmem_shared>> -> memref<1x640xf32, #tpu.memory_space<vmem_shared>>
      %dma_wait3A_750 = tpu.memref_squeeze %dma_wait3A_749 : memref<1x640xf32, #tpu.memory_space<vmem_shared>> -> memref<640xf32, #tpu.memory_space<vmem_shared>>
      tpu.wait_dma2 semaphore(%run_scoped3A_734 : memref<!tpu.dma_semaphore, #tpu.memory_space<semaphore_mem>>) src(%dma_wait3A_750 : memref<640xf32, #tpu.memory_space<vmem_shared>>) dst(%dma_wait3A_748 : memref<640xf32, #tpu.memory_space<vmem>>)
      tpu.yield
    }) : () -> ()
    %scan3A_217 = arith.constant 0 : i32
    %scan3A_218 = arith.constant 0 : i32
    %scan3A_219 = arith.constant 40 : i32
    %scan3A_220 = arith.addi %scan3A_218, %scan3A_219 : i32
    %scan3A_221 = arith.constant 1 : i32
    scf.for %scan3A_734 = %scan3A_218 to %scan3A_220 step %scan3A_221  : i32 {
      %mul3A_735 = arith.constant 16 : i32
      %mul3A_736 = arith.muli %scan3A_734, %mul3A_735 : i32
      %get3A = arith.index_cast %mul3A_736 : i32 to index
      %get3A_737 = tpu.vector_load %arg9[%get3A] {strides = array<i32>} : memref<640xf32, #tpu.memory_space<vmem>>, vector<16xf32>,
      %mul3A_738 = arith.constant 16 : i32
      %mul3A_739 = arith.muli %scan3A_734, %mul3A_738 : i32
      %get3A_740 = arith.index_cast %mul3A_739 : i32 to index
      %get3A_741 = tpu.vector_load %arg8[%get3A_740] {strides = array<i32>} : memref<10240xf32, #tpu.memory_space<vmem>>, vector<16xf32>,
      %add3A_742 = arith.addf %get3A_737, %get3A_741 : vector<16xf32>
      %mul3A_743 = arith.constant 16 : i32
      %mul3A_744 = arith.muli %scan3A_734, %mul3A_743 : i32
      %swap3A = arith.index_cast %mul3A_744 : i32 to index
      %swap3A_745 = tpu.vector_load %arg9[%swap3A] {strides = array<i32>} : memref<640xf32, #tpu.memory_space<vmem>>, vector<16xf32>,
      tpu.vector_store %arg9[%swap3A], %add3A_742 {strides = array<i32>} : memref<640xf32, #tpu.memory_space<vmem>>, vector<16xf32>,
    }
    %scan3A_222 = arith.constant 40 : i32
    %run_scoped3A_223 = arith.constant 15 : i32
    "tpu.region"() ({
      %run_scoped3A_734 = tpu.sem_alloc : memref<!tpu.dma_semaphore, #tpu.memory_space<semaphore_mem>>
      %dma_start3A_735 = arith.constant 0 : i32
      %dma_start3A_736 = tpu.memref_slice %arg8[%dma_start3A_735] : memref<10240xf32, #tpu.memory_space<vmem>> -> memref<640xf32, #tpu.memory_space<vmem>>
      %dma_start3A_737 = tpu.memref_slice %arg21[%run_scoped3A_223, %mul3A_2] : memref<16x10240xf32, #tpu.memory_space<vmem_shared>> -> memref<1x640xf32, #tpu.memory_space<vmem_shared>>
      %dma_start3A_738 = tpu.memref_squeeze %dma_start3A_737 : memref<1x640xf32, #tpu.memory_space<vmem_shared>> -> memref<640xf32, #tpu.memory_space<vmem_shared>>
      %dma_start3A_739 = arith.constant 0 : i32
      %dma_start3A_740 = tpu.memref_slice %arg8[%dma_start3A_739] : memref<10240xf32, #tpu.memory_space<vmem>> -> memref<640xf32, #tpu.memory_space<vmem>>
      %dma_start3A_741 = tpu.memref_slice %arg21[%run_scoped3A_223, %mul3A_2] : memref<16x10240xf32, #tpu.memory_space<vmem_shared>> -> memref<1x640xf32, #tpu.memory_space<vmem_shared>>
      %dma_start3A_742 = tpu.memref_squeeze %dma_start3A_741 : memref<1x640xf32, #tpu.memory_space<vmem_shared>> -> memref<640xf32, #tpu.memory_space<vmem_shared>>
      tpu.enqueue_dma source(%dma_start3A_742 : memref<640xf32, #tpu.memory_space<vmem_shared>>) target(%dma_start3A_740 : memref<640xf32, #tpu.memory_space<vmem>>) target_semaphore(%run_scoped3A_734 : memref<!tpu.dma_semaphore, #tpu.memory_space<semaphore_mem>>)
      %dma_wait3A_743 = arith.constant 0 : i32
      %dma_wait3A_744 = tpu.memref_slice %arg8[%dma_wait3A_743] : memref<10240xf32, #tpu.memory_space<vmem>> -> memref<640xf32, #tpu.memory_space<vmem>>
      %dma_wait3A_745 = tpu.memref_slice %arg21[%run_scoped3A_223, %mul3A_2] : memref<16x10240xf32, #tpu.memory_space<vmem_shared>> -> memref<1x640xf32, #tpu.memory_space<vmem_shared>>
      %dma_wait3A_746 = tpu.memref_squeeze %dma_wait3A_745 : memref<1x640xf32, #tpu.memory_space<vmem_shared>> -> memref<640xf32, #tpu.memory_space<vmem_shared>>
      %dma_wait3A_747 = arith.constant 0 : i32
      %dma_wait3A_748 = tpu.memref_slice %arg8[%dma_wait3A_747] : memref<10240xf32, #tpu.memory_space<vmem>> -> memref<640xf32, #tpu.memory_space<vmem>>
      %dma_wait3A_749 = tpu.memref_slice %arg21[%run_scoped3A_223, %mul3A_2] : memref<16x10240xf32, #tpu.memory_space<vmem_shared>> -> memref<1x640xf32, #tpu.memory_space<vmem_shared>>
      %dma_wait3A_750 = tpu.memref_squeeze %dma_wait3A_749 : memref<1x640xf32, #tpu.memory_space<vmem_shared>> -> memref<640xf32, #tpu.memory_space<vmem_shared>>
      tpu.wait_dma2 semaphore(%run_scoped3A_734 : memref<!tpu.dma_semaphore, #tpu.memory_space<semaphore_mem>>) src(%dma_wait3A_750 : memref<640xf32, #tpu.memory_space<vmem_shared>>) dst(%dma_wait3A_748 : memref<640xf32, #tpu.memory_space<vmem>>)
      tpu.yield
    }) : () -> ()
    %scan3A_224 = arith.constant 0 : i32
    %scan3A_225 = arith.constant 0 : i32
    %scan3A_226 = arith.constant 40 : i32
    %scan3A_227 = arith.addi %scan3A_225, %scan3A_226 : i32
    %scan3A_228 = arith.constant 1 : i32
    scf.for %scan3A_734 = %scan3A_225 to %scan3A_227 step %scan3A_228  : i32 {
      %mul3A_735 = arith.constant 16 : i32
      %mul3A_736 = arith.muli %scan3A_734, %mul3A_735 : i32
      %get3A = arith.index_cast %mul3A_736 : i32 to index
      %get3A_737 = tpu.vector_load %arg9[%get3A] {strides = array<i32>} : memref<640xf32, #tpu.memory_space<vmem>>, vector<16xf32>,
      %mul3A_738 = arith.constant 16 : i32
      %mul3A_739 = arith.muli %scan3A_734, %mul3A_738 : i32
      %get3A_740 = arith.index_cast %mul3A_739 : i32 to index
      %get3A_741 = tpu.vector_load %arg8[%get3A_740] {strides = array<i32>} : memref<10240xf32, #tpu.memory_space<vmem>>, vector<16xf32>,
      %add3A_742 = arith.addf %get3A_737, %get3A_741 : vector<16xf32>
      %mul3A_743 = arith.constant 16 : i32
      %mul3A_744 = arith.muli %scan3A_734, %mul3A_743 : i32
      %swap3A = arith.index_cast %mul3A_744 : i32 to index
      %swap3A_745 = tpu.vector_load %arg9[%swap3A] {strides = array<i32>} : memref<640xf32, #tpu.memory_space<vmem>>, vector<16xf32>,
      tpu.vector_store %arg9[%swap3A], %add3A_742 {strides = array<i32>} : memref<640xf32, #tpu.memory_space<vmem>>, vector<16xf32>,
    }
    %scan3A_229 = arith.constant 40 : i32
    %scan3A_230 = arith.constant 0 : i32
    %scan3A_231 = arith.constant 0 : i32
    %scan3A_232 = arith.constant 40 : i32
    %scan3A_233 = arith.addi %scan3A_231, %scan3A_232 : i32
    %scan3A_234 = arith.constant 1 : i32
    scf.for %scan3A_734 = %scan3A_231 to %scan3A_233 step %scan3A_234  : i32 {
      %mul3A_735 = arith.constant 16 : i32
      %mul3A_736 = arith.muli %scan3A_734, %mul3A_735 : i32
      %get3A = arith.index_cast %mul3A_736 : i32 to index
      %get3A_737 = tpu.vector_load %arg9[%get3A] {strides = array<i32>} : memref<640xf32, #tpu.memory_space<vmem>>, vector<16xf32>,
      %add3A_738 = arith.constant 1.000000e+00 : f32
      %add3A_739 = vector.broadcast %add3A_738 : f32 to vector<16xf32>
      %add3A_740 = arith.addf %get3A_737, %add3A_739 : vector<16xf32>
      %bitcast_convert_type3A = tpu.bitcast %add3A_740 : vector<16xf32> -> vector<16xi32>
      %shift_right_arithmetic3A = arith.constant 1 : i32
      %shift_right_arithmetic3A_741 = vector.broadcast %shift_right_arithmetic3A : i32 to vector<16xi32>
      %shift_right_arithmetic3A_742 = arith.shrsi %bitcast_convert_type3A, %shift_right_arithmetic3A_741 : vector<16xi32>
      %sub3A = arith.constant 1597463007 : i32
      %sub3A_743 = vector.broadcast %sub3A : i32 to vector<16xi32>
      %sub3A_744 = arith.subi %sub3A_743, %shift_right_arithmetic3A_742 : vector<16xi32>
      %bitcast_convert_type3A_745 = tpu.bitcast %sub3A_744 : vector<16xi32> -> vector<16xf32>
      %mul3A_746 = arith.constant 5.000000e-01 : f32
      %mul3A_747 = vector.broadcast %mul3A_746 : f32 to vector<16xf32>
      %mul3A_748 = arith.mulf %mul3A_747, %add3A_740 : vector<16xf32>
      %mul3A_749 = arith.mulf %mul3A_748, %bitcast_convert_type3A_745 : vector<16xf32>
      %mul3A_750 = arith.mulf %mul3A_749, %bitcast_convert_type3A_745 : vector<16xf32>
      %sub3A_751 = arith.constant 1.500000e+00 : f32
      %sub3A_752 = vector.broadcast %sub3A_751 : f32 to vector<16xf32>
      %sub3A_753 = arith.subf %sub3A_752, %mul3A_750 : vector<16xf32>
      %mul3A_754 = arith.mulf %bitcast_convert_type3A_745, %sub3A_753 : vector<16xf32>
      %mul3A_755 = arith.constant 5.000000e-01 : f32
      %mul3A_756 = vector.broadcast %mul3A_755 : f32 to vector<16xf32>
      %mul3A_757 = arith.mulf %mul3A_756, %add3A_740 : vector<16xf32>
      %mul3A_758 = arith.mulf %mul3A_757, %mul3A_754 : vector<16xf32>
      %mul3A_759 = arith.mulf %mul3A_758, %mul3A_754 : vector<16xf32>
      %sub3A_760 = arith.constant 1.500000e+00 : f32
      %sub3A_761 = vector.broadcast %sub3A_760 : f32 to vector<16xf32>
      %sub3A_762 = arith.subf %sub3A_761, %mul3A_759 : vector<16xf32>
      %mul3A_763 = arith.mulf %mul3A_754, %sub3A_762 : vector<16xf32>
      %mul3A_764 = arith.constant 5.000000e-01 : f32
      %mul3A_765 = vector.broadcast %mul3A_764 : f32 to vector<16xf32>
      %mul3A_766 = arith.mulf %mul3A_765, %add3A_740 : vector<16xf32>
      %mul3A_767 = arith.mulf %mul3A_766, %mul3A_763 : vector<16xf32>
      %mul3A_768 = arith.mulf %mul3A_767, %mul3A_763 : vector<16xf32>
      %sub3A_769 = arith.constant 1.500000e+00 : f32
      %sub3A_770 = vector.broadcast %sub3A_769 : f32 to vector<16xf32>
      %sub3A_771 = arith.subf %sub3A_770, %mul3A_768 : vector<16xf32>
      %mul3A_772 = arith.mulf %mul3A_763, %sub3A_771 : vector<16xf32>
      %mul3A_773 = arith.constant 16 : i32
      %mul3A_774 = arith.muli %scan3A_734, %mul3A_773 : i32
      %swap3A = arith.index_cast %mul3A_774 : i32 to index
      %swap3A_775 = tpu.vector_load %arg9[%swap3A] {strides = array<i32>} : memref<640xf32, #tpu.memory_space<vmem>>, vector<16xf32>,
      tpu.vector_store %arg9[%swap3A], %mul3A_772 {strides = array<i32>} : memref<640xf32, #tpu.memory_space<vmem>>, vector<16xf32>,
    }
    %scan3A_235 = arith.constant 40 : i32
    %eq3A = arith.constant 0 : i32
    %eq3A_236 = arith.cmpi eq, %arg0, %eq3A : i32
    %convert_element_type3A = arith.extui %eq3A_236 : i1 to i32
    %cond3A = arith.constant 0 : i32
    %cond3A_237 = arith.cmpi ne, %convert_element_type3A, %cond3A : i32
    scf.if %cond3A_237 {
      "tpu.region"() ({
        %run_scoped3A_734 = tpu.sem_alloc : memref<!tpu.dma_semaphore, #tpu.memory_space<semaphore_mem>>
        %dma_start3A_735 = tpu.memref_slice %arg6[%mul3A_2] : memref<10240xf32, #tpu.memory_space<hbm>> -> memref<640xf32, #tpu.memory_space<hbm>>
        %dma_start3A_736 = tpu.memref_slice %arg6[%mul3A_2] : memref<10240xf32, #tpu.memory_space<hbm>> -> memref<640xf32, #tpu.memory_space<hbm>>
        tpu.enqueue_dma source(%arg9 : memref<640xf32, #tpu.memory_space<vmem>>) target(%dma_start3A_736 : memref<640xf32, #tpu.memory_space<hbm>>) target_semaphore(%run_scoped3A_734 : memref<!tpu.dma_semaphore, #tpu.memory_space<semaphore_mem>>)
        %dma_wait3A_737 = tpu.memref_slice %arg6[%mul3A_2] : memref<10240xf32, #tpu.memory_space<hbm>> -> memref<640xf32, #tpu.memory_space<hbm>>
        %dma_wait3A_738 = tpu.memref_slice %arg6[%mul3A_2] : memref<10240xf32, #tpu.memory_space<hbm>> -> memref<640xf32, #tpu.memory_space<hbm>>
        tpu.wait_dma2 semaphore(%run_scoped3A_734 : memref<!tpu.dma_semaphore, #tpu.memory_space<semaphore_mem>>) src(%arg9 : memref<640xf32, #tpu.memory_space<vmem>>) dst(%dma_wait3A_738 : memref<640xf32, #tpu.memory_space<hbm>>)
        tpu.yield
      }) : () -> ()
    } else {
    }
    %add3A_238 = arith.constant 0 : i32
    %add3A_239 = arith.addi %mul3A_2, %add3A_238 : i32
    "tpu.region"() ({
      %run_scoped3A_734 = tpu.sem_alloc : memref<!tpu.dma_semaphore, #tpu.memory_space<semaphore_mem>>
      %dma_start3A_735 = arith.constant 0 : i32
      %dma_start3A_736 = tpu.memref_slice %arg2[%add3A_239, %dma_start3A_735] : memref<10240x16xf32, #tpu.memory_space<hbm>> -> memref<160x16xf32, #tpu.memory_space<hbm>>
      %dma_start3A_737 = arith.constant 0 : i32
      %dma_start3A_738 = tpu.memref_slice %arg2[%add3A_239, %dma_start3A_737] : memref<10240x16xf32, #tpu.memory_space<hbm>> -> memref<160x16xf32, #tpu.memory_space<hbm>>
      tpu.enqueue_dma source(%dma_start3A_738 : memref<160x16xf32, #tpu.memory_space<hbm>>) target(%arg10 : memref<160x16xf32, #tpu.memory_space<vmem>>) target_semaphore(%run_scoped3A_734 : memref<!tpu.dma_semaphore, #tpu.memory_space<semaphore_mem>>)
      %dma_wait3A_739 = arith.constant 0 : i32
      %dma_wait3A_740 = tpu.memref_slice %arg2[%add3A_239, %dma_wait3A_739] : memref<10240x16xf32, #tpu.memory_space<hbm>> -> memref<160x16xf32, #tpu.memory_space<hbm>>
      %dma_wait3A_741 = arith.constant 0 : i32
      %dma_wait3A_742 = tpu.memref_slice %arg2[%add3A_239, %dma_wait3A_741] : memref<10240x16xf32, #tpu.memory_space<hbm>> -> memref<160x16xf32, #tpu.memory_space<hbm>>
      tpu.wait_dma2 semaphore(%run_scoped3A_734 : memref<!tpu.dma_semaphore, #tpu.memory_space<semaphore_mem>>) src(%dma_wait3A_742 : memref<160x16xf32, #tpu.memory_space<hbm>>) dst(%arg10 : memref<160x16xf32, #tpu.memory_space<vmem>>)
      tpu.yield
    }) : () -> ()
    %scan3A_240 = arith.constant 0 : i32
    %scan3A_241 = arith.constant 0 : i32
    %scan3A_242 = arith.constant 160 : i32
    %scan3A_243 = arith.addi %scan3A_241, %scan3A_242 : i32
    %scan3A_244 = arith.constant 1 : i32
    scf.for %scan3A_734 = %scan3A_241 to %scan3A_243 step %scan3A_244  : i32 {
      %broadcast_in_dim3A_735 = arith.constant 0 : i32
      %broadcast_in_dim3A_736 = vector.broadcast %broadcast_in_dim3A_735 : i32 to vector<16xi32>
      %add3A_737 = vector.broadcast %scan3A_734 : i32 to vector<16xi32>
      %add3A_738 = arith.addi %broadcast_in_dim3A_736, %add3A_737 : vector<16xi32>
      %gather3A = tpu.vector_load_idx %arg9[%add3A_738] : memref<640xf32, #tpu.memory_space<vmem>>[vector<16xi32>], vector<16xf32>,
      %get3A = arith.index_cast %scan3A_734 : i32 to index
      %get3A_739 = arith.constant 0 : index
      %get3A_740 = tpu.vector_load %arg10[%get3A, %get3A_739] {strides = array<i32>} : memref<160x16xf32, #tpu.memory_space<vmem>>, vector<16xf32>,
      %mul3A_741 = arith.mulf %get3A_740, %gather3A : vector<16xf32>
      %swap3A = arith.index_cast %scan3A_734 : i32 to index
      %swap3A_742 = arith.constant 0 : index
      %swap3A_743 = tpu.vector_load %arg10[%swap3A, %swap3A_742] {strides = array<i32>} : memref<160x16xf32, #tpu.memory_space<vmem>>, vector<16xf32>,
      tpu.vector_store %arg10[%swap3A, %swap3A_742], %mul3A_741 {strides = array<i32>} : memref<160x16xf32, #tpu.memory_space<vmem>>, vector<16xf32>,
    }
    %scan3A_245 = arith.constant 160 : i32
    %add3A_246 = arith.constant 0 : i32
    %add3A_247 = arith.addi %mul3A_2, %add3A_246 : i32
    "tpu.region"() ({
      %run_scoped3A_734 = tpu.sem_alloc : memref<!tpu.dma_semaphore, #tpu.memory_space<semaphore_mem>>
      %dma_start3A_735 = arith.constant 0 : i32
      %dma_start3A_736 = tpu.memref_slice %arg22[%add3A_247, %dma_start3A_735] : memref<10240x16xf32, #tpu.memory_space<vmem_shared>> -> memref<160x16xf32, #tpu.memory_space<vmem_shared>>
      %dma_start3A_737 = arith.constant 0 : i32
      %dma_start3A_738 = tpu.memref_slice %arg22[%add3A_247, %dma_start3A_737] : memref<10240x16xf32, #tpu.memory_space<vmem_shared>> -> memref<160x16xf32, #tpu.memory_space<vmem_shared>>
      tpu.enqueue_dma source(%arg10 : memref<160x16xf32, #tpu.memory_space<vmem>>) target(%dma_start3A_738 : memref<160x16xf32, #tpu.memory_space<vmem_shared>>) target_semaphore(%run_scoped3A_734 : memref<!tpu.dma_semaphore, #tpu.memory_space<semaphore_mem>>)
      %dma_wait3A_739 = arith.constant 0 : i32
      %dma_wait3A_740 = tpu.memref_slice %arg22[%add3A_247, %dma_wait3A_739] : memref<10240x16xf32, #tpu.memory_space<vmem_shared>> -> memref<160x16xf32, #tpu.memory_space<vmem_shared>>
      %dma_wait3A_741 = arith.constant 0 : i32
      %dma_wait3A_742 = tpu.memref_slice %arg22[%add3A_247, %dma_wait3A_741] : memref<10240x16xf32, #tpu.memory_space<vmem_shared>> -> memref<160x16xf32, #tpu.memory_space<vmem_shared>>
      tpu.wait_dma2 semaphore(%run_scoped3A_734 : memref<!tpu.dma_semaphore, #tpu.memory_space<semaphore_mem>>) src(%arg10 : memref<160x16xf32, #tpu.memory_space<vmem>>) dst(%dma_wait3A_742 : memref<160x16xf32, #tpu.memory_space<vmem_shared>>)
      tpu.yield
    }) : () -> ()
    %add3A_248 = arith.constant 160 : i32
    %add3A_249 = arith.addi %mul3A_2, %add3A_248 : i32
    "tpu.region"() ({
      %run_scoped3A_734 = tpu.sem_alloc : memref<!tpu.dma_semaphore, #tpu.memory_space<semaphore_mem>>
      %dma_start3A_735 = arith.constant 0 : i32
      %dma_start3A_736 = tpu.memref_slice %arg2[%add3A_249, %dma_start3A_735] : memref<10240x16xf32, #tpu.memory_space<hbm>> -> memref<160x16xf32, #tpu.memory_space<hbm>>
      %dma_start3A_737 = arith.constant 0 : i32
      %dma_start3A_738 = tpu.memref_slice %arg2[%add3A_249, %dma_start3A_737] : memref<10240x16xf32, #tpu.memory_space<hbm>> -> memref<160x16xf32, #tpu.memory_space<hbm>>
      tpu.enqueue_dma source(%dma_start3A_738 : memref<160x16xf32, #tpu.memory_space<hbm>>) target(%arg10 : memref<160x16xf32, #tpu.memory_space<vmem>>) target_semaphore(%run_scoped3A_734 : memref<!tpu.dma_semaphore, #tpu.memory_space<semaphore_mem>>)
      %dma_wait3A_739 = arith.constant 0 : i32
      %dma_wait3A_740 = tpu.memref_slice %arg2[%add3A_249, %dma_wait3A_739] : memref<10240x16xf32, #tpu.memory_space<hbm>> -> memref<160x16xf32, #tpu.memory_space<hbm>>
      %dma_wait3A_741 = arith.constant 0 : i32
      %dma_wait3A_742 = tpu.memref_slice %arg2[%add3A_249, %dma_wait3A_741] : memref<10240x16xf32, #tpu.memory_space<hbm>> -> memref<160x16xf32, #tpu.memory_space<hbm>>
      tpu.wait_dma2 semaphore(%run_scoped3A_734 : memref<!tpu.dma_semaphore, #tpu.memory_space<semaphore_mem>>) src(%dma_wait3A_742 : memref<160x16xf32, #tpu.memory_space<hbm>>) dst(%arg10 : memref<160x16xf32, #tpu.memory_space<vmem>>)
      tpu.yield
    }) : () -> ()
    %scan3A_250 = arith.constant 0 : i32
    %scan3A_251 = arith.constant 0 : i32
    %scan3A_252 = arith.constant 160 : i32
    %scan3A_253 = arith.addi %scan3A_251, %scan3A_252 : i32
    %scan3A_254 = arith.constant 1 : i32
    scf.for %scan3A_734 = %scan3A_251 to %scan3A_253 step %scan3A_254  : i32 {
      %broadcast_in_dim3A_735 = arith.constant 160 : i32
      %broadcast_in_dim3A_736 = vector.broadcast %broadcast_in_dim3A_735 : i32 to vector<16xi32>
      %add3A_737 = vector.broadcast %scan3A_734 : i32 to vector<16xi32>
      %add3A_738 = arith.addi %broadcast_in_dim3A_736, %add3A_737 : vector<16xi32>
      %gather3A = tpu.vector_load_idx %arg9[%add3A_738] : memref<640xf32, #tpu.memory_space<vmem>>[vector<16xi32>], vector<16xf32>,
      %get3A = arith.index_cast %scan3A_734 : i32 to index
      %get3A_739 = arith.constant 0 : index
      %get3A_740 = tpu.vector_load %arg10[%get3A, %get3A_739] {strides = array<i32>} : memref<160x16xf32, #tpu.memory_space<vmem>>, vector<16xf32>,
      %mul3A_741 = arith.mulf %get3A_740, %gather3A : vector<16xf32>
      %swap3A = arith.index_cast %scan3A_734 : i32 to index
      %swap3A_742 = arith.constant 0 : index
      %swap3A_743 = tpu.vector_load %arg10[%swap3A, %swap3A_742] {strides = array<i32>} : memref<160x16xf32, #tpu.memory_space<vmem>>, vector<16xf32>,
      tpu.vector_store %arg10[%swap3A, %swap3A_742], %mul3A_741 {strides = array<i32>} : memref<160x16xf32, #tpu.memory_space<vmem>>, vector<16xf32>,
    }
    %scan3A_255 = arith.constant 160 : i32
    %add3A_256 = arith.constant 160 : i32
    %add3A_257 = arith.addi %mul3A_2, %add3A_256 : i32
    "tpu.region"() ({
      %run_scoped3A_734 = tpu.sem_alloc : memref<!tpu.dma_semaphore, #tpu.memory_space<semaphore_mem>>
      %dma_start3A_735 = arith.constant 0 : i32
      %dma_start3A_736 = tpu.memref_slice %arg22[%add3A_257, %dma_start3A_735] : memref<10240x16xf32, #tpu.memory_space<vmem_shared>> -> memref<160x16xf32, #tpu.memory_space<vmem_shared>>
      %dma_start3A_737 = arith.constant 0 : i32
      %dma_start3A_738 = tpu.memref_slice %arg22[%add3A_257, %dma_start3A_737] : memref<10240x16xf32, #tpu.memory_space<vmem_shared>> -> memref<160x16xf32, #tpu.memory_space<vmem_shared>>
      tpu.enqueue_dma source(%arg10 : memref<160x16xf32, #tpu.memory_space<vmem>>) target(%dma_start3A_738 : memref<160x16xf32, #tpu.memory_space<vmem_shared>>) target_semaphore(%run_scoped3A_734 : memref<!tpu.dma_semaphore, #tpu.memory_space<semaphore_mem>>)
      %dma_wait3A_739 = arith.constant 0 : i32
      %dma_wait3A_740 = tpu.memref_slice %arg22[%add3A_257, %dma_wait3A_739] : memref<10240x16xf32, #tpu.memory_space<vmem_shared>> -> memref<160x16xf32, #tpu.memory_space<vmem_shared>>
      %dma_wait3A_741 = arith.constant 0 : i32
      %dma_wait3A_742 = tpu.memref_slice %arg22[%add3A_257, %dma_wait3A_741] : memref<10240x16xf32, #tpu.memory_space<vmem_shared>> -> memref<160x16xf32, #tpu.memory_space<vmem_shared>>
      tpu.wait_dma2 semaphore(%run_scoped3A_734 : memref<!tpu.dma_semaphore, #tpu.memory_space<semaphore_mem>>) src(%arg10 : memref<160x16xf32, #tpu.memory_space<vmem>>) dst(%dma_wait3A_742 : memref<160x16xf32, #tpu.memory_space<vmem_shared>>)
      tpu.yield
    }) : () -> ()
    %add3A_258 = arith.constant 320 : i32
    %add3A_259 = arith.addi %mul3A_2, %add3A_258 : i32
    "tpu.region"() ({
      %run_scoped3A_734 = tpu.sem_alloc : memref<!tpu.dma_semaphore, #tpu.memory_space<semaphore_mem>>
      %dma_start3A_735 = arith.constant 0 : i32
      %dma_start3A_736 = tpu.memref_slice %arg2[%add3A_259, %dma_start3A_735] : memref<10240x16xf32, #tpu.memory_space<hbm>> -> memref<160x16xf32, #tpu.memory_space<hbm>>
      %dma_start3A_737 = arith.constant 0 : i32
      %dma_start3A_738 = tpu.memref_slice %arg2[%add3A_259, %dma_start3A_737] : memref<10240x16xf32, #tpu.memory_space<hbm>> -> memref<160x16xf32, #tpu.memory_space<hbm>>
      tpu.enqueue_dma source(%dma_start3A_738 : memref<160x16xf32, #tpu.memory_space<hbm>>) target(%arg10 : memref<160x16xf32, #tpu.memory_space<vmem>>) target_semaphore(%run_scoped3A_734 : memref<!tpu.dma_semaphore, #tpu.memory_space<semaphore_mem>>)
      %dma_wait3A_739 = arith.constant 0 : i32
      %dma_wait3A_740 = tpu.memref_slice %arg2[%add3A_259, %dma_wait3A_739] : memref<10240x16xf32, #tpu.memory_space<hbm>> -> memref<160x16xf32, #tpu.memory_space<hbm>>
      %dma_wait3A_741 = arith.constant 0 : i32
      %dma_wait3A_742 = tpu.memref_slice %arg2[%add3A_259, %dma_wait3A_741] : memref<10240x16xf32, #tpu.memory_space<hbm>> -> memref<160x16xf32, #tpu.memory_space<hbm>>
      tpu.wait_dma2 semaphore(%run_scoped3A_734 : memref<!tpu.dma_semaphore, #tpu.memory_space<semaphore_mem>>) src(%dma_wait3A_742 : memref<160x16xf32, #tpu.memory_space<hbm>>) dst(%arg10 : memref<160x16xf32, #tpu.memory_space<vmem>>)
      tpu.yield
    }) : () -> ()
    %scan3A_260 = arith.constant 0 : i32
    %scan3A_261 = arith.constant 0 : i32
    %scan3A_262 = arith.constant 160 : i32
    %scan3A_263 = arith.addi %scan3A_261, %scan3A_262 : i32
    %scan3A_264 = arith.constant 1 : i32
    scf.for %scan3A_734 = %scan3A_261 to %scan3A_263 step %scan3A_264  : i32 {
      %broadcast_in_dim3A_735 = arith.constant 320 : i32
      %broadcast_in_dim3A_736 = vector.broadcast %broadcast_in_dim3A_735 : i32 to vector<16xi32>
      %add3A_737 = vector.broadcast %scan3A_734 : i32 to vector<16xi32>
      %add3A_738 = arith.addi %broadcast_in_dim3A_736, %add3A_737 : vector<16xi32>
      %gather3A = tpu.vector_load_idx %arg9[%add3A_738] : memref<640xf32, #tpu.memory_space<vmem>>[vector<16xi32>], vector<16xf32>,
      %get3A = arith.index_cast %scan3A_734 : i32 to index
      %get3A_739 = arith.constant 0 : index
      %get3A_740 = tpu.vector_load %arg10[%get3A, %get3A_739] {strides = array<i32>} : memref<160x16xf32, #tpu.memory_space<vmem>>, vector<16xf32>,
      %mul3A_741 = arith.mulf %get3A_740, %gather3A : vector<16xf32>
      %swap3A = arith.index_cast %scan3A_734 : i32 to index
      %swap3A_742 = arith.constant 0 : index
      %swap3A_743 = tpu.vector_load %arg10[%swap3A, %swap3A_742] {strides = array<i32>} : memref<160x16xf32, #tpu.memory_space<vmem>>, vector<16xf32>,
      tpu.vector_store %arg10[%swap3A, %swap3A_742], %mul3A_741 {strides = array<i32>} : memref<160x16xf32, #tpu.memory_space<vmem>>, vector<16xf32>,
    }
    %scan3A_265 = arith.constant 160 : i32
    %add3A_266 = arith.constant 320 : i32
    %add3A_267 = arith.addi %mul3A_2, %add3A_266 : i32
    "tpu.region"() ({
      %run_scoped3A_734 = tpu.sem_alloc : memref<!tpu.dma_semaphore, #tpu.memory_space<semaphore_mem>>
      %dma_start3A_735 = arith.constant 0 : i32
      %dma_start3A_736 = tpu.memref_slice %arg22[%add3A_267, %dma_start3A_735] : memref<10240x16xf32, #tpu.memory_space<vmem_shared>> -> memref<160x16xf32, #tpu.memory_space<vmem_shared>>
      %dma_start3A_737 = arith.constant 0 : i32
      %dma_start3A_738 = tpu.memref_slice %arg22[%add3A_267, %dma_start3A_737] : memref<10240x16xf32, #tpu.memory_space<vmem_shared>> -> memref<160x16xf32, #tpu.memory_space<vmem_shared>>
      tpu.enqueue_dma source(%arg10 : memref<160x16xf32, #tpu.memory_space<vmem>>) target(%dma_start3A_738 : memref<160x16xf32, #tpu.memory_space<vmem_shared>>) target_semaphore(%run_scoped3A_734 : memref<!tpu.dma_semaphore, #tpu.memory_space<semaphore_mem>>)
      %dma_wait3A_739 = arith.constant 0 : i32
      %dma_wait3A_740 = tpu.memref_slice %arg22[%add3A_267, %dma_wait3A_739] : memref<10240x16xf32, #tpu.memory_space<vmem_shared>> -> memref<160x16xf32, #tpu.memory_space<vmem_shared>>
      %dma_wait3A_741 = arith.constant 0 : i32
      %dma_wait3A_742 = tpu.memref_slice %arg22[%add3A_267, %dma_wait3A_741] : memref<10240x16xf32, #tpu.memory_space<vmem_shared>> -> memref<160x16xf32, #tpu.memory_space<vmem_shared>>
      tpu.wait_dma2 semaphore(%run_scoped3A_734 : memref<!tpu.dma_semaphore, #tpu.memory_space<semaphore_mem>>) src(%arg10 : memref<160x16xf32, #tpu.memory_space<vmem>>) dst(%dma_wait3A_742 : memref<160x16xf32, #tpu.memory_space<vmem_shared>>)
      tpu.yield
    }) : () -> ()
    %add3A_268 = arith.constant 480 : i32
    %add3A_269 = arith.addi %mul3A_2, %add3A_268 : i32
    "tpu.region"() ({
      %run_scoped3A_734 = tpu.sem_alloc : memref<!tpu.dma_semaphore, #tpu.memory_space<semaphore_mem>>
      %dma_start3A_735 = arith.constant 0 : i32
      %dma_start3A_736 = tpu.memref_slice %arg2[%add3A_269, %dma_start3A_735] : memref<10240x16xf32, #tpu.memory_space<hbm>> -> memref<160x16xf32, #tpu.memory_space<hbm>>
      %dma_start3A_737 = arith.constant 0 : i32
      %dma_start3A_738 = tpu.memref_slice %arg2[%add3A_269, %dma_start3A_737] : memref<10240x16xf32, #tpu.memory_space<hbm>> -> memref<160x16xf32, #tpu.memory_space<hbm>>
      tpu.enqueue_dma source(%dma_start3A_738 : memref<160x16xf32, #tpu.memory_space<hbm>>) target(%arg10 : memref<160x16xf32, #tpu.memory_space<vmem>>) target_semaphore(%run_scoped3A_734 : memref<!tpu.dma_semaphore, #tpu.memory_space<semaphore_mem>>)
      %dma_wait3A_739 = arith.constant 0 : i32
      %dma_wait3A_740 = tpu.memref_slice %arg2[%add3A_269, %dma_wait3A_739] : memref<10240x16xf32, #tpu.memory_space<hbm>> -> memref<160x16xf32, #tpu.memory_space<hbm>>
      %dma_wait3A_741 = arith.constant 0 : i32
      %dma_wait3A_742 = tpu.memref_slice %arg2[%add3A_269, %dma_wait3A_741] : memref<10240x16xf32, #tpu.memory_space<hbm>> -> memref<160x16xf32, #tpu.memory_space<hbm>>
      tpu.wait_dma2 semaphore(%run_scoped3A_734 : memref<!tpu.dma_semaphore, #tpu.memory_space<semaphore_mem>>) src(%dma_wait3A_742 : memref<160x16xf32, #tpu.memory_space<hbm>>) dst(%arg10 : memref<160x16xf32, #tpu.memory_space<vmem>>)
      tpu.yield
    }) : () -> ()
    %scan3A_270 = arith.constant 0 : i32
    %scan3A_271 = arith.constant 0 : i32
    %scan3A_272 = arith.constant 160 : i32
    %scan3A_273 = arith.addi %scan3A_271, %scan3A_272 : i32
    %scan3A_274 = arith.constant 1 : i32
    scf.for %scan3A_734 = %scan3A_271 to %scan3A_273 step %scan3A_274  : i32 {
      %broadcast_in_dim3A_735 = arith.constant 480 : i32
      %broadcast_in_dim3A_736 = vector.broadcast %broadcast_in_dim3A_735 : i32 to vector<16xi32>
      %add3A_737 = vector.broadcast %scan3A_734 : i32 to vector<16xi32>
      %add3A_738 = arith.addi %broadcast_in_dim3A_736, %add3A_737 : vector<16xi32>
      %gather3A = tpu.vector_load_idx %arg9[%add3A_738] : memref<640xf32, #tpu.memory_space<vmem>>[vector<16xi32>], vector<16xf32>,
      %get3A = arith.index_cast %scan3A_734 : i32 to index
      %get3A_739 = arith.constant 0 : index
      %get3A_740 = tpu.vector_load %arg10[%get3A, %get3A_739] {strides = array<i32>} : memref<160x16xf32, #tpu.memory_space<vmem>>, vector<16xf32>,
      %mul3A_741 = arith.mulf %get3A_740, %gather3A : vector<16xf32>
      %swap3A = arith.index_cast %scan3A_734 : i32 to index
      %swap3A_742 = arith.constant 0 : index
      %swap3A_743 = tpu.vector_load %arg10[%swap3A, %swap3A_742] {strides = array<i32>} : memref<160x16xf32, #tpu.memory_space<vmem>>, vector<16xf32>,
      tpu.vector_store %arg10[%swap3A, %swap3A_742], %mul3A_741 {strides = array<i32>} : memref<160x16xf32, #tpu.memory_space<vmem>>, vector<16xf32>,
    }
    %scan3A_275 = arith.constant 160 : i32
    %add3A_276 = arith.constant 480 : i32
    %add3A_277 = arith.addi %mul3A_2, %add3A_276 : i32
    "tpu.region"() ({
      %run_scoped3A_734 = tpu.sem_alloc : memref<!tpu.dma_semaphore, #tpu.memory_space<semaphore_mem>>
      %dma_start3A_735 = arith.constant 0 : i32
      %dma_start3A_736 = tpu.memref_slice %arg22[%add3A_277, %dma_start3A_735] : memref<10240x16xf32, #tpu.memory_space<vmem_shared>> -> memref<160x16xf32, #tpu.memory_space<vmem_shared>>
      %dma_start3A_737 = arith.constant 0 : i32
      %dma_start3A_738 = tpu.memref_slice %arg22[%add3A_277, %dma_start3A_737] : memref<10240x16xf32, #tpu.memory_space<vmem_shared>> -> memref<160x16xf32, #tpu.memory_space<vmem_shared>>
      tpu.enqueue_dma source(%arg10 : memref<160x16xf32, #tpu.memory_space<vmem>>) target(%dma_start3A_738 : memref<160x16xf32, #tpu.memory_space<vmem_shared>>) target_semaphore(%run_scoped3A_734 : memref<!tpu.dma_semaphore, #tpu.memory_space<semaphore_mem>>)
      %dma_wait3A_739 = arith.constant 0 : i32
      %dma_wait3A_740 = tpu.memref_slice %arg22[%add3A_277, %dma_wait3A_739] : memref<10240x16xf32, #tpu.memory_space<vmem_shared>> -> memref<160x16xf32, #tpu.memory_space<vmem_shared>>
      %dma_wait3A_741 = arith.constant 0 : i32
      %dma_wait3A_742 = tpu.memref_slice %arg22[%add3A_277, %dma_wait3A_741] : memref<10240x16xf32, #tpu.memory_space<vmem_shared>> -> memref<160x16xf32, #tpu.memory_space<vmem_shared>>
      tpu.wait_dma2 semaphore(%run_scoped3A_734 : memref<!tpu.dma_semaphore, #tpu.memory_space<semaphore_mem>>) src(%arg10 : memref<160x16xf32, #tpu.memory_space<vmem>>) dst(%dma_wait3A_742 : memref<160x16xf32, #tpu.memory_space<vmem_shared>>)
      tpu.yield
    }) : () -> ()
    %barrier3A_278 = arith.constant 0 : index
    tpu.barrier barrier_id(%barrier3A_278)
    %mul3A_279 = arith.constant 80 : i32
    %mul3A_280 = arith.muli %add3A, %mul3A_279 : i32
    "tpu.region"() ({
      %run_scoped3A_734 = tpu.sem_alloc : memref<!tpu.dma_semaphore, #tpu.memory_space<semaphore_mem>>
      %dma_start3A_735 = arith.constant 0 : i32
      %dma_start3A_736 = tpu.memref_slice %arg3[%mul3A_280, %dma_start3A_735] : memref<2560x128xi32, #tpu.memory_space<hbm>> -> memref<80x128xi32, #tpu.memory_space<hbm>>
      %dma_start3A_737 = arith.constant 0 : i32
      %dma_start3A_738 = tpu.memref_slice %arg3[%mul3A_280, %dma_start3A_737] : memref<2560x128xi32, #tpu.memory_space<hbm>> -> memref<80x128xi32, #tpu.memory_space<hbm>>
      tpu.enqueue_dma source(%dma_start3A_738 : memref<80x128xi32, #tpu.memory_space<hbm>>) target(%arg11 : memref<80x128xi32, #tpu.memory_space<vmem>>) target_semaphore(%run_scoped3A_734 : memref<!tpu.dma_semaphore, #tpu.memory_space<semaphore_mem>>)
      %dma_wait3A_739 = arith.constant 0 : i32
      %dma_wait3A_740 = tpu.memref_slice %arg3[%mul3A_280, %dma_wait3A_739] : memref<2560x128xi32, #tpu.memory_space<hbm>> -> memref<80x128xi32, #tpu.memory_space<hbm>>
      %dma_wait3A_741 = arith.constant 0 : i32
      %dma_wait3A_742 = tpu.memref_slice %arg3[%mul3A_280, %dma_wait3A_741] : memref<2560x128xi32, #tpu.memory_space<hbm>> -> memref<80x128xi32, #tpu.memory_space<hbm>>
      tpu.wait_dma2 semaphore(%run_scoped3A_734 : memref<!tpu.dma_semaphore, #tpu.memory_space<semaphore_mem>>) src(%dma_wait3A_742 : memref<80x128xi32, #tpu.memory_space<hbm>>) dst(%arg11 : memref<80x128xi32, #tpu.memory_space<vmem>>)
      tpu.yield
    }) : () -> ()
    "tpu.region"() ({
      %run_scoped3A_734 = tpu.sem_alloc : memref<!tpu.dma_semaphore, #tpu.memory_space<semaphore_mem>>
      %dma_start3A_735 = arith.constant 0 : i32
      %dma_start3A_736 = tpu.memref_slice %arg4[%mul3A_280, %dma_start3A_735] : memref<2560x128xi32, #tpu.memory_space<hbm>> -> memref<80x128xi32, #tpu.memory_space<hbm>>
      %dma_start3A_737 = arith.constant 0 : i32
      %dma_start3A_738 = tpu.memref_slice %arg4[%mul3A_280, %dma_start3A_737] : memref<2560x128xi32, #tpu.memory_space<hbm>> -> memref<80x128xi32, #tpu.memory_space<hbm>>
      tpu.enqueue_dma source(%dma_start3A_738 : memref<80x128xi32, #tpu.memory_space<hbm>>) target(%arg12 : memref<80x128xi32, #tpu.memory_space<vmem>>) target_semaphore(%run_scoped3A_734 : memref<!tpu.dma_semaphore, #tpu.memory_space<semaphore_mem>>)
      %dma_wait3A_739 = arith.constant 0 : i32
      %dma_wait3A_740 = tpu.memref_slice %arg4[%mul3A_280, %dma_wait3A_739] : memref<2560x128xi32, #tpu.memory_space<hbm>> -> memref<80x128xi32, #tpu.memory_space<hbm>>
      %dma_wait3A_741 = arith.constant 0 : i32
      %dma_wait3A_742 = tpu.memref_slice %arg4[%mul3A_280, %dma_wait3A_741] : memref<2560x128xi32, #tpu.memory_space<hbm>> -> memref<80x128xi32, #tpu.memory_space<hbm>>
      tpu.wait_dma2 semaphore(%run_scoped3A_734 : memref<!tpu.dma_semaphore, #tpu.memory_space<semaphore_mem>>) src(%dma_wait3A_742 : memref<80x128xi32, #tpu.memory_space<hbm>>) dst(%arg12 : memref<80x128xi32, #tpu.memory_space<vmem>>)
      tpu.yield
    }) : () -> ()
    %dma_start3A = arith.constant 0 : i32
    %dma_start3A_281 = arith.constant 0 : i32
    %dma_start3A_282 = tpu.memref_slice %arg11[%dma_start3A, %dma_start3A_281] : memref<80x128xi32, #tpu.memory_space<vmem>> -> memref<1x128xi32, #tpu.memory_space<vmem>>
    %dma_start3A_283 = tpu.memref_squeeze %dma_start3A_282 : memref<1x128xi32, #tpu.memory_space<vmem>> -> memref<128xi32, #tpu.memory_space<vmem>>
    %dma_start3A_284 = arith.constant 0 : i32
    %dma_start3A_285 = arith.constant 0 : i32
    %dma_start3A_286 = tpu.memref_slice %arg22[%dma_start3A_284, %dma_start3A_285] : memref<10240x16xf32, #tpu.memory_space<vmem_shared>> -> memref<10240x16xf32, #tpu.memory_space<vmem_shared>>
    tpu.enqueue_indirect_dma source(%dma_start3A_286 : memref<10240x16xf32, #tpu.memory_space<vmem_shared>>) target(%arg13 : memref<128x16xf32, #tpu.memory_space<vmem>>) offsets(%dma_start3A_283 : memref<128xi32, #tpu.memory_space<vmem>>) semaphore(%arg24 : memref<!tpu.dma_semaphore, #tpu.memory_space<semaphore_mem>>)
    %dma_start3A_287 = arith.constant 1 : i32
    %dma_start3A_288 = arith.constant 0 : i32
    %dma_start3A_289 = tpu.memref_slice %arg11[%dma_start3A_287, %dma_start3A_288] : memref<80x128xi32, #tpu.memory_space<vmem>> -> memref<1x128xi32, #tpu.memory_space<vmem>>
    %dma_start3A_290 = tpu.memref_squeeze %dma_start3A_289 : memref<1x128xi32, #tpu.memory_space<vmem>> -> memref<128xi32, #tpu.memory_space<vmem>>
    %dma_start3A_291 = arith.constant 0 : i32
    %dma_start3A_292 = arith.constant 0 : i32
    %dma_start3A_293 = tpu.memref_slice %arg22[%dma_start3A_291, %dma_start3A_292] : memref<10240x16xf32, #tpu.memory_space<vmem_shared>> -> memref<10240x16xf32, #tpu.memory_space<vmem_shared>>
    tpu.enqueue_indirect_dma source(%dma_start3A_293 : memref<10240x16xf32, #tpu.memory_space<vmem_shared>>) target(%arg14 : memref<128x16xf32, #tpu.memory_space<vmem>>) offsets(%dma_start3A_290 : memref<128xi32, #tpu.memory_space<vmem>>) semaphore(%arg25 : memref<!tpu.dma_semaphore, #tpu.memory_space<semaphore_mem>>)
    %dma_start3A_294 = arith.constant 2 : i32
    %dma_start3A_295 = arith.constant 0 : i32
    %dma_start3A_296 = tpu.memref_slice %arg11[%dma_start3A_294, %dma_start3A_295] : memref<80x128xi32, #tpu.memory_space<vmem>> -> memref<1x128xi32, #tpu.memory_space<vmem>>
    %dma_start3A_297 = tpu.memref_squeeze %dma_start3A_296 : memref<1x128xi32, #tpu.memory_space<vmem>> -> memref<128xi32, #tpu.memory_space<vmem>>
    %dma_start3A_298 = arith.constant 0 : i32
    %dma_start3A_299 = arith.constant 0 : i32
    %dma_start3A_300 = tpu.memref_slice %arg22[%dma_start3A_298, %dma_start3A_299] : memref<10240x16xf32, #tpu.memory_space<vmem_shared>> -> memref<10240x16xf32, #tpu.memory_space<vmem_shared>>
    tpu.enqueue_indirect_dma source(%dma_start3A_300 : memref<10240x16xf32, #tpu.memory_space<vmem_shared>>) target(%arg15 : memref<128x16xf32, #tpu.memory_space<vmem>>) offsets(%dma_start3A_297 : memref<128xi32, #tpu.memory_space<vmem>>) semaphore(%arg26 : memref<!tpu.dma_semaphore, #tpu.memory_space<semaphore_mem>>)
    %dma_start3A_301 = arith.constant 3 : i32
    %dma_start3A_302 = arith.constant 0 : i32
    %dma_start3A_303 = tpu.memref_slice %arg11[%dma_start3A_301, %dma_start3A_302] : memref<80x128xi32, #tpu.memory_space<vmem>> -> memref<1x128xi32, #tpu.memory_space<vmem>>
    %dma_start3A_304 = tpu.memref_squeeze %dma_start3A_303 : memref<1x128xi32, #tpu.memory_space<vmem>> -> memref<128xi32, #tpu.memory_space<vmem>>
    %dma_start3A_305 = arith.constant 0 : i32
    %dma_start3A_306 = arith.constant 0 : i32
    %dma_start3A_307 = tpu.memref_slice %arg22[%dma_start3A_305, %dma_start3A_306] : memref<10240x16xf32, #tpu.memory_space<vmem_shared>> -> memref<10240x16xf32, #tpu.memory_space<vmem_shared>>
    tpu.enqueue_indirect_dma source(%dma_start3A_307 : memref<10240x16xf32, #tpu.memory_space<vmem_shared>>) target(%arg16 : memref<128x16xf32, #tpu.memory_space<vmem>>) offsets(%dma_start3A_304 : memref<128xi32, #tpu.memory_space<vmem>>) semaphore(%arg27 : memref<!tpu.dma_semaphore, #tpu.memory_space<semaphore_mem>>)
    %dma_wait3A = arith.constant 0 : i32
    %dma_wait3A_308 = arith.constant 0 : i32
    %dma_wait3A_309 = tpu.memref_slice %arg11[%dma_wait3A, %dma_wait3A_308] : memref<80x128xi32, #tpu.memory_space<vmem>> -> memref<1x128xi32, #tpu.memory_space<vmem>>
    %dma_wait3A_310 = tpu.memref_squeeze %dma_wait3A_309 : memref<1x128xi32, #tpu.memory_space<vmem>> -> memref<128xi32, #tpu.memory_space<vmem>>
    %dma_wait3A_311 = arith.constant 0 : i32
    %dma_wait3A_312 = arith.constant 0 : i32
    %dma_wait3A_313 = tpu.memref_slice %arg22[%dma_wait3A_311, %dma_wait3A_312] : memref<10240x16xf32, #tpu.memory_space<vmem_shared>> -> memref<10240x16xf32, #tpu.memory_space<vmem_shared>>
    tpu.wait_indirect_dma semaphore(%arg24 : memref<!tpu.dma_semaphore, #tpu.memory_space<semaphore_mem>>) src(%dma_wait3A_313 : memref<10240x16xf32, #tpu.memory_space<vmem_shared>>) dst(%arg13 : memref<128x16xf32, #tpu.memory_space<vmem>>)
    %dma_start3A_314 = arith.constant 0 : i32
    %dma_start3A_315 = arith.constant 0 : i32
    %dma_start3A_316 = tpu.memref_slice %arg12[%dma_start3A_314, %dma_start3A_315] : memref<80x128xi32, #tpu.memory_space<vmem>> -> memref<1x128xi32, #tpu.memory_space<vmem>>
    %dma_start3A_317 = tpu.memref_squeeze %dma_start3A_316 : memref<1x128xi32, #tpu.memory_space<vmem>> -> memref<128xi32, #tpu.memory_space<vmem>>
    %dma_start3A_318 = arith.constant 0 : i32
    %dma_start3A_319 = arith.constant 0 : i32
    %dma_start3A_320 = tpu.memref_slice %arg23[%dma_start3A_318, %dma_start3A_319] : memref<10240x16xf32, #tpu.memory_space<vmem_shared>> -> memref<10240x16xf32, #tpu.memory_space<vmem_shared>>
    tpu.enqueue_indirect_dma source(%arg13 : memref<128x16xf32, #tpu.memory_space<vmem>>) target(%dma_start3A_320 : memref<10240x16xf32, #tpu.memory_space<vmem_shared>>) offsets(%dma_start3A_317 : memref<128xi32, #tpu.memory_space<vmem>>) semaphore(%arg32 : memref<!tpu.dma_semaphore, #tpu.memory_space<semaphore_mem>>) {add = true}
    %dma_start3A_321 = arith.constant 4 : i32
    %dma_start3A_322 = arith.constant 0 : i32
    %dma_start3A_323 = tpu.memref_slice %arg11[%dma_start3A_321, %dma_start3A_322] : memref<80x128xi32, #tpu.memory_space<vmem>> -> memref<1x128xi32, #tpu.memory_space<vmem>>
    %dma_start3A_324 = tpu.memref_squeeze %dma_start3A_323 : memref<1x128xi32, #tpu.memory_space<vmem>> -> memref<128xi32, #tpu.memory_space<vmem>>
    %dma_start3A_325 = arith.constant 0 : i32
    %dma_start3A_326 = arith.constant 0 : i32
    %dma_start3A_327 = tpu.memref_slice %arg22[%dma_start3A_325, %dma_start3A_326] : memref<10240x16xf32, #tpu.memory_space<vmem_shared>> -> memref<10240x16xf32, #tpu.memory_space<vmem_shared>>
    tpu.enqueue_indirect_dma source(%dma_start3A_327 : memref<10240x16xf32, #tpu.memory_space<vmem_shared>>) target(%arg17 : memref<128x16xf32, #tpu.memory_space<vmem>>) offsets(%dma_start3A_324 : memref<128xi32, #tpu.memory_space<vmem>>) semaphore(%arg28 : memref<!tpu.dma_semaphore, #tpu.memory_space<semaphore_mem>>)
    %dma_wait3A_328 = arith.constant 1 : i32
    %dma_wait3A_329 = arith.constant 0 : i32
    %dma_wait3A_330 = tpu.memref_slice %arg11[%dma_wait3A_328, %dma_wait3A_329] : memref<80x128xi32, #tpu.memory_space<vmem>> -> memref<1x128xi32, #tpu.memory_space<vmem>>
    %dma_wait3A_331 = tpu.memref_squeeze %dma_wait3A_330 : memref<1x128xi32, #tpu.memory_space<vmem>> -> memref<128xi32, #tpu.memory_space<vmem>>
    %dma_wait3A_332 = arith.constant 0 : i32
    %dma_wait3A_333 = arith.constant 0 : i32
    %dma_wait3A_334 = tpu.memref_slice %arg22[%dma_wait3A_332, %dma_wait3A_333] : memref<10240x16xf32, #tpu.memory_space<vmem_shared>> -> memref<10240x16xf32, #tpu.memory_space<vmem_shared>>
    tpu.wait_indirect_dma semaphore(%arg25 : memref<!tpu.dma_semaphore, #tpu.memory_space<semaphore_mem>>) src(%dma_wait3A_334 : memref<10240x16xf32, #tpu.memory_space<vmem_shared>>) dst(%arg14 : memref<128x16xf32, #tpu.memory_space<vmem>>)
    %dma_start3A_335 = arith.constant 1 : i32
    %dma_start3A_336 = arith.constant 0 : i32
    %dma_start3A_337 = tpu.memref_slice %arg12[%dma_start3A_335, %dma_start3A_336] : memref<80x128xi32, #tpu.memory_space<vmem>> -> memref<1x128xi32, #tpu.memory_space<vmem>>
    %dma_start3A_338 = tpu.memref_squeeze %dma_start3A_337 : memref<1x128xi32, #tpu.memory_space<vmem>> -> memref<128xi32, #tpu.memory_space<vmem>>
    %dma_start3A_339 = arith.constant 0 : i32
    %dma_start3A_340 = arith.constant 0 : i32
    %dma_start3A_341 = tpu.memref_slice %arg23[%dma_start3A_339, %dma_start3A_340] : memref<10240x16xf32, #tpu.memory_space<vmem_shared>> -> memref<10240x16xf32, #tpu.memory_space<vmem_shared>>
    tpu.enqueue_indirect_dma source(%arg14 : memref<128x16xf32, #tpu.memory_space<vmem>>) target(%dma_start3A_341 : memref<10240x16xf32, #tpu.memory_space<vmem_shared>>) offsets(%dma_start3A_338 : memref<128xi32, #tpu.memory_space<vmem>>) semaphore(%arg33 : memref<!tpu.dma_semaphore, #tpu.memory_space<semaphore_mem>>) {add = true}
    %dma_start3A_342 = arith.constant 5 : i32
    %dma_start3A_343 = arith.constant 0 : i32
    %dma_start3A_344 = tpu.memref_slice %arg11[%dma_start3A_342, %dma_start3A_343] : memref<80x128xi32, #tpu.memory_space<vmem>> -> memref<1x128xi32, #tpu.memory_space<vmem>>
    %dma_start3A_345 = tpu.memref_squeeze %dma_start3A_344 : memref<1x128xi32, #tpu.memory_space<vmem>> -> memref<128xi32, #tpu.memory_space<vmem>>
    %dma_start3A_346 = arith.constant 0 : i32
    %dma_start3A_347 = arith.constant 0 : i32
    %dma_start3A_348 = tpu.memref_slice %arg22[%dma_start3A_346, %dma_start3A_347] : memref<10240x16xf32, #tpu.memory_space<vmem_shared>> -> memref<10240x16xf32, #tpu.memory_space<vmem_shared>>
    tpu.enqueue_indirect_dma source(%dma_start3A_348 : memref<10240x16xf32, #tpu.memory_space<vmem_shared>>) target(%arg18 : memref<128x16xf32, #tpu.memory_space<vmem>>) offsets(%dma_start3A_345 : memref<128xi32, #tpu.memory_space<vmem>>) semaphore(%arg29 : memref<!tpu.dma_semaphore, #tpu.memory_space<semaphore_mem>>)
    %dma_wait3A_349 = arith.constant 2 : i32
    %dma_wait3A_350 = arith.constant 0 : i32
    %dma_wait3A_351 = tpu.memref_slice %arg11[%dma_wait3A_349, %dma_wait3A_350] : memref<80x128xi32, #tpu.memory_space<vmem>> -> memref<1x128xi32, #tpu.memory_space<vmem>>
    %dma_wait3A_352 = tpu.memref_squeeze %dma_wait3A_351 : memref<1x128xi32, #tpu.memory_space<vmem>> -> memref<128xi32, #tpu.memory_space<vmem>>
    %dma_wait3A_353 = arith.constant 0 : i32
    %dma_wait3A_354 = arith.constant 0 : i32
    %dma_wait3A_355 = tpu.memref_slice %arg22[%dma_wait3A_353, %dma_wait3A_354] : memref<10240x16xf32, #tpu.memory_space<vmem_shared>> -> memref<10240x16xf32, #tpu.memory_space<vmem_shared>>
    tpu.wait_indirect_dma semaphore(%arg26 : memref<!tpu.dma_semaphore, #tpu.memory_space<semaphore_mem>>) src(%dma_wait3A_355 : memref<10240x16xf32, #tpu.memory_space<vmem_shared>>) dst(%arg15 : memref<128x16xf32, #tpu.memory_space<vmem>>)
    %dma_start3A_356 = arith.constant 2 : i32
    %dma_start3A_357 = arith.constant 0 : i32
    %dma_start3A_358 = tpu.memref_slice %arg12[%dma_start3A_356, %dma_start3A_357] : memref<80x128xi32, #tpu.memory_space<vmem>> -> memref<1x128xi32, #tpu.memory_space<vmem>>
    %dma_start3A_359 = tpu.memref_squeeze %dma_start3A_358 : memref<1x128xi32, #tpu.memory_space<vmem>> -> memref<128xi32, #tpu.memory_space<vmem>>
    %dma_start3A_360 = arith.constant 0 : i32
    %dma_start3A_361 = arith.constant 0 : i32
    %dma_start3A_362 = tpu.memref_slice %arg23[%dma_start3A_360, %dma_start3A_361] : memref<10240x16xf32, #tpu.memory_space<vmem_shared>> -> memref<10240x16xf32, #tpu.memory_space<vmem_shared>>
    tpu.enqueue_indirect_dma source(%arg15 : memref<128x16xf32, #tpu.memory_space<vmem>>) target(%dma_start3A_362 : memref<10240x16xf32, #tpu.memory_space<vmem_shared>>) offsets(%dma_start3A_359 : memref<128xi32, #tpu.memory_space<vmem>>) semaphore(%arg34 : memref<!tpu.dma_semaphore, #tpu.memory_space<semaphore_mem>>) {add = true}
    %dma_start3A_363 = arith.constant 6 : i32
    %dma_start3A_364 = arith.constant 0 : i32
    %dma_start3A_365 = tpu.memref_slice %arg11[%dma_start3A_363, %dma_start3A_364] : memref<80x128xi32, #tpu.memory_space<vmem>> -> memref<1x128xi32, #tpu.memory_space<vmem>>
    %dma_start3A_366 = tpu.memref_squeeze %dma_start3A_365 : memref<1x128xi32, #tpu.memory_space<vmem>> -> memref<128xi32, #tpu.memory_space<vmem>>
    %dma_start3A_367 = arith.constant 0 : i32
    %dma_start3A_368 = arith.constant 0 : i32
    %dma_start3A_369 = tpu.memref_slice %arg22[%dma_start3A_367, %dma_start3A_368] : memref<10240x16xf32, #tpu.memory_space<vmem_shared>> -> memref<10240x16xf32, #tpu.memory_space<vmem_shared>>
    tpu.enqueue_indirect_dma source(%dma_start3A_369 : memref<10240x16xf32, #tpu.memory_space<vmem_shared>>) target(%arg19 : memref<128x16xf32, #tpu.memory_space<vmem>>) offsets(%dma_start3A_366 : memref<128xi32, #tpu.memory_space<vmem>>) semaphore(%arg30 : memref<!tpu.dma_semaphore, #tpu.memory_space<semaphore_mem>>)
    %dma_wait3A_370 = arith.constant 3 : i32
    %dma_wait3A_371 = arith.constant 0 : i32
    %dma_wait3A_372 = tpu.memref_slice %arg11[%dma_wait3A_370, %dma_wait3A_371] : memref<80x128xi32, #tpu.memory_space<vmem>> -> memref<1x128xi32, #tpu.memory_space<vmem>>
    %dma_wait3A_373 = tpu.memref_squeeze %dma_wait3A_372 : memref<1x128xi32, #tpu.memory_space<vmem>> -> memref<128xi32, #tpu.memory_space<vmem>>
    %dma_wait3A_374 = arith.constant 0 : i32
    %dma_wait3A_375 = arith.constant 0 : i32
    %dma_wait3A_376 = tpu.memref_slice %arg22[%dma_wait3A_374, %dma_wait3A_375] : memref<10240x16xf32, #tpu.memory_space<vmem_shared>> -> memref<10240x16xf32, #tpu.memory_space<vmem_shared>>
    tpu.wait_indirect_dma semaphore(%arg27 : memref<!tpu.dma_semaphore, #tpu.memory_space<semaphore_mem>>) src(%dma_wait3A_376 : memref<10240x16xf32, #tpu.memory_space<vmem_shared>>) dst(%arg16 : memref<128x16xf32, #tpu.memory_space<vmem>>)
    %dma_start3A_377 = arith.constant 3 : i32
    %dma_start3A_378 = arith.constant 0 : i32
    %dma_start3A_379 = tpu.memref_slice %arg12[%dma_start3A_377, %dma_start3A_378] : memref<80x128xi32, #tpu.memory_space<vmem>> -> memref<1x128xi32, #tpu.memory_space<vmem>>
    %dma_start3A_380 = tpu.memref_squeeze %dma_start3A_379 : memref<1x128xi32, #tpu.memory_space<vmem>> -> memref<128xi32, #tpu.memory_space<vmem>>
    %dma_start3A_381 = arith.constant 0 : i32
    %dma_start3A_382 = arith.constant 0 : i32
    %dma_start3A_383 = tpu.memref_slice %arg23[%dma_start3A_381, %dma_start3A_382] : memref<10240x16xf32, #tpu.memory_space<vmem_shared>> -> memref<10240x16xf32, #tpu.memory_space<vmem_shared>>
    tpu.enqueue_indirect_dma source(%arg16 : memref<128x16xf32, #tpu.memory_space<vmem>>) target(%dma_start3A_383 : memref<10240x16xf32, #tpu.memory_space<vmem_shared>>) offsets(%dma_start3A_380 : memref<128xi32, #tpu.memory_space<vmem>>) semaphore(%arg35 : memref<!tpu.dma_semaphore, #tpu.memory_space<semaphore_mem>>) {add = true}
    %dma_start3A_384 = arith.constant 7 : i32
    %dma_start3A_385 = arith.constant 0 : i32
    %dma_start3A_386 = tpu.memref_slice %arg11[%dma_start3A_384, %dma_start3A_385] : memref<80x128xi32, #tpu.memory_space<vmem>> -> memref<1x128xi32, #tpu.memory_space<vmem>>
    %dma_start3A_387 = tpu.memref_squeeze %dma_start3A_386 : memref<1x128xi32, #tpu.memory_space<vmem>> -> memref<128xi32, #tpu.memory_space<vmem>>
    %dma_start3A_388 = arith.constant 0 : i32
    %dma_start3A_389 = arith.constant 0 : i32
    %dma_start3A_390 = tpu.memref_slice %arg22[%dma_start3A_388, %dma_start3A_389] : memref<10240x16xf32, #tpu.memory_space<vmem_shared>> -> memref<10240x16xf32, #tpu.memory_space<vmem_shared>>
    tpu.enqueue_indirect_dma source(%dma_start3A_390 : memref<10240x16xf32, #tpu.memory_space<vmem_shared>>) target(%arg20 : memref<128x16xf32, #tpu.memory_space<vmem>>) offsets(%dma_start3A_387 : memref<128xi32, #tpu.memory_space<vmem>>) semaphore(%arg31 : memref<!tpu.dma_semaphore, #tpu.memory_space<semaphore_mem>>)
    %dma_wait3A_391 = arith.constant 4 : i32
    %dma_wait3A_392 = arith.constant 0 : i32
    %dma_wait3A_393 = tpu.memref_slice %arg11[%dma_wait3A_391, %dma_wait3A_392] : memref<80x128xi32, #tpu.memory_space<vmem>> -> memref<1x128xi32, #tpu.memory_space<vmem>>
    %dma_wait3A_394 = tpu.memref_squeeze %dma_wait3A_393 : memref<1x128xi32, #tpu.memory_space<vmem>> -> memref<128xi32, #tpu.memory_space<vmem>>
    %dma_wait3A_395 = arith.constant 0 : i32
    %dma_wait3A_396 = arith.constant 0 : i32
    %dma_wait3A_397 = tpu.memref_slice %arg22[%dma_wait3A_395, %dma_wait3A_396] : memref<10240x16xf32, #tpu.memory_space<vmem_shared>> -> memref<10240x16xf32, #tpu.memory_space<vmem_shared>>
    tpu.wait_indirect_dma semaphore(%arg28 : memref<!tpu.dma_semaphore, #tpu.memory_space<semaphore_mem>>) src(%dma_wait3A_397 : memref<10240x16xf32, #tpu.memory_space<vmem_shared>>) dst(%arg17 : memref<128x16xf32, #tpu.memory_space<vmem>>)
    %dma_start3A_398 = arith.constant 4 : i32
    %dma_start3A_399 = arith.constant 0 : i32
    %dma_start3A_400 = tpu.memref_slice %arg12[%dma_start3A_398, %dma_start3A_399] : memref<80x128xi32, #tpu.memory_space<vmem>> -> memref<1x128xi32, #tpu.memory_space<vmem>>
    %dma_start3A_401 = tpu.memref_squeeze %dma_start3A_400 : memref<1x128xi32, #tpu.memory_space<vmem>> -> memref<128xi32, #tpu.memory_space<vmem>>
    %dma_start3A_402 = arith.constant 0 : i32
    %dma_start3A_403 = arith.constant 0 : i32
    %dma_start3A_404 = tpu.memref_slice %arg23[%dma_start3A_402, %dma_start3A_403] : memref<10240x16xf32, #tpu.memory_space<vmem_shared>> -> memref<10240x16xf32, #tpu.memory_space<vmem_shared>>
    tpu.enqueue_indirect_dma source(%arg17 : memref<128x16xf32, #tpu.memory_space<vmem>>) target(%dma_start3A_404 : memref<10240x16xf32, #tpu.memory_space<vmem_shared>>) offsets(%dma_start3A_401 : memref<128xi32, #tpu.memory_space<vmem>>) semaphore(%arg36 : memref<!tpu.dma_semaphore, #tpu.memory_space<semaphore_mem>>) {add = true}
    %dma_wait3A_405 = arith.constant 0 : i32
    %dma_wait3A_406 = arith.constant 0 : i32
    %dma_wait3A_407 = tpu.memref_slice %arg12[%dma_wait3A_405, %dma_wait3A_406] : memref<80x128xi32, #tpu.memory_space<vmem>> -> memref<1x128xi32, #tpu.memory_space<vmem>>
    %dma_wait3A_408 = tpu.memref_squeeze %dma_wait3A_407 : memref<1x128xi32, #tpu.memory_space<vmem>> -> memref<128xi32, #tpu.memory_space<vmem>>
    %dma_wait3A_409 = arith.constant 0 : i32
    %dma_wait3A_410 = arith.constant 0 : i32
    %dma_wait3A_411 = tpu.memref_slice %arg23[%dma_wait3A_409, %dma_wait3A_410] : memref<10240x16xf32, #tpu.memory_space<vmem_shared>> -> memref<10240x16xf32, #tpu.memory_space<vmem_shared>>
    tpu.wait_indirect_dma semaphore(%arg32 : memref<!tpu.dma_semaphore, #tpu.memory_space<semaphore_mem>>) src(%arg13 : memref<128x16xf32, #tpu.memory_space<vmem>>) dst(%dma_wait3A_411 : memref<10240x16xf32, #tpu.memory_space<vmem_shared>>)
    %dma_start3A_412 = arith.constant 8 : i32
    %dma_start3A_413 = arith.constant 0 : i32
    %dma_start3A_414 = tpu.memref_slice %arg11[%dma_start3A_412, %dma_start3A_413] : memref<80x128xi32, #tpu.memory_space<vmem>> -> memref<1x128xi32, #tpu.memory_space<vmem>>
    %dma_start3A_415 = tpu.memref_squeeze %dma_start3A_414 : memref<1x128xi32, #tpu.memory_space<vmem>> -> memref<128xi32, #tpu.memory_space<vmem>>
    %dma_start3A_416 = arith.constant 0 : i32
    %dma_start3A_417 = arith.constant 0 : i32
    %dma_start3A_418 = tpu.memref_slice %arg22[%dma_start3A_416, %dma_start3A_417] : memref<10240x16xf32, #tpu.memory_space<vmem_shared>> -> memref<10240x16xf32, #tpu.memory_space<vmem_shared>>
    tpu.enqueue_indirect_dma source(%dma_start3A_418 : memref<10240x16xf32, #tpu.memory_space<vmem_shared>>) target(%arg13 : memref<128x16xf32, #tpu.memory_space<vmem>>) offsets(%dma_start3A_415 : memref<128xi32, #tpu.memory_space<vmem>>) semaphore(%arg24 : memref<!tpu.dma_semaphore, #tpu.memory_space<semaphore_mem>>)
    %dma_wait3A_419 = arith.constant 5 : i32
    %dma_wait3A_420 = arith.constant 0 : i32
    %dma_wait3A_421 = tpu.memref_slice %arg11[%dma_wait3A_419, %dma_wait3A_420] : memref<80x128xi32, #tpu.memory_space<vmem>> -> memref<1x128xi32, #tpu.memory_space<vmem>>
    %dma_wait3A_422 = tpu.memref_squeeze %dma_wait3A_421 : memref<1x128xi32, #tpu.memory_space<vmem>> -> memref<128xi32, #tpu.memory_space<vmem>>
    %dma_wait3A_423 = arith.constant 0 : i32
    %dma_wait3A_424 = arith.constant 0 : i32
    %dma_wait3A_425 = tpu.memref_slice %arg22[%dma_wait3A_423, %dma_wait3A_424] : memref<10240x16xf32, #tpu.memory_space<vmem_shared>> -> memref<10240x16xf32, #tpu.memory_space<vmem_shared>>
    tpu.wait_indirect_dma semaphore(%arg29 : memref<!tpu.dma_semaphore, #tpu.memory_space<semaphore_mem>>) src(%dma_wait3A_425 : memref<10240x16xf32, #tpu.memory_space<vmem_shared>>) dst(%arg18 : memref<128x16xf32, #tpu.memory_space<vmem>>)
    %dma_start3A_426 = arith.constant 5 : i32
    %dma_start3A_427 = arith.constant 0 : i32
    %dma_start3A_428 = tpu.memref_slice %arg12[%dma_start3A_426, %dma_start3A_427] : memref<80x128xi32, #tpu.memory_space<vmem>> -> memref<1x128xi32, #tpu.memory_space<vmem>>
    %dma_start3A_429 = tpu.memref_squeeze %dma_start3A_428 : memref<1x128xi32, #tpu.memory_space<vmem>> -> memref<128xi32, #tpu.memory_space<vmem>>
    %dma_start3A_430 = arith.constant 0 : i32
    %dma_start3A_431 = arith.constant 0 : i32
    %dma_start3A_432 = tpu.memref_slice %arg23[%dma_start3A_430, %dma_start3A_431] : memref<10240x16xf32, #tpu.memory_space<vmem_shared>> -> memref<10240x16xf32, #tpu.memory_space<vmem_shared>>
    tpu.enqueue_indirect_dma source(%arg18 : memref<128x16xf32, #tpu.memory_space<vmem>>) target(%dma_start3A_432 : memref<10240x16xf32, #tpu.memory_space<vmem_shared>>) offsets(%dma_start3A_429 : memref<128xi32, #tpu.memory_space<vmem>>) semaphore(%arg37 : memref<!tpu.dma_semaphore, #tpu.memory_space<semaphore_mem>>) {add = true}
    %dma_wait3A_433 = arith.constant 1 : i32
    %dma_wait3A_434 = arith.constant 0 : i32
    %dma_wait3A_435 = tpu.memref_slice %arg12[%dma_wait3A_433, %dma_wait3A_434] : memref<80x128xi32, #tpu.memory_space<vmem>> -> memref<1x128xi32, #tpu.memory_space<vmem>>
    %dma_wait3A_436 = tpu.memref_squeeze %dma_wait3A_435 : memref<1x128xi32, #tpu.memory_space<vmem>> -> memref<128xi32, #tpu.memory_space<vmem>>
    %dma_wait3A_437 = arith.constant 0 : i32
    %dma_wait3A_438 = arith.constant 0 : i32
    %dma_wait3A_439 = tpu.memref_slice %arg23[%dma_wait3A_437, %dma_wait3A_438] : memref<10240x16xf32, #tpu.memory_space<vmem_shared>> -> memref<10240x16xf32, #tpu.memory_space<vmem_shared>>
    tpu.wait_indirect_dma semaphore(%arg33 : memref<!tpu.dma_semaphore, #tpu.memory_space<semaphore_mem>>) src(%arg14 : memref<128x16xf32, #tpu.memory_space<vmem>>) dst(%dma_wait3A_439 : memref<10240x16xf32, #tpu.memory_space<vmem_shared>>)
    %dma_start3A_440 = arith.constant 9 : i32
    %dma_start3A_441 = arith.constant 0 : i32
    %dma_start3A_442 = tpu.memref_slice %arg11[%dma_start3A_440, %dma_start3A_441] : memref<80x128xi32, #tpu.memory_space<vmem>> -> memref<1x128xi32, #tpu.memory_space<vmem>>
    %dma_start3A_443 = tpu.memref_squeeze %dma_start3A_442 : memref<1x128xi32, #tpu.memory_space<vmem>> -> memref<128xi32, #tpu.memory_space<vmem>>
    %dma_start3A_444 = arith.constant 0 : i32
    %dma_start3A_445 = arith.constant 0 : i32
    %dma_start3A_446 = tpu.memref_slice %arg22[%dma_start3A_444, %dma_start3A_445] : memref<10240x16xf32, #tpu.memory_space<vmem_shared>> -> memref<10240x16xf32, #tpu.memory_space<vmem_shared>>
    tpu.enqueue_indirect_dma source(%dma_start3A_446 : memref<10240x16xf32, #tpu.memory_space<vmem_shared>>) target(%arg14 : memref<128x16xf32, #tpu.memory_space<vmem>>) offsets(%dma_start3A_443 : memref<128xi32, #tpu.memory_space<vmem>>) semaphore(%arg25 : memref<!tpu.dma_semaphore, #tpu.memory_space<semaphore_mem>>)
    %dma_wait3A_447 = arith.constant 6 : i32
    %dma_wait3A_448 = arith.constant 0 : i32
    %dma_wait3A_449 = tpu.memref_slice %arg11[%dma_wait3A_447, %dma_wait3A_448] : memref<80x128xi32, #tpu.memory_space<vmem>> -> memref<1x128xi32, #tpu.memory_space<vmem>>
    %dma_wait3A_450 = tpu.memref_squeeze %dma_wait3A_449 : memref<1x128xi32, #tpu.memory_space<vmem>> -> memref<128xi32, #tpu.memory_space<vmem>>
    %dma_wait3A_451 = arith.constant 0 : i32
    %dma_wait3A_452 = arith.constant 0 : i32
    %dma_wait3A_453 = tpu.memref_slice %arg22[%dma_wait3A_451, %dma_wait3A_452] : memref<10240x16xf32, #tpu.memory_space<vmem_shared>> -> memref<10240x16xf32, #tpu.memory_space<vmem_shared>>
    tpu.wait_indirect_dma semaphore(%arg30 : memref<!tpu.dma_semaphore, #tpu.memory_space<semaphore_mem>>) src(%dma_wait3A_453 : memref<10240x16xf32, #tpu.memory_space<vmem_shared>>) dst(%arg19 : memref<128x16xf32, #tpu.memory_space<vmem>>)
    %dma_start3A_454 = arith.constant 6 : i32
    %dma_start3A_455 = arith.constant 0 : i32
    %dma_start3A_456 = tpu.memref_slice %arg12[%dma_start3A_454, %dma_start3A_455] : memref<80x128xi32, #tpu.memory_space<vmem>> -> memref<1x128xi32, #tpu.memory_space<vmem>>
    %dma_start3A_457 = tpu.memref_squeeze %dma_start3A_456 : memref<1x128xi32, #tpu.memory_space<vmem>> -> memref<128xi32, #tpu.memory_space<vmem>>
    %dma_start3A_458 = arith.constant 0 : i32
    %dma_start3A_459 = arith.constant 0 : i32
    %dma_start3A_460 = tpu.memref_slice %arg23[%dma_start3A_458, %dma_start3A_459] : memref<10240x16xf32, #tpu.memory_space<vmem_shared>> -> memref<10240x16xf32, #tpu.memory_space<vmem_shared>>
    tpu.enqueue_indirect_dma source(%arg19 : memref<128x16xf32, #tpu.memory_space<vmem>>) target(%dma_start3A_460 : memref<10240x16xf32, #tpu.memory_space<vmem_shared>>) offsets(%dma_start3A_457 : memref<128xi32, #tpu.memory_space<vmem>>) semaphore(%arg38 : memref<!tpu.dma_semaphore, #tpu.memory_space<semaphore_mem>>) {add = true}
    %dma_wait3A_461 = arith.constant 2 : i32
    %dma_wait3A_462 = arith.constant 0 : i32
    %dma_wait3A_463 = tpu.memref_slice %arg12[%dma_wait3A_461, %dma_wait3A_462] : memref<80x128xi32, #tpu.memory_space<vmem>> -> memref<1x128xi32, #tpu.memory_space<vmem>>
    %dma_wait3A_464 = tpu.memref_squeeze %dma_wait3A_463 : memref<1x128xi32, #tpu.memory_space<vmem>> -> memref<128xi32, #tpu.memory_space<vmem>>
    %dma_wait3A_465 = arith.constant 0 : i32
    %dma_wait3A_466 = arith.constant 0 : i32
    %dma_wait3A_467 = tpu.memref_slice %arg23[%dma_wait3A_465, %dma_wait3A_466] : memref<10240x16xf32, #tpu.memory_space<vmem_shared>> -> memref<10240x16xf32, #tpu.memory_space<vmem_shared>>
    tpu.wait_indirect_dma semaphore(%arg34 : memref<!tpu.dma_semaphore, #tpu.memory_space<semaphore_mem>>) src(%arg15 : memref<128x16xf32, #tpu.memory_space<vmem>>) dst(%dma_wait3A_467 : memref<10240x16xf32, #tpu.memory_space<vmem_shared>>)
    %dma_start3A_468 = arith.constant 10 : i32
    %dma_start3A_469 = arith.constant 0 : i32
    %dma_start3A_470 = tpu.memref_slice %arg11[%dma_start3A_468, %dma_start3A_469] : memref<80x128xi32, #tpu.memory_space<vmem>> -> memref<1x128xi32, #tpu.memory_space<vmem>>
    %dma_start3A_471 = tpu.memref_squeeze %dma_start3A_470 : memref<1x128xi32, #tpu.memory_space<vmem>> -> memref<128xi32, #tpu.memory_space<vmem>>
    %dma_start3A_472 = arith.constant 0 : i32
    %dma_start3A_473 = arith.constant 0 : i32
    %dma_start3A_474 = tpu.memref_slice %arg22[%dma_start3A_472, %dma_start3A_473] : memref<10240x16xf32, #tpu.memory_space<vmem_shared>> -> memref<10240x16xf32, #tpu.memory_space<vmem_shared>>
    tpu.enqueue_indirect_dma source(%dma_start3A_474 : memref<10240x16xf32, #tpu.memory_space<vmem_shared>>) target(%arg15 : memref<128x16xf32, #tpu.memory_space<vmem>>) offsets(%dma_start3A_471 : memref<128xi32, #tpu.memory_space<vmem>>) semaphore(%arg26 : memref<!tpu.dma_semaphore, #tpu.memory_space<semaphore_mem>>)
    %dma_wait3A_475 = arith.constant 7 : i32
    %dma_wait3A_476 = arith.constant 0 : i32
    %dma_wait3A_477 = tpu.memref_slice %arg11[%dma_wait3A_475, %dma_wait3A_476] : memref<80x128xi32, #tpu.memory_space<vmem>> -> memref<1x128xi32, #tpu.memory_space<vmem>>
    %dma_wait3A_478 = tpu.memref_squeeze %dma_wait3A_477 : memref<1x128xi32, #tpu.memory_space<vmem>> -> memref<128xi32, #tpu.memory_space<vmem>>
    %dma_wait3A_479 = arith.constant 0 : i32
    %dma_wait3A_480 = arith.constant 0 : i32
    %dma_wait3A_481 = tpu.memref_slice %arg22[%dma_wait3A_479, %dma_wait3A_480] : memref<10240x16xf32, #tpu.memory_space<vmem_shared>> -> memref<10240x16xf32, #tpu.memory_space<vmem_shared>>
    tpu.wait_indirect_dma semaphore(%arg31 : memref<!tpu.dma_semaphore, #tpu.memory_space<semaphore_mem>>) src(%dma_wait3A_481 : memref<10240x16xf32, #tpu.memory_space<vmem_shared>>) dst(%arg20 : memref<128x16xf32, #tpu.memory_space<vmem>>)
    %dma_start3A_482 = arith.constant 7 : i32
    %dma_start3A_483 = arith.constant 0 : i32
    %dma_start3A_484 = tpu.memref_slice %arg12[%dma_start3A_482, %dma_start3A_483] : memref<80x128xi32, #tpu.memory_space<vmem>> -> memref<1x128xi32, #tpu.memory_space<vmem>>
    %dma_start3A_485 = tpu.memref_squeeze %dma_start3A_484 : memref<1x128xi32, #tpu.memory_space<vmem>> -> memref<128xi32, #tpu.memory_space<vmem>>
    %dma_start3A_486 = arith.constant 0 : i32
    %dma_start3A_487 = arith.constant 0 : i32
    %dma_start3A_488 = tpu.memref_slice %arg23[%dma_start3A_486, %dma_start3A_487] : memref<10240x16xf32, #tpu.memory_space<vmem_shared>> -> memref<10240x16xf32, #tpu.memory_space<vmem_shared>>
    tpu.enqueue_indirect_dma source(%arg20 : memref<128x16xf32, #tpu.memory_space<vmem>>) target(%dma_start3A_488 : memref<10240x16xf32, #tpu.memory_space<vmem_shared>>) offsets(%dma_start3A_485 : memref<128xi32, #tpu.memory_space<vmem>>) semaphore(%arg39 : memref<!tpu.dma_semaphore, #tpu.memory_space<semaphore_mem>>) {add = true}
    %dma_wait3A_489 = arith.constant 3 : i32
    %dma_wait3A_490 = arith.constant 0 : i32
    %dma_wait3A_491 = tpu.memref_slice %arg12[%dma_wait3A_489, %dma_wait3A_490] : memref<80x128xi32, #tpu.memory_space<vmem>> -> memref<1x128xi32, #tpu.memory_space<vmem>>
    %dma_wait3A_492 = tpu.memref_squeeze %dma_wait3A_491 : memref<1x128xi32, #tpu.memory_space<vmem>> -> memref<128xi32, #tpu.memory_space<vmem>>
    %dma_wait3A_493 = arith.constant 0 : i32
    %dma_wait3A_494 = arith.constant 0 : i32
    %dma_wait3A_495 = tpu.memref_slice %arg23[%dma_wait3A_493, %dma_wait3A_494] : memref<10240x16xf32, #tpu.memory_space<vmem_shared>> -> memref<10240x16xf32, #tpu.memory_space<vmem_shared>>
    tpu.wait_indirect_dma semaphore(%arg35 : memref<!tpu.dma_semaphore, #tpu.memory_space<semaphore_mem>>) src(%arg16 : memref<128x16xf32, #tpu.memory_space<vmem>>) dst(%dma_wait3A_495 : memref<10240x16xf32, #tpu.memory_space<vmem_shared>>)
    %dma_start3A_496 = arith.constant 11 : i32
    %dma_start3A_497 = arith.constant 0 : i32
    %dma_start3A_498 = tpu.memref_slice %arg11[%dma_start3A_496, %dma_start3A_497] : memref<80x128xi32, #tpu.memory_space<vmem>> -> memref<1x128xi32, #tpu.memory_space<vmem>>
    %dma_start3A_499 = tpu.memref_squeeze %dma_start3A_498 : memref<1x128xi32, #tpu.memory_space<vmem>> -> memref<128xi32, #tpu.memory_space<vmem>>
    %dma_start3A_500 = arith.constant 0 : i32
    %dma_start3A_501 = arith.constant 0 : i32
    %dma_start3A_502 = tpu.memref_slice %arg22[%dma_start3A_500, %dma_start3A_501] : memref<10240x16xf32, #tpu.memory_space<vmem_shared>> -> memref<10240x16xf32, #tpu.memory_space<vmem_shared>>
    tpu.enqueue_indirect_dma source(%dma_start3A_502 : memref<10240x16xf32, #tpu.memory_space<vmem_shared>>) target(%arg16 : memref<128x16xf32, #tpu.memory_space<vmem>>) offsets(%dma_start3A_499 : memref<128xi32, #tpu.memory_space<vmem>>) semaphore(%arg27 : memref<!tpu.dma_semaphore, #tpu.memory_space<semaphore_mem>>)
    %scan3A_503 = arith.constant 0 : i32
    %scan3A_504 = arith.constant 1 : i32
    %scan3A_505 = arith.constant 8 : i32
    %scan3A_506 = arith.addi %scan3A_504, %scan3A_505 : i32
    %scan3A_507 = arith.constant 1 : i32
    scf.for %scan3A_734 = %scan3A_504 to %scan3A_506 step %scan3A_507  : i32 {
      %mul3A_735 = arith.constant 8 : i32
      %mul3A_736 = arith.muli %mul3A_735, %scan3A_734 : i32
      %add3A_737 = arith.constant 0 : i32
      %add3A_738 = arith.addi %mul3A_736, %add3A_737 : i32
      %dma_wait3A_739 = arith.constant 0 : i32
      %dma_wait3A_740 = tpu.memref_slice %arg11[%add3A_738, %dma_wait3A_739] : memref<80x128xi32, #tpu.memory_space<vmem>> -> memref<1x128xi32, #tpu.memory_space<vmem>>
      %dma_wait3A_741 = tpu.memref_squeeze %dma_wait3A_740 : memref<1x128xi32, #tpu.memory_space<vmem>> -> memref<128xi32, #tpu.memory_space<vmem>>
      %dma_wait3A_742 = arith.constant 0 : i32
      %dma_wait3A_743 = arith.constant 0 : i32
      %dma_wait3A_744 = tpu.memref_slice %arg22[%dma_wait3A_742, %dma_wait3A_743] : memref<10240x16xf32, #tpu.memory_space<vmem_shared>> -> memref<10240x16xf32, #tpu.memory_space<vmem_shared>>
      tpu.wait_indirect_dma semaphore(%arg24 : memref<!tpu.dma_semaphore, #tpu.memory_space<semaphore_mem>>) src(%dma_wait3A_744 : memref<10240x16xf32, #tpu.memory_space<vmem_shared>>) dst(%arg13 : memref<128x16xf32, #tpu.memory_space<vmem>>)
      %dma_start3A_745 = arith.constant 0 : i32
      %dma_start3A_746 = tpu.memref_slice %arg12[%add3A_738, %dma_start3A_745] : memref<80x128xi32, #tpu.memory_space<vmem>> -> memref<1x128xi32, #tpu.memory_space<vmem>>
      %dma_start3A_747 = tpu.memref_squeeze %dma_start3A_746 : memref<1x128xi32, #tpu.memory_space<vmem>> -> memref<128xi32, #tpu.memory_space<vmem>>
      %dma_start3A_748 = arith.constant 0 : i32
      %dma_start3A_749 = arith.constant 0 : i32
      %dma_start3A_750 = tpu.memref_slice %arg23[%dma_start3A_748, %dma_start3A_749] : memref<10240x16xf32, #tpu.memory_space<vmem_shared>> -> memref<10240x16xf32, #tpu.memory_space<vmem_shared>>
      tpu.enqueue_indirect_dma source(%arg13 : memref<128x16xf32, #tpu.memory_space<vmem>>) target(%dma_start3A_750 : memref<10240x16xf32, #tpu.memory_space<vmem_shared>>) offsets(%dma_start3A_747 : memref<128xi32, #tpu.memory_space<vmem>>) semaphore(%arg32 : memref<!tpu.dma_semaphore, #tpu.memory_space<semaphore_mem>>) {add = true}
      %sub3A = arith.constant 4 : i32
      %sub3A_751 = arith.subi %add3A_738, %sub3A : i32
      %dma_wait3A_752 = arith.constant 0 : i32
      %dma_wait3A_753 = tpu.memref_slice %arg12[%sub3A_751, %dma_wait3A_752] : memref<80x128xi32, #tpu.memory_space<vmem>> -> memref<1x128xi32, #tpu.memory_space<vmem>>
      %dma_wait3A_754 = tpu.memref_squeeze %dma_wait3A_753 : memref<1x128xi32, #tpu.memory_space<vmem>> -> memref<128xi32, #tpu.memory_space<vmem>>
      %dma_wait3A_755 = arith.constant 0 : i32
      %dma_wait3A_756 = arith.constant 0 : i32
      %dma_wait3A_757 = tpu.memref_slice %arg23[%dma_wait3A_755, %dma_wait3A_756] : memref<10240x16xf32, #tpu.memory_space<vmem_shared>> -> memref<10240x16xf32, #tpu.memory_space<vmem_shared>>
      tpu.wait_indirect_dma semaphore(%arg36 : memref<!tpu.dma_semaphore, #tpu.memory_space<semaphore_mem>>) src(%arg17 : memref<128x16xf32, #tpu.memory_space<vmem>>) dst(%dma_wait3A_757 : memref<10240x16xf32, #tpu.memory_space<vmem_shared>>)
      %add3A_758 = arith.constant 4 : i32
      %add3A_759 = arith.addi %add3A_738, %add3A_758 : i32
      %dma_start3A_760 = arith.constant 0 : i32
      %dma_start3A_761 = tpu.memref_slice %arg11[%add3A_759, %dma_start3A_760] : memref<80x128xi32, #tpu.memory_space<vmem>> -> memref<1x128xi32, #tpu.memory_space<vmem>>
      %dma_start3A_762 = tpu.memref_squeeze %dma_start3A_761 : memref<1x128xi32, #tpu.memory_space<vmem>> -> memref<128xi32, #tpu.memory_space<vmem>>
      %dma_start3A_763 = arith.constant 0 : i32
      %dma_start3A_764 = arith.constant 0 : i32
      %dma_start3A_765 = tpu.memref_slice %arg22[%dma_start3A_763, %dma_start3A_764] : memref<10240x16xf32, #tpu.memory_space<vmem_shared>> -> memref<10240x16xf32, #tpu.memory_space<vmem_shared>>
      tpu.enqueue_indirect_dma source(%dma_start3A_765 : memref<10240x16xf32, #tpu.memory_space<vmem_shared>>) target(%arg17 : memref<128x16xf32, #tpu.memory_space<vmem>>) offsets(%dma_start3A_762 : memref<128xi32, #tpu.memory_space<vmem>>) semaphore(%arg28 : memref<!tpu.dma_semaphore, #tpu.memory_space<semaphore_mem>>)
      %mul3A_766 = arith.constant 8 : i32
      %mul3A_767 = arith.muli %mul3A_766, %scan3A_734 : i32
      %add3A_768 = arith.constant 1 : i32
      %add3A_769 = arith.addi %mul3A_767, %add3A_768 : i32
      %dma_wait3A_770 = arith.constant 0 : i32
      %dma_wait3A_771 = tpu.memref_slice %arg11[%add3A_769, %dma_wait3A_770] : memref<80x128xi32, #tpu.memory_space<vmem>> -> memref<1x128xi32, #tpu.memory_space<vmem>>
      %dma_wait3A_772 = tpu.memref_squeeze %dma_wait3A_771 : memref<1x128xi32, #tpu.memory_space<vmem>> -> memref<128xi32, #tpu.memory_space<vmem>>
      %dma_wait3A_773 = arith.constant 0 : i32
      %dma_wait3A_774 = arith.constant 0 : i32
      %dma_wait3A_775 = tpu.memref_slice %arg22[%dma_wait3A_773, %dma_wait3A_774] : memref<10240x16xf32, #tpu.memory_space<vmem_shared>> -> memref<10240x16xf32, #tpu.memory_space<vmem_shared>>
      tpu.wait_indirect_dma semaphore(%arg25 : memref<!tpu.dma_semaphore, #tpu.memory_space<semaphore_mem>>) src(%dma_wait3A_775 : memref<10240x16xf32, #tpu.memory_space<vmem_shared>>) dst(%arg14 : memref<128x16xf32, #tpu.memory_space<vmem>>)
      %dma_start3A_776 = arith.constant 0 : i32
      %dma_start3A_777 = tpu.memref_slice %arg12[%add3A_769, %dma_start3A_776] : memref<80x128xi32, #tpu.memory_space<vmem>> -> memref<1x128xi32, #tpu.memory_space<vmem>>
      %dma_start3A_778 = tpu.memref_squeeze %dma_start3A_777 : memref<1x128xi32, #tpu.memory_space<vmem>> -> memref<128xi32, #tpu.memory_space<vmem>>
      %dma_start3A_779 = arith.constant 0 : i32
      %dma_start3A_780 = arith.constant 0 : i32
      %dma_start3A_781 = tpu.memref_slice %arg23[%dma_start3A_779, %dma_start3A_780] : memref<10240x16xf32, #tpu.memory_space<vmem_shared>> -> memref<10240x16xf32, #tpu.memory_space<vmem_shared>>
      tpu.enqueue_indirect_dma source(%arg14 : memref<128x16xf32, #tpu.memory_space<vmem>>) target(%dma_start3A_781 : memref<10240x16xf32, #tpu.memory_space<vmem_shared>>) offsets(%dma_start3A_778 : memref<128xi32, #tpu.memory_space<vmem>>) semaphore(%arg33 : memref<!tpu.dma_semaphore, #tpu.memory_space<semaphore_mem>>) {add = true}
      %sub3A_782 = arith.constant 4 : i32
      %sub3A_783 = arith.subi %add3A_769, %sub3A_782 : i32
      %dma_wait3A_784 = arith.constant 0 : i32
      %dma_wait3A_785 = tpu.memref_slice %arg12[%sub3A_783, %dma_wait3A_784] : memref<80x128xi32, #tpu.memory_space<vmem>> -> memref<1x128xi32, #tpu.memory_space<vmem>>
      %dma_wait3A_786 = tpu.memref_squeeze %dma_wait3A_785 : memref<1x128xi32, #tpu.memory_space<vmem>> -> memref<128xi32, #tpu.memory_space<vmem>>
      %dma_wait3A_787 = arith.constant 0 : i32
      %dma_wait3A_788 = arith.constant 0 : i32
      %dma_wait3A_789 = tpu.memref_slice %arg23[%dma_wait3A_787, %dma_wait3A_788] : memref<10240x16xf32, #tpu.memory_space<vmem_shared>> -> memref<10240x16xf32, #tpu.memory_space<vmem_shared>>
      tpu.wait_indirect_dma semaphore(%arg37 : memref<!tpu.dma_semaphore, #tpu.memory_space<semaphore_mem>>) src(%arg18 : memref<128x16xf32, #tpu.memory_space<vmem>>) dst(%dma_wait3A_789 : memref<10240x16xf32, #tpu.memory_space<vmem_shared>>)
      %add3A_790 = arith.constant 4 : i32
      %add3A_791 = arith.addi %add3A_769, %add3A_790 : i32
      %dma_start3A_792 = arith.constant 0 : i32
      %dma_start3A_793 = tpu.memref_slice %arg11[%add3A_791, %dma_start3A_792] : memref<80x128xi32, #tpu.memory_space<vmem>> -> memref<1x128xi32, #tpu.memory_space<vmem>>
      %dma_start3A_794 = tpu.memref_squeeze %dma_start3A_793 : memref<1x128xi32, #tpu.memory_space<vmem>> -> memref<128xi32, #tpu.memory_space<vmem>>
      %dma_start3A_795 = arith.constant 0 : i32
      %dma_start3A_796 = arith.constant 0 : i32
      %dma_start3A_797 = tpu.memref_slice %arg22[%dma_start3A_795, %dma_start3A_796] : memref<10240x16xf32, #tpu.memory_space<vmem_shared>> -> memref<10240x16xf32, #tpu.memory_space<vmem_shared>>
      tpu.enqueue_indirect_dma source(%dma_start3A_797 : memref<10240x16xf32, #tpu.memory_space<vmem_shared>>) target(%arg18 : memref<128x16xf32, #tpu.memory_space<vmem>>) offsets(%dma_start3A_794 : memref<128xi32, #tpu.memory_space<vmem>>) semaphore(%arg29 : memref<!tpu.dma_semaphore, #tpu.memory_space<semaphore_mem>>)
      %mul3A_798 = arith.constant 8 : i32
      %mul3A_799 = arith.muli %mul3A_798, %scan3A_734 : i32
      %add3A_800 = arith.constant 2 : i32
      %add3A_801 = arith.addi %mul3A_799, %add3A_800 : i32
      %dma_wait3A_802 = arith.constant 0 : i32
      %dma_wait3A_803 = tpu.memref_slice %arg11[%add3A_801, %dma_wait3A_802] : memref<80x128xi32, #tpu.memory_space<vmem>> -> memref<1x128xi32, #tpu.memory_space<vmem>>
      %dma_wait3A_804 = tpu.memref_squeeze %dma_wait3A_803 : memref<1x128xi32, #tpu.memory_space<vmem>> -> memref<128xi32, #tpu.memory_space<vmem>>
      %dma_wait3A_805 = arith.constant 0 : i32
      %dma_wait3A_806 = arith.constant 0 : i32
      %dma_wait3A_807 = tpu.memref_slice %arg22[%dma_wait3A_805, %dma_wait3A_806] : memref<10240x16xf32, #tpu.memory_space<vmem_shared>> -> memref<10240x16xf32, #tpu.memory_space<vmem_shared>>
      tpu.wait_indirect_dma semaphore(%arg26 : memref<!tpu.dma_semaphore, #tpu.memory_space<semaphore_mem>>) src(%dma_wait3A_807 : memref<10240x16xf32, #tpu.memory_space<vmem_shared>>) dst(%arg15 : memref<128x16xf32, #tpu.memory_space<vmem>>)
      %dma_start3A_808 = arith.constant 0 : i32
      %dma_start3A_809 = tpu.memref_slice %arg12[%add3A_801, %dma_start3A_808] : memref<80x128xi32, #tpu.memory_space<vmem>> -> memref<1x128xi32, #tpu.memory_space<vmem>>
      %dma_start3A_810 = tpu.memref_squeeze %dma_start3A_809 : memref<1x128xi32, #tpu.memory_space<vmem>> -> memref<128xi32, #tpu.memory_space<vmem>>
      %dma_start3A_811 = arith.constant 0 : i32
      %dma_start3A_812 = arith.constant 0 : i32
      %dma_start3A_813 = tpu.memref_slice %arg23[%dma_start3A_811, %dma_start3A_812] : memref<10240x16xf32, #tpu.memory_space<vmem_shared>> -> memref<10240x16xf32, #tpu.memory_space<vmem_shared>>
      tpu.enqueue_indirect_dma source(%arg15 : memref<128x16xf32, #tpu.memory_space<vmem>>) target(%dma_start3A_813 : memref<10240x16xf32, #tpu.memory_space<vmem_shared>>) offsets(%dma_start3A_810 : memref<128xi32, #tpu.memory_space<vmem>>) semaphore(%arg34 : memref<!tpu.dma_semaphore, #tpu.memory_space<semaphore_mem>>) {add = true}
      %sub3A_814 = arith.constant 4 : i32
      %sub3A_815 = arith.subi %add3A_801, %sub3A_814 : i32
      %dma_wait3A_816 = arith.constant 0 : i32
      %dma_wait3A_817 = tpu.memref_slice %arg12[%sub3A_815, %dma_wait3A_816] : memref<80x128xi32, #tpu.memory_space<vmem>> -> memref<1x128xi32, #tpu.memory_space<vmem>>
      %dma_wait3A_818 = tpu.memref_squeeze %dma_wait3A_817 : memref<1x128xi32, #tpu.memory_space<vmem>> -> memref<128xi32, #tpu.memory_space<vmem>>
      %dma_wait3A_819 = arith.constant 0 : i32
      %dma_wait3A_820 = arith.constant 0 : i32
      %dma_wait3A_821 = tpu.memref_slice %arg23[%dma_wait3A_819, %dma_wait3A_820] : memref<10240x16xf32, #tpu.memory_space<vmem_shared>> -> memref<10240x16xf32, #tpu.memory_space<vmem_shared>>
      tpu.wait_indirect_dma semaphore(%arg38 : memref<!tpu.dma_semaphore, #tpu.memory_space<semaphore_mem>>) src(%arg19 : memref<128x16xf32, #tpu.memory_space<vmem>>) dst(%dma_wait3A_821 : memref<10240x16xf32, #tpu.memory_space<vmem_shared>>)
      %add3A_822 = arith.constant 4 : i32
      %add3A_823 = arith.addi %add3A_801, %add3A_822 : i32
      %dma_start3A_824 = arith.constant 0 : i32
      %dma_start3A_825 = tpu.memref_slice %arg11[%add3A_823, %dma_start3A_824] : memref<80x128xi32, #tpu.memory_space<vmem>> -> memref<1x128xi32, #tpu.memory_space<vmem>>
      %dma_start3A_826 = tpu.memref_squeeze %dma_start3A_825 : memref<1x128xi32, #tpu.memory_space<vmem>> -> memref<128xi32, #tpu.memory_space<vmem>>
      %dma_start3A_827 = arith.constant 0 : i32
      %dma_start3A_828 = arith.constant 0 : i32
      %dma_start3A_829 = tpu.memref_slice %arg22[%dma_start3A_827, %dma_start3A_828] : memref<10240x16xf32, #tpu.memory_space<vmem_shared>> -> memref<10240x16xf32, #tpu.memory_space<vmem_shared>>
      tpu.enqueue_indirect_dma source(%dma_start3A_829 : memref<10240x16xf32, #tpu.memory_space<vmem_shared>>) target(%arg19 : memref<128x16xf32, #tpu.memory_space<vmem>>) offsets(%dma_start3A_826 : memref<128xi32, #tpu.memory_space<vmem>>) semaphore(%arg30 : memref<!tpu.dma_semaphore, #tpu.memory_space<semaphore_mem>>)
      %mul3A_830 = arith.constant 8 : i32
      %mul3A_831 = arith.muli %mul3A_830, %scan3A_734 : i32
      %add3A_832 = arith.constant 3 : i32
      %add3A_833 = arith.addi %mul3A_831, %add3A_832 : i32
      %dma_wait3A_834 = arith.constant 0 : i32
      %dma_wait3A_835 = tpu.memref_slice %arg11[%add3A_833, %dma_wait3A_834] : memref<80x128xi32, #tpu.memory_space<vmem>> -> memref<1x128xi32, #tpu.memory_space<vmem>>
      %dma_wait3A_836 = tpu.memref_squeeze %dma_wait3A_835 : memref<1x128xi32, #tpu.memory_space<vmem>> -> memref<128xi32, #tpu.memory_space<vmem>>
      %dma_wait3A_837 = arith.constant 0 : i32
      %dma_wait3A_838 = arith.constant 0 : i32
      %dma_wait3A_839 = tpu.memref_slice %arg22[%dma_wait3A_837, %dma_wait3A_838] : memref<10240x16xf32, #tpu.memory_space<vmem_shared>> -> memref<10240x16xf32, #tpu.memory_space<vmem_shared>>
      tpu.wait_indirect_dma semaphore(%arg27 : memref<!tpu.dma_semaphore, #tpu.memory_space<semaphore_mem>>) src(%dma_wait3A_839 : memref<10240x16xf32, #tpu.memory_space<vmem_shared>>) dst(%arg16 : memref<128x16xf32, #tpu.memory_space<vmem>>)
      %dma_start3A_840 = arith.constant 0 : i32
      %dma_start3A_841 = tpu.memref_slice %arg12[%add3A_833, %dma_start3A_840] : memref<80x128xi32, #tpu.memory_space<vmem>> -> memref<1x128xi32, #tpu.memory_space<vmem>>
      %dma_start3A_842 = tpu.memref_squeeze %dma_start3A_841 : memref<1x128xi32, #tpu.memory_space<vmem>> -> memref<128xi32, #tpu.memory_space<vmem>>
      %dma_start3A_843 = arith.constant 0 : i32
      %dma_start3A_844 = arith.constant 0 : i32
      %dma_start3A_845 = tpu.memref_slice %arg23[%dma_start3A_843, %dma_start3A_844] : memref<10240x16xf32, #tpu.memory_space<vmem_shared>> -> memref<10240x16xf32, #tpu.memory_space<vmem_shared>>
      tpu.enqueue_indirect_dma source(%arg16 : memref<128x16xf32, #tpu.memory_space<vmem>>) target(%dma_start3A_845 : memref<10240x16xf32, #tpu.memory_space<vmem_shared>>) offsets(%dma_start3A_842 : memref<128xi32, #tpu.memory_space<vmem>>) semaphore(%arg35 : memref<!tpu.dma_semaphore, #tpu.memory_space<semaphore_mem>>) {add = true}
      %sub3A_846 = arith.constant 4 : i32
      %sub3A_847 = arith.subi %add3A_833, %sub3A_846 : i32
      %dma_wait3A_848 = arith.constant 0 : i32
      %dma_wait3A_849 = tpu.memref_slice %arg12[%sub3A_847, %dma_wait3A_848] : memref<80x128xi32, #tpu.memory_space<vmem>> -> memref<1x128xi32, #tpu.memory_space<vmem>>
      %dma_wait3A_850 = tpu.memref_squeeze %dma_wait3A_849 : memref<1x128xi32, #tpu.memory_space<vmem>> -> memref<128xi32, #tpu.memory_space<vmem>>
      %dma_wait3A_851 = arith.constant 0 : i32
      %dma_wait3A_852 = arith.constant 0 : i32
      %dma_wait3A_853 = tpu.memref_slice %arg23[%dma_wait3A_851, %dma_wait3A_852] : memref<10240x16xf32, #tpu.memory_space<vmem_shared>> -> memref<10240x16xf32, #tpu.memory_space<vmem_shared>>
      tpu.wait_indirect_dma semaphore(%arg39 : memref<!tpu.dma_semaphore, #tpu.memory_space<semaphore_mem>>) src(%arg20 : memref<128x16xf32, #tpu.memory_space<vmem>>) dst(%dma_wait3A_853 : memref<10240x16xf32, #tpu.memory_space<vmem_shared>>)
      %add3A_854 = arith.constant 4 : i32
      %add3A_855 = arith.addi %add3A_833, %add3A_854 : i32
      %dma_start3A_856 = arith.constant 0 : i32
      %dma_start3A_857 = tpu.memref_slice %arg11[%add3A_855, %dma_start3A_856] : memref<80x128xi32, #tpu.memory_space<vmem>> -> memref<1x128xi32, #tpu.memory_space<vmem>>
      %dma_start3A_858 = tpu.memref_squeeze %dma_start3A_857 : memref<1x128xi32, #tpu.memory_space<vmem>> -> memref<128xi32, #tpu.memory_space<vmem>>
      %dma_start3A_859 = arith.constant 0 : i32
      %dma_start3A_860 = arith.constant 0 : i32
      %dma_start3A_861 = tpu.memref_slice %arg22[%dma_start3A_859, %dma_start3A_860] : memref<10240x16xf32, #tpu.memory_space<vmem_shared>> -> memref<10240x16xf32, #tpu.memory_space<vmem_shared>>
      tpu.enqueue_indirect_dma source(%dma_start3A_861 : memref<10240x16xf32, #tpu.memory_space<vmem_shared>>) target(%arg20 : memref<128x16xf32, #tpu.memory_space<vmem>>) offsets(%dma_start3A_858 : memref<128xi32, #tpu.memory_space<vmem>>) semaphore(%arg31 : memref<!tpu.dma_semaphore, #tpu.memory_space<semaphore_mem>>)
      %mul3A_862 = arith.constant 8 : i32
      %mul3A_863 = arith.muli %mul3A_862, %scan3A_734 : i32
      %add3A_864 = arith.constant 4 : i32
      %add3A_865 = arith.addi %mul3A_863, %add3A_864 : i32
      %dma_wait3A_866 = arith.constant 0 : i32
      %dma_wait3A_867 = tpu.memref_slice %arg11[%add3A_865, %dma_wait3A_866] : memref<80x128xi32, #tpu.memory_space<vmem>> -> memref<1x128xi32, #tpu.memory_space<vmem>>
      %dma_wait3A_868 = tpu.memref_squeeze %dma_wait3A_867 : memref<1x128xi32, #tpu.memory_space<vmem>> -> memref<128xi32, #tpu.memory_space<vmem>>
      %dma_wait3A_869 = arith.constant 0 : i32
      %dma_wait3A_870 = arith.constant 0 : i32
      %dma_wait3A_871 = tpu.memref_slice %arg22[%dma_wait3A_869, %dma_wait3A_870] : memref<10240x16xf32, #tpu.memory_space<vmem_shared>> -> memref<10240x16xf32, #tpu.memory_space<vmem_shared>>
      tpu.wait_indirect_dma semaphore(%arg28 : memref<!tpu.dma_semaphore, #tpu.memory_space<semaphore_mem>>) src(%dma_wait3A_871 : memref<10240x16xf32, #tpu.memory_space<vmem_shared>>) dst(%arg17 : memref<128x16xf32, #tpu.memory_space<vmem>>)
      %dma_start3A_872 = arith.constant 0 : i32
      %dma_start3A_873 = tpu.memref_slice %arg12[%add3A_865, %dma_start3A_872] : memref<80x128xi32, #tpu.memory_space<vmem>> -> memref<1x128xi32, #tpu.memory_space<vmem>>
      %dma_start3A_874 = tpu.memref_squeeze %dma_start3A_873 : memref<1x128xi32, #tpu.memory_space<vmem>> -> memref<128xi32, #tpu.memory_space<vmem>>
      %dma_start3A_875 = arith.constant 0 : i32
      %dma_start3A_876 = arith.constant 0 : i32
      %dma_start3A_877 = tpu.memref_slice %arg23[%dma_start3A_875, %dma_start3A_876] : memref<10240x16xf32, #tpu.memory_space<vmem_shared>> -> memref<10240x16xf32, #tpu.memory_space<vmem_shared>>
      tpu.enqueue_indirect_dma source(%arg17 : memref<128x16xf32, #tpu.memory_space<vmem>>) target(%dma_start3A_877 : memref<10240x16xf32, #tpu.memory_space<vmem_shared>>) offsets(%dma_start3A_874 : memref<128xi32, #tpu.memory_space<vmem>>) semaphore(%arg36 : memref<!tpu.dma_semaphore, #tpu.memory_space<semaphore_mem>>) {add = true}
      %sub3A_878 = arith.constant 4 : i32
      %sub3A_879 = arith.subi %add3A_865, %sub3A_878 : i32
      %dma_wait3A_880 = arith.constant 0 : i32
      %dma_wait3A_881 = tpu.memref_slice %arg12[%sub3A_879, %dma_wait3A_880] : memref<80x128xi32, #tpu.memory_space<vmem>> -> memref<1x128xi32, #tpu.memory_space<vmem>>
      %dma_wait3A_882 = tpu.memref_squeeze %dma_wait3A_881 : memref<1x128xi32, #tpu.memory_space<vmem>> -> memref<128xi32, #tpu.memory_space<vmem>>
      %dma_wait3A_883 = arith.constant 0 : i32
      %dma_wait3A_884 = arith.constant 0 : i32
      %dma_wait3A_885 = tpu.memref_slice %arg23[%dma_wait3A_883, %dma_wait3A_884] : memref<10240x16xf32, #tpu.memory_space<vmem_shared>> -> memref<10240x16xf32, #tpu.memory_space<vmem_shared>>
      tpu.wait_indirect_dma semaphore(%arg32 : memref<!tpu.dma_semaphore, #tpu.memory_space<semaphore_mem>>) src(%arg13 : memref<128x16xf32, #tpu.memory_space<vmem>>) dst(%dma_wait3A_885 : memref<10240x16xf32, #tpu.memory_space<vmem_shared>>)
      %add3A_886 = arith.constant 4 : i32
      %add3A_887 = arith.addi %add3A_865, %add3A_886 : i32
      %dma_start3A_888 = arith.constant 0 : i32
      %dma_start3A_889 = tpu.memref_slice %arg11[%add3A_887, %dma_start3A_888] : memref<80x128xi32, #tpu.memory_space<vmem>> -> memref<1x128xi32, #tpu.memory_space<vmem>>
      %dma_start3A_890 = tpu.memref_squeeze %dma_start3A_889 : memref<1x128xi32, #tpu.memory_space<vmem>> -> memref<128xi32, #tpu.memory_space<vmem>>
      %dma_start3A_891 = arith.constant 0 : i32
      %dma_start3A_892 = arith.constant 0 : i32
      %dma_start3A_893 = tpu.memref_slice %arg22[%dma_start3A_891, %dma_start3A_892] : memref<10240x16xf32, #tpu.memory_space<vmem_shared>> -> memref<10240x16xf32, #tpu.memory_space<vmem_shared>>
      tpu.enqueue_indirect_dma source(%dma_start3A_893 : memref<10240x16xf32, #tpu.memory_space<vmem_shared>>) target(%arg13 : memref<128x16xf32, #tpu.memory_space<vmem>>) offsets(%dma_start3A_890 : memref<128xi32, #tpu.memory_space<vmem>>) semaphore(%arg24 : memref<!tpu.dma_semaphore, #tpu.memory_space<semaphore_mem>>)
      %mul3A_894 = arith.constant 8 : i32
      %mul3A_895 = arith.muli %mul3A_894, %scan3A_734 : i32
      %add3A_896 = arith.constant 5 : i32
      %add3A_897 = arith.addi %mul3A_895, %add3A_896 : i32
      %dma_wait3A_898 = arith.constant 0 : i32
      %dma_wait3A_899 = tpu.memref_slice %arg11[%add3A_897, %dma_wait3A_898] : memref<80x128xi32, #tpu.memory_space<vmem>> -> memref<1x128xi32, #tpu.memory_space<vmem>>
      %dma_wait3A_900 = tpu.memref_squeeze %dma_wait3A_899 : memref<1x128xi32, #tpu.memory_space<vmem>> -> memref<128xi32, #tpu.memory_space<vmem>>
      %dma_wait3A_901 = arith.constant 0 : i32
      %dma_wait3A_902 = arith.constant 0 : i32
      %dma_wait3A_903 = tpu.memref_slice %arg22[%dma_wait3A_901, %dma_wait3A_902] : memref<10240x16xf32, #tpu.memory_space<vmem_shared>> -> memref<10240x16xf32, #tpu.memory_space<vmem_shared>>
      tpu.wait_indirect_dma semaphore(%arg29 : memref<!tpu.dma_semaphore, #tpu.memory_space<semaphore_mem>>) src(%dma_wait3A_903 : memref<10240x16xf32, #tpu.memory_space<vmem_shared>>) dst(%arg18 : memref<128x16xf32, #tpu.memory_space<vmem>>)
      %dma_start3A_904 = arith.constant 0 : i32
      %dma_start3A_905 = tpu.memref_slice %arg12[%add3A_897, %dma_start3A_904] : memref<80x128xi32, #tpu.memory_space<vmem>> -> memref<1x128xi32, #tpu.memory_space<vmem>>
      %dma_start3A_906 = tpu.memref_squeeze %dma_start3A_905 : memref<1x128xi32, #tpu.memory_space<vmem>> -> memref<128xi32, #tpu.memory_space<vmem>>
      %dma_start3A_907 = arith.constant 0 : i32
      %dma_start3A_908 = arith.constant 0 : i32
      %dma_start3A_909 = tpu.memref_slice %arg23[%dma_start3A_907, %dma_start3A_908] : memref<10240x16xf32, #tpu.memory_space<vmem_shared>> -> memref<10240x16xf32, #tpu.memory_space<vmem_shared>>
      tpu.enqueue_indirect_dma source(%arg18 : memref<128x16xf32, #tpu.memory_space<vmem>>) target(%dma_start3A_909 : memref<10240x16xf32, #tpu.memory_space<vmem_shared>>) offsets(%dma_start3A_906 : memref<128xi32, #tpu.memory_space<vmem>>) semaphore(%arg37 : memref<!tpu.dma_semaphore, #tpu.memory_space<semaphore_mem>>) {add = true}
      %sub3A_910 = arith.constant 4 : i32
      %sub3A_911 = arith.subi %add3A_897, %sub3A_910 : i32
      %dma_wait3A_912 = arith.constant 0 : i32
      %dma_wait3A_913 = tpu.memref_slice %arg12[%sub3A_911, %dma_wait3A_912] : memref<80x128xi32, #tpu.memory_space<vmem>> -> memref<1x128xi32, #tpu.memory_space<vmem>>
      %dma_wait3A_914 = tpu.memref_squeeze %dma_wait3A_913 : memref<1x128xi32, #tpu.memory_space<vmem>> -> memref<128xi32, #tpu.memory_space<vmem>>
      %dma_wait3A_915 = arith.constant 0 : i32
      %dma_wait3A_916 = arith.constant 0 : i32
      %dma_wait3A_917 = tpu.memref_slice %arg23[%dma_wait3A_915, %dma_wait3A_916] : memref<10240x16xf32, #tpu.memory_space<vmem_shared>> -> memref<10240x16xf32, #tpu.memory_space<vmem_shared>>
      tpu.wait_indirect_dma semaphore(%arg33 : memref<!tpu.dma_semaphore, #tpu.memory_space<semaphore_mem>>) src(%arg14 : memref<128x16xf32, #tpu.memory_space<vmem>>) dst(%dma_wait3A_917 : memref<10240x16xf32, #tpu.memory_space<vmem_shared>>)
      %add3A_918 = arith.constant 4 : i32
      %add3A_919 = arith.addi %add3A_897, %add3A_918 : i32
      %dma_start3A_920 = arith.constant 0 : i32
      %dma_start3A_921 = tpu.memref_slice %arg11[%add3A_919, %dma_start3A_920] : memref<80x128xi32, #tpu.memory_space<vmem>> -> memref<1x128xi32, #tpu.memory_space<vmem>>
      %dma_start3A_922 = tpu.memref_squeeze %dma_start3A_921 : memref<1x128xi32, #tpu.memory_space<vmem>> -> memref<128xi32, #tpu.memory_space<vmem>>
      %dma_start3A_923 = arith.constant 0 : i32
      %dma_start3A_924 = arith.constant 0 : i32
      %dma_start3A_925 = tpu.memref_slice %arg22[%dma_start3A_923, %dma_start3A_924] : memref<10240x16xf32, #tpu.memory_space<vmem_shared>> -> memref<10240x16xf32, #tpu.memory_space<vmem_shared>>
      tpu.enqueue_indirect_dma source(%dma_start3A_925 : memref<10240x16xf32, #tpu.memory_space<vmem_shared>>) target(%arg14 : memref<128x16xf32, #tpu.memory_space<vmem>>) offsets(%dma_start3A_922 : memref<128xi32, #tpu.memory_space<vmem>>) semaphore(%arg25 : memref<!tpu.dma_semaphore, #tpu.memory_space<semaphore_mem>>)
      %mul3A_926 = arith.constant 8 : i32
      %mul3A_927 = arith.muli %mul3A_926, %scan3A_734 : i32
      %add3A_928 = arith.constant 6 : i32
      %add3A_929 = arith.addi %mul3A_927, %add3A_928 : i32
      %dma_wait3A_930 = arith.constant 0 : i32
      %dma_wait3A_931 = tpu.memref_slice %arg11[%add3A_929, %dma_wait3A_930] : memref<80x128xi32, #tpu.memory_space<vmem>> -> memref<1x128xi32, #tpu.memory_space<vmem>>
      %dma_wait3A_932 = tpu.memref_squeeze %dma_wait3A_931 : memref<1x128xi32, #tpu.memory_space<vmem>> -> memref<128xi32, #tpu.memory_space<vmem>>
      %dma_wait3A_933 = arith.constant 0 : i32
      %dma_wait3A_934 = arith.constant 0 : i32
      %dma_wait3A_935 = tpu.memref_slice %arg22[%dma_wait3A_933, %dma_wait3A_934] : memref<10240x16xf32, #tpu.memory_space<vmem_shared>> -> memref<10240x16xf32, #tpu.memory_space<vmem_shared>>
      tpu.wait_indirect_dma semaphore(%arg30 : memref<!tpu.dma_semaphore, #tpu.memory_space<semaphore_mem>>) src(%dma_wait3A_935 : memref<10240x16xf32, #tpu.memory_space<vmem_shared>>) dst(%arg19 : memref<128x16xf32, #tpu.memory_space<vmem>>)
      %dma_start3A_936 = arith.constant 0 : i32
      %dma_start3A_937 = tpu.memref_slice %arg12[%add3A_929, %dma_start3A_936] : memref<80x128xi32, #tpu.memory_space<vmem>> -> memref<1x128xi32, #tpu.memory_space<vmem>>
      %dma_start3A_938 = tpu.memref_squeeze %dma_start3A_937 : memref<1x128xi32, #tpu.memory_space<vmem>> -> memref<128xi32, #tpu.memory_space<vmem>>
      %dma_start3A_939 = arith.constant 0 : i32
      %dma_start3A_940 = arith.constant 0 : i32
      %dma_start3A_941 = tpu.memref_slice %arg23[%dma_start3A_939, %dma_start3A_940] : memref<10240x16xf32, #tpu.memory_space<vmem_shared>> -> memref<10240x16xf32, #tpu.memory_space<vmem_shared>>
      tpu.enqueue_indirect_dma source(%arg19 : memref<128x16xf32, #tpu.memory_space<vmem>>) target(%dma_start3A_941 : memref<10240x16xf32, #tpu.memory_space<vmem_shared>>) offsets(%dma_start3A_938 : memref<128xi32, #tpu.memory_space<vmem>>) semaphore(%arg38 : memref<!tpu.dma_semaphore, #tpu.memory_space<semaphore_mem>>) {add = true}
      %sub3A_942 = arith.constant 4 : i32
      %sub3A_943 = arith.subi %add3A_929, %sub3A_942 : i32
      %dma_wait3A_944 = arith.constant 0 : i32
      %dma_wait3A_945 = tpu.memref_slice %arg12[%sub3A_943, %dma_wait3A_944] : memref<80x128xi32, #tpu.memory_space<vmem>> -> memref<1x128xi32, #tpu.memory_space<vmem>>
      %dma_wait3A_946 = tpu.memref_squeeze %dma_wait3A_945 : memref<1x128xi32, #tpu.memory_space<vmem>> -> memref<128xi32, #tpu.memory_space<vmem>>
      %dma_wait3A_947 = arith.constant 0 : i32
      %dma_wait3A_948 = arith.constant 0 : i32
      %dma_wait3A_949 = tpu.memref_slice %arg23[%dma_wait3A_947, %dma_wait3A_948] : memref<10240x16xf32, #tpu.memory_space<vmem_shared>> -> memref<10240x16xf32, #tpu.memory_space<vmem_shared>>
      tpu.wait_indirect_dma semaphore(%arg34 : memref<!tpu.dma_semaphore, #tpu.memory_space<semaphore_mem>>) src(%arg15 : memref<128x16xf32, #tpu.memory_space<vmem>>) dst(%dma_wait3A_949 : memref<10240x16xf32, #tpu.memory_space<vmem_shared>>)
      %add3A_950 = arith.constant 4 : i32
      %add3A_951 = arith.addi %add3A_929, %add3A_950 : i32
      %dma_start3A_952 = arith.constant 0 : i32
      %dma_start3A_953 = tpu.memref_slice %arg11[%add3A_951, %dma_start3A_952] : memref<80x128xi32, #tpu.memory_space<vmem>> -> memref<1x128xi32, #tpu.memory_space<vmem>>
      %dma_start3A_954 = tpu.memref_squeeze %dma_start3A_953 : memref<1x128xi32, #tpu.memory_space<vmem>> -> memref<128xi32, #tpu.memory_space<vmem>>
      %dma_start3A_955 = arith.constant 0 : i32
      %dma_start3A_956 = arith.constant 0 : i32
      %dma_start3A_957 = tpu.memref_slice %arg22[%dma_start3A_955, %dma_start3A_956] : memref<10240x16xf32, #tpu.memory_space<vmem_shared>> -> memref<10240x16xf32, #tpu.memory_space<vmem_shared>>
      tpu.enqueue_indirect_dma source(%dma_start3A_957 : memref<10240x16xf32, #tpu.memory_space<vmem_shared>>) target(%arg15 : memref<128x16xf32, #tpu.memory_space<vmem>>) offsets(%dma_start3A_954 : memref<128xi32, #tpu.memory_space<vmem>>) semaphore(%arg26 : memref<!tpu.dma_semaphore, #tpu.memory_space<semaphore_mem>>)
      %mul3A_958 = arith.constant 8 : i32
      %mul3A_959 = arith.muli %mul3A_958, %scan3A_734 : i32
      %add3A_960 = arith.constant 7 : i32
      %add3A_961 = arith.addi %mul3A_959, %add3A_960 : i32
      %dma_wait3A_962 = arith.constant 0 : i32
      %dma_wait3A_963 = tpu.memref_slice %arg11[%add3A_961, %dma_wait3A_962] : memref<80x128xi32, #tpu.memory_space<vmem>> -> memref<1x128xi32, #tpu.memory_space<vmem>>
      %dma_wait3A_964 = tpu.memref_squeeze %dma_wait3A_963 : memref<1x128xi32, #tpu.memory_space<vmem>> -> memref<128xi32, #tpu.memory_space<vmem>>
      %dma_wait3A_965 = arith.constant 0 : i32
      %dma_wait3A_966 = arith.constant 0 : i32
      %dma_wait3A_967 = tpu.memref_slice %arg22[%dma_wait3A_965, %dma_wait3A_966] : memref<10240x16xf32, #tpu.memory_space<vmem_shared>> -> memref<10240x16xf32, #tpu.memory_space<vmem_shared>>
      tpu.wait_indirect_dma semaphore(%arg31 : memref<!tpu.dma_semaphore, #tpu.memory_space<semaphore_mem>>) src(%dma_wait3A_967 : memref<10240x16xf32, #tpu.memory_space<vmem_shared>>) dst(%arg20 : memref<128x16xf32, #tpu.memory_space<vmem>>)
      %dma_start3A_968 = arith.constant 0 : i32
      %dma_start3A_969 = tpu.memref_slice %arg12[%add3A_961, %dma_start3A_968] : memref<80x128xi32, #tpu.memory_space<vmem>> -> memref<1x128xi32, #tpu.memory_space<vmem>>
      %dma_start3A_970 = tpu.memref_squeeze %dma_start3A_969 : memref<1x128xi32, #tpu.memory_space<vmem>> -> memref<128xi32, #tpu.memory_space<vmem>>
      %dma_start3A_971 = arith.constant 0 : i32
      %dma_start3A_972 = arith.constant 0 : i32
      %dma_start3A_973 = tpu.memref_slice %arg23[%dma_start3A_971, %dma_start3A_972] : memref<10240x16xf32, #tpu.memory_space<vmem_shared>> -> memref<10240x16xf32, #tpu.memory_space<vmem_shared>>
      tpu.enqueue_indirect_dma source(%arg20 : memref<128x16xf32, #tpu.memory_space<vmem>>) target(%dma_start3A_973 : memref<10240x16xf32, #tpu.memory_space<vmem_shared>>) offsets(%dma_start3A_970 : memref<128xi32, #tpu.memory_space<vmem>>) semaphore(%arg39 : memref<!tpu.dma_semaphore, #tpu.memory_space<semaphore_mem>>) {add = true}
      %sub3A_974 = arith.constant 4 : i32
      %sub3A_975 = arith.subi %add3A_961, %sub3A_974 : i32
      %dma_wait3A_976 = arith.constant 0 : i32
      %dma_wait3A_977 = tpu.memref_slice %arg12[%sub3A_975, %dma_wait3A_976] : memref<80x128xi32, #tpu.memory_space<vmem>> -> memref<1x128xi32, #tpu.memory_space<vmem>>
      %dma_wait3A_978 = tpu.memref_squeeze %dma_wait3A_977 : memref<1x128xi32, #tpu.memory_space<vmem>> -> memref<128xi32, #tpu.memory_space<vmem>>
      %dma_wait3A_979 = arith.constant 0 : i32
      %dma_wait3A_980 = arith.constant 0 : i32
      %dma_wait3A_981 = tpu.memref_slice %arg23[%dma_wait3A_979, %dma_wait3A_980] : memref<10240x16xf32, #tpu.memory_space<vmem_shared>> -> memref<10240x16xf32, #tpu.memory_space<vmem_shared>>
      tpu.wait_indirect_dma semaphore(%arg35 : memref<!tpu.dma_semaphore, #tpu.memory_space<semaphore_mem>>) src(%arg16 : memref<128x16xf32, #tpu.memory_space<vmem>>) dst(%dma_wait3A_981 : memref<10240x16xf32, #tpu.memory_space<vmem_shared>>)
      %add3A_982 = arith.constant 4 : i32
      %add3A_983 = arith.addi %add3A_961, %add3A_982 : i32
      %dma_start3A_984 = arith.constant 0 : i32
      %dma_start3A_985 = tpu.memref_slice %arg11[%add3A_983, %dma_start3A_984] : memref<80x128xi32, #tpu.memory_space<vmem>> -> memref<1x128xi32, #tpu.memory_space<vmem>>
      %dma_start3A_986 = tpu.memref_squeeze %dma_start3A_985 : memref<1x128xi32, #tpu.memory_space<vmem>> -> memref<128xi32, #tpu.memory_space<vmem>>
      %dma_start3A_987 = arith.constant 0 : i32
      %dma_start3A_988 = arith.constant 0 : i32
      %dma_start3A_989 = tpu.memref_slice %arg22[%dma_start3A_987, %dma_start3A_988] : memref<10240x16xf32, #tpu.memory_space<vmem_shared>> -> memref<10240x16xf32, #tpu.memory_space<vmem_shared>>
      tpu.enqueue_indirect_dma source(%dma_start3A_989 : memref<10240x16xf32, #tpu.memory_space<vmem_shared>>) target(%arg16 : memref<128x16xf32, #tpu.memory_space<vmem>>) offsets(%dma_start3A_986 : memref<128xi32, #tpu.memory_space<vmem>>) semaphore(%arg27 : memref<!tpu.dma_semaphore, #tpu.memory_space<semaphore_mem>>)
    }
    %scan3A_508 = arith.constant 8 : i32
    %dma_wait3A_509 = arith.constant 72 : i32
    %dma_wait3A_510 = arith.constant 0 : i32
    %dma_wait3A_511 = tpu.memref_slice %arg11[%dma_wait3A_509, %dma_wait3A_510] : memref<80x128xi32, #tpu.memory_space<vmem>> -> memref<1x128xi32, #tpu.memory_space<vmem>>
    %dma_wait3A_512 = tpu.memref_squeeze %dma_wait3A_511 : memref<1x128xi32, #tpu.memory_space<vmem>> -> memref<128xi32, #tpu.memory_space<vmem>>
    %dma_wait3A_513 = arith.constant 0 : i32
    %dma_wait3A_514 = arith.constant 0 : i32
    %dma_wait3A_515 = tpu.memref_slice %arg22[%dma_wait3A_513, %dma_wait3A_514] : memref<10240x16xf32, #tpu.memory_space<vmem_shared>> -> memref<10240x16xf32, #tpu.memory_space<vmem_shared>>
    tpu.wait_indirect_dma semaphore(%arg24 : memref<!tpu.dma_semaphore, #tpu.memory_space<semaphore_mem>>) src(%dma_wait3A_515 : memref<10240x16xf32, #tpu.memory_space<vmem_shared>>) dst(%arg13 : memref<128x16xf32, #tpu.memory_space<vmem>>)
    %dma_start3A_516 = arith.constant 72 : i32
    %dma_start3A_517 = arith.constant 0 : i32
    %dma_start3A_518 = tpu.memref_slice %arg12[%dma_start3A_516, %dma_start3A_517] : memref<80x128xi32, #tpu.memory_space<vmem>> -> memref<1x128xi32, #tpu.memory_space<vmem>>
    %dma_start3A_519 = tpu.memref_squeeze %dma_start3A_518 : memref<1x128xi32, #tpu.memory_space<vmem>> -> memref<128xi32, #tpu.memory_space<vmem>>
    %dma_start3A_520 = arith.constant 0 : i32
    %dma_start3A_521 = arith.constant 0 : i32
    %dma_start3A_522 = tpu.memref_slice %arg23[%dma_start3A_520, %dma_start3A_521] : memref<10240x16xf32, #tpu.memory_space<vmem_shared>> -> memref<10240x16xf32, #tpu.memory_space<vmem_shared>>
    tpu.enqueue_indirect_dma source(%arg13 : memref<128x16xf32, #tpu.memory_space<vmem>>) target(%dma_start3A_522 : memref<10240x16xf32, #tpu.memory_space<vmem_shared>>) offsets(%dma_start3A_519 : memref<128xi32, #tpu.memory_space<vmem>>) semaphore(%arg32 : memref<!tpu.dma_semaphore, #tpu.memory_space<semaphore_mem>>) {add = true}
    %dma_wait3A_523 = arith.constant 68 : i32
    %dma_wait3A_524 = arith.constant 0 : i32
    %dma_wait3A_525 = tpu.memref_slice %arg12[%dma_wait3A_523, %dma_wait3A_524] : memref<80x128xi32, #tpu.memory_space<vmem>> -> memref<1x128xi32, #tpu.memory_space<vmem>>
    %dma_wait3A_526 = tpu.memref_squeeze %dma_wait3A_525 : memref<1x128xi32, #tpu.memory_space<vmem>> -> memref<128xi32, #tpu.memory_space<vmem>>
    %dma_wait3A_527 = arith.constant 0 : i32
    %dma_wait3A_528 = arith.constant 0 : i32
    %dma_wait3A_529 = tpu.memref_slice %arg23[%dma_wait3A_527, %dma_wait3A_528] : memref<10240x16xf32, #tpu.memory_space<vmem_shared>> -> memref<10240x16xf32, #tpu.memory_space<vmem_shared>>
    tpu.wait_indirect_dma semaphore(%arg36 : memref<!tpu.dma_semaphore, #tpu.memory_space<semaphore_mem>>) src(%arg17 : memref<128x16xf32, #tpu.memory_space<vmem>>) dst(%dma_wait3A_529 : memref<10240x16xf32, #tpu.memory_space<vmem_shared>>)
    %dma_start3A_530 = arith.constant 76 : i32
    %dma_start3A_531 = arith.constant 0 : i32
    %dma_start3A_532 = tpu.memref_slice %arg11[%dma_start3A_530, %dma_start3A_531] : memref<80x128xi32, #tpu.memory_space<vmem>> -> memref<1x128xi32, #tpu.memory_space<vmem>>
    %dma_start3A_533 = tpu.memref_squeeze %dma_start3A_532 : memref<1x128xi32, #tpu.memory_space<vmem>> -> memref<128xi32, #tpu.memory_space<vmem>>
    %dma_start3A_534 = arith.constant 0 : i32
    %dma_start3A_535 = arith.constant 0 : i32
    %dma_start3A_536 = tpu.memref_slice %arg22[%dma_start3A_534, %dma_start3A_535] : memref<10240x16xf32, #tpu.memory_space<vmem_shared>> -> memref<10240x16xf32, #tpu.memory_space<vmem_shared>>
    tpu.enqueue_indirect_dma source(%dma_start3A_536 : memref<10240x16xf32, #tpu.memory_space<vmem_shared>>) target(%arg17 : memref<128x16xf32, #tpu.memory_space<vmem>>) offsets(%dma_start3A_533 : memref<128xi32, #tpu.memory_space<vmem>>) semaphore(%arg28 : memref<!tpu.dma_semaphore, #tpu.memory_space<semaphore_mem>>)
    %dma_wait3A_537 = arith.constant 73 : i32
    %dma_wait3A_538 = arith.constant 0 : i32
    %dma_wait3A_539 = tpu.memref_slice %arg11[%dma_wait3A_537, %dma_wait3A_538] : memref<80x128xi32, #tpu.memory_space<vmem>> -> memref<1x128xi32, #tpu.memory_space<vmem>>
    %dma_wait3A_540 = tpu.memref_squeeze %dma_wait3A_539 : memref<1x128xi32, #tpu.memory_space<vmem>> -> memref<128xi32, #tpu.memory_space<vmem>>
    %dma_wait3A_541 = arith.constant 0 : i32
    %dma_wait3A_542 = arith.constant 0 : i32
    %dma_wait3A_543 = tpu.memref_slice %arg22[%dma_wait3A_541, %dma_wait3A_542] : memref<10240x16xf32, #tpu.memory_space<vmem_shared>> -> memref<10240x16xf32, #tpu.memory_space<vmem_shared>>
    tpu.wait_indirect_dma semaphore(%arg25 : memref<!tpu.dma_semaphore, #tpu.memory_space<semaphore_mem>>) src(%dma_wait3A_543 : memref<10240x16xf32, #tpu.memory_space<vmem_shared>>) dst(%arg14 : memref<128x16xf32, #tpu.memory_space<vmem>>)
    %dma_start3A_544 = arith.constant 73 : i32
    %dma_start3A_545 = arith.constant 0 : i32
    %dma_start3A_546 = tpu.memref_slice %arg12[%dma_start3A_544, %dma_start3A_545] : memref<80x128xi32, #tpu.memory_space<vmem>> -> memref<1x128xi32, #tpu.memory_space<vmem>>
    %dma_start3A_547 = tpu.memref_squeeze %dma_start3A_546 : memref<1x128xi32, #tpu.memory_space<vmem>> -> memref<128xi32, #tpu.memory_space<vmem>>
    %dma_start3A_548 = arith.constant 0 : i32
    %dma_start3A_549 = arith.constant 0 : i32
    %dma_start3A_550 = tpu.memref_slice %arg23[%dma_start3A_548, %dma_start3A_549] : memref<10240x16xf32, #tpu.memory_space<vmem_shared>> -> memref<10240x16xf32, #tpu.memory_space<vmem_shared>>
    tpu.enqueue_indirect_dma source(%arg14 : memref<128x16xf32, #tpu.memory_space<vmem>>) target(%dma_start3A_550 : memref<10240x16xf32, #tpu.memory_space<vmem_shared>>) offsets(%dma_start3A_547 : memref<128xi32, #tpu.memory_space<vmem>>) semaphore(%arg33 : memref<!tpu.dma_semaphore, #tpu.memory_space<semaphore_mem>>) {add = true}
    %dma_wait3A_551 = arith.constant 69 : i32
    %dma_wait3A_552 = arith.constant 0 : i32
    %dma_wait3A_553 = tpu.memref_slice %arg12[%dma_wait3A_551, %dma_wait3A_552] : memref<80x128xi32, #tpu.memory_space<vmem>> -> memref<1x128xi32, #tpu.memory_space<vmem>>
    %dma_wait3A_554 = tpu.memref_squeeze %dma_wait3A_553 : memref<1x128xi32, #tpu.memory_space<vmem>> -> memref<128xi32, #tpu.memory_space<vmem>>
    %dma_wait3A_555 = arith.constant 0 : i32
    %dma_wait3A_556 = arith.constant 0 : i32
    %dma_wait3A_557 = tpu.memref_slice %arg23[%dma_wait3A_555, %dma_wait3A_556] : memref<10240x16xf32, #tpu.memory_space<vmem_shared>> -> memref<10240x16xf32, #tpu.memory_space<vmem_shared>>
    tpu.wait_indirect_dma semaphore(%arg37 : memref<!tpu.dma_semaphore, #tpu.memory_space<semaphore_mem>>) src(%arg18 : memref<128x16xf32, #tpu.memory_space<vmem>>) dst(%dma_wait3A_557 : memref<10240x16xf32, #tpu.memory_space<vmem_shared>>)
    %dma_start3A_558 = arith.constant 77 : i32
    %dma_start3A_559 = arith.constant 0 : i32
    %dma_start3A_560 = tpu.memref_slice %arg11[%dma_start3A_558, %dma_start3A_559] : memref<80x128xi32, #tpu.memory_space<vmem>> -> memref<1x128xi32, #tpu.memory_space<vmem>>
    %dma_start3A_561 = tpu.memref_squeeze %dma_start3A_560 : memref<1x128xi32, #tpu.memory_space<vmem>> -> memref<128xi32, #tpu.memory_space<vmem>>
    %dma_start3A_562 = arith.constant 0 : i32
    %dma_start3A_563 = arith.constant 0 : i32
    %dma_start3A_564 = tpu.memref_slice %arg22[%dma_start3A_562, %dma_start3A_563] : memref<10240x16xf32, #tpu.memory_space<vmem_shared>> -> memref<10240x16xf32, #tpu.memory_space<vmem_shared>>
    tpu.enqueue_indirect_dma source(%dma_start3A_564 : memref<10240x16xf32, #tpu.memory_space<vmem_shared>>) target(%arg18 : memref<128x16xf32, #tpu.memory_space<vmem>>) offsets(%dma_start3A_561 : memref<128xi32, #tpu.memory_space<vmem>>) semaphore(%arg29 : memref<!tpu.dma_semaphore, #tpu.memory_space<semaphore_mem>>)
    %dma_wait3A_565 = arith.constant 74 : i32
    %dma_wait3A_566 = arith.constant 0 : i32
    %dma_wait3A_567 = tpu.memref_slice %arg11[%dma_wait3A_565, %dma_wait3A_566] : memref<80x128xi32, #tpu.memory_space<vmem>> -> memref<1x128xi32, #tpu.memory_space<vmem>>
    %dma_wait3A_568 = tpu.memref_squeeze %dma_wait3A_567 : memref<1x128xi32, #tpu.memory_space<vmem>> -> memref<128xi32, #tpu.memory_space<vmem>>
    %dma_wait3A_569 = arith.constant 0 : i32
    %dma_wait3A_570 = arith.constant 0 : i32
    %dma_wait3A_571 = tpu.memref_slice %arg22[%dma_wait3A_569, %dma_wait3A_570] : memref<10240x16xf32, #tpu.memory_space<vmem_shared>> -> memref<10240x16xf32, #tpu.memory_space<vmem_shared>>
    tpu.wait_indirect_dma semaphore(%arg26 : memref<!tpu.dma_semaphore, #tpu.memory_space<semaphore_mem>>) src(%dma_wait3A_571 : memref<10240x16xf32, #tpu.memory_space<vmem_shared>>) dst(%arg15 : memref<128x16xf32, #tpu.memory_space<vmem>>)
    %dma_start3A_572 = arith.constant 74 : i32
    %dma_start3A_573 = arith.constant 0 : i32
    %dma_start3A_574 = tpu.memref_slice %arg12[%dma_start3A_572, %dma_start3A_573] : memref<80x128xi32, #tpu.memory_space<vmem>> -> memref<1x128xi32, #tpu.memory_space<vmem>>
    %dma_start3A_575 = tpu.memref_squeeze %dma_start3A_574 : memref<1x128xi32, #tpu.memory_space<vmem>> -> memref<128xi32, #tpu.memory_space<vmem>>
    %dma_start3A_576 = arith.constant 0 : i32
    %dma_start3A_577 = arith.constant 0 : i32
    %dma_start3A_578 = tpu.memref_slice %arg23[%dma_start3A_576, %dma_start3A_577] : memref<10240x16xf32, #tpu.memory_space<vmem_shared>> -> memref<10240x16xf32, #tpu.memory_space<vmem_shared>>
    tpu.enqueue_indirect_dma source(%arg15 : memref<128x16xf32, #tpu.memory_space<vmem>>) target(%dma_start3A_578 : memref<10240x16xf32, #tpu.memory_space<vmem_shared>>) offsets(%dma_start3A_575 : memref<128xi32, #tpu.memory_space<vmem>>) semaphore(%arg34 : memref<!tpu.dma_semaphore, #tpu.memory_space<semaphore_mem>>) {add = true}
    %dma_wait3A_579 = arith.constant 70 : i32
    %dma_wait3A_580 = arith.constant 0 : i32
    %dma_wait3A_581 = tpu.memref_slice %arg12[%dma_wait3A_579, %dma_wait3A_580] : memref<80x128xi32, #tpu.memory_space<vmem>> -> memref<1x128xi32, #tpu.memory_space<vmem>>
    %dma_wait3A_582 = tpu.memref_squeeze %dma_wait3A_581 : memref<1x128xi32, #tpu.memory_space<vmem>> -> memref<128xi32, #tpu.memory_space<vmem>>
    %dma_wait3A_583 = arith.constant 0 : i32
    %dma_wait3A_584 = arith.constant 0 : i32
    %dma_wait3A_585 = tpu.memref_slice %arg23[%dma_wait3A_583, %dma_wait3A_584] : memref<10240x16xf32, #tpu.memory_space<vmem_shared>> -> memref<10240x16xf32, #tpu.memory_space<vmem_shared>>
    tpu.wait_indirect_dma semaphore(%arg38 : memref<!tpu.dma_semaphore, #tpu.memory_space<semaphore_mem>>) src(%arg19 : memref<128x16xf32, #tpu.memory_space<vmem>>) dst(%dma_wait3A_585 : memref<10240x16xf32, #tpu.memory_space<vmem_shared>>)
    %dma_start3A_586 = arith.constant 78 : i32
    %dma_start3A_587 = arith.constant 0 : i32
    %dma_start3A_588 = tpu.memref_slice %arg11[%dma_start3A_586, %dma_start3A_587] : memref<80x128xi32, #tpu.memory_space<vmem>> -> memref<1x128xi32, #tpu.memory_space<vmem>>
    %dma_start3A_589 = tpu.memref_squeeze %dma_start3A_588 : memref<1x128xi32, #tpu.memory_space<vmem>> -> memref<128xi32, #tpu.memory_space<vmem>>
    %dma_start3A_590 = arith.constant 0 : i32
    %dma_start3A_591 = arith.constant 0 : i32
    %dma_start3A_592 = tpu.memref_slice %arg22[%dma_start3A_590, %dma_start3A_591] : memref<10240x16xf32, #tpu.memory_space<vmem_shared>> -> memref<10240x16xf32, #tpu.memory_space<vmem_shared>>
    tpu.enqueue_indirect_dma source(%dma_start3A_592 : memref<10240x16xf32, #tpu.memory_space<vmem_shared>>) target(%arg19 : memref<128x16xf32, #tpu.memory_space<vmem>>) offsets(%dma_start3A_589 : memref<128xi32, #tpu.memory_space<vmem>>) semaphore(%arg30 : memref<!tpu.dma_semaphore, #tpu.memory_space<semaphore_mem>>)
    %dma_wait3A_593 = arith.constant 75 : i32
    %dma_wait3A_594 = arith.constant 0 : i32
    %dma_wait3A_595 = tpu.memref_slice %arg11[%dma_wait3A_593, %dma_wait3A_594] : memref<80x128xi32, #tpu.memory_space<vmem>> -> memref<1x128xi32, #tpu.memory_space<vmem>>
    %dma_wait3A_596 = tpu.memref_squeeze %dma_wait3A_595 : memref<1x128xi32, #tpu.memory_space<vmem>> -> memref<128xi32, #tpu.memory_space<vmem>>
    %dma_wait3A_597 = arith.constant 0 : i32
    %dma_wait3A_598 = arith.constant 0 : i32
    %dma_wait3A_599 = tpu.memref_slice %arg22[%dma_wait3A_597, %dma_wait3A_598] : memref<10240x16xf32, #tpu.memory_space<vmem_shared>> -> memref<10240x16xf32, #tpu.memory_space<vmem_shared>>
    tpu.wait_indirect_dma semaphore(%arg27 : memref<!tpu.dma_semaphore, #tpu.memory_space<semaphore_mem>>) src(%dma_wait3A_599 : memref<10240x16xf32, #tpu.memory_space<vmem_shared>>) dst(%arg16 : memref<128x16xf32, #tpu.memory_space<vmem>>)
    %dma_start3A_600 = arith.constant 75 : i32
    %dma_start3A_601 = arith.constant 0 : i32
    %dma_start3A_602 = tpu.memref_slice %arg12[%dma_start3A_600, %dma_start3A_601] : memref<80x128xi32, #tpu.memory_space<vmem>> -> memref<1x128xi32, #tpu.memory_space<vmem>>
    %dma_start3A_603 = tpu.memref_squeeze %dma_start3A_602 : memref<1x128xi32, #tpu.memory_space<vmem>> -> memref<128xi32, #tpu.memory_space<vmem>>
    %dma_start3A_604 = arith.constant 0 : i32
    %dma_start3A_605 = arith.constant 0 : i32
    %dma_start3A_606 = tpu.memref_slice %arg23[%dma_start3A_604, %dma_start3A_605] : memref<10240x16xf32, #tpu.memory_space<vmem_shared>> -> memref<10240x16xf32, #tpu.memory_space<vmem_shared>>
    tpu.enqueue_indirect_dma source(%arg16 : memref<128x16xf32, #tpu.memory_space<vmem>>) target(%dma_start3A_606 : memref<10240x16xf32, #tpu.memory_space<vmem_shared>>) offsets(%dma_start3A_603 : memref<128xi32, #tpu.memory_space<vmem>>) semaphore(%arg35 : memref<!tpu.dma_semaphore, #tpu.memory_space<semaphore_mem>>) {add = true}
    %dma_wait3A_607 = arith.constant 71 : i32
    %dma_wait3A_608 = arith.constant 0 : i32
    %dma_wait3A_609 = tpu.memref_slice %arg12[%dma_wait3A_607, %dma_wait3A_608] : memref<80x128xi32, #tpu.memory_space<vmem>> -> memref<1x128xi32, #tpu.memory_space<vmem>>
    %dma_wait3A_610 = tpu.memref_squeeze %dma_wait3A_609 : memref<1x128xi32, #tpu.memory_space<vmem>> -> memref<128xi32, #tpu.memory_space<vmem>>
    %dma_wait3A_611 = arith.constant 0 : i32
    %dma_wait3A_612 = arith.constant 0 : i32
    %dma_wait3A_613 = tpu.memref_slice %arg23[%dma_wait3A_611, %dma_wait3A_612] : memref<10240x16xf32, #tpu.memory_space<vmem_shared>> -> memref<10240x16xf32, #tpu.memory_space<vmem_shared>>
    tpu.wait_indirect_dma semaphore(%arg39 : memref<!tpu.dma_semaphore, #tpu.memory_space<semaphore_mem>>) src(%arg20 : memref<128x16xf32, #tpu.memory_space<vmem>>) dst(%dma_wait3A_613 : memref<10240x16xf32, #tpu.memory_space<vmem_shared>>)
    %dma_start3A_614 = arith.constant 79 : i32
    %dma_start3A_615 = arith.constant 0 : i32
    %dma_start3A_616 = tpu.memref_slice %arg11[%dma_start3A_614, %dma_start3A_615] : memref<80x128xi32, #tpu.memory_space<vmem>> -> memref<1x128xi32, #tpu.memory_space<vmem>>
    %dma_start3A_617 = tpu.memref_squeeze %dma_start3A_616 : memref<1x128xi32, #tpu.memory_space<vmem>> -> memref<128xi32, #tpu.memory_space<vmem>>
    %dma_start3A_618 = arith.constant 0 : i32
    %dma_start3A_619 = arith.constant 0 : i32
    %dma_start3A_620 = tpu.memref_slice %arg22[%dma_start3A_618, %dma_start3A_619] : memref<10240x16xf32, #tpu.memory_space<vmem_shared>> -> memref<10240x16xf32, #tpu.memory_space<vmem_shared>>
    tpu.enqueue_indirect_dma source(%dma_start3A_620 : memref<10240x16xf32, #tpu.memory_space<vmem_shared>>) target(%arg20 : memref<128x16xf32, #tpu.memory_space<vmem>>) offsets(%dma_start3A_617 : memref<128xi32, #tpu.memory_space<vmem>>) semaphore(%arg31 : memref<!tpu.dma_semaphore, #tpu.memory_space<semaphore_mem>>)
    %dma_wait3A_621 = arith.constant 76 : i32
    %dma_wait3A_622 = arith.constant 0 : i32
    %dma_wait3A_623 = tpu.memref_slice %arg11[%dma_wait3A_621, %dma_wait3A_622] : memref<80x128xi32, #tpu.memory_space<vmem>> -> memref<1x128xi32, #tpu.memory_space<vmem>>
    %dma_wait3A_624 = tpu.memref_squeeze %dma_wait3A_623 : memref<1x128xi32, #tpu.memory_space<vmem>> -> memref<128xi32, #tpu.memory_space<vmem>>
    %dma_wait3A_625 = arith.constant 0 : i32
    %dma_wait3A_626 = arith.constant 0 : i32
    %dma_wait3A_627 = tpu.memref_slice %arg22[%dma_wait3A_625, %dma_wait3A_626] : memref<10240x16xf32, #tpu.memory_space<vmem_shared>> -> memref<10240x16xf32, #tpu.memory_space<vmem_shared>>
    tpu.wait_indirect_dma semaphore(%arg28 : memref<!tpu.dma_semaphore, #tpu.memory_space<semaphore_mem>>) src(%dma_wait3A_627 : memref<10240x16xf32, #tpu.memory_space<vmem_shared>>) dst(%arg17 : memref<128x16xf32, #tpu.memory_space<vmem>>)
    %dma_start3A_628 = arith.constant 76 : i32
    %dma_start3A_629 = arith.constant 0 : i32
    %dma_start3A_630 = tpu.memref_slice %arg12[%dma_start3A_628, %dma_start3A_629] : memref<80x128xi32, #tpu.memory_space<vmem>> -> memref<1x128xi32, #tpu.memory_space<vmem>>
    %dma_start3A_631 = tpu.memref_squeeze %dma_start3A_630 : memref<1x128xi32, #tpu.memory_space<vmem>> -> memref<128xi32, #tpu.memory_space<vmem>>
    %dma_start3A_632 = arith.constant 0 : i32
    %dma_start3A_633 = arith.constant 0 : i32
    %dma_start3A_634 = tpu.memref_slice %arg23[%dma_start3A_632, %dma_start3A_633] : memref<10240x16xf32, #tpu.memory_space<vmem_shared>> -> memref<10240x16xf32, #tpu.memory_space<vmem_shared>>
    tpu.enqueue_indirect_dma source(%arg17 : memref<128x16xf32, #tpu.memory_space<vmem>>) target(%dma_start3A_634 : memref<10240x16xf32, #tpu.memory_space<vmem_shared>>) offsets(%dma_start3A_631 : memref<128xi32, #tpu.memory_space<vmem>>) semaphore(%arg36 : memref<!tpu.dma_semaphore, #tpu.memory_space<semaphore_mem>>) {add = true}
    %dma_wait3A_635 = arith.constant 72 : i32
    %dma_wait3A_636 = arith.constant 0 : i32
    %dma_wait3A_637 = tpu.memref_slice %arg12[%dma_wait3A_635, %dma_wait3A_636] : memref<80x128xi32, #tpu.memory_space<vmem>> -> memref<1x128xi32, #tpu.memory_space<vmem>>
    %dma_wait3A_638 = tpu.memref_squeeze %dma_wait3A_637 : memref<1x128xi32, #tpu.memory_space<vmem>> -> memref<128xi32, #tpu.memory_space<vmem>>
    %dma_wait3A_639 = arith.constant 0 : i32
    %dma_wait3A_640 = arith.constant 0 : i32
    %dma_wait3A_641 = tpu.memref_slice %arg23[%dma_wait3A_639, %dma_wait3A_640] : memref<10240x16xf32, #tpu.memory_space<vmem_shared>> -> memref<10240x16xf32, #tpu.memory_space<vmem_shared>>
    tpu.wait_indirect_dma semaphore(%arg32 : memref<!tpu.dma_semaphore, #tpu.memory_space<semaphore_mem>>) src(%arg13 : memref<128x16xf32, #tpu.memory_space<vmem>>) dst(%dma_wait3A_641 : memref<10240x16xf32, #tpu.memory_space<vmem_shared>>)
    %dma_wait3A_642 = arith.constant 77 : i32
    %dma_wait3A_643 = arith.constant 0 : i32
    %dma_wait3A_644 = tpu.memref_slice %arg11[%dma_wait3A_642, %dma_wait3A_643] : memref<80x128xi32, #tpu.memory_space<vmem>> -> memref<1x128xi32, #tpu.memory_space<vmem>>
    %dma_wait3A_645 = tpu.memref_squeeze %dma_wait3A_644 : memref<1x128xi32, #tpu.memory_space<vmem>> -> memref<128xi32, #tpu.memory_space<vmem>>
    %dma_wait3A_646 = arith.constant 0 : i32
    %dma_wait3A_647 = arith.constant 0 : i32
    %dma_wait3A_648 = tpu.memref_slice %arg22[%dma_wait3A_646, %dma_wait3A_647] : memref<10240x16xf32, #tpu.memory_space<vmem_shared>> -> memref<10240x16xf32, #tpu.memory_space<vmem_shared>>
    tpu.wait_indirect_dma semaphore(%arg29 : memref<!tpu.dma_semaphore, #tpu.memory_space<semaphore_mem>>) src(%dma_wait3A_648 : memref<10240x16xf32, #tpu.memory_space<vmem_shared>>) dst(%arg18 : memref<128x16xf32, #tpu.memory_space<vmem>>)
    %dma_start3A_649 = arith.constant 77 : i32
    %dma_start3A_650 = arith.constant 0 : i32
    %dma_start3A_651 = tpu.memref_slice %arg12[%dma_start3A_649, %dma_start3A_650] : memref<80x128xi32, #tpu.memory_space<vmem>> -> memref<1x128xi32, #tpu.memory_space<vmem>>
    %dma_start3A_652 = tpu.memref_squeeze %dma_start3A_651 : memref<1x128xi32, #tpu.memory_space<vmem>> -> memref<128xi32, #tpu.memory_space<vmem>>
    %dma_start3A_653 = arith.constant 0 : i32
    %dma_start3A_654 = arith.constant 0 : i32
    %dma_start3A_655 = tpu.memref_slice %arg23[%dma_start3A_653, %dma_start3A_654] : memref<10240x16xf32, #tpu.memory_space<vmem_shared>> -> memref<10240x16xf32, #tpu.memory_space<vmem_shared>>
    tpu.enqueue_indirect_dma source(%arg18 : memref<128x16xf32, #tpu.memory_space<vmem>>) target(%dma_start3A_655 : memref<10240x16xf32, #tpu.memory_space<vmem_shared>>) offsets(%dma_start3A_652 : memref<128xi32, #tpu.memory_space<vmem>>) semaphore(%arg37 : memref<!tpu.dma_semaphore, #tpu.memory_space<semaphore_mem>>) {add = true}
    %dma_wait3A_656 = arith.constant 73 : i32
    %dma_wait3A_657 = arith.constant 0 : i32
    %dma_wait3A_658 = tpu.memref_slice %arg12[%dma_wait3A_656, %dma_wait3A_657] : memref<80x128xi32, #tpu.memory_space<vmem>> -> memref<1x128xi32, #tpu.memory_space<vmem>>
    %dma_wait3A_659 = tpu.memref_squeeze %dma_wait3A_658 : memref<1x128xi32, #tpu.memory_space<vmem>> -> memref<128xi32, #tpu.memory_space<vmem>>
    %dma_wait3A_660 = arith.constant 0 : i32
    %dma_wait3A_661 = arith.constant 0 : i32
    %dma_wait3A_662 = tpu.memref_slice %arg23[%dma_wait3A_660, %dma_wait3A_661] : memref<10240x16xf32, #tpu.memory_space<vmem_shared>> -> memref<10240x16xf32, #tpu.memory_space<vmem_shared>>
    tpu.wait_indirect_dma semaphore(%arg33 : memref<!tpu.dma_semaphore, #tpu.memory_space<semaphore_mem>>) src(%arg14 : memref<128x16xf32, #tpu.memory_space<vmem>>) dst(%dma_wait3A_662 : memref<10240x16xf32, #tpu.memory_space<vmem_shared>>)
    %dma_wait3A_663 = arith.constant 78 : i32
    %dma_wait3A_664 = arith.constant 0 : i32
    %dma_wait3A_665 = tpu.memref_slice %arg11[%dma_wait3A_663, %dma_wait3A_664] : memref<80x128xi32, #tpu.memory_space<vmem>> -> memref<1x128xi32, #tpu.memory_space<vmem>>
    %dma_wait3A_666 = tpu.memref_squeeze %dma_wait3A_665 : memref<1x128xi32, #tpu.memory_space<vmem>> -> memref<128xi32, #tpu.memory_space<vmem>>
    %dma_wait3A_667 = arith.constant 0 : i32
    %dma_wait3A_668 = arith.constant 0 : i32
    %dma_wait3A_669 = tpu.memref_slice %arg22[%dma_wait3A_667, %dma_wait3A_668] : memref<10240x16xf32, #tpu.memory_space<vmem_shared>> -> memref<10240x16xf32, #tpu.memory_space<vmem_shared>>
    tpu.wait_indirect_dma semaphore(%arg30 : memref<!tpu.dma_semaphore, #tpu.memory_space<semaphore_mem>>) src(%dma_wait3A_669 : memref<10240x16xf32, #tpu.memory_space<vmem_shared>>) dst(%arg19 : memref<128x16xf32, #tpu.memory_space<vmem>>)
    %dma_start3A_670 = arith.constant 78 : i32
    %dma_start3A_671 = arith.constant 0 : i32
    %dma_start3A_672 = tpu.memref_slice %arg12[%dma_start3A_670, %dma_start3A_671] : memref<80x128xi32, #tpu.memory_space<vmem>> -> memref<1x128xi32, #tpu.memory_space<vmem>>
    %dma_start3A_673 = tpu.memref_squeeze %dma_start3A_672 : memref<1x128xi32, #tpu.memory_space<vmem>> -> memref<128xi32, #tpu.memory_space<vmem>>
    %dma_start3A_674 = arith.constant 0 : i32
    %dma_start3A_675 = arith.constant 0 : i32
    %dma_start3A_676 = tpu.memref_slice %arg23[%dma_start3A_674, %dma_start3A_675] : memref<10240x16xf32, #tpu.memory_space<vmem_shared>> -> memref<10240x16xf32, #tpu.memory_space<vmem_shared>>
    tpu.enqueue_indirect_dma source(%arg19 : memref<128x16xf32, #tpu.memory_space<vmem>>) target(%dma_start3A_676 : memref<10240x16xf32, #tpu.memory_space<vmem_shared>>) offsets(%dma_start3A_673 : memref<128xi32, #tpu.memory_space<vmem>>) semaphore(%arg38 : memref<!tpu.dma_semaphore, #tpu.memory_space<semaphore_mem>>) {add = true}
    %dma_wait3A_677 = arith.constant 74 : i32
    %dma_wait3A_678 = arith.constant 0 : i32
    %dma_wait3A_679 = tpu.memref_slice %arg12[%dma_wait3A_677, %dma_wait3A_678] : memref<80x128xi32, #tpu.memory_space<vmem>> -> memref<1x128xi32, #tpu.memory_space<vmem>>
    %dma_wait3A_680 = tpu.memref_squeeze %dma_wait3A_679 : memref<1x128xi32, #tpu.memory_space<vmem>> -> memref<128xi32, #tpu.memory_space<vmem>>
    %dma_wait3A_681 = arith.constant 0 : i32
    %dma_wait3A_682 = arith.constant 0 : i32
    %dma_wait3A_683 = tpu.memref_slice %arg23[%dma_wait3A_681, %dma_wait3A_682] : memref<10240x16xf32, #tpu.memory_space<vmem_shared>> -> memref<10240x16xf32, #tpu.memory_space<vmem_shared>>
    tpu.wait_indirect_dma semaphore(%arg34 : memref<!tpu.dma_semaphore, #tpu.memory_space<semaphore_mem>>) src(%arg15 : memref<128x16xf32, #tpu.memory_space<vmem>>) dst(%dma_wait3A_683 : memref<10240x16xf32, #tpu.memory_space<vmem_shared>>)
    %dma_wait3A_684 = arith.constant 79 : i32
    %dma_wait3A_685 = arith.constant 0 : i32
    %dma_wait3A_686 = tpu.memref_slice %arg11[%dma_wait3A_684, %dma_wait3A_685] : memref<80x128xi32, #tpu.memory_space<vmem>> -> memref<1x128xi32, #tpu.memory_space<vmem>>
    %dma_wait3A_687 = tpu.memref_squeeze %dma_wait3A_686 : memref<1x128xi32, #tpu.memory_space<vmem>> -> memref<128xi32, #tpu.memory_space<vmem>>
    %dma_wait3A_688 = arith.constant 0 : i32
    %dma_wait3A_689 = arith.constant 0 : i32
    %dma_wait3A_690 = tpu.memref_slice %arg22[%dma_wait3A_688, %dma_wait3A_689] : memref<10240x16xf32, #tpu.memory_space<vmem_shared>> -> memref<10240x16xf32, #tpu.memory_space<vmem_shared>>
    tpu.wait_indirect_dma semaphore(%arg31 : memref<!tpu.dma_semaphore, #tpu.memory_space<semaphore_mem>>) src(%dma_wait3A_690 : memref<10240x16xf32, #tpu.memory_space<vmem_shared>>) dst(%arg20 : memref<128x16xf32, #tpu.memory_space<vmem>>)
    %dma_start3A_691 = arith.constant 79 : i32
    %dma_start3A_692 = arith.constant 0 : i32
    %dma_start3A_693 = tpu.memref_slice %arg12[%dma_start3A_691, %dma_start3A_692] : memref<80x128xi32, #tpu.memory_space<vmem>> -> memref<1x128xi32, #tpu.memory_space<vmem>>
    %dma_start3A_694 = tpu.memref_squeeze %dma_start3A_693 : memref<1x128xi32, #tpu.memory_space<vmem>> -> memref<128xi32, #tpu.memory_space<vmem>>
    %dma_start3A_695 = arith.constant 0 : i32
    %dma_start3A_696 = arith.constant 0 : i32
    %dma_start3A_697 = tpu.memref_slice %arg23[%dma_start3A_695, %dma_start3A_696] : memref<10240x16xf32, #tpu.memory_space<vmem_shared>> -> memref<10240x16xf32, #tpu.memory_space<vmem_shared>>
    tpu.enqueue_indirect_dma source(%arg20 : memref<128x16xf32, #tpu.memory_space<vmem>>) target(%dma_start3A_697 : memref<10240x16xf32, #tpu.memory_space<vmem_shared>>) offsets(%dma_start3A_694 : memref<128xi32, #tpu.memory_space<vmem>>) semaphore(%arg39 : memref<!tpu.dma_semaphore, #tpu.memory_space<semaphore_mem>>) {add = true}
    %dma_wait3A_698 = arith.constant 75 : i32
    %dma_wait3A_699 = arith.constant 0 : i32
    %dma_wait3A_700 = tpu.memref_slice %arg12[%dma_wait3A_698, %dma_wait3A_699] : memref<80x128xi32, #tpu.memory_space<vmem>> -> memref<1x128xi32, #tpu.memory_space<vmem>>
    %dma_wait3A_701 = tpu.memref_squeeze %dma_wait3A_700 : memref<1x128xi32, #tpu.memory_space<vmem>> -> memref<128xi32, #tpu.memory_space<vmem>>
    %dma_wait3A_702 = arith.constant 0 : i32
    %dma_wait3A_703 = arith.constant 0 : i32
    %dma_wait3A_704 = tpu.memref_slice %arg23[%dma_wait3A_702, %dma_wait3A_703] : memref<10240x16xf32, #tpu.memory_space<vmem_shared>> -> memref<10240x16xf32, #tpu.memory_space<vmem_shared>>
    tpu.wait_indirect_dma semaphore(%arg35 : memref<!tpu.dma_semaphore, #tpu.memory_space<semaphore_mem>>) src(%arg16 : memref<128x16xf32, #tpu.memory_space<vmem>>) dst(%dma_wait3A_704 : memref<10240x16xf32, #tpu.memory_space<vmem_shared>>)
    %dma_wait3A_705 = arith.constant 76 : i32
    %dma_wait3A_706 = arith.constant 0 : i32
    %dma_wait3A_707 = tpu.memref_slice %arg12[%dma_wait3A_705, %dma_wait3A_706] : memref<80x128xi32, #tpu.memory_space<vmem>> -> memref<1x128xi32, #tpu.memory_space<vmem>>
    %dma_wait3A_708 = tpu.memref_squeeze %dma_wait3A_707 : memref<1x128xi32, #tpu.memory_space<vmem>> -> memref<128xi32, #tpu.memory_space<vmem>>
    %dma_wait3A_709 = arith.constant 0 : i32
    %dma_wait3A_710 = arith.constant 0 : i32
    %dma_wait3A_711 = tpu.memref_slice %arg23[%dma_wait3A_709, %dma_wait3A_710] : memref<10240x16xf32, #tpu.memory_space<vmem_shared>> -> memref<10240x16xf32, #tpu.memory_space<vmem_shared>>
    tpu.wait_indirect_dma semaphore(%arg36 : memref<!tpu.dma_semaphore, #tpu.memory_space<semaphore_mem>>) src(%arg17 : memref<128x16xf32, #tpu.memory_space<vmem>>) dst(%dma_wait3A_711 : memref<10240x16xf32, #tpu.memory_space<vmem_shared>>)
    %dma_wait3A_712 = arith.constant 77 : i32
    %dma_wait3A_713 = arith.constant 0 : i32
    %dma_wait3A_714 = tpu.memref_slice %arg12[%dma_wait3A_712, %dma_wait3A_713] : memref<80x128xi32, #tpu.memory_space<vmem>> -> memref<1x128xi32, #tpu.memory_space<vmem>>
    %dma_wait3A_715 = tpu.memref_squeeze %dma_wait3A_714 : memref<1x128xi32, #tpu.memory_space<vmem>> -> memref<128xi32, #tpu.memory_space<vmem>>
    %dma_wait3A_716 = arith.constant 0 : i32
    %dma_wait3A_717 = arith.constant 0 : i32
    %dma_wait3A_718 = tpu.memref_slice %arg23[%dma_wait3A_716, %dma_wait3A_717] : memref<10240x16xf32, #tpu.memory_space<vmem_shared>> -> memref<10240x16xf32, #tpu.memory_space<vmem_shared>>
    tpu.wait_indirect_dma semaphore(%arg37 : memref<!tpu.dma_semaphore, #tpu.memory_space<semaphore_mem>>) src(%arg18 : memref<128x16xf32, #tpu.memory_space<vmem>>) dst(%dma_wait3A_718 : memref<10240x16xf32, #tpu.memory_space<vmem_shared>>)
    %dma_wait3A_719 = arith.constant 78 : i32
    %dma_wait3A_720 = arith.constant 0 : i32
    %dma_wait3A_721 = tpu.memref_slice %arg12[%dma_wait3A_719, %dma_wait3A_720] : memref<80x128xi32, #tpu.memory_space<vmem>> -> memref<1x128xi32, #tpu.memory_space<vmem>>
    %dma_wait3A_722 = tpu.memref_squeeze %dma_wait3A_721 : memref<1x128xi32, #tpu.memory_space<vmem>> -> memref<128xi32, #tpu.memory_space<vmem>>
    %dma_wait3A_723 = arith.constant 0 : i32
    %dma_wait3A_724 = arith.constant 0 : i32
    %dma_wait3A_725 = tpu.memref_slice %arg23[%dma_wait3A_723, %dma_wait3A_724] : memref<10240x16xf32, #tpu.memory_space<vmem_shared>> -> memref<10240x16xf32, #tpu.memory_space<vmem_shared>>
    tpu.wait_indirect_dma semaphore(%arg38 : memref<!tpu.dma_semaphore, #tpu.memory_space<semaphore_mem>>) src(%arg19 : memref<128x16xf32, #tpu.memory_space<vmem>>) dst(%dma_wait3A_725 : memref<10240x16xf32, #tpu.memory_space<vmem_shared>>)
    %dma_wait3A_726 = arith.constant 79 : i32
    %dma_wait3A_727 = arith.constant 0 : i32
    %dma_wait3A_728 = tpu.memref_slice %arg12[%dma_wait3A_726, %dma_wait3A_727] : memref<80x128xi32, #tpu.memory_space<vmem>> -> memref<1x128xi32, #tpu.memory_space<vmem>>
    %dma_wait3A_729 = tpu.memref_squeeze %dma_wait3A_728 : memref<1x128xi32, #tpu.memory_space<vmem>> -> memref<128xi32, #tpu.memory_space<vmem>>
    %dma_wait3A_730 = arith.constant 0 : i32
    %dma_wait3A_731 = arith.constant 0 : i32
    %dma_wait3A_732 = tpu.memref_slice %arg23[%dma_wait3A_730, %dma_wait3A_731] : memref<10240x16xf32, #tpu.memory_space<vmem_shared>> -> memref<10240x16xf32, #tpu.memory_space<vmem_shared>>
    tpu.wait_indirect_dma semaphore(%arg39 : memref<!tpu.dma_semaphore, #tpu.memory_space<semaphore_mem>>) src(%arg20 : memref<128x16xf32, #tpu.memory_space<vmem>>) dst(%dma_wait3A_732 : memref<10240x16xf32, #tpu.memory_space<vmem_shared>>)
    %barrier3A_733 = arith.constant 0 : index
    tpu.barrier barrier_id(%barrier3A_733)
    "tpu.region"() ({
      %run_scoped3A_734 = tpu.sem_alloc : memref<!tpu.dma_semaphore, #tpu.memory_space<semaphore_mem>>
      %dma_start3A_735 = arith.constant 0 : i32
      %dma_start3A_736 = tpu.memref_slice %arg5[%arg0, %mul3A_2, %dma_start3A_735] : memref<2x10240x16xf32, #tpu.memory_space<hbm>> -> memref<1x640x16xf32, #tpu.memory_space<hbm>>
      %dma_start3A_737 = tpu.memref_squeeze %dma_start3A_736 : memref<1x640x16xf32, #tpu.memory_space<hbm>> -> memref<640x16xf32, #tpu.memory_space<hbm>>
      %dma_start3A_738 = arith.constant 0 : i32
      %dma_start3A_739 = tpu.memref_slice %arg23[%mul3A_2, %dma_start3A_738] : memref<10240x16xf32, #tpu.memory_space<vmem_shared>> -> memref<640x16xf32, #tpu.memory_space<vmem_shared>>
      tpu.enqueue_dma source(%dma_start3A_739 : memref<640x16xf32, #tpu.memory_space<vmem_shared>>) target(%dma_start3A_737 : memref<640x16xf32, #tpu.memory_space<hbm>>) target_semaphore(%run_scoped3A_734 : memref<!tpu.dma_semaphore, #tpu.memory_space<semaphore_mem>>)
      %dma_wait3A_740 = arith.constant 0 : i32
      %dma_wait3A_741 = tpu.memref_slice %arg5[%arg0, %mul3A_2, %dma_wait3A_740] : memref<2x10240x16xf32, #tpu.memory_space<hbm>> -> memref<1x640x16xf32, #tpu.memory_space<hbm>>
      %dma_wait3A_742 = tpu.memref_squeeze %dma_wait3A_741 : memref<1x640x16xf32, #tpu.memory_space<hbm>> -> memref<640x16xf32, #tpu.memory_space<hbm>>
      %dma_wait3A_743 = arith.constant 0 : i32
      %dma_wait3A_744 = tpu.memref_slice %arg23[%mul3A_2, %dma_wait3A_743] : memref<10240x16xf32, #tpu.memory_space<vmem_shared>> -> memref<640x16xf32, #tpu.memory_space<vmem_shared>>
      tpu.wait_dma2 semaphore(%run_scoped3A_734 : memref<!tpu.dma_semaphore, #tpu.memory_space<semaphore_mem>>) src(%dma_wait3A_744 : memref<640x16xf32, #tpu.memory_space<vmem_shared>>) dst(%dma_wait3A_742 : memref<640x16xf32, #tpu.memory_space<hbm>>)
      tpu.yield
    }) : () -> ()
    return
  }
}

module attributes {stable_mosaic.version = 14 : i64} {
  func.func @_mm_body(%arg0: memref<10000x128xf32, #tpu.memory_space<vmem>>, %arg1: memref<128x16xf32, #tpu.memory_space<vmem>>, %arg2: memref<10240x16xf32, #tpu.memory_space<vmem>>) attributes {dimension_semantics = [], scalar_prefetch = 0 : i64, scratch_operands = 0 : i64, tpu.core_type = #tpu.core_type<tc>} {
    %get3A = arith.constant 0 : index
    %get3A_0 = arith.constant 0 : index
    %get3A_1 = vector.load %arg0[%get3A, %get3A_0] : memref<10000x128xf32, #tpu.memory_space<vmem>>, vector<10000x128xf32>
    %get3A_2 = arith.constant 0 : index
    %get3A_3 = arith.constant 0 : index
    %get3A_4 = vector.load %arg1[%get3A_2, %get3A_3] : memref<128x16xf32, #tpu.memory_space<vmem>>, vector<128x16xf32>
    %dot_general3A = arith.constant dense<0.000000e+00> : vector<10000x16xf32>
    %dot_general3A_5 = tpu.matmul %get3A_1, %get3A_4, %dot_general3A {dimension_numbers = #tpu.dot_dimension_numbers<[1], [0], [0], [1], [0, 0, 1, 1], [], []>, transpose_lhs_hint = false} : vector<10000x128xf32>, vector<128x16xf32>, vector<10000x16xf32> -> vector<10000x16xf32>
    %swap3A = arith.constant 0 : index
    %swap3A_6 = arith.constant 0 : index
    %swap3A_7 = vector.load %arg2[%swap3A, %swap3A_6] : memref<10240x16xf32, #tpu.memory_space<vmem>>, vector<10000x16xf32>
    tpu.vector_store %arg2[%swap3A, %swap3A_6], %dot_general3A_5 {strides = array<i32>} : memref<10240x16xf32, #tpu.memory_space<vmem>>, vector<10000x16xf32>,
    %broadcast_in_dim3A = arith.constant 0.000000e+00 : f32
    %broadcast_in_dim3A_8 = vector.broadcast %broadcast_in_dim3A : f32 to vector<240x16xf32>
    %swap3A_9 = arith.constant 10000 : index
    %swap3A_10 = arith.constant 0 : index
    %swap3A_11 = vector.load %arg2[%swap3A_9, %swap3A_10] : memref<10240x16xf32, #tpu.memory_space<vmem>>, vector<240x16xf32>
    tpu.vector_store %arg2[%swap3A_9, %swap3A_10], %broadcast_in_dim3A_8 {strides = array<i32>} : memref<10240x16xf32, #tpu.memory_space<vmem>>, vector<240x16xf32>,
    return
  }
}

module attributes {stable_mosaic.version = 14 : i64} {
  func.func @_final_body(%arg0: memref<10240x16xf32, #tpu.memory_space<vmem>>, %arg1: memref<2x10240x16xf32, #tpu.memory_space<vmem>>, %arg2: memref<10240xf32, #tpu.memory_space<vmem>>, %arg3: memref<10240xi32, #tpu.memory_space<vmem>>, %arg4: memref<16xf32, #tpu.memory_space<vmem>>, %arg5: memref<16x10xf32, #tpu.memory_space<vmem>>, %arg6: memref<10xf32, #tpu.memory_space<vmem>>, %arg7: memref<64x10xf32, #tpu.memory_space<vmem>>) attributes {dimension_semantics = [], scalar_prefetch = 0 : i64, scratch_operands = 0 : i64, tpu.core_type = #tpu.core_type<tc>} {
    %get3A = arith.constant 0 : index
    %get3A_0 = arith.constant 0 : index
    %get3A_1 = vector.load %arg0[%get3A, %get3A_0] : memref<10240x16xf32, #tpu.memory_space<vmem>>, vector<10240x16xf32>
    %get3A_2 = arith.constant 0 : index
    %get3A_3 = arith.constant 0 : index
    %get3A_4 = arith.constant 0 : index
    %get3A_5 = vector.load %arg1[%get3A_2, %get3A_3, %get3A_4] : memref<2x10240x16xf32, #tpu.memory_space<vmem>>, vector<1x10240x16xf32>
    %get3A_6 = vector.shape_cast %get3A_5 : vector<1x10240x16xf32> to vector<10240x16xf32>
    %get3A_7 = arith.constant 1 : index
    %get3A_8 = arith.constant 0 : index
    %get3A_9 = arith.constant 0 : index
    %get3A_10 = vector.load %arg1[%get3A_7, %get3A_8, %get3A_9] : memref<2x10240x16xf32, #tpu.memory_space<vmem>>, vector<1x10240x16xf32>
    %get3A_11 = vector.shape_cast %get3A_10 : vector<1x10240x16xf32> to vector<10240x16xf32>
    %add3A = arith.addf %get3A_6, %get3A_11 : vector<10240x16xf32>
    %get3A_12 = arith.constant 0 : index
    %get3A_13 = vector.load %arg2[%get3A_12] : memref<10240xf32, #tpu.memory_space<vmem>>, vector<10240xf32>
    %broadcast_in_dim3A = vector.shape_cast %get3A_13 : vector<10240xf32> to vector<10240x1xf32>
    %broadcast_in_dim3A_14 = vector.shape_cast %get3A_13 : vector<10240xf32> to vector<10240x1xf32>
    %mul3A = vector.broadcast %broadcast_in_dim3A_14 : vector<10240x1xf32> to vector<10240x16xf32>
    %mul3A_15 = arith.mulf %mul3A, %get3A_1 : vector<10240x16xf32>
    %add3A_16 = arith.addf %mul3A_15, %add3A : vector<10240x16xf32>
    %mul3A_17 = vector.broadcast %broadcast_in_dim3A : vector<10240x1xf32> to vector<10240x16xf32>
    %mul3A_18 = arith.mulf %mul3A_17, %add3A_16 : vector<10240x16xf32>
    %get3A_19 = arith.constant 0 : index
    %get3A_20 = vector.load %arg4[%get3A_19] : memref<16xf32, #tpu.memory_space<vmem>>, vector<16xf32>
    %broadcast_in_dim3A_21 = vector.shape_cast %get3A_20 : vector<16xf32> to vector<1x16xf32>
    %add3A_22 = vector.broadcast %broadcast_in_dim3A_21 : vector<1x16xf32> to vector<10240x16xf32>
    %add3A_23 = arith.addf %mul3A_18, %add3A_22 : vector<10240x16xf32>
    %max3A = arith.constant 0.000000e+00 : f32
    %max3A_24 = vector.broadcast %max3A : f32 to vector<10240x16xf32>
    %max3A_25 = arith.maximumf %add3A_23, %max3A_24 : vector<10240x16xf32>
    %get3A_26 = arith.constant 0 : index
    %get3A_27 = vector.load %arg3[%get3A_26] : memref<10240xi32, #tpu.memory_space<vmem>>, vector<10240xi32>
    %broadcast_in_dim3A_28 = vector.shape_cast %get3A_27 : vector<10240xi32> to vector<10240x1xi32>
    %iota3A = tpu.iota {dimensions = array<i32: 1>} : vector<10240x64xi32>
    %eq3A = vector.broadcast %broadcast_in_dim3A_28 : vector<10240x1xi32> to vector<10240x64xi32>
    %eq3A_29 = arith.cmpi eq, %eq3A, %iota3A : vector<10240x64xi32>
    %convert_element_type3A = arith.extui %eq3A_29 : vector<10240x64xi1> to vector<10240x64xi32>
    %convert_element_type3A_30 = arith.sitofp %convert_element_type3A : vector<10240x64xi32> to vector<10240x64xf32>
    %reduce_sum3A = arith.constant dense<0.000000e+00> : vector<64xf32>
    %reduce_sum3A_31 = vector.multi_reduction <add>, %convert_element_type3A_30, %reduce_sum3A [0] : vector<10240x64xf32> to vector<64xf32>
    %dot_general3A = arith.constant dense<0.000000e+00> : vector<64x16xf32>
    %dot_general3A_32 = tpu.matmul %convert_element_type3A_30, %max3A_25, %dot_general3A {dimension_numbers = #tpu.dot_dimension_numbers<[0], [0], [1], [1], [0, 1, 1, 1], [], []>, transpose_lhs_hint = false} : vector<10240x64xf32>, vector<10240x16xf32>, vector<64x16xf32> -> vector<64x16xf32>
    %jit3A = arith.constant 1.000000e+00 : f32
    %max3A_33 = vector.broadcast %jit3A : f32 to vector<64xf32>
    %max3A_34 = arith.maximumf %max3A_33, %reduce_sum3A_31 : vector<64xf32>
    %broadcast_in_dim3A_35 = vector.shape_cast %max3A_34 : vector<64xf32> to vector<64x1xf32>
    %div3A = vector.broadcast %broadcast_in_dim3A_35 : vector<64x1xf32> to vector<64x16xf32>
    %div3A_36 = arith.divf %dot_general3A_32, %div3A : vector<64x16xf32>
    %get3A_37 = arith.constant 0 : index
    %get3A_38 = arith.constant 0 : index
    %get3A_39 = vector.load %arg5[%get3A_37, %get3A_38] : memref<16x10xf32, #tpu.memory_space<vmem>>, vector<16x10xf32>
    %dot_general3A_40 = arith.constant dense<0.000000e+00> : vector<64x10xf32>
    %dot_general3A_41 = tpu.matmul %div3A_36, %get3A_39, %dot_general3A_40 {dimension_numbers = #tpu.dot_dimension_numbers<[1], [0], [0], [1], [0, 0, 1, 1], [], []>, transpose_lhs_hint = false} : vector<64x16xf32>, vector<16x10xf32>, vector<64x10xf32> -> vector<64x10xf32>
    %get3A_42 = arith.constant 0 : index
    %get3A_43 = vector.load %arg6[%get3A_42] : memref<10xf32, #tpu.memory_space<vmem>>, vector<10xf32>
    %broadcast_in_dim3A_44 = vector.shape_cast %get3A_43 : vector<10xf32> to vector<1x10xf32>
    %add3A_45 = vector.broadcast %broadcast_in_dim3A_44 : vector<1x10xf32> to vector<64x10xf32>
    %add3A_46 = arith.addf %dot_general3A_41, %add3A_45 : vector<64x10xf32>
    %reduce_max3A = arith.constant dense<0xFF800000> : vector<64xf32>
    %reduce_max3A_47 = vector.multi_reduction <maximumf>, %add3A_46, %reduce_max3A [1] : vector<64x10xf32> to vector<64xf32>
    %broadcast_in_dim3A_48 = vector.shape_cast %reduce_max3A_47 : vector<64xf32> to vector<64x1xf32>
    %sub3A = vector.broadcast %broadcast_in_dim3A_48 : vector<64x1xf32> to vector<64x10xf32>
    %sub3A_49 = arith.subf %add3A_46, %sub3A : vector<64x10xf32>
    %exp3A = math.exp %sub3A_49 : vector<64x10xf32>
    %reduce_sum3A_50 = arith.constant dense<0.000000e+00> : vector<64xf32>
    %reduce_sum3A_51 = vector.multi_reduction <add>, %exp3A, %reduce_sum3A_50 [1] : vector<64x10xf32> to vector<64xf32>
    %broadcast_in_dim3A_52 = vector.shape_cast %reduce_sum3A_51 : vector<64xf32> to vector<64x1xf32>
    %log3A = math.log %broadcast_in_dim3A_52 : vector<64x1xf32>
    %add3A_53 = arith.addf %log3A, %broadcast_in_dim3A_48 : vector<64x1xf32>
    %sub3A_54 = vector.broadcast %add3A_53 : vector<64x1xf32> to vector<64x10xf32>
    %sub3A_55 = arith.subf %add3A_46, %sub3A_54 : vector<64x10xf32>
    %swap3A = arith.constant 0 : index
    %swap3A_56 = arith.constant 0 : index
    %swap3A_57 = vector.load %arg7[%swap3A, %swap3A_56] : memref<64x10xf32, #tpu.memory_space<vmem>>, vector<64x10xf32>
    tpu.vector_store %arg7[%swap3A, %swap3A_56], %sub3A_55 {strides = array<i32>} : memref<64x10xf32, #tpu.memory_space<vmem>>, vector<64x10xf32>,
    return
  }
}

</mosaic_0001>

<sc_bundles>
// kernel: kernel.5.cloned.1.call-start
scs
__scs_entry_jumppad:
0x0: {  	(pc) =	sbr.rel $0x88, $3  }
0x1: {  	(tag) =	ssettag $0x0;
	lr =	simm.s32 $0x1  }
0x2: {  	[smem:$0x3F9A] =	sst lr;
	_ =	strace $0xD0000000  }
0x3: {  	_ = 	snop  }
0x4: {  	_ = 	snop  }
0x5: {  	_ = 	snop  }
0x6: {  	_ = 	snop  }
0x7: {  	_ = 	snop  }
__scs_overlays_trampoline_lowered:
0x8: {  	[smem:$0x3FA9] =	sst s0  }
0x9: {  	[smem:$0x3FAA] =	sst s1  }
0xa: {  	[smem:$0x3FAB] =	sst s2  }
0xb: {  	[smem:$0x3FAC] =	sst s3  }
0xc: {  	[smem:$0x3FAD] =	sst s4  }
0xd: {  	[smem:$0x3FAE] =	sst s5  }
0xe: {  	[smem:$0x3FAF] =	sst s6  }
0xf: {  	[smem:$0x3FB0] =	sst s7  }
0x10: {  	[smem:$0x3FB1] =	sst s8  }
0x11: {  	[smem:$0x3FB2] =	sst s9;
	s0 =	simm.s32 @!p0 $0x0  }
0x12: {  	s1 =	sld [smem:$0x3F98];
	s0 =	simm.s32 @p0 $0x1  }
0x13: {  	[smem:$0x3FB3] =	sst s0;
	s0 =	simm.s32 @!p1 $0x0  }
0x14: {  	s2 =	sld [smem:$0x3F97];
	s0 =	simm.s32 @p1 $0x1  }
0x15: {  	[smem:$0x3FB4] =	sst s0;
	s0 =	simm.s32 @!p2 $0x0  }
0x16: {  	s3 =	sld [smem:$0x3FDB];
	s0 =	simm.s32 @p2 $0x1  }
0x17: {  	s4 =	simm.s32 $0x1BF5;
	[smem:$0x3FB6] =	sst s0  }
0x18: {  	s0 =	sld [smem:$0x3F99];
	_ =	swait.ge [sflag:s4], $0x0  }
0x19: {  	s7 =	sld [smem:$0x3F9A]  }
0x1a: {  	s8 =	sadd.s32 $0xFFFFE003, lr  }
0x1b: {  	s9 =	sadd.s32 $0xFFFFFEF7, lr;
	s5 =	simm.s32 $0xFFFFFFFF;
	p2 =	slt.u32 s8, $0xFFFFF086  }
0x1c: {  	p1 =	slt.u32 s9, $0xF7A;
	s5 =	simm.s32 @!p2 $0x0  }
0x1d: {  	s5 =	simm.s32 @p1 $0x1;
	p0 =	seq.s32 s7, s2  }
0x1e: {  	s7 =	smul.u32 @!p0 $0xF7A, s2;
	p2 =	seq.s32 @!p0 s5, $0x0  }
0x1f: {  	s9 =	smul.u32 $0xF7A, s1;
	s8 =	simm.s32 @!p0 $0x1BF5;
	p2 =	por !p2, p0  }
0x20: {  	[sflag:s8] =	ssyncset.s32 @!p0 $0xFFFFF086;
	s6 =	sadd.s32 @!p0 s3, s7;
	s7 =	simm.s32 @!p0 $0x108  }
0x21: {  	s3 =	sadd.s32 s3, s9;
	s6 =	sadd.s32 @!p0 $0x88, s6;
	s7 =	simm.s32 @p2 $0x1082  }
0x22: {  	[simem:s7], [sflag:s8] =	dma.local @!p0 [hbm:s6], $0xF7A  }
0x23: {  	s9 =	sor.u32 $0xD0000000, s2;
	s6 =	simm.s32 $0x108;
	_ =	swait.ge @!p0 [sflag:s8], $0x0  }
0x24: {  	s3 =	sadd.s32 $0x88, s3;
	s6 =	simm.s32 @!p1 $0x1082;
	[sflag:s4] =	ssyncset.s32 $0xFFFFF086  }
0x25: {  	[simem:s6], [sflag:s4] =	dma.local [hbm:s3], $0xF7A  }
0x26: {  	[smem:$0x3F9A] =	sst s1;
	(tag) =	ssettag s2;
	_ =	strace s9  }
0x27: {  	s1 =	sld [smem:$0x3FAA]  }
0x28: {  	s2 =	sld [smem:$0x3FAB]  }
0x29: {  	s4 =	sld [smem:$0x3FAD]  }
0x2a: {  	p0 =	seq.s32 s5, $0x0;
	s5 =	sld [smem:$0x3FAE]  }
0x2b: {  	s6 =	sld [smem:$0x3FAF]  }
0x2c: {  	s7 =	sld [smem:$0x3FB0]  }
0x2d: {  	s3 =	simm.s32 $0x108;
	s8 =	sld [smem:$0x3FB1]  }
0x2e: {  	s3 =	simm.s32 @!p0 $0x1082;
	s9 =	sld [smem:$0x3FB2]  }
0x2f: {  	lr =	sadd.s32 s0, s3;
	s0 =	sld [smem:$0x3FA9]  }
0x30: {  	s3 =	sld [smem:$0x3FAC]  }
0x31: {  	[smem:$0x3FB5] =	sst s10  }
0x32: {  	s10 =	sld [smem:$0x3FB3];
	_ =	sdelay $0x3  }
0x33: {  	p0 =	seq.s32 s10, $0x1;
	s10 =	sld [smem:$0x3FB5];
	_ =	sdelay $0x3  }
0x34: {  	[smem:$0x3FB5] =	sst s10  }
0x35: {  	s10 =	sld [smem:$0x3FB4];
	_ =	sdelay $0x3  }
0x36: {  	p1 =	seq.s32 s10, $0x1;
	s10 =	sld [smem:$0x3FB5];
	_ =	sdelay $0x3  }
0x37: {  	[smem:$0x3FB5] =	sst s10  }
0x38: {  	s10 =	sld [smem:$0x3FB6]  }
0x39: {  	_ = 	snop;
	(pc) =	sbr.ind lr, $3  }
0x3a: {  	_ = 	snop  }
0x3b: {  	_ = 	snop  }
0x3c: {  	p2 =	seq.s32 s10, $0x1;
	s10 =	sld [smem:$0x3FB5]  }
0x3d: {  	_ =	shalt  }
0x3e: {  	_ =	shalt  }
0x3f: {  	_ =	shalt  }
0x40: {  	_ =	shalt  }
0x41: {  	_ =	shalt  }
0x42: {  	_ =	shalt  }
0x43: {  	_ =	shalt  }
0x44: {  	_ =	shalt  }
0x45: {  	_ =	shalt  }
0x46: {  	_ =	shalt  }
0x47: {  	_ =	shalt  }
0x48: {  	_ =	shalt  }
0x49: {  	_ =	shalt  }
0x4a: {  	_ =	shalt  }
0x4b: {  	_ =	shalt  }
0x4c: {  	_ =	shalt  }
0x4d: {  	_ =	shalt  }
0x4e: {  	_ =	shalt  }
0x4f: {  	_ =	shalt  }
0x50: {  	_ =	shalt  }
0x51: {  	_ =	shalt  }
0x52: {  	_ =	shalt  }
0x53: {  	_ =	shalt  }
0x54: {  	_ =	shalt  }
0x55: {  	_ =	shalt  }
0x56: {  	_ =	shalt  }
0x57: {  	_ =	shalt  }
0x58: {  	_ =	shalt  }
0x59: {  	_ =	shalt  }
0x5a: {  	_ =	shalt  }
0x5b: {  	_ =	shalt  }
0x5c: {  	_ =	shalt  }
0x5d: {  	_ =	shalt  }
0x5e: {  	_ =	shalt  }
0x5f: {  	_ =	shalt  }
0x60: {  	_ =	shalt  }
0x61: {  	_ =	shalt  }
0x62: {  	_ =	shalt  }
0x63: {  	_ =	shalt  }
0x64: {  	_ =	shalt  }
0x65: {  	_ =	shalt  }
0x66: {  	_ =	shalt  }
0x67: {  	_ =	shalt  }
0x68: {  	_ =	shalt  }
0x69: {  	_ =	shalt  }
0x6a: {  	_ =	shalt  }
0x6b: {  	_ =	shalt  }
0x6c: {  	_ =	shalt  }
0x6d: {  	_ =	shalt  }
0x6e: {  	_ =	shalt  }
0x6f: {  	_ =	shalt  }
0x70: {  	_ =	shalt  }
0x71: {  	_ =	shalt  }
0x72: {  	_ =	shalt  }
0x73: {  	_ =	shalt  }
0x74: {  	_ =	shalt  }
0x75: {  	_ =	shalt  }
0x76: {  	_ =	shalt  }
0x77: {  	_ =	shalt  }
0x78: {  	_ =	shalt  }
0x79: {  	_ =	shalt  }
0x7a: {  	_ =	shalt  }
0x7b: {  	_ =	shalt  }
0x7c: {  	_ =	shalt  }
0x7d: {  	_ =	shalt  }
0x7e: {  	_ =	shalt  }
0x7f: {  	_ =	shalt  }
0x80: {  	_ =	shalt  }
0x81: {  	_ =	shalt  }
0x82: {  	_ =	shalt  }
0x83: {  	_ =	shalt  }
0x84: {  	_ =	shalt  }
0x85: {  	_ =	shalt  }
0x86: {  	_ =	shalt  }
0x87: {  	_ =	shalt  }
.Lfunc_end0:
.L_simem_size_0:
called_computation_lowered:
.L_overlay_start_0:
0x88: {  	s2 =	sld [smem:$0x3FD9]  }
0x89: {  	s3 =	sld [smem:$0x3FFE];
	_ =	sdelay $0x1  }
0x8a: {  	s1 =	srdreg.scid  }
0x8b: {  	s0 =	sand.u32 $0x1, s1  }
0x8c: {  	s16 =	sshll.u32 s0, $0xA;
	s2 =	sadd.s32 s3, s2  }
0x8d: {  	s2 =	sadd.s32 s2, s16  }
0x8e: {  	[smem:$0x3FC1] =	sst s2  }
0x8f: {  	_ = 	snop  }
0x90: {  	(tm) =	ssettm $0x1  }
0x91: {  	s17 =	sld [smem:$0x3FFB];
	_ =	sdelay $0x3  }
0x92: {  	_ =	strace s17  }
0x93: {  	s2 =	sld [smem:$0x3FFC];
	_ =	sdelay $0x3  }
0x94: {  	_ =	strace s2  }
0x95: {  	s2 =	sld [smem:$0x3FFD];
	_ =	sdelay $0x3  }
0x96: {  	_ =	strace s2  }
0x97: {  	_ =	strace $0x8FFFFFFF  }
0x98: {  	s18 =	sld [smem:$0x3FDB];
	_ =	sdelay $0x1  }
0x99: {  	s19 =	simm.s32 $_scs_section_size  }
0x9a: {  	s4 =	simm.s32 $_size__tile_overlayer_lowered;
	s5 =	simm.s32 $_tile_overlayer_lowered  }
0x9b: {  	s22 =	simm.s32 $0x1BFF;
	s21 =	sshll.u32 s5, $0x1;
	s2 =	sadd.s32 s19, s18  }
0x9c: {  	s6 =	simm.s32 $0x0;
	s20 =	sshll.u32 s4, $0x1;
	s4 =	sadd.s32 s21, s2  }
0x9d: {  	[timem:s6], [sflag:s22] =	dma.local [hbm:s4], s20  }
0x9e: {  	_ =	swait.ge [sflag:s22], s20  }
0x9f: {  	s3 =	ssub.s32 $0x0, s20;
	[sflag:s22] =	ssyncset.done $0x0  }
0xa0: {  	[sflag:s22] =	ssyncadd.s32 s3;
	_ =	sdelay $0x1  }
0xa1: {  	s23 =	simm.s32 $0x1B8B  }
0xa2: {  	_ =	swait.ge [sflag:s23], $0x1  }
0xa3: {  	[sflag:s23] =	ssyncset.done $0x0  }
0xa4: {  	s25 =	simm.s32 $0x1B8E;
	s24 =	sld [smem:$0x3FFE];
	[sflag:s23] =	ssyncadd.s32 $0xFFFFFFFF  }
0xa5: {  	s26 =	simm.s32 $execute0_lowered;
	[smem:$0x3FD2] =	sst s25  }
0xa6: {  	s4 =	sshll.u32 s26, $0x1;
	_ =	strace $0x80000046;
	[dreg:$0x1] =	wrdreg $0xFFFFFFFF  }
0xa7: {  	s28 =	simm.s32 $_size_execute0_lowered;
	s2 =	sadd.s32 s2, s4;
	[dreg:$0x0] =	wrdreg $0x0  }
0xa8: {  	s4 =	sshll.u32 s28, $0x1;
	[dreg:$0x2] =	wrdreg s2  }
0xa9: {  	[dreg:$0x3] =	wrdreg s4  }
0xaa: {  	[dreg:$0x4] =	wrdreg $0xC0  }
0xab: {  	_ =	task [dreg:s6], $0x5FFFF  }
0xac: {  	[dreg:$0x1] =	wrdreg $0xFFFFFFFF  }
0xad: {  	[dreg:$0x0] =	wrdreg $0x60  }
0xae: {  	[dreg:$0x2] =	wrdreg s24  }
0xaf: {  	[dreg:$0x3] =	wrdreg $0x11C800  }
0xb0: {  	[dreg:$0x4] =	wrdreg $0xCC800  }
0xb1: {  	[dreg:$0x5] =	wrdreg $0xF4800  }
0xb2: {  	[dreg:$0x6] =	wrdreg $0x9  }
0xb3: {  	_ =	task.clear_ibuf [dreg:s6], $0x7FFFF;
	_ =	strace $0x90000046  }
0xb4: {  	s29 =	simm.s32 $0x9;
	_ =	strace $0x80000048  }
0xb5: {  	_ =	swait.ge [sflag:s29], $0x1  }
0xb6: {  	[sflag:s29] =	ssyncadd.s32 $0xFFFFFFFF  }
0xb7: {  	_ =	strace $0x90000048  }
0xb8: {  	_ =	sfence  }
0xb9: {  	s30 =	sld [smem:$0x0];
	_ =	sdelay $0x2  }
0xba: {  	s31 =	sshll.u32 s1, $0xD;
	s1 =	sshrl.u32 s1, $0x2  }
0xbb: {  	s3 =	sand.u32 $0x4000, s31;
	s1 =	sadd.s32 s1, s30  }
0xbc: {  	s0 =	sor.u32 s3, s0;
	s1 =	sshll.u32 s1, $0x11  }
0xbd: {  	s0 =	sor.u32 s1, s0  }
0xbe: {  	s0 =	sadd.s32 $0x8F2B, s0  }
0xbf: {  	[sflag:s0] =	ssyncadd.remote.s32 $0x1  }
0xc0: {  	_ =	sfence.sel $0xFFFF  }
0xc1: {  	[dreg:$0x0] =	wrdreg $0xFFFFFFFF;
	(pc) =	sbr.abs _section_cstart, $3  }
0xc2: {  	[dreg:$0x1] =	wrdreg $0xFFFFFFFF  }
0xc3: {  	_ =	task.clear_ibuf [dreg:s6], $0x2FFFF;
	_ =	strace $0x9FFFFFFF  }
0xc4: {  	(tm) =	ssettm $0x7FFFFFFF  }
0xc5: {  	_ =	shalt  }
tec
execute0_lowered:
.L_overlay_start_1:
0x0: {  	(tag) =	ssettag $0x1  }
0x1: {  	s0 =	rddreg [dreg:$0x0]  }
0x2: {  	s2 =	rddreg [dreg:$0x1]  }
0x3: {  	s1 =	rddreg [dreg:$0x2];
	s16 =	stileid.u32  }
0x4: {  	s4 =	srdreg.scid;
	s6 =	smul.u32 $0x2800, s16  }
0x5: {  	s3 =	rddreg [dreg:$0x3];
	s25 =	simm.s32 $0x0;
	s10 =	smul.u32 $0x280, s16  }
0x6: {  	s4 =	sand.u32 $0x1, s4;
	[smem:$0x7FF] =	sst s25;
	s15 =	smul.u32 $0x5000, s16  }
0x7: {  	s8 =	sadd.s32 $0xE00, s0;
	s11 =	sadd.s32 $0x5E00, s0;
	s26 =	smul.u32 $0xA00, s16  }
0x8: {  	s5 =	sshll.u32 s4, $0x4;
	s7 =	smul.u32 $0x28000, s4;
	_ =	strace $0x80000047  }
0x9: {  	s12 =	ssub.s32 $0x2, s4;
	p0 =	sne.s32 s4, $0x0;
	s5 =	sor.u32 s16, s5  }
0xa: {  	s13 =	sshrl.u32 s10, $0x3;
	s14 =	sshrl.u32 s12, $0x1;
	s15 =	sshrl.u32 s15, $0x3  }
0xb: {  	s16 =	smul.u32 $0xA000, s16;
	s17 =	sadd.s32 $0x1400, s6;
	s18 =	sadd.s32 $0x1E00, s6  }
0xc: {  	s19 =	sadd.s32 s11, s26;
	s30 =	sadd.s32 s6, s2;
	s5 =	smul.u32 $0x500, s5  }
0xd: {  	s7 =	sadd.s32 s6, s7;
	s15 =	sadd.s32 s11, s15;
	[dreg:$0x6] =	wrdreg s19  }
0xe: {  	s23 =	sshrl.u32 s17, $0x3;
	s4 =	sadd.s32 s18, s2;
	[dreg:$0x17] =	wrdreg s30  }
0xf: {  	s7 =	sshrl.u32 s7, $0x3;
	s31 =	sadd.s32 $0x200, s15;
	[dreg:$0x1d] =	wrdreg s4  }
0x10: {  	s20 =	sshrl.u32 s16, $0x2;
	s24 =	sadd.s32 s8, s23;
	[dreg:$0x7] =	wrdreg s31  }
0x11: {  	s16 =	sadd.s32 $0x600, s15;
	s23 =	sadd.s32 s6, s3;
	[dreg:$0xc] =	wrdreg s24  }
0x12: {  	s9 =	sadd.s32 s5, s0;
	s7 =	sadd.s32 s7, s0;
	[dreg:$0x12] =	wrdreg s16  }
0x13: {  	s0 =	sadd.s32 s13, s0;
	s13 =	sadd.s32 s20, s1;
	[dreg:$0x18] =	wrdreg s23  }
0x14: {  	s12 =	ssub.s32 s12, s14;
	s31 =	sadd.s32 $0x300, s15;
	[dreg:$0x8] =	wrdreg s13  }
0x15: {  	s14 =	sadd.s32 $0xA00, s6;
	s20 =	sadd.s32 $0x700, s15;
	[dreg:$0xe] =	wrdreg s31  }
0x16: {  	s21 =	sshrl.u32 s6, $0x3;
	s24 =	sadd.s32 s14, s2;
	[dreg:$0x13] =	wrdreg s20  }
0x17: {  	s13 =	sadd.s32 s10, s1;
	s1 =	sadd.s32 s8, s21;
	[dreg:$0x19] =	wrdreg s24  }
0x18: {  	s10 =	sadd.s32 $0x400, s15;
	[dreg:$0xa] =	wrdreg s1  }
0x19: {  	s21 =	sadd.s32 $0x800, s15;
	[dreg:$0x10] =	wrdreg s10  }
0x1a: {  	s0 =	sadd.s32 $0x23E00, s0;
	[dreg:$0x14] =	wrdreg s21  }
0x1b: {  	s31 =	sadd.s32 s17, s2;
	[dreg:$0x16] =	wrdreg s0  }
0x1c: {  	s6 =	sadd.s32 $0xFE00, s9;
	[dreg:$0x1b] =	wrdreg s31  }
0x1d: {  	s9 =	smax.u32 s12, $0x1;
	[dreg:$0x1f] =	wrdreg s6  }
0x1e: {  	s22 =	sshrl.u32 s14, $0x3;
	[smem:$0x7ED] =	sst s9  }
0x1f: {  	s1 =	sadd.s32 s8, s22;
	[dreg:$0x9] =	wrdreg s13  }
0x20: {  	s22 =	sadd.s32 $0x900, s15;
	[dreg:$0xb] =	wrdreg s1  }
0x21: {  	s10 =	sadd.s32 $0x100, s19;
	[dreg:$0x15] =	wrdreg s22  }
0x22: {  	s12 =	sadd.s32 $0x5000, s13;
	[smem:$0x7EE] =	sst s10  }
0x23: {  	s16 =	sadd.s32 $0xC800, s13;
	[smem:$0x7F0] =	sst s12  }
0x24: {  	s28 =	simm.s32 $0x3000;
	s19 =	sadd.s32 $0x14000, s13;
	[smem:$0x7F3] =	sst s16  }
0x25: {  	s29 =	simm.s32 $0x80;
	s20 =	sadd.s32 $0x16800, s13;
	[smem:$0x7F6] =	sst s19  }
0x26: {  	s26 =	sshrl.u32 s18, $0x3;
	s21 =	sadd.s32 $0x19000, s13;
	[smem:$0x7F7] =	sst s20  }
0x27: {  	s23 =	sadd.s32 $0x1E000, s13;
	s24 =	sadd.s32 $0x20800, s13;
	[smem:$0x7F8] =	sst s21  }
0x28: {  	s31 =	sadd.s32 $0x25800, s13;
	s0 =	simm.s32 $0x800;
	[smem:$0x7FA] =	sst s23  }
0x29: {  	s6 =	simm.s32 $0x1;
	s9 =	simm.s32 $0x2;
	[smem:$0x7FB] =	sst s24  }
0x2a: {  	s1 =	sadd.s32 s8, s26;
	s8 =	sadd.s32 s11, s5;
	[smem:$0x7FD] =	sst s31  }
0x2b: {  	s11 =	sadd.s32 $0x500, s15;
	s26 =	sadd.s32 s14, s3;
	[dreg:$0xd] =	wrdreg s1  }
0x2c: {  	s5 =	sadd.s32 s18, s3;
	s14 =	sadd.s32 $0x7800, s13;
	[dreg:$0xf] =	wrdreg s8  }
0x2d: {  	s15 =	sadd.s32 $0xA000, s13;
	s18 =	sadd.s32 $0x11800, s13;
	[dreg:$0x11] =	wrdreg s11  }
0x2e: {  	s22 =	sadd.s32 $0x1B800, s13;
	s16 =	simm.s32 $0x9;
	[dreg:$0x1a] =	wrdreg s26  }
0x2f: {  	s19 =	simm.s32 $0x7;
	s20 =	simm.s32 $0x8;
	[dreg:$0x1e] =	wrdreg s5  }
0x30: {  	s21 =	simm.s32 $0xC;
	s23 =	simm.s32 $0xD;
	[smem:$0x7F1] =	sst s14  }
0x31: {  	s24 =	simm.s32 $0x10;
	s12 =	simm.s32 $0xB480;
	[smem:$0x7F2] =	sst s15  }
0x32: {  	s1 =	sadd.s32 s17, s3;
	s8 =	sadd.s32 $0x19E00, s7;
	[smem:$0x7F5] =	sst s18  }
0x33: {  	s11 =	sadd.s32 $0x2800, s13;
	s17 =	sadd.s32 $0xF000, s13;
	[smem:$0x7F9] =	sst s22  }
0x34: {  	s26 =	sadd.s32 $0x23000, s13;
	s13 =	simm.s32 $0x4;
	[dreg:$0x1c] =	wrdreg s1  }
0x35: {  	s15 =	simm.s32 $0x5;
	s18 =	simm.s32 $0xA;
	[smem:$0x7EC] =	sst s8  }
0x36: {  	s5 =	simm.s32 $0xB;
	s22 =	simm.s32 $0xF;
	[smem:$0x7EF] =	sst s11  }
0x37: {  	s7 =	simm.s32 $0xA480;
	s14 =	simm.s32 $0xBC80;
	[smem:$0x7F4] =	sst s17  }
0x38: {  	[smem:$0x7FC] =	sst s26;
	s11 =	simm.s32 $0x3;
	s17 =	simm.s32 $0x6  }
0x39: {  	v0 =	vimm.f32 $0.0e+00;
	v1 =	vimm.f32 $1.000000000e+00;
	s8 =	simm.s32 $0xE;
	s1 =	simm.s32 $0x9C80;
	s26 =	simm.s32 $0xC480  }
.LBB2_1:
0x3a: {  	[dreg:$0x5] =	wrdreg s25;
	s4 =	simm.s32 $0x0  }
.LBB2_2:
0x3b: {  	p1 =	sne.s32 s4, $0x9FC0  }
.Ltmp0:
0x3c: {  	_ = 	snop;
	(pc) =	sbr.rel @p1 .LBB2_2-.Ltmp0, $3  }
0x3d: {  	_ =	sdelay $0x1  }
0x3e: {  	s25 =	sshra.s32 s4, $0x2  }
0x3f: {  	s4 =	sadd.s32 $0x40, s4;
	[tilespmem:s25+$0x800] =	vst v0  }
0x40: {  	s4 =	simm.s32 $0x40;
	s25 =	simm.s32 $0x0  }
.LBB2_4:
0x41: {  	p1 =	sne.s32 s4, $0x27C0;
	[tilespmem:s25+$0x3280] =	vst v0;
	s25 =	smov.u32 s4;
	s4 =	sadd.s32 $0x40, s4  }
.Ltmp1:
0x42: {  	(pc) =	sbr.rel @p1 .LBB2_4-.Ltmp1, $2  }
0x43: {  	_ =	sdelay $0x2  }
0x44: {  	s25 =	sshra.s32 s25, $0x2  }
0x45: {  	[tilespmem:s25+$0x3280] =	vst v0;
	s25 =	simm.s32 $0x3280;
	s31 =	simm.s32 $0x11  }
0x46: {  	[spmem:s30] =	stream.linear.scatter [tilespmem:s25], [sflag:$0x11], $0xA00, $0x38;
	[tilespmem:$0x14480] =	vst v63  }
0x47: {  	_ =	swait.ge [sflag:s31], $0xA00  }
0x48: {  	[sflag:s31] =	ssyncset.done $0x0  }
0x49: {  	s4 =	rddreg [dreg:$0x19];
	[sflag:s31] =	ssyncadd.s32 $0xFFFFF600  }
0x4a: {  	[spmem:s4] =	stream.linear.scatter [tilespmem:s25], [sflag:$0x11], $0xA00, $0x38;
	[tilespmem:$0x14480] =	vst v63  }
0x4b: {  	_ =	swait.ge [sflag:s31], $0xA00  }
0x4c: {  	[sflag:s31] =	ssyncset.done $0x0  }
0x4d: {  	s30 =	rddreg [dreg:$0x1b];
	[sflag:s31] =	ssyncadd.s32 $0xFFFFF600  }
0x4e: {  	[spmem:s30] =	stream.linear.scatter [tilespmem:s25], [sflag:$0x11], $0xA00, $0x38;
	[tilespmem:$0x14480] =	vst v63  }
0x4f: {  	_ =	swait.ge [sflag:s31], $0xA00  }
0x50: {  	[sflag:s31] =	ssyncset.done $0x0  }
0x51: {  	s10 =	rddreg [dreg:$0x1d];
	[sflag:s31] =	ssyncadd.s32 $0xFFFFF600  }
0x52: {  	[spmem:s10] =	stream.linear.scatter [tilespmem:s25], [sflag:$0x11], $0xA00, $0x38;
	[tilespmem:$0x14480] =	vst v63  }
0x53: {  	_ =	swait.ge [sflag:s31], $0xA00  }
0x54: {  	[sflag:s31] =	ssyncset.done $0x0  }
0x55: {  	s4 =	simm.s32 $0x0;
	s30 =	rddreg [dreg:$0x6];
	[sflag:s31] =	ssyncadd.s32 $0xFFFFF600  }
0x56: {  	[tilespmem:s4], [sflag:$0x11] =	stream.linear.gather [hbm4b:s30+s4], $0x800, $0x38;
	[tilespmem:$0x14480] =	vst v63  }
0x57: {  	_ =	swait.ge [sflag:s31], $0x800  }
0x58: {  	[sflag:s31] =	ssyncset.done $0x0  }
0x59: {  	[sflag:s31] =	ssyncadd.s32 $0xFFFFF800  }
.LBB2_6:
0x5a: {  	s25 =	sshra.s32 s4, $0x2  }
0x5b: {  	v2 =	vld [tilespmem:s25+$0x0];
	_ =	sdelay $0x7  }
0x5c: {  	[tilespmem:v2+s0+$0x0] =	vst.idx.add.f32.msk $0xffff, v1  }
0x5d: {  	v2 =	vld [tilespmem:s25+$0x10];
	_ =	sdelay $0x7  }
0x5e: {  	[tilespmem:v2+s0+$0x0] =	vst.idx.add.f32.msk $0xffff, v1  }
0x5f: {  	v2 =	vld [tilespmem:s25+$0x20];
	_ =	sdelay $0x7  }
0x60: {  	[tilespmem:v2+s0+$0x0] =	vst.idx.add.f32.msk $0xffff, v1  }
0x61: {  	v2 =	vld [tilespmem:s25+$0x30];
	_ =	sdelay $0x7  }
0x62: {  	[tilespmem:v2+s0+$0x0] =	vst.idx.add.f32.msk $0xffff, v1  }
0x63: {  	v2 =	vld [tilespmem:s25+$0x40];
	_ =	sdelay $0x7  }
0x64: {  	[tilespmem:v2+s0+$0x0] =	vst.idx.add.f32.msk $0xffff, v1  }
0x65: {  	v2 =	vld [tilespmem:s25+$0x50];
	_ =	sdelay $0x7  }
0x66: {  	[tilespmem:v2+s0+$0x0] =	vst.idx.add.f32.msk $0xffff, v1  }
0x67: {  	v2 =	vld [tilespmem:s25+$0x60];
	_ =	sdelay $0x7  }
0x68: {  	[tilespmem:v2+s0+$0x0] =	vst.idx.add.f32.msk $0xffff, v1  }
0x69: {  	v2 =	vld [tilespmem:s25+$0x70];
	_ =	sdelay $0x2  }
0x6a: {  	p1 =	sne.s32 s4, $0x1E00  }
.Ltmp2:
0x6b: {  	_ = 	snop;
	(pc) =	sbr.rel @p1 .LBB2_6-.Ltmp2, $2  }
0x6c: {  	_ =	sdelay $0x2  }
0x6d: {  	s4 =	sadd.s32 $0x200, s4;
	[tilespmem:v2+s0+$0x0] =	vst.idx.add.f32.msk $0xffff, v1  }
0x6e: {  	s25 =	sld [smem:$0x7EE];
	_ =	sdelay $0x1  }
0x6f: {  	s4 =	simm.s32 $0x0;
	s31 =	simm.s32 $0x11  }
0x70: {  	[tilespmem:s4], [sflag:$0x11] =	stream.linear.gather [hbm4b:s25+s4], $0x800, $0x38;
	[tilespmem:$0x14480] =	vst v63  }
0x71: {  	_ =	swait.ge [sflag:s31], $0x800  }
0x72: {  	[sflag:s31] =	ssyncset.done $0x0  }
0x73: {  	[sflag:s31] =	ssyncadd.s32 $0xFFFFF800  }
.LBB2_8:
0x74: {  	s25 =	sshra.s32 s4, $0x2  }
0x75: {  	v2 =	vld [tilespmem:s25+$0x0];
	_ =	sdelay $0x7  }
0x76: {  	[tilespmem:v2+s0+$0x0] =	vst.idx.add.f32.msk $0xffff, v1  }
0x77: {  	v2 =	vld [tilespmem:s25+$0x10];
	_ =	sdelay $0x7  }
0x78: {  	[tilespmem:v2+s0+$0x0] =	vst.idx.add.f32.msk $0xffff, v1  }
0x79: {  	v2 =	vld [tilespmem:s25+$0x20];
	_ =	sdelay $0x7  }
0x7a: {  	[tilespmem:v2+s0+$0x0] =	vst.idx.add.f32.msk $0xffff, v1  }
0x7b: {  	v2 =	vld [tilespmem:s25+$0x30];
	_ =	sdelay $0x7  }
0x7c: {  	[tilespmem:v2+s0+$0x0] =	vst.idx.add.f32.msk $0xffff, v1  }
0x7d: {  	v2 =	vld [tilespmem:s25+$0x40];
	_ =	sdelay $0x7  }
0x7e: {  	[tilespmem:v2+s0+$0x0] =	vst.idx.add.f32.msk $0xffff, v1  }
0x7f: {  	v2 =	vld [tilespmem:s25+$0x50];
	_ =	sdelay $0x7  }
0x80: {  	[tilespmem:v2+s0+$0x0] =	vst.idx.add.f32.msk $0xffff, v1  }
0x81: {  	v2 =	vld [tilespmem:s25+$0x60];
	_ =	sdelay $0x7  }
0x82: {  	[tilespmem:v2+s0+$0x0] =	vst.idx.add.f32.msk $0xffff, v1  }
0x83: {  	v2 =	vld [tilespmem:s25+$0x70];
	_ =	sdelay $0x2  }
0x84: {  	p1 =	sne.s32 s4, $0x1E00  }
.Ltmp3:
0x85: {  	_ = 	snop;
	(pc) =	sbr.rel @p1 .LBB2_8-.Ltmp3, $2  }
0x86: {  	_ =	sdelay $0x2  }
0x87: {  	s4 =	sadd.s32 $0x200, s4;
	[tilespmem:v2+s0+$0x0] =	vst.idx.add.f32.msk $0xffff, v1  }
0x88: {  	s4 =	simm.s32 $0x0;
	s25 =	rddreg [dreg:$0x7];
	s31 =	simm.s32 $0x11  }
0x89: {  	[tilespmem:s4], [sflag:$0x11] =	stream.linear.gather [hbm4b:s25+s4], $0x800, $0x38;
	[tilespmem:$0x14480] =	vst v63  }
0x8a: {  	_ =	swait.ge [sflag:s31], $0x800  }
0x8b: {  	[sflag:s31] =	ssyncset.done $0x0  }
0x8c: {  	[sflag:s31] =	ssyncadd.s32 $0xFFFFF800  }
.LBB2_10:
0x8d: {  	s25 =	sshra.s32 s4, $0x2  }
0x8e: {  	v2 =	vld [tilespmem:s25+$0x0];
	_ =	sdelay $0x7  }
0x8f: {  	[tilespmem:v2+s0+$0x0] =	vst.idx.add.f32.msk $0xffff, v1  }
0x90: {  	v2 =	vld [tilespmem:s25+$0x10];
	_ =	sdelay $0x7  }
0x91: {  	[tilespmem:v2+s0+$0x0] =	vst.idx.add.f32.msk $0xffff, v1  }
0x92: {  	v2 =	vld [tilespmem:s25+$0x20];
	_ =	sdelay $0x7  }
0x93: {  	[tilespmem:v2+s0+$0x0] =	vst.idx.add.f32.msk $0xffff, v1  }
0x94: {  	v2 =	vld [tilespmem:s25+$0x30];
	_ =	sdelay $0x7  }
0x95: {  	[tilespmem:v2+s0+$0x0] =	vst.idx.add.f32.msk $0xffff, v1  }
0x96: {  	v2 =	vld [tilespmem:s25+$0x40];
	_ =	sdelay $0x7  }
0x97: {  	[tilespmem:v2+s0+$0x0] =	vst.idx.add.f32.msk $0xffff, v1  }
0x98: {  	v2 =	vld [tilespmem:s25+$0x50];
	_ =	sdelay $0x7  }
0x99: {  	[tilespmem:v2+s0+$0x0] =	vst.idx.add.f32.msk $0xffff, v1  }
0x9a: {  	v2 =	vld [tilespmem:s25+$0x60];
	_ =	sdelay $0x7  }
0x9b: {  	[tilespmem:v2+s0+$0x0] =	vst.idx.add.f32.msk $0xffff, v1  }
0x9c: {  	v2 =	vld [tilespmem:s25+$0x70];
	_ =	sdelay $0x2  }
0x9d: {  	p1 =	sne.s32 s4, $0x1E00  }
.Ltmp4:
0x9e: {  	_ = 	snop;
	(pc) =	sbr.rel @p1 .LBB2_10-.Ltmp4, $2  }
0x9f: {  	_ =	sdelay $0x2  }
0xa0: {  	s4 =	sadd.s32 $0x200, s4;
	[tilespmem:v2+s0+$0x0] =	vst.idx.add.f32.msk $0xffff, v1  }
0xa1: {  	s4 =	simm.s32 $0x0;
	s25 =	rddreg [dreg:$0xe];
	s31 =	simm.s32 $0x11  }
0xa2: {  	[tilespmem:s4], [sflag:$0x11] =	stream.linear.gather [hbm4b:s25+s4], $0x800, $0x38;
	[tilespmem:$0x14480] =	vst v63  }
0xa3: {  	_ =	swait.ge [sflag:s31], $0x800  }
0xa4: {  	[sflag:s31] =	ssyncset.done $0x0  }
0xa5: {  	[sflag:s31] =	ssyncadd.s32 $0xFFFFF800  }
.LBB2_12:
0xa6: {  	s25 =	sshra.s32 s4, $0x2  }
0xa7: {  	v2 =	vld [tilespmem:s25+$0x0];
	_ =	sdelay $0x7  }
0xa8: {  	[tilespmem:v2+s0+$0x0] =	vst.idx.add.f32.msk $0xffff, v1  }
0xa9: {  	v2 =	vld [tilespmem:s25+$0x10];
	_ =	sdelay $0x7  }
0xaa: {  	[tilespmem:v2+s0+$0x0] =	vst.idx.add.f32.msk $0xffff, v1  }
0xab: {  	v2 =	vld [tilespmem:s25+$0x20];
	_ =	sdelay $0x7  }
0xac: {  	[tilespmem:v2+s0+$0x0] =	vst.idx.add.f32.msk $0xffff, v1  }
0xad: {  	v2 =	vld [tilespmem:s25+$0x30];
	_ =	sdelay $0x7  }
0xae: {  	[tilespmem:v2+s0+$0x0] =	vst.idx.add.f32.msk $0xffff, v1  }
0xaf: {  	v2 =	vld [tilespmem:s25+$0x40];
	_ =	sdelay $0x7  }
0xb0: {  	[tilespmem:v2+s0+$0x0] =	vst.idx.add.f32.msk $0xffff, v1  }
0xb1: {  	v2 =	vld [tilespmem:s25+$0x50];
	_ =	sdelay $0x7  }
0xb2: {  	[tilespmem:v2+s0+$0x0] =	vst.idx.add.f32.msk $0xffff, v1  }
0xb3: {  	v2 =	vld [tilespmem:s25+$0x60];
	_ =	sdelay $0x7  }
0xb4: {  	[tilespmem:v2+s0+$0x0] =	vst.idx.add.f32.msk $0xffff, v1  }
0xb5: {  	v2 =	vld [tilespmem:s25+$0x70];
	_ =	sdelay $0x2  }
0xb6: {  	p1 =	sne.s32 s4, $0x1E00  }
.Ltmp5:
0xb7: {  	_ = 	snop;
	(pc) =	sbr.rel @p1 .LBB2_12-.Ltmp5, $2  }
0xb8: {  	_ =	sdelay $0x2  }
0xb9: {  	s4 =	sadd.s32 $0x200, s4;
	[tilespmem:v2+s0+$0x0] =	vst.idx.add.f32.msk $0xffff, v1  }
0xba: {  	s4 =	simm.s32 $0x0;
	s25 =	rddreg [dreg:$0x10];
	s31 =	simm.s32 $0x11  }
0xbb: {  	[tilespmem:s4], [sflag:$0x11] =	stream.linear.gather [hbm4b:s25+s4], $0x800, $0x38;
	[tilespmem:$0x14480] =	vst v63  }
0xbc: {  	_ =	swait.ge [sflag:s31], $0x800  }
0xbd: {  	[sflag:s31] =	ssyncset.done $0x0  }
0xbe: {  	[sflag:s31] =	ssyncadd.s32 $0xFFFFF800  }
.LBB2_14:
0xbf: {  	s25 =	sshra.s32 s4, $0x2  }
0xc0: {  	v2 =	vld [tilespmem:s25+$0x0];
	_ =	sdelay $0x7  }
0xc1: {  	[tilespmem:v2+s0+$0x0] =	vst.idx.add.f32.msk $0xffff, v1  }
0xc2: {  	v2 =	vld [tilespmem:s25+$0x10];
	_ =	sdelay $0x7  }
0xc3: {  	[tilespmem:v2+s0+$0x0] =	vst.idx.add.f32.msk $0xffff, v1  }
0xc4: {  	v2 =	vld [tilespmem:s25+$0x20];
	_ =	sdelay $0x7  }
0xc5: {  	[tilespmem:v2+s0+$0x0] =	vst.idx.add.f32.msk $0xffff, v1  }
0xc6: {  	v2 =	vld [tilespmem:s25+$0x30];
	_ =	sdelay $0x7  }
0xc7: {  	[tilespmem:v2+s0+$0x0] =	vst.idx.add.f32.msk $0xffff, v1  }
0xc8: {  	v2 =	vld [tilespmem:s25+$0x40];
	_ =	sdelay $0x7  }
0xc9: {  	[tilespmem:v2+s0+$0x0] =	vst.idx.add.f32.msk $0xffff, v1  }
0xca: {  	v2 =	vld [tilespmem:s25+$0x50];
	_ =	sdelay $0x7  }
0xcb: {  	[tilespmem:v2+s0+$0x0] =	vst.idx.add.f32.msk $0xffff, v1  }
0xcc: {  	v2 =	vld [tilespmem:s25+$0x60];
	_ =	sdelay $0x7  }
0xcd: {  	[tilespmem:v2+s0+$0x0] =	vst.idx.add.f32.msk $0xffff, v1  }
0xce: {  	v2 =	vld [tilespmem:s25+$0x70];
	_ =	sdelay $0x2  }
0xcf: {  	p1 =	sne.s32 s4, $0x1E00  }
.Ltmp6:
0xd0: {  	_ = 	snop;
	(pc) =	sbr.rel @p1 .LBB2_14-.Ltmp6, $2  }
0xd1: {  	_ =	sdelay $0x2  }
0xd2: {  	s4 =	sadd.s32 $0x200, s4;
	[tilespmem:v2+s0+$0x0] =	vst.idx.add.f32.msk $0xffff, v1  }
0xd3: {  	s4 =	simm.s32 $0x0;
	s25 =	rddreg [dreg:$0x11];
	s31 =	simm.s32 $0x11  }
0xd4: {  	[tilespmem:s4], [sflag:$0x11] =	stream.linear.gather [hbm4b:s25+s4], $0x800, $0x38;
	[tilespmem:$0x14480] =	vst v63  }
0xd5: {  	_ =	swait.ge [sflag:s31], $0x800  }
0xd6: {  	[sflag:s31] =	ssyncset.done $0x0  }
0xd7: {  	[sflag:s31] =	ssyncadd.s32 $0xFFFFF800  }
.LBB2_16:
0xd8: {  	s25 =	sshra.s32 s4, $0x2  }
0xd9: {  	v2 =	vld [tilespmem:s25+$0x0];
	_ =	sdelay $0x7  }
0xda: {  	[tilespmem:v2+s0+$0x0] =	vst.idx.add.f32.msk $0xffff, v1  }
0xdb: {  	v2 =	vld [tilespmem:s25+$0x10];
	_ =	sdelay $0x7  }
0xdc: {  	[tilespmem:v2+s0+$0x0] =	vst.idx.add.f32.msk $0xffff, v1  }
0xdd: {  	v2 =	vld [tilespmem:s25+$0x20];
	_ =	sdelay $0x7  }
0xde: {  	[tilespmem:v2+s0+$0x0] =	vst.idx.add.f32.msk $0xffff, v1  }
0xdf: {  	v2 =	vld [tilespmem:s25+$0x30];
	_ =	sdelay $0x7  }
0xe0: {  	[tilespmem:v2+s0+$0x0] =	vst.idx.add.f32.msk $0xffff, v1  }
0xe1: {  	v2 =	vld [tilespmem:s25+$0x40];
	_ =	sdelay $0x7  }
0xe2: {  	[tilespmem:v2+s0+$0x0] =	vst.idx.add.f32.msk $0xffff, v1  }
0xe3: {  	v2 =	vld [tilespmem:s25+$0x50];
	_ =	sdelay $0x7  }
0xe4: {  	[tilespmem:v2+s0+$0x0] =	vst.idx.add.f32.msk $0xffff, v1  }
0xe5: {  	v2 =	vld [tilespmem:s25+$0x60];
	_ =	sdelay $0x7  }
0xe6: {  	[tilespmem:v2+s0+$0x0] =	vst.idx.add.f32.msk $0xffff, v1  }
0xe7: {  	v2 =	vld [tilespmem:s25+$0x70];
	_ =	sdelay $0x2  }
0xe8: {  	p1 =	sne.s32 s4, $0x1E00  }
.Ltmp7:
0xe9: {  	_ = 	snop;
	(pc) =	sbr.rel @p1 .LBB2_16-.Ltmp7, $2  }
0xea: {  	_ =	sdelay $0x2  }
0xeb: {  	s4 =	sadd.s32 $0x200, s4;
	[tilespmem:v2+s0+$0x0] =	vst.idx.add.f32.msk $0xffff, v1  }
0xec: {  	s4 =	simm.s32 $0x0;
	s25 =	rddreg [dreg:$0x12];
	s31 =	simm.s32 $0x11  }
0xed: {  	[tilespmem:s4], [sflag:$0x11] =	stream.linear.gather [hbm4b:s25+s4], $0x800, $0x38;
	[tilespmem:$0x14480] =	vst v63  }
0xee: {  	_ =	swait.ge [sflag:s31], $0x800  }
0xef: {  	[sflag:s31] =	ssyncset.done $0x0  }
0xf0: {  	[sflag:s31] =	ssyncadd.s32 $0xFFFFF800  }
.LBB2_18:
0xf1: {  	s25 =	sshra.s32 s4, $0x2  }
0xf2: {  	v2 =	vld [tilespmem:s25+$0x0];
	_ =	sdelay $0x7  }
0xf3: {  	[tilespmem:v2+s0+$0x0] =	vst.idx.add.f32.msk $0xffff, v1  }
0xf4: {  	v2 =	vld [tilespmem:s25+$0x10];
	_ =	sdelay $0x7  }
0xf5: {  	[tilespmem:v2+s0+$0x0] =	vst.idx.add.f32.msk $0xffff, v1  }
0xf6: {  	v2 =	vld [tilespmem:s25+$0x20];
	_ =	sdelay $0x7  }
0xf7: {  	[tilespmem:v2+s0+$0x0] =	vst.idx.add.f32.msk $0xffff, v1  }
0xf8: {  	v2 =	vld [tilespmem:s25+$0x30];
	_ =	sdelay $0x7  }
0xf9: {  	[tilespmem:v2+s0+$0x0] =	vst.idx.add.f32.msk $0xffff, v1  }
0xfa: {  	v2 =	vld [tilespmem:s25+$0x40];
	_ =	sdelay $0x7  }
0xfb: {  	[tilespmem:v2+s0+$0x0] =	vst.idx.add.f32.msk $0xffff, v1  }
0xfc: {  	v2 =	vld [tilespmem:s25+$0x50];
	_ =	sdelay $0x7  }
0xfd: {  	[tilespmem:v2+s0+$0x0] =	vst.idx.add.f32.msk $0xffff, v1  }
0xfe: {  	v2 =	vld [tilespmem:s25+$0x60];
	_ =	sdelay $0x7  }
0xff: {  	[tilespmem:v2+s0+$0x0] =	vst.idx.add.f32.msk $0xffff, v1  }
0x100: {  	v2 =	vld [tilespmem:s25+$0x70];
	_ =	sdelay $0x2  }
0x101: {  	p1 =	sne.s32 s4, $0x1E00  }
.Ltmp8:
0x102: {  	_ = 	snop;
	(pc) =	sbr.rel @p1 .LBB2_18-.Ltmp8, $2  }
0x103: {  	_ =	sdelay $0x2  }
0x104: {  	s4 =	sadd.s32 $0x200, s4;
	[tilespmem:v2+s0+$0x0] =	vst.idx.add.f32.msk $0xffff, v1  }
0x105: {  	s4 =	simm.s32 $0x0;
	s25 =	rddreg [dreg:$0x13];
	s31 =	simm.s32 $0x11  }
0x106: {  	[tilespmem:s4], [sflag:$0x11] =	stream.linear.gather [hbm4b:s25+s4], $0x800, $0x38;
	[tilespmem:$0x14480] =	vst v63  }
0x107: {  	_ =	swait.ge [sflag:s31], $0x800  }
0x108: {  	[sflag:s31] =	ssyncset.done $0x0  }
0x109: {  	[sflag:s31] =	ssyncadd.s32 $0xFFFFF800  }
.LBB2_20:
0x10a: {  	s25 =	sshra.s32 s4, $0x2  }
0x10b: {  	v2 =	vld [tilespmem:s25+$0x0];
	_ =	sdelay $0x7  }
0x10c: {  	[tilespmem:v2+s0+$0x0] =	vst.idx.add.f32.msk $0xffff, v1  }
0x10d: {  	v2 =	vld [tilespmem:s25+$0x10];
	_ =	sdelay $0x7  }
0x10e: {  	[tilespmem:v2+s0+$0x0] =	vst.idx.add.f32.msk $0xffff, v1  }
0x10f: {  	v2 =	vld [tilespmem:s25+$0x20];
	_ =	sdelay $0x7  }
0x110: {  	[tilespmem:v2+s0+$0x0] =	vst.idx.add.f32.msk $0xffff, v1  }
0x111: {  	v2 =	vld [tilespmem:s25+$0x30];
	_ =	sdelay $0x7  }
0x112: {  	[tilespmem:v2+s0+$0x0] =	vst.idx.add.f32.msk $0xffff, v1  }
0x113: {  	v2 =	vld [tilespmem:s25+$0x40];
	_ =	sdelay $0x7  }
0x114: {  	[tilespmem:v2+s0+$0x0] =	vst.idx.add.f32.msk $0xffff, v1  }
0x115: {  	v2 =	vld [tilespmem:s25+$0x50];
	_ =	sdelay $0x7  }
0x116: {  	[tilespmem:v2+s0+$0x0] =	vst.idx.add.f32.msk $0xffff, v1  }
0x117: {  	v2 =	vld [tilespmem:s25+$0x60];
	_ =	sdelay $0x7  }
0x118: {  	[tilespmem:v2+s0+$0x0] =	vst.idx.add.f32.msk $0xffff, v1  }
0x119: {  	v2 =	vld [tilespmem:s25+$0x70];
	_ =	sdelay $0x2  }
0x11a: {  	p1 =	sne.s32 s4, $0x1E00  }
.Ltmp9:
0x11b: {  	_ = 	snop;
	(pc) =	sbr.rel @p1 .LBB2_20-.Ltmp9, $2  }
0x11c: {  	_ =	sdelay $0x2  }
0x11d: {  	s4 =	sadd.s32 $0x200, s4;
	[tilespmem:v2+s0+$0x0] =	vst.idx.add.f32.msk $0xffff, v1  }
0x11e: {  	s4 =	simm.s32 $0x0;
	s25 =	rddreg [dreg:$0x14];
	s31 =	simm.s32 $0x11  }
0x11f: {  	[tilespmem:s4], [sflag:$0x11] =	stream.linear.gather [hbm4b:s25+s4], $0x800, $0x38;
	[tilespmem:$0x14480] =	vst v63  }
0x120: {  	_ =	swait.ge [sflag:s31], $0x800  }
0x121: {  	[sflag:s31] =	ssyncset.done $0x0  }
0x122: {  	[sflag:s31] =	ssyncadd.s32 $0xFFFFF800  }
.LBB2_22:
0x123: {  	s25 =	sshra.s32 s4, $0x2  }
0x124: {  	v2 =	vld [tilespmem:s25+$0x0];
	_ =	sdelay $0x7  }
0x125: {  	[tilespmem:v2+s0+$0x0] =	vst.idx.add.f32.msk $0xffff, v1  }
0x126: {  	v2 =	vld [tilespmem:s25+$0x10];
	_ =	sdelay $0x7  }
0x127: {  	[tilespmem:v2+s0+$0x0] =	vst.idx.add.f32.msk $0xffff, v1  }
0x128: {  	v2 =	vld [tilespmem:s25+$0x20];
	_ =	sdelay $0x7  }
0x129: {  	[tilespmem:v2+s0+$0x0] =	vst.idx.add.f32.msk $0xffff, v1  }
0x12a: {  	v2 =	vld [tilespmem:s25+$0x30];
	_ =	sdelay $0x7  }
0x12b: {  	[tilespmem:v2+s0+$0x0] =	vst.idx.add.f32.msk $0xffff, v1  }
0x12c: {  	v2 =	vld [tilespmem:s25+$0x40];
	_ =	sdelay $0x7  }
0x12d: {  	[tilespmem:v2+s0+$0x0] =	vst.idx.add.f32.msk $0xffff, v1  }
0x12e: {  	v2 =	vld [tilespmem:s25+$0x50];
	_ =	sdelay $0x7  }
0x12f: {  	[tilespmem:v2+s0+$0x0] =	vst.idx.add.f32.msk $0xffff, v1  }
0x130: {  	v2 =	vld [tilespmem:s25+$0x60];
	_ =	sdelay $0x7  }
0x131: {  	[tilespmem:v2+s0+$0x0] =	vst.idx.add.f32.msk $0xffff, v1  }
0x132: {  	v2 =	vld [tilespmem:s25+$0x70];
	_ =	sdelay $0x2  }
0x133: {  	p1 =	sne.s32 s4, $0x1E00  }
.Ltmp10:
0x134: {  	_ = 	snop;
	(pc) =	sbr.rel @p1 .LBB2_22-.Ltmp10, $2  }
0x135: {  	_ =	sdelay $0x2  }
0x136: {  	s4 =	sadd.s32 $0x200, s4;
	[tilespmem:v2+s0+$0x0] =	vst.idx.add.f32.msk $0xffff, v1  }
0x137: {  	s4 =	simm.s32 $0x0;
	s25 =	rddreg [dreg:$0x15];
	s31 =	simm.s32 $0x11  }
0x138: {  	[tilespmem:s4], [sflag:$0x11] =	stream.linear.gather [hbm4b:s25+s4], $0x800, $0x38;
	[tilespmem:$0x14480] =	vst v63  }
0x139: {  	_ =	swait.ge [sflag:s31], $0x800  }
0x13a: {  	[sflag:s31] =	ssyncset.done $0x0  }
0x13b: {  	[sflag:s31] =	ssyncadd.s32 $0xFFFFF800  }
.LBB2_24:
0x13c: {  	s25 =	sshra.s32 s4, $0x2  }
0x13d: {  	v2 =	vld [tilespmem:s25+$0x0];
	_ =	sdelay $0x7  }
0x13e: {  	[tilespmem:v2+s0+$0x0] =	vst.idx.add.f32.msk $0xffff, v1  }
0x13f: {  	v2 =	vld [tilespmem:s25+$0x10];
	_ =	sdelay $0x7  }
0x140: {  	[tilespmem:v2+s0+$0x0] =	vst.idx.add.f32.msk $0xffff, v1  }
0x141: {  	v2 =	vld [tilespmem:s25+$0x20];
	_ =	sdelay $0x7  }
0x142: {  	[tilespmem:v2+s0+$0x0] =	vst.idx.add.f32.msk $0xffff, v1  }
0x143: {  	v2 =	vld [tilespmem:s25+$0x30];
	_ =	sdelay $0x7  }
0x144: {  	[tilespmem:v2+s0+$0x0] =	vst.idx.add.f32.msk $0xffff, v1  }
0x145: {  	v2 =	vld [tilespmem:s25+$0x40];
	_ =	sdelay $0x7  }
0x146: {  	[tilespmem:v2+s0+$0x0] =	vst.idx.add.f32.msk $0xffff, v1  }
0x147: {  	v2 =	vld [tilespmem:s25+$0x50];
	_ =	sdelay $0x7  }
0x148: {  	[tilespmem:v2+s0+$0x0] =	vst.idx.add.f32.msk $0xffff, v1  }
0x149: {  	v2 =	vld [tilespmem:s25+$0x60];
	_ =	sdelay $0x7  }
0x14a: {  	[tilespmem:v2+s0+$0x0] =	vst.idx.add.f32.msk $0xffff, v1  }
0x14b: {  	v2 =	vld [tilespmem:s25+$0x70];
	_ =	sdelay $0x2  }
0x14c: {  	p1 =	sne.s32 s4, $0x1E00  }
.Ltmp11:
0x14d: {  	_ = 	snop;
	(pc) =	sbr.rel @p1 .LBB2_24-.Ltmp11, $2  }
0x14e: {  	_ =	sdelay $0x2  }
0x14f: {  	s4 =	sadd.s32 $0x200, s4;
	[tilespmem:v2+s0+$0x0] =	vst.idx.add.f32.msk $0xffff, v1  }
0x150: {  	s4 =	rddreg [dreg:$0x8];
	s25 =	simm.s32 $0x11  }
0x151: {  	[spmem:s4] =	stream.linear.scatter [tilespmem:s0], [sflag:$0x11], $0x2800, $0x38;
	[tilespmem:$0x14480] =	vst v63  }
0x152: {  	_ =	swait.ge [sflag:s25], $0x2800  }
0x153: {  	[sflag:s25] =	ssyncset.done $0x0  }
0x154: {  	[sflag:s25] =	ssyncadd.s32 $0xFFFFD800  }
0x155: {  	[bflag:$0x0] =	sbarrier.arrive $0xFFFF  }
0x156: {  	s30 =	rddreg [dreg:$0x9]  }
0x157: {  	[tilespmem:s28], [sflag:$0x11] =	stream.linear.gather [spmem:s30], $0x280, $0x38;
	[tilespmem:$0x14480] =	vst v63  }
0x158: {  	_ =	swait.ge [sflag:s25], $0x280  }
0x159: {  	s31 =	sld [smem:$0x7EF]  }
0x15a: {  	[sflag:s25] =	ssyncset.done $0x0  }
0x15b: {  	[sflag:s25] =	ssyncadd.s32 $0xFFFFFD80  }
0x15c: {  	[tilespmem:s0], [sflag:$0x11] =	stream.linear.gather [spmem:s31], $0x280, $0x38;
	[tilespmem:$0x14480] =	vst v63  }
0x15d: {  	_ =	swait.ge [sflag:s25], $0x280  }
0x15e: {  	[sflag:s25] =	ssyncset.done $0x0  }
0x15f: {  	s4 =	simm.s32 $0x0;
	[sflag:s25] =	ssyncadd.s32 $0xFFFFFD80  }
0x160: {  	s25 =	simm.s32 $0x40;
	v2 =	vld [tilespmem:s4+$0x800]  }
.LBB2_26:
0x161: {  	p1 =	sne.s32 s25, $0x9C0;
	v3 =	vld [tilespmem:s4+$0x3000];
	_ =	sdelay $0x2  }
.Ltmp12:
0x162: {  	(pc) =	sbr.rel @p1 .LBB2_26-.Ltmp12, $4  }
0x163: {  	_ = 	snop  }
0x164: {  	v3 =	vadd.f32 v2, v3  }
0x165: {  	s31 =	sshra.s32 s25, $0x2  }
0x166: {  	s25 =	sadd.s32 $0x40, s25;
	v2 =	vld [tilespmem:s31+$0x800];
	[tilespmem:s4+$0x3000] =	vst v3;
	s4 =	smov.u32 s31  }
0x167: {  	v3 =	vld [tilespmem:s4+$0x3000];
	_ =	sdelay $0x4  }
0x168: {  	s30 =	sld [smem:$0x7F0];
	v2 =	vadd.f32 v2, v3;
	_ =	sdelay $0x1  }
0x169: {  	s31 =	simm.s32 $0x11;
	[tilespmem:s4+$0x3000] =	vst v2  }
0x16a: {  	[tilespmem:s0], [sflag:$0x11] =	stream.linear.gather [spmem:s30], $0x280, $0x38;
	[tilespmem:$0x14480] =	vst v63  }
0x16b: {  	_ =	swait.ge [sflag:s31], $0x280  }
0x16c: {  	[sflag:s31] =	ssyncset.done $0x0  }
0x16d: {  	s4 =	simm.s32 $0x0;
	[sflag:s31] =	ssyncadd.s32 $0xFFFFFD80  }
0x16e: {  	s25 =	simm.s32 $0x40;
	v2 =	vld [tilespmem:s4+$0x800]  }
.LBB2_28:
0x16f: {  	p1 =	sne.s32 s25, $0x9C0;
	v3 =	vld [tilespmem:s4+$0x3000];
	_ =	sdelay $0x2  }
.Ltmp13:
0x170: {  	(pc) =	sbr.rel @p1 .LBB2_28-.Ltmp13, $4  }
0x171: {  	_ = 	snop  }
0x172: {  	v3 =	vadd.f32 v2, v3  }
0x173: {  	s31 =	sshra.s32 s25, $0x2  }
0x174: {  	s25 =	sadd.s32 $0x40, s25;
	v2 =	vld [tilespmem:s31+$0x800];
	[tilespmem:s4+$0x3000] =	vst v3;
	s4 =	smov.u32 s31  }
0x175: {  	v3 =	vld [tilespmem:s4+$0x3000];
	_ =	sdelay $0x4  }
0x176: {  	s30 =	sld [smem:$0x7F1];
	v2 =	vadd.f32 v2, v3;
	_ =	sdelay $0x1  }
0x177: {  	s31 =	simm.s32 $0x11;
	[tilespmem:s4+$0x3000] =	vst v2  }
0x178: {  	[tilespmem:s0], [sflag:$0x11] =	stream.linear.gather [spmem:s30], $0x280, $0x38;
	[tilespmem:$0x14480] =	vst v63  }
0x179: {  	_ =	swait.ge [sflag:s31], $0x280  }
0x17a: {  	[sflag:s31] =	ssyncset.done $0x0  }
0x17b: {  	s4 =	simm.s32 $0x0;
	[sflag:s31] =	ssyncadd.s32 $0xFFFFFD80  }
0x17c: {  	s25 =	simm.s32 $0x40;
	v2 =	vld [tilespmem:s4+$0x800]  }
.LBB2_30:
0x17d: {  	p1 =	sne.s32 s25, $0x9C0;
	v3 =	vld [tilespmem:s4+$0x3000];
	_ =	sdelay $0x2  }
.Ltmp14:
0x17e: {  	(pc) =	sbr.rel @p1 .LBB2_30-.Ltmp14, $4  }
0x17f: {  	_ = 	snop  }
0x180: {  	v3 =	vadd.f32 v2, v3  }
0x181: {  	s31 =	sshra.s32 s25, $0x2  }
0x182: {  	s25 =	sadd.s32 $0x40, s25;
	v2 =	vld [tilespmem:s31+$0x800];
	[tilespmem:s4+$0x3000] =	vst v3;
	s4 =	smov.u32 s31  }
0x183: {  	v3 =	vld [tilespmem:s4+$0x3000];
	_ =	sdelay $0x4  }
0x184: {  	s30 =	sld [smem:$0x7F2];
	v2 =	vadd.f32 v2, v3;
	_ =	sdelay $0x1  }
0x185: {  	s31 =	simm.s32 $0x11;
	[tilespmem:s4+$0x3000] =	vst v2  }
0x186: {  	[tilespmem:s0], [sflag:$0x11] =	stream.linear.gather [spmem:s30], $0x280, $0x38;
	[tilespmem:$0x14480] =	vst v63  }
0x187: {  	_ =	swait.ge [sflag:s31], $0x280  }
0x188: {  	[sflag:s31] =	ssyncset.done $0x0  }
0x189: {  	s4 =	simm.s32 $0x0;
	[sflag:s31] =	ssyncadd.s32 $0xFFFFFD80  }
0x18a: {  	s25 =	simm.s32 $0x40;
	v2 =	vld [tilespmem:s4+$0x800]  }
.LBB2_32:
0x18b: {  	p1 =	sne.s32 s25, $0x9C0;
	v3 =	vld [tilespmem:s4+$0x3000];
	_ =	sdelay $0x2  }
.Ltmp15:
0x18c: {  	(pc) =	sbr.rel @p1 .LBB2_32-.Ltmp15, $4  }
0x18d: {  	_ = 	snop  }
0x18e: {  	v3 =	vadd.f32 v2, v3  }
0x18f: {  	s31 =	sshra.s32 s25, $0x2  }
0x190: {  	s25 =	sadd.s32 $0x40, s25;
	v2 =	vld [tilespmem:s31+$0x800];
	[tilespmem:s4+$0x3000] =	vst v3;
	s4 =	smov.u32 s31  }
0x191: {  	v3 =	vld [tilespmem:s4+$0x3000];
	_ =	sdelay $0x4  }
0x192: {  	s30 =	sld [smem:$0x7F3];
	v2 =	vadd.f32 v2, v3;
	_ =	sdelay $0x1  }
0x193: {  	s31 =	simm.s32 $0x11;
	[tilespmem:s4+$0x3000] =	vst v2  }
0x194: {  	[tilespmem:s0], [sflag:$0x11] =	stream.linear.gather [spmem:s30], $0x280, $0x38;
	[tilespmem:$0x14480] =	vst v63  }
0x195: {  	_ =	swait.ge [sflag:s31], $0x280  }
0x196: {  	[sflag:s31] =	ssyncset.done $0x0  }
0x197: {  	s4 =	simm.s32 $0x0;
	[sflag:s31] =	ssyncadd.s32 $0xFFFFFD80  }
0x198: {  	s25 =	simm.s32 $0x40;
	v2 =	vld [tilespmem:s4+$0x800]  }
.LBB2_34:
0x199: {  	p1 =	sne.s32 s25, $0x9C0;
	v3 =	vld [tilespmem:s4+$0x3000];
	_ =	sdelay $0x2  }
.Ltmp16:
0x19a: {  	(pc) =	sbr.rel @p1 .LBB2_34-.Ltmp16, $4  }
0x19b: {  	_ = 	snop  }
0x19c: {  	v3 =	vadd.f32 v2, v3  }
0x19d: {  	s31 =	sshra.s32 s25, $0x2  }
0x19e: {  	s25 =	sadd.s32 $0x40, s25;
	v2 =	vld [tilespmem:s31+$0x800];
	[tilespmem:s4+$0x3000] =	vst v3;
	s4 =	smov.u32 s31  }
0x19f: {  	v3 =	vld [tilespmem:s4+$0x3000];
	_ =	sdelay $0x4  }
0x1a0: {  	s30 =	sld [smem:$0x7F4];
	v2 =	vadd.f32 v2, v3;
	_ =	sdelay $0x1  }
0x1a1: {  	s31 =	simm.s32 $0x11;
	[tilespmem:s4+$0x3000] =	vst v2  }
0x1a2: {  	[tilespmem:s0], [sflag:$0x11] =	stream.linear.gather [spmem:s30], $0x280, $0x38;
	[tilespmem:$0x14480] =	vst v63  }
0x1a3: {  	_ =	swait.ge [sflag:s31], $0x280  }
0x1a4: {  	[sflag:s31] =	ssyncset.done $0x0  }
0x1a5: {  	s4 =	simm.s32 $0x0;
	[sflag:s31] =	ssyncadd.s32 $0xFFFFFD80  }
0x1a6: {  	s25 =	simm.s32 $0x40;
	v2 =	vld [tilespmem:s4+$0x800]  }
.LBB2_36:
0x1a7: {  	p1 =	sne.s32 s25, $0x9C0;
	v3 =	vld [tilespmem:s4+$0x3000];
	_ =	sdelay $0x2  }
.Ltmp17:
0x1a8: {  	(pc) =	sbr.rel @p1 .LBB2_36-.Ltmp17, $4  }
0x1a9: {  	_ = 	snop  }
0x1aa: {  	v3 =	vadd.f32 v2, v3  }
0x1ab: {  	s31 =	sshra.s32 s25, $0x2  }
0x1ac: {  	s25 =	sadd.s32 $0x40, s25;
	v2 =	vld [tilespmem:s31+$0x800];
	[tilespmem:s4+$0x3000] =	vst v3;
	s4 =	smov.u32 s31  }
0x1ad: {  	v3 =	vld [tilespmem:s4+$0x3000];
	_ =	sdelay $0x4  }
0x1ae: {  	s30 =	sld [smem:$0x7F5];
	v2 =	vadd.f32 v2, v3;
	_ =	sdelay $0x1  }
0x1af: {  	s31 =	simm.s32 $0x11;
	[tilespmem:s4+$0x3000] =	vst v2  }
0x1b0: {  	[tilespmem:s0], [sflag:$0x11] =	stream.linear.gather [spmem:s30], $0x280, $0x38;
	[tilespmem:$0x14480] =	vst v63  }
0x1b1: {  	_ =	swait.ge [sflag:s31], $0x280  }
0x1b2: {  	[sflag:s31] =	ssyncset.done $0x0  }
0x1b3: {  	s4 =	simm.s32 $0x0;
	[sflag:s31] =	ssyncadd.s32 $0xFFFFFD80  }
0x1b4: {  	s25 =	simm.s32 $0x40;
	v2 =	vld [tilespmem:s4+$0x800]  }
.LBB2_38:
0x1b5: {  	p1 =	sne.s32 s25, $0x9C0;
	v3 =	vld [tilespmem:s4+$0x3000];
	_ =	sdelay $0x2  }
.Ltmp18:
0x1b6: {  	(pc) =	sbr.rel @p1 .LBB2_38-.Ltmp18, $4  }
0x1b7: {  	_ = 	snop  }
0x1b8: {  	v3 =	vadd.f32 v2, v3  }
0x1b9: {  	s31 =	sshra.s32 s25, $0x2  }
0x1ba: {  	s25 =	sadd.s32 $0x40, s25;
	v2 =	vld [tilespmem:s31+$0x800];
	[tilespmem:s4+$0x3000] =	vst v3;
	s4 =	smov.u32 s31  }
0x1bb: {  	v3 =	vld [tilespmem:s4+$0x3000];
	_ =	sdelay $0x4  }
0x1bc: {  	s30 =	sld [smem:$0x7F6];
	v2 =	vadd.f32 v2, v3;
	_ =	sdelay $0x1  }
0x1bd: {  	s31 =	simm.s32 $0x11;
	[tilespmem:s4+$0x3000] =	vst v2  }
0x1be: {  	[tilespmem:s0], [sflag:$0x11] =	stream.linear.gather [spmem:s30], $0x280, $0x38;
	[tilespmem:$0x14480] =	vst v63  }
0x1bf: {  	_ =	swait.ge [sflag:s31], $0x280  }
0x1c0: {  	[sflag:s31] =	ssyncset.done $0x0  }
0x1c1: {  	s4 =	simm.s32 $0x0;
	[sflag:s31] =	ssyncadd.s32 $0xFFFFFD80  }
0x1c2: {  	s25 =	simm.s32 $0x40;
	v2 =	vld [tilespmem:s4+$0x800]  }
.LBB2_40:
0x1c3: {  	p1 =	sne.s32 s25, $0x9C0;
	v3 =	vld [tilespmem:s4+$0x3000];
	_ =	sdelay $0x2  }
.Ltmp19:
0x1c4: {  	(pc) =	sbr.rel @p1 .LBB2_40-.Ltmp19, $4  }
0x1c5: {  	_ = 	snop  }
0x1c6: {  	v3 =	vadd.f32 v2, v3  }
0x1c7: {  	s31 =	sshra.s32 s25, $0x2  }
0x1c8: {  	s25 =	sadd.s32 $0x40, s25;
	v2 =	vld [tilespmem:s31+$0x800];
	[tilespmem:s4+$0x3000] =	vst v3;
	s4 =	smov.u32 s31  }
0x1c9: {  	v3 =	vld [tilespmem:s4+$0x3000];
	_ =	sdelay $0x4  }
0x1ca: {  	s30 =	sld [smem:$0x7F7];
	v2 =	vadd.f32 v2, v3;
	_ =	sdelay $0x1  }
0x1cb: {  	s31 =	simm.s32 $0x11;
	[tilespmem:s4+$0x3000] =	vst v2  }
0x1cc: {  	[tilespmem:s0], [sflag:$0x11] =	stream.linear.gather [spmem:s30], $0x280, $0x38;
	[tilespmem:$0x14480] =	vst v63  }
0x1cd: {  	_ =	swait.ge [sflag:s31], $0x280  }
0x1ce: {  	[sflag:s31] =	ssyncset.done $0x0  }
0x1cf: {  	s4 =	simm.s32 $0x0;
	[sflag:s31] =	ssyncadd.s32 $0xFFFFFD80  }
0x1d0: {  	s25 =	simm.s32 $0x40;
	v2 =	vld [tilespmem:s4+$0x800]  }
.LBB2_42:
0x1d1: {  	p1 =	sne.s32 s25, $0x9C0;
	v3 =	vld [tilespmem:s4+$0x3000];
	_ =	sdelay $0x2  }
.Ltmp20:
0x1d2: {  	(pc) =	sbr.rel @p1 .LBB2_42-.Ltmp20, $4  }
0x1d3: {  	_ = 	snop  }
0x1d4: {  	v3 =	vadd.f32 v2, v3  }
0x1d5: {  	s31 =	sshra.s32 s25, $0x2  }
0x1d6: {  	s25 =	sadd.s32 $0x40, s25;
	v2 =	vld [tilespmem:s31+$0x800];
	[tilespmem:s4+$0x3000] =	vst v3;
	s4 =	smov.u32 s31  }
0x1d7: {  	v3 =	vld [tilespmem:s4+$0x3000];
	_ =	sdelay $0x4  }
0x1d8: {  	s30 =	sld [smem:$0x7F8];
	v2 =	vadd.f32 v2, v3;
	_ =	sdelay $0x1  }
0x1d9: {  	s31 =	simm.s32 $0x11;
	[tilespmem:s4+$0x3000] =	vst v2  }
0x1da: {  	[tilespmem:s0], [sflag:$0x11] =	stream.linear.gather [spmem:s30], $0x280, $0x38;
	[tilespmem:$0x14480] =	vst v63  }
0x1db: {  	_ =	swait.ge [sflag:s31], $0x280  }
0x1dc: {  	[sflag:s31] =	ssyncset.done $0x0  }
0x1dd: {  	s4 =	simm.s32 $0x0;
	[sflag:s31] =	ssyncadd.s32 $0xFFFFFD80  }
0x1de: {  	s25 =	simm.s32 $0x40;
	v2 =	vld [tilespmem:s4+$0x800]  }
.LBB2_44:
0x1df: {  	p1 =	sne.s32 s25, $0x9C0;
	v3 =	vld [tilespmem:s4+$0x3000];
	_ =	sdelay $0x2  }
.Ltmp21:
0x1e0: {  	(pc) =	sbr.rel @p1 .LBB2_44-.Ltmp21, $4  }
0x1e1: {  	_ = 	snop  }
0x1e2: {  	v3 =	vadd.f32 v2, v3  }
0x1e3: {  	s31 =	sshra.s32 s25, $0x2  }
0x1e4: {  	s25 =	sadd.s32 $0x40, s25;
	v2 =	vld [tilespmem:s31+$0x800];
	[tilespmem:s4+$0x3000] =	vst v3;
	s4 =	smov.u32 s31  }
0x1e5: {  	v3 =	vld [tilespmem:s4+$0x3000];
	_ =	sdelay $0x4  }
0x1e6: {  	s30 =	sld [smem:$0x7F9];
	v2 =	vadd.f32 v2, v3;
	_ =	sdelay $0x1  }
0x1e7: {  	s31 =	simm.s32 $0x11;
	[tilespmem:s4+$0x3000] =	vst v2  }
0x1e8: {  	[tilespmem:s0], [sflag:$0x11] =	stream.linear.gather [spmem:s30], $0x280, $0x38;
	[tilespmem:$0x14480] =	vst v63  }
0x1e9: {  	_ =	swait.ge [sflag:s31], $0x280  }
0x1ea: {  	[sflag:s31] =	ssyncset.done $0x0  }
0x1eb: {  	s4 =	simm.s32 $0x0;
	[sflag:s31] =	ssyncadd.s32 $0xFFFFFD80  }
0x1ec: {  	s25 =	simm.s32 $0x40;
	v2 =	vld [tilespmem:s4+$0x800]  }
.LBB2_46:
0x1ed: {  	p1 =	sne.s32 s25, $0x9C0;
	v3 =	vld [tilespmem:s4+$0x3000];
	_ =	sdelay $0x2  }
.Ltmp22:
0x1ee: {  	(pc) =	sbr.rel @p1 .LBB2_46-.Ltmp22, $4  }
0x1ef: {  	_ = 	snop  }
0x1f0: {  	v3 =	vadd.f32 v2, v3  }
0x1f1: {  	s31 =	sshra.s32 s25, $0x2  }
0x1f2: {  	s25 =	sadd.s32 $0x40, s25;
	v2 =	vld [tilespmem:s31+$0x800];
	[tilespmem:s4+$0x3000] =	vst v3;
	s4 =	smov.u32 s31  }
0x1f3: {  	v3 =	vld [tilespmem:s4+$0x3000];
	_ =	sdelay $0x4  }
0x1f4: {  	s30 =	sld [smem:$0x7FA];
	v2 =	vadd.f32 v2, v3;
	_ =	sdelay $0x1  }
0x1f5: {  	s31 =	simm.s32 $0x11;
	[tilespmem:s4+$0x3000] =	vst v2  }
0x1f6: {  	[tilespmem:s0], [sflag:$0x11] =	stream.linear.gather [spmem:s30], $0x280, $0x38;
	[tilespmem:$0x14480] =	vst v63  }
0x1f7: {  	_ =	swait.ge [sflag:s31], $0x280  }
0x1f8: {  	[sflag:s31] =	ssyncset.done $0x0  }
0x1f9: {  	s4 =	simm.s32 $0x0;
	[sflag:s31] =	ssyncadd.s32 $0xFFFFFD80  }
0x1fa: {  	s25 =	simm.s32 $0x40;
	v2 =	vld [tilespmem:s4+$0x800]  }
.LBB2_48:
0x1fb: {  	p1 =	sne.s32 s25, $0x9C0;
	v3 =	vld [tilespmem:s4+$0x3000];
	_ =	sdelay $0x2  }
.Ltmp23:
0x1fc: {  	(pc) =	sbr.rel @p1 .LBB2_48-.Ltmp23, $4  }
0x1fd: {  	_ = 	snop  }
0x1fe: {  	v3 =	vadd.f32 v2, v3  }
0x1ff: {  	s31 =	sshra.s32 s25, $0x2  }
0x200: {  	s25 =	sadd.s32 $0x40, s25;
	v2 =	vld [tilespmem:s31+$0x800];
	[tilespmem:s4+$0x3000] =	vst v3;
	s4 =	smov.u32 s31  }
0x201: {  	v3 =	vld [tilespmem:s4+$0x3000];
	_ =	sdelay $0x4  }
0x202: {  	s30 =	sld [smem:$0x7FB];
	v2 =	vadd.f32 v2, v3;
	_ =	sdelay $0x1  }
0x203: {  	s31 =	simm.s32 $0x11;
	[tilespmem:s4+$0x3000] =	vst v2  }
0x204: {  	[tilespmem:s0], [sflag:$0x11] =	stream.linear.gather [spmem:s30], $0x280, $0x38;
	[tilespmem:$0x14480] =	vst v63  }
0x205: {  	_ =	swait.ge [sflag:s31], $0x280  }
0x206: {  	[sflag:s31] =	ssyncset.done $0x0  }
0x207: {  	s4 =	simm.s32 $0x0;
	[sflag:s31] =	ssyncadd.s32 $0xFFFFFD80  }
0x208: {  	s25 =	simm.s32 $0x40;
	v2 =	vld [tilespmem:s4+$0x800]  }
.LBB2_50:
0x209: {  	p1 =	sne.s32 s25, $0x9C0;
	v3 =	vld [tilespmem:s4+$0x3000];
	_ =	sdelay $0x2  }
.Ltmp24:
0x20a: {  	(pc) =	sbr.rel @p1 .LBB2_50-.Ltmp24, $4  }
0x20b: {  	_ = 	snop  }
0x20c: {  	v3 =	vadd.f32 v2, v3  }
0x20d: {  	s31 =	sshra.s32 s25, $0x2  }
0x20e: {  	s25 =	sadd.s32 $0x40, s25;
	v2 =	vld [tilespmem:s31+$0x800];
	[tilespmem:s4+$0x3000] =	vst v3;
	s4 =	smov.u32 s31  }
0x20f: {  	v3 =	vld [tilespmem:s4+$0x3000];
	_ =	sdelay $0x4  }
0x210: {  	s30 =	sld [smem:$0x7FC];
	v2 =	vadd.f32 v2, v3;
	_ =	sdelay $0x1  }
0x211: {  	s31 =	simm.s32 $0x11;
	[tilespmem:s4+$0x3000] =	vst v2  }
0x212: {  	[tilespmem:s0], [sflag:$0x11] =	stream.linear.gather [spmem:s30], $0x280, $0x38;
	[tilespmem:$0x14480] =	vst v63  }
0x213: {  	_ =	swait.ge [sflag:s31], $0x280  }
0x214: {  	[sflag:s31] =	ssyncset.done $0x0  }
0x215: {  	s4 =	simm.s32 $0x0;
	[sflag:s31] =	ssyncadd.s32 $0xFFFFFD80  }
0x216: {  	s25 =	simm.s32 $0x40;
	v2 =	vld [tilespmem:s4+$0x800]  }
.LBB2_52:
0x217: {  	p1 =	sne.s32 s25, $0x9C0;
	v3 =	vld [tilespmem:s4+$0x3000];
	_ =	sdelay $0x2  }
.Ltmp25:
0x218: {  	(pc) =	sbr.rel @p1 .LBB2_52-.Ltmp25, $4  }
0x219: {  	_ = 	snop  }
0x21a: {  	v3 =	vadd.f32 v2, v3  }
0x21b: {  	s31 =	sshra.s32 s25, $0x2  }
0x21c: {  	s25 =	sadd.s32 $0x40, s25;
	v2 =	vld [tilespmem:s31+$0x800];
	[tilespmem:s4+$0x3000] =	vst v3;
	s4 =	smov.u32 s31  }
0x21d: {  	v3 =	vld [tilespmem:s4+$0x3000];
	_ =	sdelay $0x4  }
0x21e: {  	s25 =	sld [smem:$0x7FD];
	v2 =	vadd.f32 v2, v3;
	_ =	sdelay $0x1  }
0x21f: {  	s30 =	simm.s32 $0x11;
	[tilespmem:s4+$0x3000] =	vst v2  }
0x220: {  	[tilespmem:s0], [sflag:$0x11] =	stream.linear.gather [spmem:s25], $0x280, $0x38;
	[tilespmem:$0x14480] =	vst v63  }
0x221: {  	_ =	swait.ge [sflag:s30], $0x280  }
0x222: {  	[sflag:s30] =	ssyncset.done $0x0  }
0x223: {  	s4 =	simm.s32 $0x0;
	[sflag:s30] =	ssyncadd.s32 $0xFFFFFD80  }
0x224: {  	s31 =	simm.s32 $0x40;
	s25 =	simm.s32 $0x0;
	v2 =	vld [tilespmem:s4+$0x800]  }
.LBB2_54:
0x225: {  	p1 =	sne.s32 s31, $0x9C0;
	v3 =	vld [tilespmem:s25+$0x3000];
	_ =	sdelay $0x2  }
.Ltmp26:
0x226: {  	(pc) =	sbr.rel @p1 .LBB2_54-.Ltmp26, $4  }
0x227: {  	_ = 	snop  }
0x228: {  	v3 =	vadd.f32 v2, v3  }
0x229: {  	s30 =	sshra.s32 s31, $0x2  }
0x22a: {  	s31 =	sadd.s32 $0x40, s31;
	v2 =	vld [tilespmem:s30+$0x800];
	[tilespmem:s25+$0x3000] =	vst v3;
	s25 =	smov.u32 s30  }
0x22b: {  	v3 =	vld [tilespmem:s25+$0x3000];
	_ =	sdelay $0x4  }
0x22c: {  	v2 =	vadd.f32 v2, v3;
	_ =	sdelay $0x1  }
0x22d: {  	[tilespmem:s25+$0x3000] =	vst v2;
	s25 =	simm.s32 $0x40  }
.LBB2_56:
0x22e: {  	p1 =	sne.s32 s25, $0x9C0;
	v2 =	vld [tilespmem:s4+$0x3000];
	_ =	sdelay $0x4  }
0x22f: {  	v2 =	vadd.f32 $1.000000000e+00, v2;
	_ =	sdelay $0x1  }
0x230: {  	v3 =	vshra.s32 v2, $0x1;
	v2 =	vmul.f32 $5.000000000e-01, v2  }
0x231: {  	v3 =	vsub.s32 $0x5F3759DF, v3  }
0x232: {  	v4 =	vmul.f32 v3, v2;
	_ =	sdelay $0x1  }
0x233: {  	v4 =	vmul.f32 v3, v4;
	_ =	sdelay $0x1  }
0x234: {  	v4 =	vsub.f32 $1.500000000e+00, v4;
	_ =	sdelay $0x1  }
0x235: {  	v3 =	vmul.f32 v3, v4;
	_ =	sdelay $0x1  }
0x236: {  	v4 =	vmul.f32 v3, v2;
	_ =	sdelay $0x1  }
0x237: {  	v4 =	vmul.f32 v4, v3;
	_ =	sdelay $0x1  }
0x238: {  	v4 =	vsub.f32 $1.500000000e+00, v4;
	_ =	sdelay $0x1  }
0x239: {  	v3 =	vmul.f32 v4, v3;
	_ =	sdelay $0x1  }
0x23a: {  	v2 =	vmul.f32 v3, v2;
	_ =	sdelay $0x1  }
0x23b: {  	v2 =	vmul.f32 v2, v3;
	_ =	sdelay $0x1  }
.Ltmp27:
0x23c: {  	v2 =	vsub.f32 $1.500000000e+00, v2;
	(pc) =	sbr.rel @p1 .LBB2_56-.Ltmp27, $3  }
0x23d: {  	_ = 	snop  }
0x23e: {  	v2 =	vmul.f32 v2, v3;
	_ =	sdelay $0x1  }
0x23f: {  	[tilespmem:s4+$0x3000] =	vst v2;
	s4 =	sshra.s32 s25, $0x2;
	s25 =	sadd.s32 $0x40, s25  }
0x240: {  	v2 =	vld [tilespmem:s4+$0x3000];
	_ =	sdelay $0x4  }
0x241: {  	v2 =	vadd.f32 $1.000000000e+00, v2;
	_ =	sdelay $0x1  }
0x242: {  	v3 =	vshra.s32 v2, $0x1;
	v2 =	vmul.f32 $5.000000000e-01, v2  }
0x243: {  	v3 =	vsub.s32 $0x5F3759DF, v3  }
0x244: {  	v4 =	vmul.f32 v3, v2;
	_ =	sdelay $0x1  }
0x245: {  	v4 =	vmul.f32 v3, v4;
	_ =	sdelay $0x1  }
0x246: {  	v4 =	vsub.f32 $1.500000000e+00, v4;
	_ =	sdelay $0x1  }
0x247: {  	v3 =	vmul.f32 v3, v4;
	_ =	sdelay $0x1  }
0x248: {  	v4 =	vmul.f32 v3, v2;
	_ =	sdelay $0x1  }
0x249: {  	v4 =	vmul.f32 v4, v3;
	_ =	sdelay $0x1  }
0x24a: {  	v4 =	vsub.f32 $1.500000000e+00, v4;
	_ =	sdelay $0x1  }
0x24b: {  	v3 =	vmul.f32 v4, v3;
	_ =	sdelay $0x1  }
0x24c: {  	v2 =	vmul.f32 v3, v2;
	_ =	sdelay $0x1  }
0x24d: {  	v2 =	vmul.f32 v2, v3;
	_ =	sdelay $0x1  }
0x24e: {  	v2 =	vsub.f32 $1.500000000e+00, v2;
	_ =	sdelay $0x1  }
0x24f: {  	v2 =	vmul.f32 v2, v3;
	_ =	sdelay $0x1  }
0x250: {  	s25 =	simm.s32 @!p0 $0x3000;
	s30 =	rddreg [dreg:$0x16];
	[tilespmem:s4+$0x3000] =	vst v2;
	s4 =	simm.s32 @!p0 $0x0  }
0x251: {  	[hbm4b:s30+s4] =	stream.linear.scatter @!p0 [tilespmem:s25], [sflag:$0x11], $0x280, $0x38;
	[tilespmem:$0x14480] =	vst v63  }
0x252: {  	s4 =	simm.s32 @!p0 $0x11  }
0x253: {  	_ =	swait.ge @!p0 [sflag:s4], $0x280  }
0x254: {  	s0 =	simm.s32 $0x0;
	s30 =	simm.s32 $0x11;
	[sflag:s4] =	ssyncset.done @!p0 $0x0  }
0x255: {  	v2 =	vmov s0;
	s10 =	rddreg [dreg:$0xa];
	[sflag:s4] =	ssyncadd.s32 @!p0 $0xFFFFFD80;
	s4 =	simm.s32 $0x3280  }
0x256: {  	[tilespmem:s4], [sflag:$0x11] =	stream.linear.gather [hbm4b:s10+s0], $0xA00, $0x38;
	[tilespmem:$0x14480] =	vst v63  }
0x257: {  	_ =	swait.ge [sflag:s30], $0xA00  }
0x258: {  	[sflag:s30] =	ssyncset.done $0x0  }
0x259: {  	[sflag:s30] =	ssyncadd.s32 $0xFFFFF600  }
0x25a: {  	v2 =	vld.idx.msk [tilespmem:v2+s28+$0x0], $0xffff  }
0x25b: {  	v4 =	vld [tilespmem:s4+$0x0];
	_ =	sdelay $0x1  }
0x25c: {  	s31 =	simm.s32 $0x1  }
0x25d: {  	v3 =	vmov s31;
	s25 =	simm.s32 $0x2  }
.LBB2_58:
0x25e: {  	p1 =	sne.s32 s25, $0x9F  }
0x25f: {  	v2 =	vmul.f32 v4, v2;
	_ =	sdelay $0x1  }
0x260: {  	[tilespmem:s4+$0x0] =	vst v2  }
.Ltmp28:
0x261: {  	s4 =	sadd.s32 $0x10, s4;
	v2 =	vld.idx.msk [tilespmem:v3+s28+$0x0], $0xffff;
	(pc) =	sbr.rel @p1 .LBB2_58-.Ltmp28, $2  }
0x262: {  	v4 =	vld [tilespmem:s4+$0x0];
	_ =	sdelay $0x2  }
0x263: {  	v3 =	vmov s25;
	s25 =	sadd.s32 $0x1, s25  }
0x264: {  	_ = 	snop  }
0x265: {  	v2 =	vmul.f32 v4, v2;
	_ =	sdelay $0x1  }
0x266: {  	[tilespmem:s4+$0x0] =	vst v2  }
0x267: {  	s0 =	sadd.s32 $0x10, s4;
	v2 =	vld.idx.msk [tilespmem:v3+s28+$0x0], $0xffff  }
0x268: {  	v3 =	vld [tilespmem:s0+$0x0];
	_ =	sdelay $0x4  }
0x269: {  	v2 =	vmul.f32 v3, v2  }
0x26a: {  	s25 =	simm.s32 $0x0  }
0x26b: {  	s30 =	rddreg [dreg:$0x18];
	s31 =	simm.s32 $0x11;
	s4 =	simm.s32 $0x3280;
	[tilespmem:s0+$0x0] =	vst v2  }
0x26c: {  	v2 =	vmov s25;
	[spmem:s30] =	stream.linear.scatter [tilespmem:s4], [sflag:$0x11], $0xA00, $0x38;
	[tilespmem:$0x14480] =	vst v63  }
0x26d: {  	v2 =	vadd.s32 $0xA0, v2;
	_ =	swait.ge [sflag:s31], $0xA00  }
0x26e: {  	v2 =	vbroadcast v2, $0x0;
	[sflag:s31] =	ssyncset.done $0x0  }
0x26f: {  	s10 =	rddreg [dreg:$0xb];
	[sflag:s31] =	ssyncadd.s32 $0xFFFFF600  }
0x270: {  	[tilespmem:s4], [sflag:$0x11] =	stream.linear.gather [hbm4b:s10+s25], $0xA00, $0x38;
	[tilespmem:$0x14480] =	vst v63  }
0x271: {  	_ =	swait.ge [sflag:s31], $0xA00  }
0x272: {  	[sflag:s31] =	ssyncset.done $0x0  }
0x273: {  	[sflag:s31] =	ssyncadd.s32 $0xFFFFF600  }
0x274: {  	s31 =	simm.s32 $0x1;
	v2 =	vld.idx.msk [tilespmem:v2+s28+$0x0], $0xffff  }
0x275: {  	s25 =	simm.s32 $0x2;
	v4 =	vmov s31;
	v3 =	vld [tilespmem:s4+$0x0]  }
.LBB2_60:
0x276: {  	p1 =	sne.s32 s25, $0x9F;
	v4 =	vadd.s32 $0xA0, v4  }
0x277: {  	v4 =	vbroadcast v4, $0x0;
	_ =	sdelay $0x2  }
.Ltmp29:
0x278: {  	v2 =	vmul.f32 v3, v2;
	(pc) =	sbr.rel @p1 .LBB2_60-.Ltmp29, $4  }
0x279: {  	_ = 	snop  }
0x27a: {  	[tilespmem:s4+$0x0] =	vst v2  }
0x27b: {  	s4 =	sadd.s32 $0x10, s4;
	v2 =	vld.idx.msk [tilespmem:v4+s28+$0x0], $0xffff  }
0x27c: {  	v4 =	vmov s25;
	s25 =	sadd.s32 $0x1, s25;
	v3 =	vld [tilespmem:s4+$0x0]  }
0x27d: {  	v4 =	vadd.s32 $0xA0, v4  }
0x27e: {  	v4 =	vbroadcast v4, $0x0;
	_ =	sdelay $0x2  }
0x27f: {  	v2 =	vmul.f32 v3, v2;
	_ =	sdelay $0x1  }
0x280: {  	[tilespmem:s4+$0x0] =	vst v2  }
0x281: {  	s0 =	sadd.s32 $0x10, s4;
	v2 =	vld.idx.msk [tilespmem:v4+s28+$0x0], $0xffff  }
0x282: {  	v3 =	vld [tilespmem:s0+$0x0];
	_ =	sdelay $0x4  }
0x283: {  	v2 =	vmul.f32 v3, v2  }
0x284: {  	s25 =	simm.s32 $0x0  }
0x285: {  	s30 =	rddreg [dreg:$0x1a];
	s31 =	simm.s32 $0x11;
	s4 =	simm.s32 $0x3280;
	[tilespmem:s0+$0x0] =	vst v2  }
0x286: {  	v2 =	vmov s25;
	[spmem:s30] =	stream.linear.scatter [tilespmem:s4], [sflag:$0x11], $0xA00, $0x38;
	[tilespmem:$0x14480] =	vst v63  }
0x287: {  	v2 =	vadd.s32 $0x140, v2;
	_ =	swait.ge [sflag:s31], $0xA00  }
0x288: {  	v2 =	vbroadcast v2, $0x0;
	[sflag:s31] =	ssyncset.done $0x0  }
0x289: {  	s10 =	rddreg [dreg:$0xc];
	[sflag:s31] =	ssyncadd.s32 $0xFFFFF600  }
0x28a: {  	[tilespmem:s4], [sflag:$0x11] =	stream.linear.gather [hbm4b:s10+s25], $0xA00, $0x38;
	[tilespmem:$0x14480] =	vst v63  }
0x28b: {  	_ =	swait.ge [sflag:s31], $0xA00  }
0x28c: {  	[sflag:s31] =	ssyncset.done $0x0  }
0x28d: {  	[sflag:s31] =	ssyncadd.s32 $0xFFFFF600  }
0x28e: {  	s31 =	simm.s32 $0x1;
	v2 =	vld.idx.msk [tilespmem:v2+s28+$0x0], $0xffff  }
0x28f: {  	s25 =	simm.s32 $0x2;
	v4 =	vmov s31;
	v3 =	vld [tilespmem:s4+$0x0]  }
.LBB2_62:
0x290: {  	p1 =	sne.s32 s25, $0x9F;
	v4 =	vadd.s32 $0x140, v4  }
0x291: {  	v4 =	vbroadcast v4, $0x0;
	_ =	sdelay $0x2  }
.Ltmp30:
0x292: {  	v2 =	vmul.f32 v3, v2;
	(pc) =	sbr.rel @p1 .LBB2_62-.Ltmp30, $4  }
0x293: {  	_ = 	snop  }
0x294: {  	[tilespmem:s4+$0x0] =	vst v2  }
0x295: {  	s4 =	sadd.s32 $0x10, s4;
	v2 =	vld.idx.msk [tilespmem:v4+s28+$0x0], $0xffff  }
0x296: {  	v4 =	vmov s25;
	s25 =	sadd.s32 $0x1, s25;
	v3 =	vld [tilespmem:s4+$0x0]  }
0x297: {  	v4 =	vadd.s32 $0x140, v4  }
0x298: {  	v4 =	vbroadcast v4, $0x0;
	_ =	sdelay $0x2  }
0x299: {  	v2 =	vmul.f32 v3, v2;
	_ =	sdelay $0x1  }
0x29a: {  	[tilespmem:s4+$0x0] =	vst v2  }
0x29b: {  	s0 =	sadd.s32 $0x10, s4;
	v2 =	vld.idx.msk [tilespmem:v4+s28+$0x0], $0xffff  }
0x29c: {  	v3 =	vld [tilespmem:s0+$0x0];
	_ =	sdelay $0x4  }
0x29d: {  	v2 =	vmul.f32 v3, v2  }
0x29e: {  	s25 =	simm.s32 $0x0  }
0x29f: {  	s30 =	rddreg [dreg:$0x1c];
	s31 =	simm.s32 $0x11;
	s4 =	simm.s32 $0x3280;
	[tilespmem:s0+$0x0] =	vst v2  }
0x2a0: {  	v2 =	vmov s25;
	[spmem:s30] =	stream.linear.scatter [tilespmem:s4], [sflag:$0x11], $0xA00, $0x38;
	[tilespmem:$0x14480] =	vst v63  }
0x2a1: {  	v2 =	vadd.s32 $0x1E0, v2;
	_ =	swait.ge [sflag:s31], $0xA00  }
0x2a2: {  	v2 =	vbroadcast v2, $0x0;
	[sflag:s31] =	ssyncset.done $0x0  }
0x2a3: {  	s10 =	rddreg [dreg:$0xd];
	[sflag:s31] =	ssyncadd.s32 $0xFFFFF600  }
0x2a4: {  	[tilespmem:s4], [sflag:$0x11] =	stream.linear.gather [hbm4b:s10+s25], $0xA00, $0x38;
	[tilespmem:$0x14480] =	vst v63  }
0x2a5: {  	_ =	swait.ge [sflag:s31], $0xA00  }
0x2a6: {  	[sflag:s31] =	ssyncset.done $0x0  }
0x2a7: {  	[sflag:s31] =	ssyncadd.s32 $0xFFFFF600  }
0x2a8: {  	s31 =	simm.s32 $0x1;
	v2 =	vld.idx.msk [tilespmem:v2+s28+$0x0], $0xffff  }
0x2a9: {  	s25 =	simm.s32 $0x2;
	v4 =	vmov s31;
	v3 =	vld [tilespmem:s4+$0x0]  }
.LBB2_64:
0x2aa: {  	p1 =	sne.s32 s25, $0x9F;
	v4 =	vadd.s32 $0x1E0, v4  }
0x2ab: {  	v4 =	vbroadcast v4, $0x0;
	_ =	sdelay $0x2  }
.Ltmp31:
0x2ac: {  	v2 =	vmul.f32 v3, v2;
	(pc) =	sbr.rel @p1 .LBB2_64-.Ltmp31, $4  }
0x2ad: {  	_ = 	snop  }
0x2ae: {  	[tilespmem:s4+$0x0] =	vst v2  }
0x2af: {  	s4 =	sadd.s32 $0x10, s4;
	v2 =	vld.idx.msk [tilespmem:v4+s28+$0x0], $0xffff  }
0x2b0: {  	v4 =	vmov s25;
	s25 =	sadd.s32 $0x1, s25;
	v3 =	vld [tilespmem:s4+$0x0]  }
0x2b1: {  	v4 =	vadd.s32 $0x1E0, v4  }
0x2b2: {  	v4 =	vbroadcast v4, $0x0;
	_ =	sdelay $0x2  }
0x2b3: {  	v2 =	vmul.f32 v3, v2;
	_ =	sdelay $0x1  }
0x2b4: {  	[tilespmem:s4+$0x0] =	vst v2  }
0x2b5: {  	s30 =	sadd.s32 $0x10, s4;
	v2 =	vld.idx.msk [tilespmem:v4+s28+$0x0], $0xffff  }
0x2b6: {  	v3 =	vld [tilespmem:s30+$0x0];
	_ =	sdelay $0x4  }
0x2b7: {  	v2 =	vmul.f32 v3, v2;
	_ =	sdelay $0x1  }
0x2b8: {  	s0 =	rddreg [dreg:$0x1e];
	s25 =	simm.s32 $0x3280;
	[tilespmem:s30+$0x0] =	vst v2;
	s30 =	simm.s32 $0x11  }
0x2b9: {  	[spmem:s0] =	stream.linear.scatter [tilespmem:s25], [sflag:$0x11], $0xA00, $0x38;
	[tilespmem:$0x14480] =	vst v63  }
0x2ba: {  	_ =	swait.ge [sflag:s30], $0xA00  }
0x2bb: {  	[sflag:s30] =	ssyncset.done $0x0  }
0x2bc: {  	[sflag:s30] =	ssyncadd.s32 $0xFFFFF600  }
0x2bd: {  	[bflag:$0x0] =	sbarrier.arrive $0xFFFF  }
0x2be: {  	s31 =	simm.s32 $0x3C80;
	s4 =	simm.s32 $0x0;
	s10 =	rddreg [dreg:$0x1f]  }
0x2bf: {  	[tilespmem:s31], [sflag:$0x11] =	stream.linear.gather [hbm4b:s10+s4], $0x2800, $0x38;
	[tilespmem:$0x14480] =	vst v63  }
0x2c0: {  	_ =	swait.ge [sflag:s30], $0x2800  }
0x2c1: {  	[sflag:s30] =	ssyncset.done $0x0  }
0x2c2: {  	s10 =	simm.s32 $0x6480;
	s0 =	rddreg [dreg:$0xf];
	[sflag:s30] =	ssyncadd.s32 $0xFFFFD800  }
0x2c3: {  	[tilespmem:s10], [sflag:$0x11] =	stream.linear.gather [hbm4b:s0+s4], $0x2800, $0x38;
	[tilespmem:$0x14480] =	vst v63  }
0x2c4: {  	_ =	swait.ge [sflag:s30], $0x2800  }
0x2c5: {  	[sflag:s30] =	ssyncset.done $0x0  }
0x2c6: {  	s25 =	simm.s32 $0x8C80;
	[sflag:s30] =	ssyncadd.s32 $0xFFFFD800  }
0x2c7: {  	[tilespmem:s25], [sflag:$0x1] =	stream.indirect.gather [spmem:s3], $0x10, s31, s29, $0xb8;
	[tilespmem:$0x14480] =	vst v63  }
0x2c8: {  	s0 =	simm.s32 $0x9480;
	s30 =	simm.s32 $0x3D00  }
0x2c9: {  	[tilespmem:s0], [sflag:$0x2] =	stream.indirect.gather [spmem:s3], $0x10, s30, s29, $0xb8;
	[tilespmem:$0x14480] =	vst v63  }
0x2ca: {  	s25 =	simm.s32 $0x3D80  }
0x2cb: {  	[tilespmem:s1], [sflag:$0x3] =	stream.indirect.gather [spmem:s3], $0x10, s25, s29, $0xb8;
	[tilespmem:$0x14480] =	vst v63  }
0x2cc: {  	s30 =	simm.s32 $0x3E00  }
0x2cd: {  	[tilespmem:s7], [sflag:$0x4] =	stream.indirect.gather [spmem:s3], $0x10, s30, s29, $0xb8;
	[tilespmem:$0x14480] =	vst v63  }
0x2ce: {  	_ =	swait.ge [sflag:s6], $0x800  }
0x2cf: {  	[sflag:s6] =	ssyncset.done $0x0  }
0x2d0: {  	s31 =	simm.s32 $0x8C80;
	[sflag:s6] =	ssyncadd.s32 $0xFFFFF800  }
0x2d1: {  	[spmem:s2] =	stream.indirect.scatter.add.f32 [tilespmem:s31], [sflag:$0x9], $0x10, s10, s29, $0xb8;
	[tilespmem:$0x14480] =	vst v63  }
0x2d2: {  	s25 =	simm.s32 $0x3E80;
	s10 =	simm.s32 $0xAC80  }
0x2d3: {  	[tilespmem:s10], [sflag:$0x5] =	stream.indirect.gather [spmem:s3], $0x10, s25, s29, $0xb8;
	[tilespmem:$0x14480] =	vst v63  }
0x2d4: {  	_ =	swait.ge [sflag:s9], $0x800  }
0x2d5: {  	[sflag:s9] =	ssyncset.done $0x0  }
0x2d6: {  	s30 =	simm.s32 $0x6500;
	[sflag:s9] =	ssyncadd.s32 $0xFFFFF800  }
0x2d7: {  	[spmem:s2] =	stream.indirect.scatter.add.f32 [tilespmem:s0], [sflag:$0xA], $0x10, s30, s29, $0xb8;
	[tilespmem:$0x14480] =	vst v63  }
0x2d8: {  	s25 =	simm.s32 $0x3F00  }
0x2d9: {  	[tilespmem:s12], [sflag:$0x6] =	stream.indirect.gather [spmem:s3], $0x10, s25, s29, $0xb8;
	[tilespmem:$0x14480] =	vst v63  }
0x2da: {  	_ =	swait.ge [sflag:s11], $0x800  }
0x2db: {  	[sflag:s11] =	ssyncset.done $0x0  }
0x2dc: {  	s30 =	simm.s32 $0x6580;
	[sflag:s11] =	ssyncadd.s32 $0xFFFFF800  }
0x2dd: {  	[spmem:s2] =	stream.indirect.scatter.add.f32 [tilespmem:s1], [sflag:$0xB], $0x10, s30, s29, $0xb8;
	[tilespmem:$0x14480] =	vst v63  }
0x2de: {  	s25 =	simm.s32 $0x3F80  }
0x2df: {  	[tilespmem:s14], [sflag:$0x7] =	stream.indirect.gather [spmem:s3], $0x10, s25, s29, $0xb8;
	[tilespmem:$0x14480] =	vst v63  }
0x2e0: {  	_ =	swait.ge [sflag:s13], $0x800  }
0x2e1: {  	[sflag:s13] =	ssyncset.done $0x0  }
0x2e2: {  	s30 =	simm.s32 $0x6600;
	[sflag:s13] =	ssyncadd.s32 $0xFFFFF800  }
0x2e3: {  	[spmem:s2] =	stream.indirect.scatter.add.f32 [tilespmem:s7], [sflag:$0xC], $0x10, s30, s29, $0xb8;
	[tilespmem:$0x14480] =	vst v63  }
0x2e4: {  	s25 =	simm.s32 $0x4000  }
0x2e5: {  	[tilespmem:s26], [sflag:$0x8] =	stream.indirect.gather [spmem:s3], $0x10, s25, s29, $0xb8;
	[tilespmem:$0x14480] =	vst v63  }
0x2e6: {  	_ =	swait.ge [sflag:s15], $0x800  }
0x2e7: {  	[sflag:s15] =	ssyncset.done $0x0  }
0x2e8: {  	s30 =	simm.s32 $0x6680;
	[sflag:s15] =	ssyncadd.s32 $0xFFFFF800  }
0x2e9: {  	[spmem:s2] =	stream.indirect.scatter.add.f32 [tilespmem:s10], [sflag:$0xD], $0x10, s30, s29, $0xb8;
	[tilespmem:$0x14480] =	vst v63  }
0x2ea: {  	_ =	swait.ge [sflag:s16], $0x800  }
0x2eb: {  	[sflag:s16] =	ssyncset.done $0x0  }
0x2ec: {  	s25 =	simm.s32 $0x4080;
	[sflag:s16] =	ssyncadd.s32 $0xFFFFF800  }
0x2ed: {  	[tilespmem:s31], [sflag:$0x1] =	stream.indirect.gather [spmem:s3], $0x10, s25, s29, $0xb8;
	[tilespmem:$0x14480] =	vst v63  }
0x2ee: {  	_ =	swait.ge [sflag:s17], $0x800  }
0x2ef: {  	[sflag:s17] =	ssyncset.done $0x0  }
0x2f0: {  	s30 =	simm.s32 $0x6700;
	[sflag:s17] =	ssyncadd.s32 $0xFFFFF800  }
0x2f1: {  	[spmem:s2] =	stream.indirect.scatter.add.f32 [tilespmem:s12], [sflag:$0xE], $0x10, s30, s29, $0xb8;
	[tilespmem:$0x14480] =	vst v63  }
0x2f2: {  	_ =	swait.ge [sflag:s18], $0x800  }
0x2f3: {  	[sflag:s18] =	ssyncset.done $0x0  }
0x2f4: {  	s25 =	simm.s32 $0x4100;
	[sflag:s18] =	ssyncadd.s32 $0xFFFFF800  }
0x2f5: {  	[tilespmem:s0], [sflag:$0x2] =	stream.indirect.gather [spmem:s3], $0x10, s25, s29, $0xb8;
	[tilespmem:$0x14480] =	vst v63  }
0x2f6: {  	_ =	swait.ge [sflag:s19], $0x800  }
0x2f7: {  	[sflag:s19] =	ssyncset.done $0x0  }
0x2f8: {  	s30 =	simm.s32 $0x6780;
	[sflag:s19] =	ssyncadd.s32 $0xFFFFF800  }
0x2f9: {  	[spmem:s2] =	stream.indirect.scatter.add.f32 [tilespmem:s14], [sflag:$0xF], $0x10, s30, s29, $0xb8;
	[tilespmem:$0x14480] =	vst v63  }
0x2fa: {  	_ =	swait.ge [sflag:s5], $0x800  }
0x2fb: {  	[sflag:s5] =	ssyncset.done $0x0  }
0x2fc: {  	s25 =	simm.s32 $0x4180;
	[sflag:s5] =	ssyncadd.s32 $0xFFFFF800  }
0x2fd: {  	[tilespmem:s1], [sflag:$0x3] =	stream.indirect.gather [spmem:s3], $0x10, s25, s29, $0xb8;
	[tilespmem:$0x14480] =	vst v63  }
0x2fe: {  	_ =	swait.ge [sflag:s20], $0x800  }
0x2ff: {  	[sflag:s20] =	ssyncset.done $0x0  }
0x300: {  	s30 =	simm.s32 $0x6800;
	[sflag:s20] =	ssyncadd.s32 $0xFFFFF800  }
0x301: {  	[spmem:s2] =	stream.indirect.scatter.add.f32 [tilespmem:s26], [sflag:$0x10], $0x10, s30, s29, $0xb8;
	[tilespmem:$0x14480] =	vst v63  }
0x302: {  	_ =	swait.ge [sflag:s21], $0x800  }
0x303: {  	[sflag:s21] =	ssyncset.done $0x0  }
0x304: {  	s25 =	simm.s32 $0x4200;
	[sflag:s21] =	ssyncadd.s32 $0xFFFFF800  }
0x305: {  	[tilespmem:s7], [sflag:$0x4] =	stream.indirect.gather [spmem:s3], $0x10, s25, s29, $0xb8;
	[tilespmem:$0x14480] =	vst v63  }
0x306: {  	_ =	swait.ge [sflag:s6], $0x800  }
0x307: {  	[sflag:s6] =	ssyncset.done $0x0  }
0x308: {  	s30 =	simm.s32 $0x6880;
	[sflag:s6] =	ssyncadd.s32 $0xFFFFF800  }
0x309: {  	[spmem:s2] =	stream.indirect.scatter.add.f32 [tilespmem:s31], [sflag:$0x9], $0x10, s30, s29, $0xb8;
	[tilespmem:$0x14480] =	vst v63  }
0x30a: {  	_ =	swait.ge [sflag:s23], $0x800  }
0x30b: {  	[sflag:s23] =	ssyncset.done $0x0  }
0x30c: {  	s25 =	simm.s32 $0x4280;
	[sflag:s23] =	ssyncadd.s32 $0xFFFFF800  }
0x30d: {  	[tilespmem:s10], [sflag:$0x5] =	stream.indirect.gather [spmem:s3], $0x10, s25, s29, $0xb8;
	[tilespmem:$0x14480] =	vst v63  }
0x30e: {  	_ =	swait.ge [sflag:s9], $0x800  }
0x30f: {  	[sflag:s9] =	ssyncset.done $0x0  }
0x310: {  	s30 =	simm.s32 $0x6900;
	[sflag:s9] =	ssyncadd.s32 $0xFFFFF800  }
0x311: {  	[spmem:s2] =	stream.indirect.scatter.add.f32 [tilespmem:s0], [sflag:$0xA], $0x10, s30, s29, $0xb8;
	[tilespmem:$0x14480] =	vst v63  }
0x312: {  	_ =	swait.ge [sflag:s8], $0x800  }
0x313: {  	[sflag:s8] =	ssyncset.done $0x0  }
0x314: {  	s25 =	simm.s32 $0x4300;
	[sflag:s8] =	ssyncadd.s32 $0xFFFFF800  }
0x315: {  	[tilespmem:s12], [sflag:$0x6] =	stream.indirect.gather [spmem:s3], $0x10, s25, s29, $0xb8;
	[tilespmem:$0x14480] =	vst v63  }
0x316: {  	_ =	swait.ge [sflag:s11], $0x800  }
0x317: {  	[sflag:s11] =	ssyncset.done $0x0  }
0x318: {  	s30 =	simm.s32 $0x6980;
	[sflag:s11] =	ssyncadd.s32 $0xFFFFF800  }
0x319: {  	[spmem:s2] =	stream.indirect.scatter.add.f32 [tilespmem:s1], [sflag:$0xB], $0x10, s30, s29, $0xb8;
	[tilespmem:$0x14480] =	vst v63  }
0x31a: {  	_ =	swait.ge [sflag:s22], $0x800  }
0x31b: {  	[sflag:s22] =	ssyncset.done $0x0  }
0x31c: {  	s25 =	simm.s32 $0x4380;
	[sflag:s22] =	ssyncadd.s32 $0xFFFFF800  }
0x31d: {  	[tilespmem:s14], [sflag:$0x7] =	stream.indirect.gather [spmem:s3], $0x10, s25, s29, $0xb8;
	[tilespmem:$0x14480] =	vst v63  }
0x31e: {  	_ =	swait.ge [sflag:s13], $0x800  }
0x31f: {  	[sflag:s13] =	ssyncset.done $0x0  }
0x320: {  	s30 =	simm.s32 $0x6A00;
	[sflag:s13] =	ssyncadd.s32 $0xFFFFF800  }
0x321: {  	[spmem:s2] =	stream.indirect.scatter.add.f32 [tilespmem:s7], [sflag:$0xC], $0x10, s30, s29, $0xb8;
	[tilespmem:$0x14480] =	vst v63  }
0x322: {  	_ =	swait.ge [sflag:s24], $0x800  }
0x323: {  	[sflag:s24] =	ssyncset.done $0x0  }
0x324: {  	s25 =	simm.s32 $0x4400;
	[sflag:s24] =	ssyncadd.s32 $0xFFFFF800  }
0x325: {  	[tilespmem:s26], [sflag:$0x8] =	stream.indirect.gather [spmem:s3], $0x10, s25, s29, $0xb8;
	[tilespmem:$0x14480] =	vst v63  }
0x326: {  	_ =	swait.ge [sflag:s15], $0x800  }
0x327: {  	[sflag:s15] =	ssyncset.done $0x0  }
0x328: {  	s30 =	simm.s32 $0x6A80;
	[sflag:s15] =	ssyncadd.s32 $0xFFFFF800  }
0x329: {  	[spmem:s2] =	stream.indirect.scatter.add.f32 [tilespmem:s10], [sflag:$0xD], $0x10, s30, s29, $0xb8;
	[tilespmem:$0x14480] =	vst v63  }
0x32a: {  	_ =	swait.ge [sflag:s16], $0x800  }
0x32b: {  	[sflag:s16] =	ssyncset.done $0x0  }
0x32c: {  	s25 =	simm.s32 $0x4480;
	[sflag:s16] =	ssyncadd.s32 $0xFFFFF800  }
0x32d: {  	[tilespmem:s31], [sflag:$0x1] =	stream.indirect.gather [spmem:s3], $0x10, s25, s29, $0xb8;
	[tilespmem:$0x14480] =	vst v63  }
0x32e: {  	_ =	swait.ge [sflag:s17], $0x800  }
0x32f: {  	[sflag:s17] =	ssyncset.done $0x0  }
0x330: {  	s30 =	simm.s32 $0x6B00;
	[sflag:s17] =	ssyncadd.s32 $0xFFFFF800  }
0x331: {  	[spmem:s2] =	stream.indirect.scatter.add.f32 [tilespmem:s12], [sflag:$0xE], $0x10, s30, s29, $0xb8;
	[tilespmem:$0x14480] =	vst v63  }
0x332: {  	_ =	swait.ge [sflag:s18], $0x800  }
0x333: {  	[sflag:s18] =	ssyncset.done $0x0  }
0x334: {  	s25 =	simm.s32 $0x4500;
	[sflag:s18] =	ssyncadd.s32 $0xFFFFF800  }
0x335: {  	[tilespmem:s0], [sflag:$0x2] =	stream.indirect.gather [spmem:s3], $0x10, s25, s29, $0xb8;
	[tilespmem:$0x14480] =	vst v63  }
0x336: {  	_ =	swait.ge [sflag:s19], $0x800  }
0x337: {  	[sflag:s19] =	ssyncset.done $0x0  }
0x338: {  	s30 =	simm.s32 $0x6B80;
	[sflag:s19] =	ssyncadd.s32 $0xFFFFF800  }
0x339: {  	[spmem:s2] =	stream.indirect.scatter.add.f32 [tilespmem:s14], [sflag:$0xF], $0x10, s30, s29, $0xb8;
	[tilespmem:$0x14480] =	vst v63  }
0x33a: {  	_ =	swait.ge [sflag:s5], $0x800  }
0x33b: {  	[sflag:s5] =	ssyncset.done $0x0  }
0x33c: {  	s25 =	simm.s32 $0x4580;
	[sflag:s5] =	ssyncadd.s32 $0xFFFFF800  }
0x33d: {  	[tilespmem:s1], [sflag:$0x3] =	stream.indirect.gather [spmem:s3], $0x10, s25, s29, $0xb8;
	[tilespmem:$0x14480] =	vst v63  }
0x33e: {  	_ =	swait.ge [sflag:s20], $0x800  }
0x33f: {  	[sflag:s20] =	ssyncset.done $0x0  }
0x340: {  	s30 =	simm.s32 $0x6C00;
	[sflag:s20] =	ssyncadd.s32 $0xFFFFF800  }
0x341: {  	[spmem:s2] =	stream.indirect.scatter.add.f32 [tilespmem:s26], [sflag:$0x10], $0x10, s30, s29, $0xb8;
	[tilespmem:$0x14480] =	vst v63  }
0x342: {  	_ =	swait.ge [sflag:s21], $0x800  }
0x343: {  	[sflag:s21] =	ssyncset.done $0x0  }
0x344: {  	s4 =	simm.s32 $0x1000;
	s25 =	simm.s32 $0x4600;
	[sflag:s21] =	ssyncadd.s32 $0xFFFFF800  }
.LBB2_66:
0x345: {  	[tilespmem:s7], [sflag:$0x4] =	stream.indirect.gather [spmem:s3], $0x10, s25, s29, $0xb8;
	[tilespmem:$0x14480] =	vst v63  }
0x346: {  	s25 =	smov.u32 s4  }
0x347: {  	p1 =	sne.s32 s4, $0x7000;
	s4 =	sadd.s32 $0x1000, s4;
	_ =	swait.ge [sflag:s6], $0x800  }
0x348: {  	s25 =	sshra.s32 s25, $0x2;
	[sflag:s6] =	ssyncset.done $0x0  }
0x349: {  	s30 =	sadd.s32 $0x6880, s25;
	[sflag:s6] =	ssyncadd.s32 $0xFFFFF800  }
0x34a: {  	[spmem:s2] =	stream.indirect.scatter.add.f32 [tilespmem:s31], [sflag:$0x9], $0x10, s30, s29, $0xb8;
	[tilespmem:$0x14480] =	vst v63  }
0x34b: {  	_ =	swait.ge [sflag:s23], $0x800  }
0x34c: {  	[sflag:s23] =	ssyncset.done $0x0  }
0x34d: {  	s30 =	sadd.s32 $0x4280, s25;
	[sflag:s23] =	ssyncadd.s32 $0xFFFFF800  }
0x34e: {  	[tilespmem:s10], [sflag:$0x5] =	stream.indirect.gather [spmem:s3], $0x10, s30, s29, $0xb8;
	[tilespmem:$0x14480] =	vst v63  }
0x34f: {  	_ =	swait.ge [sflag:s9], $0x800  }
0x350: {  	[sflag:s9] =	ssyncset.done $0x0  }
0x351: {  	s30 =	sadd.s32 $0x6900, s25;
	[sflag:s9] =	ssyncadd.s32 $0xFFFFF800  }
0x352: {  	[spmem:s2] =	stream.indirect.scatter.add.f32 [tilespmem:s0], [sflag:$0xA], $0x10, s30, s29, $0xb8;
	[tilespmem:$0x14480] =	vst v63  }
0x353: {  	_ =	swait.ge [sflag:s8], $0x800  }
0x354: {  	[sflag:s8] =	ssyncset.done $0x0  }
0x355: {  	s30 =	sadd.s32 $0x4300, s25;
	[sflag:s8] =	ssyncadd.s32 $0xFFFFF800  }
0x356: {  	[tilespmem:s12], [sflag:$0x6] =	stream.indirect.gather [spmem:s3], $0x10, s30, s29, $0xb8;
	[tilespmem:$0x14480] =	vst v63  }
0x357: {  	_ =	swait.ge [sflag:s11], $0x800  }
0x358: {  	[sflag:s11] =	ssyncset.done $0x0  }
0x359: {  	s30 =	sadd.s32 $0x6980, s25;
	[sflag:s11] =	ssyncadd.s32 $0xFFFFF800  }
0x35a: {  	[spmem:s2] =	stream.indirect.scatter.add.f32 [tilespmem:s1], [sflag:$0xB], $0x10, s30, s29, $0xb8;
	[tilespmem:$0x14480] =	vst v63  }
0x35b: {  	_ =	swait.ge [sflag:s22], $0x800  }
0x35c: {  	[sflag:s22] =	ssyncset.done $0x0  }
0x35d: {  	s30 =	sadd.s32 $0x4380, s25;
	[sflag:s22] =	ssyncadd.s32 $0xFFFFF800  }
0x35e: {  	[tilespmem:s14], [sflag:$0x7] =	stream.indirect.gather [spmem:s3], $0x10, s30, s29, $0xb8;
	[tilespmem:$0x14480] =	vst v63  }
0x35f: {  	_ =	swait.ge [sflag:s13], $0x800  }
0x360: {  	[sflag:s13] =	ssyncset.done $0x0  }
0x361: {  	s30 =	sadd.s32 $0x6A00, s25;
	[sflag:s13] =	ssyncadd.s32 $0xFFFFF800  }
0x362: {  	[spmem:s2] =	stream.indirect.scatter.add.f32 [tilespmem:s7], [sflag:$0xC], $0x10, s30, s29, $0xb8;
	[tilespmem:$0x14480] =	vst v63  }
0x363: {  	_ =	swait.ge [sflag:s24], $0x800  }
0x364: {  	[sflag:s24] =	ssyncset.done $0x0  }
0x365: {  	s30 =	sadd.s32 $0x4400, s25;
	[sflag:s24] =	ssyncadd.s32 $0xFFFFF800  }
0x366: {  	[tilespmem:s26], [sflag:$0x8] =	stream.indirect.gather [spmem:s3], $0x10, s30, s29, $0xb8;
	[tilespmem:$0x14480] =	vst v63  }
0x367: {  	_ =	swait.ge [sflag:s15], $0x800  }
0x368: {  	[sflag:s15] =	ssyncset.done $0x0  }
0x369: {  	s30 =	sadd.s32 $0x6A80, s25;
	[sflag:s15] =	ssyncadd.s32 $0xFFFFF800  }
0x36a: {  	[spmem:s2] =	stream.indirect.scatter.add.f32 [tilespmem:s10], [sflag:$0xD], $0x10, s30, s29, $0xb8;
	[tilespmem:$0x14480] =	vst v63  }
0x36b: {  	_ =	swait.ge [sflag:s16], $0x800  }
0x36c: {  	[sflag:s16] =	ssyncset.done $0x0  }
0x36d: {  	s30 =	sadd.s32 $0x4480, s25;
	[sflag:s16] =	ssyncadd.s32 $0xFFFFF800  }
0x36e: {  	[tilespmem:s31], [sflag:$0x1] =	stream.indirect.gather [spmem:s3], $0x10, s30, s29, $0xb8;
	[tilespmem:$0x14480] =	vst v63  }
0x36f: {  	_ =	swait.ge [sflag:s17], $0x800  }
0x370: {  	[sflag:s17] =	ssyncset.done $0x0  }
0x371: {  	s30 =	sadd.s32 $0x6B00, s25;
	[sflag:s17] =	ssyncadd.s32 $0xFFFFF800  }
0x372: {  	[spmem:s2] =	stream.indirect.scatter.add.f32 [tilespmem:s12], [sflag:$0xE], $0x10, s30, s29, $0xb8;
	[tilespmem:$0x14480] =	vst v63  }
0x373: {  	_ =	swait.ge [sflag:s18], $0x800  }
0x374: {  	[sflag:s18] =	ssyncset.done $0x0  }
0x375: {  	s30 =	sadd.s32 $0x4500, s25;
	[sflag:s18] =	ssyncadd.s32 $0xFFFFF800  }
0x376: {  	[tilespmem:s0], [sflag:$0x2] =	stream.indirect.gather [spmem:s3], $0x10, s30, s29, $0xb8;
	[tilespmem:$0x14480] =	vst v63  }
0x377: {  	_ =	swait.ge [sflag:s19], $0x800  }
0x378: {  	[sflag:s19] =	ssyncset.done $0x0  }
0x379: {  	s30 =	sadd.s32 $0x6B80, s25;
	[sflag:s19] =	ssyncadd.s32 $0xFFFFF800  }
0x37a: {  	[spmem:s2] =	stream.indirect.scatter.add.f32 [tilespmem:s14], [sflag:$0xF], $0x10, s30, s29, $0xb8;
	[tilespmem:$0x14480] =	vst v63  }
0x37b: {  	_ =	swait.ge [sflag:s5], $0x800  }
0x37c: {  	[sflag:s5] =	ssyncset.done $0x0  }
0x37d: {  	s30 =	sadd.s32 $0x4580, s25;
	[sflag:s5] =	ssyncadd.s32 $0xFFFFF800  }
0x37e: {  	[tilespmem:s1], [sflag:$0x3] =	stream.indirect.gather [spmem:s3], $0x10, s30, s29, $0xb8;
	[tilespmem:$0x14480] =	vst v63  }
0x37f: {  	_ =	swait.ge [sflag:s20], $0x800  }
0x380: {  	[sflag:s20] =	ssyncset.done $0x0  }
.Ltmp32:
0x381: {  	s30 =	sadd.s32 $0x6C00, s25;
	[sflag:s20] =	ssyncadd.s32 $0xFFFFF800;
	(pc) =	sbr.rel @p1 .LBB2_66-.Ltmp32, $4  }
0x382: {  	[spmem:s2] =	stream.indirect.scatter.add.f32 [tilespmem:s26], [sflag:$0x10], $0x10, s30, s29, $0xb8;
	[tilespmem:$0x14480] =	vst v63  }
0x383: {  	_ =	swait.ge [sflag:s21], $0x800  }
0x384: {  	[sflag:s21] =	ssyncset.done $0x0  }
0x385: {  	s25 =	sadd.s32 $0x4600, s25;
	[sflag:s21] =	ssyncadd.s32 $0xFFFFF800  }
0x386: {  	[tilespmem:s7], [sflag:$0x4] =	stream.indirect.gather [spmem:s3], $0x10, s25, s29, $0xb8;
	[tilespmem:$0x14480] =	vst v63  }
0x387: {  	_ =	swait.ge [sflag:s6], $0x800  }
0x388: {  	[sflag:s6] =	ssyncset.done $0x0  }
0x389: {  	s4 =	simm.s32 $0x8880;
	[sflag:s6] =	ssyncadd.s32 $0xFFFFF800  }
0x38a: {  	[spmem:s2] =	stream.indirect.scatter.add.f32 [tilespmem:s31], [sflag:$0x9], $0x10, s4, s29, $0xb8;
	[tilespmem:$0x14480] =	vst v63  }
0x38b: {  	_ =	swait.ge [sflag:s23], $0x800  }
0x38c: {  	[sflag:s23] =	ssyncset.done $0x0  }
0x38d: {  	s25 =	simm.s32 $0x6280;
	[sflag:s23] =	ssyncadd.s32 $0xFFFFF800  }
0x38e: {  	[tilespmem:s10], [sflag:$0x5] =	stream.indirect.gather [spmem:s3], $0x10, s25, s29, $0xb8;
	[tilespmem:$0x14480] =	vst v63  }
0x38f: {  	_ =	swait.ge [sflag:s9], $0x800  }
0x390: {  	[sflag:s9] =	ssyncset.done $0x0  }
0x391: {  	s31 =	simm.s32 $0x8900;
	[sflag:s9] =	ssyncadd.s32 $0xFFFFF800  }
0x392: {  	[spmem:s2] =	stream.indirect.scatter.add.f32 [tilespmem:s0], [sflag:$0xA], $0x10, s31, s29, $0xb8;
	[tilespmem:$0x14480] =	vst v63  }
0x393: {  	_ =	swait.ge [sflag:s8], $0x800  }
0x394: {  	[sflag:s8] =	ssyncset.done $0x0  }
0x395: {  	s4 =	simm.s32 $0x6300;
	[sflag:s8] =	ssyncadd.s32 $0xFFFFF800  }
0x396: {  	[tilespmem:s12], [sflag:$0x6] =	stream.indirect.gather [spmem:s3], $0x10, s4, s29, $0xb8;
	[tilespmem:$0x14480] =	vst v63  }
0x397: {  	_ =	swait.ge [sflag:s11], $0x800  }
0x398: {  	[sflag:s11] =	ssyncset.done $0x0  }
0x399: {  	s25 =	simm.s32 $0x8980;
	[sflag:s11] =	ssyncadd.s32 $0xFFFFF800  }
0x39a: {  	[spmem:s2] =	stream.indirect.scatter.add.f32 [tilespmem:s1], [sflag:$0xB], $0x10, s25, s29, $0xb8;
	[tilespmem:$0x14480] =	vst v63  }
0x39b: {  	_ =	swait.ge [sflag:s22], $0x800  }
0x39c: {  	[sflag:s22] =	ssyncset.done $0x0  }
0x39d: {  	s31 =	simm.s32 $0x6380;
	[sflag:s22] =	ssyncadd.s32 $0xFFFFF800  }
0x39e: {  	[tilespmem:s14], [sflag:$0x7] =	stream.indirect.gather [spmem:s3], $0x10, s31, s29, $0xb8;
	[tilespmem:$0x14480] =	vst v63  }
0x39f: {  	_ =	swait.ge [sflag:s13], $0x800  }
0x3a0: {  	[sflag:s13] =	ssyncset.done $0x0  }
0x3a1: {  	s4 =	simm.s32 $0x8A00;
	[sflag:s13] =	ssyncadd.s32 $0xFFFFF800  }
0x3a2: {  	[spmem:s2] =	stream.indirect.scatter.add.f32 [tilespmem:s7], [sflag:$0xC], $0x10, s4, s29, $0xb8;
	[tilespmem:$0x14480] =	vst v63  }
0x3a3: {  	_ =	swait.ge [sflag:s24], $0x800  }
0x3a4: {  	[sflag:s24] =	ssyncset.done $0x0  }
0x3a5: {  	s25 =	simm.s32 $0x6400;
	[sflag:s24] =	ssyncadd.s32 $0xFFFFF800  }
0x3a6: {  	[tilespmem:s26], [sflag:$0x8] =	stream.indirect.gather [spmem:s3], $0x10, s25, s29, $0xb8;
	[tilespmem:$0x14480] =	vst v63  }
0x3a7: {  	_ =	swait.ge [sflag:s15], $0x800  }
0x3a8: {  	[sflag:s15] =	ssyncset.done $0x0  }
0x3a9: {  	s31 =	simm.s32 $0x8A80;
	[sflag:s15] =	ssyncadd.s32 $0xFFFFF800  }
0x3aa: {  	[spmem:s2] =	stream.indirect.scatter.add.f32 [tilespmem:s10], [sflag:$0xD], $0x10, s31, s29, $0xb8;
	[tilespmem:$0x14480] =	vst v63  }
0x3ab: {  	_ =	swait.ge [sflag:s16], $0x800  }
0x3ac: {  	[sflag:s16] =	ssyncset.done $0x0  }
0x3ad: {  	[sflag:s16] =	ssyncadd.s32 $0xFFFFF800  }
0x3ae: {  	_ =	swait.ge [sflag:s17], $0x800  }
0x3af: {  	[sflag:s17] =	ssyncset.done $0x0  }
0x3b0: {  	s4 =	simm.s32 $0x8B00;
	[sflag:s17] =	ssyncadd.s32 $0xFFFFF800  }
0x3b1: {  	[spmem:s2] =	stream.indirect.scatter.add.f32 [tilespmem:s12], [sflag:$0xE], $0x10, s4, s29, $0xb8;
	[tilespmem:$0x14480] =	vst v63  }
0x3b2: {  	_ =	swait.ge [sflag:s18], $0x800  }
0x3b3: {  	[sflag:s18] =	ssyncset.done $0x0  }
0x3b4: {  	[sflag:s18] =	ssyncadd.s32 $0xFFFFF800  }
0x3b5: {  	_ =	swait.ge [sflag:s19], $0x800  }
0x3b6: {  	[sflag:s19] =	ssyncset.done $0x0  }
0x3b7: {  	s10 =	simm.s32 $0x8B80;
	[sflag:s19] =	ssyncadd.s32 $0xFFFFF800  }
0x3b8: {  	[spmem:s2] =	stream.indirect.scatter.add.f32 [tilespmem:s14], [sflag:$0xF], $0x10, s10, s29, $0xb8;
	[tilespmem:$0x14480] =	vst v63  }
0x3b9: {  	_ =	swait.ge [sflag:s5], $0x800  }
0x3ba: {  	[sflag:s5] =	ssyncset.done $0x0  }
0x3bb: {  	[sflag:s5] =	ssyncadd.s32 $0xFFFFF800  }
0x3bc: {  	_ =	swait.ge [sflag:s20], $0x800  }
0x3bd: {  	[sflag:s20] =	ssyncset.done $0x0  }
0x3be: {  	s25 =	simm.s32 $0x8C00;
	[sflag:s20] =	ssyncadd.s32 $0xFFFFF800  }
0x3bf: {  	[spmem:s2] =	stream.indirect.scatter.add.f32 [tilespmem:s26], [sflag:$0x10], $0x10, s25, s29, $0xb8;
	[tilespmem:$0x14480] =	vst v63  }
0x3c0: {  	_ =	swait.ge [sflag:s21], $0x800  }
0x3c1: {  	[sflag:s21] =	ssyncset.done $0x0  }
0x3c2: {  	[sflag:s21] =	ssyncadd.s32 $0xFFFFF800  }
0x3c3: {  	_ =	swait.ge [sflag:s23], $0x800  }
0x3c4: {  	[sflag:s23] =	ssyncset.done $0x0  }
0x3c5: {  	[sflag:s23] =	ssyncadd.s32 $0xFFFFF800  }
0x3c6: {  	_ =	swait.ge [sflag:s8], $0x800  }
0x3c7: {  	[sflag:s8] =	ssyncset.done $0x0  }
0x3c8: {  	[sflag:s8] =	ssyncadd.s32 $0xFFFFF800  }
0x3c9: {  	_ =	swait.ge [sflag:s22], $0x800  }
0x3ca: {  	[sflag:s22] =	ssyncset.done $0x0  }
0x3cb: {  	[sflag:s22] =	ssyncadd.s32 $0xFFFFF800  }
0x3cc: {  	_ =	swait.ge [sflag:s24], $0x800  }
0x3cd: {  	[sflag:s24] =	ssyncset.done $0x0  }
0x3ce: {  	[sflag:s24] =	ssyncadd.s32 $0xFFFFF800  }
0x3cf: {  	[bflag:$0x0] =	sbarrier.arrive $0xFFFF  }
0x3d0: {  	s31 =	stileid.u32;
	s10 =	sld [smem:$0x7EC]  }
0x3d1: {  	s4 =	sshll.u32 s31, $0x6;
	s30 =	rddreg [dreg:$0x17]  }
0x3d2: {  	s4 =	sor.u32 $0x1C11, s4;
	s0 =	sshrl.u32 s30, $0x3  }
0x3d3: {  	[hbm:s10], [sflag:s4] =	dma.local [spmem:s0], $0x500  }
0x3d4: {  	s0 =	simm.s32 $0x11  }
0x3d5: {  	_ =	swait.ge [sflag:s0], $0x500  }
0x3d6: {  	s10 =	sld [smem:$0x7ED]  }
0x3d7: {  	s4 =	rddreg [dreg:$0x5]  }
0x3d8: {  	s25 =	sadd.s32 $0x1, s4  }
0x3d9: {  	p1 =	sne.s32 s25, s10  }
.Ltmp33:
0x3da: {  	_ = 	snop;
	(pc) =	sbr.rel @p1 .LBB2_1-.Ltmp33, $3  }
0x3db: {  	_ =	sdelay $0x1  }
0x3dc: {  	[sflag:s0] =	ssyncset.done $0x0  }
0x3dd: {  	[sflag:s0] =	ssyncadd.s32 $0xFFFFFB00;
	s0 =	simm.s32 $0x800  }
0x3de: {  	_ =	sfence.sel $0x180000  }
0x3df: {  	[bflag:$0x0] =	sbarrier.arrive $0xFFFF  }
0x3e0: {  	_ =	strace $0x90000047  }
0x3e1: {  	s0 =	stileid.u32;
	[bflag:$0x2] =	sbarrier.arrive $0xFFFF  }
0x3e2: {  	p0 =	sne.s32 s0, $0x0;
	s0 =	rddreg [dreg:$0x4]  }
0x3e3: {  	s0 =	sadd.s32 @!p0 $0x100000, s0  }
0x3e4: {  	[sflag:s0] =	ssyncadd.tile.s32 @!p0 $0x1;
	_ =	shalt  }
.Lfunc_end2:
_tile_overlayer_lowered:
.L_overlay_start_2:
0x3e5: {  	(tag) =	ssettag $0x2  }
0x3e6: {  	s0 =	rddreg [dreg:$0x0];
	s2 =	stileid.u32  }
0x3e7: {  	s1 =	rddreg [dreg:$0x1];
	p0 =	sne.s32 s2, $0x0  }
0x3e8: {  	s3 =	rddreg [dreg:$0x2];
	[bflag:$0x3] =	sbarrier.arrive $0xFFFF;
	s2 =	simm.s32 @!p0 $0x1C11  }
0x3e9: {  	[timem:s3], [sflag:s2] =	dma.local @!p0 [hbm:s0], s1  }
0x3ea: {  	s0 =	simm.s32 @!p0 $0x11  }
0x3eb: {  	_ =	swait.ge @!p0 [sflag:s0], s1  }
0x3ec: {  	s1 =	ssub.s32 @!p0 $0x0, s1;
	[sflag:s0] =	ssyncset.done @!p0 $0x0  }
0x3ed: {  	[sflag:s0] =	ssyncadd.s32 @!p0 s1  }
0x3ee: {  	[bflag:$0x3] =	sbarrier.arrive $0xFFFF  }
0x3ef: {  	_ =	shalt  }

</sc_bundles>
